<compile_context>
chip_gen: v7x
topology: tpu7x:2x2x1
jax: 0.10.2.dev20260603
libtpu: 0.0.44.dev20260713+nightly
codegen_flags: <defaults>
</compile_context>

<pallas_src>
import functools

import jax
import jax.numpy as jnp
from jax import lax
from jax.experimental import pallas as pl
from jax.experimental.pallas import tpu as pltpu
from jax.experimental.pallas import tpu_sc as plsc

N = 10000
F_IN = 256
HIDDEN = 64
F_OUT = 128
ALPHA = 0.1
K_PROP = 10

NC = 2
NS = 16
LANES = 16

N_PAD = 10240
ROWS_PT = N_PAD // NS
RB = 128
E_PAD = 172032
EBLK = 128
EB = E_PAD // (NS * EBLK)
EBW = E_PAD // (NC * NS * EBLK)
DUMMY = N


def _sc_mesh():
    return plsc.VectorSubcoreMesh(
        core_axis_name="c", subcore_axis_name="s", num_cores=NC, num_subcores=NS
    )


def _deg_body(dst_hbm, deg_out, dst_t, ones_t, zbuf, s_deg):
    c = lax.axis_index("c")
    s = lax.axis_index("s")
    w = s * NC + c
    r0 = s * ROWS_PT

    for f in range(RB // LANES):
        zbuf[pl.ds(LANES * f, LANES)] = jnp.zeros((LANES,), jnp.float32)
        ones_t[pl.ds(LANES * f, LANES)] = jnp.ones((LANES,), jnp.float32)
    for z in range(ROWS_PT // RB):
        pltpu.sync_copy(zbuf, s_deg.at[pl.ds(r0 + z * RB, RB)])
    pltpu.sync_copy(dst_hbm.at[w], dst_t)
    plsc.subcore_barrier()

    @pl.loop(0, EBW)
    def _edges(j):
        pltpu.sync_copy(ones_t, s_deg.at[dst_t.at[j]], add=True)

    plsc.subcore_barrier()
    pltpu.sync_copy(s_deg.at[pl.ds(r0, ROWS_PT)], deg_out.at[c, pl.ds(r0, ROWS_PT)])


_SC_PARAMS = pltpu.CompilerParams(use_tc_tiling_on_sc=False)

_deg_call = pl.kernel(
    _deg_body,
    out_type=jax.ShapeDtypeStruct((NC, N_PAD), jnp.float32),
    mesh=_sc_mesh(),
    compiler_params=_SC_PARAMS,
    scratch_types=[
        pltpu.VMEM((EBW, EBLK), jnp.int32),
        pltpu.VMEM((EBLK,), jnp.float32),
        pltpu.VMEM((RB,), jnp.float32),
        pltpu.VMEM_SHARED((N_PAD,), jnp.float32),
    ],
)


EBG = 256
EBg = E_PAD // (NS * EBG)


def _prop_body(Fc, u0_hbm, u0c_hbm, w2_hbm, src_hbm, dst_hbm, u_hbm,
               src_t, dst_t, gbuf, nbuf, cbuf, zbuf, w2_t, s_s,
               gsemA, gsemB):
    c = lax.axis_index("c")
    s = lax.axis_index("s")
    r0 = s * ROWS_PT
    base = c * N_PAD + r0
    NF = Fc // LANES

    pltpu.sync_copy(src_hbm.at[s], src_t)
    pltpu.sync_copy(dst_hbm.at[s], dst_t)
    pltpu.sync_copy(w2_hbm.at[pl.ds(r0, ROWS_PT)], w2_t)

    off = (c * N_PAD).astype(jnp.int32)

    @pl.loop(0, EBg)
    def _adj(j):
        for f in range(EBG // LANES):
            sl = pl.ds(LANES * f, LANES)
            src_t[j, sl] = src_t[j, sl] + off

    @pl.loop(0, RB)
    def _zero(i):
        for f in range(NF):
            zbuf[i, pl.ds(LANES * f, LANES)] = jnp.zeros((LANES,), jnp.float32)

    for z in range(ROWS_PT // RB):
        pltpu.sync_copy(u0_hbm.at[pl.ds(base + z * RB, RB)], nbuf)
        pltpu.sync_copy(nbuf, u_hbm.at[pl.ds(base + z * RB, RB)])

    plsc.subcore_barrier()

    @pl.loop(0, K_PROP)
    def _step(_k):
        for z in range(ROWS_PT // RB):
            pltpu.sync_copy(zbuf, s_s.at[pl.ds(r0 + z * RB, RB)])
        plsc.subcore_barrier()

        def efire(j, slot, sem):
            pltpu.async_copy(u_hbm.at[src_t.at[j]], gbuf.at[slot], sem)

        def ewait(j, slot, sem):
            pltpu.make_async_copy(u_hbm.at[src_t.at[j]], gbuf.at[slot], sem).wait()

        def scat(j, slot):
            pltpu.sync_copy(gbuf.at[slot], s_s.at[dst_t.at[j]], add=True)

        efire(0, 0, gsemA)

        @pl.loop(0, EBg // 2 - 1)
        def _epair(jj):
            j0 = 2 * jj
            ewait(j0, 0, gsemA)
            efire(j0 + 1, 1, gsemB)
            scat(j0, 0)
            ewait(j0 + 1, 1, gsemB)
            efire(j0 + 2, 0, gsemA)
            scat(j0 + 1, 1)

        ewait(EBg - 2, 0, gsemA)
        efire(EBg - 1, 1, gsemB)
        scat(EBg - 2, 0)
        ewait(EBg - 1, 1, gsemB)
        scat(EBg - 1, 1)

        plsc.subcore_barrier()

        @pl.loop(0, ROWS_PT // RB)
        def _node(z):
            pltpu.sync_copy(s_s.at[pl.ds(r0 + z * RB, RB)], nbuf)
            pltpu.sync_copy(u0c_hbm.at[pl.ds(base + z * RB, RB)], cbuf)

            @pl.loop(0, RB // LANES)
            def _rowg(b):
                wvec = w2_t[pl.ds(z * RB + b * LANES, LANES)]
                for r in range(LANES):
                    i = b * LANES + r
                    wv = wvec[r]
                    for f in range(NF):
                        sl = pl.ds(LANES * f, LANES)
                        nbuf[i, sl] = nbuf[i, sl] * wv + cbuf[i, sl]

            pltpu.sync_copy(nbuf, u_hbm.at[pl.ds(base + z * RB, RB)])

        plsc.subcore_barrier()


def _make_prop(Fc):
    return pl.kernel(
        functools.partial(_prop_body, Fc),
        out_type=jax.ShapeDtypeStruct((NC * N_PAD, Fc), jnp.float32),
        mesh=_sc_mesh(),
        compiler_params=_SC_PARAMS,
        scratch_types=[
            pltpu.VMEM((EBg, EBG), jnp.int32),
            pltpu.VMEM((EBg, EBG), jnp.int32),
            pltpu.VMEM((2, EBG, Fc), jnp.float32),
            pltpu.VMEM((RB, Fc), jnp.float32),
            pltpu.VMEM((RB, Fc), jnp.float32),
            pltpu.VMEM((RB, Fc), jnp.float32),
            pltpu.VMEM((ROWS_PT,), jnp.float32),
            pltpu.VMEM_SHARED((N_PAD, Fc), jnp.float32),
            pltpu.SemaphoreType.DMA,
            pltpu.SemaphoreType.DMA,
        ],
    )


_prop32 = _make_prop(HIDDEN // NC)
_prop64 = _make_prop(F_OUT // NC)


_TCR = 512


def _tc1_body(degT_ref, x_ref, w1_ref, b1_ref,
              u0_ref, u0c_ref, w2_ref, sqd_ref, dis_ref):
    deg = degT_ref[:, 0:1] + degT_ref[:, 1:2]
    dis = jnp.where(deg > 0.0, lax.rsqrt(deg), 0.0)
    h0 = lax.dot_general(
        x_ref[...], w1_ref[...], (((1,), (0,)), ((), ())),
        preferred_element_type=jnp.float32) + b1_ref[...]
    u0 = h0 * dis
    u0_ref[...] = u0
    u0c_ref[...] = ALPHA * u0
    w2_ref[...] = (1.0 - ALPHA) * dis * dis
    sqd_ref[...] = jnp.sqrt(deg)
    dis_ref[...] = dis


def _tc1(degT, x_pad, W1, b1):
    grid = (N_PAD // _TCR,)
    return pl.pallas_call(
        _tc1_body,
        grid=grid,
        in_specs=[
            pl.BlockSpec((_TCR, 2), lambda i: (i, 0)),
            pl.BlockSpec((_TCR, F_IN), lambda i: (i, 0)),
            pl.BlockSpec((F_IN, HIDDEN), lambda i: (0, 0)),
            pl.BlockSpec((1, HIDDEN), lambda i: (0, 0)),
        ],
        out_specs=[
            pl.BlockSpec((_TCR, HIDDEN), lambda i: (i, 0)),
            pl.BlockSpec((_TCR, HIDDEN), lambda i: (i, 0)),
            pl.BlockSpec((_TCR, 1), lambda i: (i, 0)),
            pl.BlockSpec((_TCR, 1), lambda i: (i, 0)),
            pl.BlockSpec((_TCR, 1), lambda i: (i, 0)),
        ],
        out_shape=[
            jax.ShapeDtypeStruct((N_PAD, HIDDEN), jnp.float32),
            jax.ShapeDtypeStruct((N_PAD, HIDDEN), jnp.float32),
            jax.ShapeDtypeStruct((N_PAD, 1), jnp.float32),
            jax.ShapeDtypeStruct((N_PAD, 1), jnp.float32),
            jax.ShapeDtypeStruct((N_PAD, 1), jnp.float32),
        ],
    )(degT, x_pad, W1, b1)


def _tc2_body(u1_ref, sqd_ref, dis_ref, w2_ref, b2_ref, u02_ref, u0c2_ref):
    h1 = jnp.maximum(u1_ref[...] * sqd_ref[...], 0.0)
    h02 = lax.dot_general(
        h1, w2_ref[...], (((1,), (0,)), ((), ())),
        preferred_element_type=jnp.float32) + b2_ref[...]
    u02 = h02 * dis_ref[...]
    u02_ref[...] = u02
    u0c2_ref[...] = ALPHA * u02


def _tc2(u1, sqd, dis, W2, b2):
    grid = (N_PAD // _TCR,)
    return pl.pallas_call(
        _tc2_body,
        grid=grid,
        in_specs=[
            pl.BlockSpec((_TCR, HIDDEN), lambda i: (i, 0)),
            pl.BlockSpec((_TCR, 1), lambda i: (i, 0)),
            pl.BlockSpec((_TCR, 1), lambda i: (i, 0)),
            pl.BlockSpec((HIDDEN, F_OUT), lambda i: (0, 0)),
            pl.BlockSpec((1, F_OUT), lambda i: (0, 0)),
        ],
        out_specs=[
            pl.BlockSpec((_TCR, F_OUT), lambda i: (i, 0)),
            pl.BlockSpec((_TCR, F_OUT), lambda i: (i, 0)),
        ],
        out_shape=[
            jax.ShapeDtypeStruct((N_PAD, F_OUT), jnp.float32),
            jax.ShapeDtypeStruct((N_PAD, F_OUT), jnp.float32),
        ],
    )(u1, sqd, dis, W2, b2)


def _tc3_body(u2_ref, sqd_ref, out_ref):
    out_ref[...] = u2_ref[...] * sqd_ref[...]


def _tc3(u2, sqd):
    grid = (N_PAD // _TCR,)
    return pl.pallas_call(
        _tc3_body,
        grid=grid,
        in_specs=[
            pl.BlockSpec((_TCR, F_OUT), lambda i: (i, 0)),
            pl.BlockSpec((_TCR, 1), lambda i: (i, 0)),
        ],
        out_specs=pl.BlockSpec((_TCR, F_OUT), lambda i: (i, 0)),
        out_shape=jax.ShapeDtypeStruct((N_PAD, F_OUT), jnp.float32),
    )(u2, sqd)


def _split_cols(a, Fc):
    return a.reshape(N_PAD, NC, Fc).transpose(1, 0, 2).reshape(NC * N_PAD, Fc)


def _merge_cols(a, Fc):
    return a.reshape(NC, N_PAD, Fc).transpose(1, 0, 2).reshape(N_PAD, NC * Fc)


@jax.jit
def kernel(x, edge_index, W1, b1, W2, b2):
    ei = edge_index.astype(jnp.int32)
    loop = jnp.arange(N, dtype=jnp.int32)
    src = jnp.concatenate([ei[0], loop])
    dst = jnp.concatenate([ei[1], loop])
    pad = E_PAD - src.shape[0]
    src = jnp.concatenate([src, jnp.full((pad,), DUMMY, jnp.int32)])
    dst = jnp.concatenate([dst, jnp.full((pad,), DUMMY, jnp.int32)])
    src_p = src.reshape(NS, EBg, EBG)
    dst_p = dst.reshape(NS, EBg, EBG)
    dst_w = dst.reshape(NC * NS, EBW, EBLK)
    x_pad = jnp.pad(x, ((0, N_PAD - N), (0, 0)))

    deg2 = _deg_call(dst_w)
    u0, u0c, w2c, sqd, dis = _tc1(deg2.T, x_pad, W1, b1.reshape(1, HIDDEN))
    w2v = w2c.reshape(N_PAD)

    u1 = _prop32(_split_cols(u0, HIDDEN // NC), _split_cols(u0c, HIDDEN // NC),
                 w2v, src_p, dst_p)
    u02, u0c2 = _tc2(_merge_cols(u1, HIDDEN // NC), sqd, dis,
                     W2, b2.reshape(1, F_OUT))
    u2 = _prop64(_split_cols(u02, F_OUT // NC), _split_cols(u0c2, F_OUT // NC),
                 w2v, src_p, dst_p)
    out = _tc3(_merge_cols(u2, F_OUT // NC), sqd)
    return out[:N]

# --- scband reference (transcript-rebuilt; emitter-appended) ---
"""Pipeline reference for scband-model-6262062317652 (READ-ONLY COPY).

The authoritative reference and input builder live on the scoring server;
editing this copy changes nothing except your own understanding.
"""

import jax, jax.numpy as jnp
import numpy as np

N_NODES = 10000
N_EDGES = 160000
F_IN = 256
HIDDEN = 64
F_OUT = 128
ALPHA = 0.1
K_PROP = 10


def setup_inputs(seed: int = 0) -> dict:
    key = jax.random.key(seed)
    k_x, k_e, k_w1, k_b1, k_w2, k_b2 = jax.random.split(key, 6)
    x = jax.random.normal(k_x, (N_NODES, F_IN), dtype=jnp.float32)
    edge_index = jax.random.randint(k_e, (2, N_EDGES), 0, N_NODES, dtype=jnp.int64)
    # Glorot-style init for the two linear layers inside OurModelLayer (APPNP backbone)
    W1 = jax.random.normal(k_w1, (F_IN, HIDDEN), dtype=jnp.float32) * (1.0 / np.sqrt(F_IN))
    b1 = jnp.zeros((HIDDEN,), dtype=jnp.float32)
    W2 = jax.random.normal(k_w2, (HIDDEN, F_OUT), dtype=jnp.float32) * (1.0 / np.sqrt(HIDDEN))
    b2 = jnp.zeros((F_OUT,), dtype=jnp.float32)
    return {"x": x, "edge_index": edge_index, "W1": W1, "b1": b1, "W2": W2, "b2": b2}


def _gcn_norm(edge_index, n_nodes):
    # add self loops, then symmetric normalization (APPNP / gcn_norm default)
    loop = jnp.arange(n_nodes, dtype=edge_index.dtype)
    src = jnp.concatenate([edge_index[0], loop])
    dst = jnp.concatenate([edge_index[1], loop])
    deg = jnp.zeros((n_nodes,), dtype=jnp.float32).at[dst].add(1.0)
    deg_inv_sqrt = jnp.where(deg > 0, 1.0 / jnp.sqrt(deg), 0.0)
    norm = deg_inv_sqrt[src] * deg_inv_sqrt[dst]
    return src, dst, norm


def _appnp_layer(x, src, dst, norm, W, b, n_nodes):
    # OurModelLayer(..., backbone='APPNP', drop_method='DropMessage', drop_rate=0):
    # linear transform followed by K steps of personalized-pagerank propagation.
    # drop_rate = 0 -> DropMessage is identity (unbias scaling 1/(1-0) = 1).
    h0 = x @ W + b
    h = h0
    for _ in range(K_PROP):
        msg = h[src] * norm[:, None]          # gather + per-edge scaling (messages)
        agg = jnp.zeros_like(h).at[dst].add(msg)  # scatter-add aggregation
        h = (1.0 - ALPHA) * agg + ALPHA * h0
    return h


def reference(x, edge_index, W1, b1, W2, b2):
    n_nodes = x.shape[0]
    src, dst, norm = _gcn_norm(edge_index, n_nodes)
    h = _appnp_layer(x, src, dst, norm, W1, b1, n_nodes)
    h = jax.nn.relu(h)
    out = _appnp_layer(h, src, dst, norm, W2, b2, n_nodes)
    return out

if __name__ == "__main__":
    import jax
    _d = setup_inputs()
    print(jax.jit(kernel)(*tuple(_d.values())))

</pallas_src>

<mosaic_0001>
#map = affine_map<(d0, d1) -> (0, 0, 0)>
#map1 = affine_map<(d0, d1) -> (0, 0)>
module attributes {stable_mosaic.version = 14 : i64} {
  func.func @_deg_body(%arg0: i32, %arg1: i32, %arg2: memref<32x42x128xi32, #tpu.memory_space<hbm>>, %arg3: memref<2x10240xf32, #tpu.memory_space<hbm>>, %arg4: memref<42x128xi32, #tpu.memory_space<vmem>>, %arg5: memref<128xf32, #tpu.memory_space<vmem>>, %arg6: memref<128xf32, #tpu.memory_space<vmem>>, %arg7: memref<10240xf32, #tpu.memory_space<vmem_shared>>) attributes {dimension_semantics = [#tpu.dimension_semantics<core_parallel>, #tpu.dimension_semantics<subcore_parallel>], iteration_bounds = array<i64: 2, 16>, scalar_prefetch = 0 : i64, scratch_operands = 4 : i64, tpu.core_type = #tpu.core_type<sc_vector_subcore>, window_params = [{transform_indices = #map}, {transform_indices = #map1}]} {
    %mul3A = arith.constant 2 : i32
    %mul3A_0 = arith.muli %arg1, %mul3A : i32
    %add3A = arith.addi %mul3A_0, %arg0 : i32
    %mul3A_1 = arith.constant 640 : i32
    %mul3A_2 = arith.muli %arg1, %mul3A_1 : i32
    %broadcast_in_dim3A = arith.constant 0.000000e+00 : f32
    %broadcast_in_dim3A_3 = vector.broadcast %broadcast_in_dim3A : f32 to vector<16xf32>
    %swap3A = arith.constant 0 : index
    %swap3A_4 = tpu.vector_load %arg6[%swap3A] {strides = array<i32>} : memref<128xf32, #tpu.memory_space<vmem>>, vector<16xf32>,
    %swap3A_5 = vector.shape_cast %swap3A_4 : vector<16xf32> to vector<16xf32>
    %swap3A_6 = vector.shape_cast %broadcast_in_dim3A_3 : vector<16xf32> to vector<16xf32>
    tpu.vector_store %arg6[%swap3A], %swap3A_6 {strides = array<i32>} : memref<128xf32, #tpu.memory_space<vmem>>, vector<16xf32>,
    %broadcast_in_dim3A_7 = arith.constant 1.000000e+00 : f32
    %broadcast_in_dim3A_8 = vector.broadcast %broadcast_in_dim3A_7 : f32 to vector<16xf32>
    %swap3A_9 = arith.constant 0 : index
    %swap3A_10 = tpu.vector_load %arg5[%swap3A_9] {strides = array<i32>} : memref<128xf32, #tpu.memory_space<vmem>>, vector<16xf32>,
    %swap3A_11 = vector.shape_cast %swap3A_10 : vector<16xf32> to vector<16xf32>
    %swap3A_12 = vector.shape_cast %broadcast_in_dim3A_8 : vector<16xf32> to vector<16xf32>
    tpu.vector_store %arg5[%swap3A_9], %swap3A_12 {strides = array<i32>} : memref<128xf32, #tpu.memory_space<vmem>>, vector<16xf32>,
    %broadcast_in_dim3A_13 = arith.constant 0.000000e+00 : f32
    %broadcast_in_dim3A_14 = vector.broadcast %broadcast_in_dim3A_13 : f32 to vector<16xf32>
    %swap3A_15 = arith.constant 16 : index
    %swap3A_16 = tpu.vector_load %arg6[%swap3A_15] {strides = array<i32>} : memref<128xf32, #tpu.memory_space<vmem>>, vector<16xf32>,
    %swap3A_17 = vector.shape_cast %swap3A_16 : vector<16xf32> to vector<16xf32>
    %swap3A_18 = vector.shape_cast %broadcast_in_dim3A_14 : vector<16xf32> to vector<16xf32>
    tpu.vector_store %arg6[%swap3A_15], %swap3A_18 {strides = array<i32>} : memref<128xf32, #tpu.memory_space<vmem>>, vector<16xf32>,
    %broadcast_in_dim3A_19 = arith.constant 1.000000e+00 : f32
    %broadcast_in_dim3A_20 = vector.broadcast %broadcast_in_dim3A_19 : f32 to vector<16xf32>
    %swap3A_21 = arith.constant 16 : index
    %swap3A_22 = tpu.vector_load %arg5[%swap3A_21] {strides = array<i32>} : memref<128xf32, #tpu.memory_space<vmem>>, vector<16xf32>,
    %swap3A_23 = vector.shape_cast %swap3A_22 : vector<16xf32> to vector<16xf32>
    %swap3A_24 = vector.shape_cast %broadcast_in_dim3A_20 : vector<16xf32> to vector<16xf32>
    tpu.vector_store %arg5[%swap3A_21], %swap3A_24 {strides = array<i32>} : memref<128xf32, #tpu.memory_space<vmem>>, vector<16xf32>,
    %broadcast_in_dim3A_25 = arith.constant 0.000000e+00 : f32
    %broadcast_in_dim3A_26 = vector.broadcast %broadcast_in_dim3A_25 : f32 to vector<16xf32>
    %swap3A_27 = arith.constant 32 : index
    %swap3A_28 = tpu.vector_load %arg6[%swap3A_27] {strides = array<i32>} : memref<128xf32, #tpu.memory_space<vmem>>, vector<16xf32>,
    %swap3A_29 = vector.shape_cast %swap3A_28 : vector<16xf32> to vector<16xf32>
    %swap3A_30 = vector.shape_cast %broadcast_in_dim3A_26 : vector<16xf32> to vector<16xf32>
    tpu.vector_store %arg6[%swap3A_27], %swap3A_30 {strides = array<i32>} : memref<128xf32, #tpu.memory_space<vmem>>, vector<16xf32>,
    %broadcast_in_dim3A_31 = arith.constant 1.000000e+00 : f32
    %broadcast_in_dim3A_32 = vector.broadcast %broadcast_in_dim3A_31 : f32 to vector<16xf32>
    %swap3A_33 = arith.constant 32 : index
    %swap3A_34 = tpu.vector_load %arg5[%swap3A_33] {strides = array<i32>} : memref<128xf32, #tpu.memory_space<vmem>>, vector<16xf32>,
    %swap3A_35 = vector.shape_cast %swap3A_34 : vector<16xf32> to vector<16xf32>
    %swap3A_36 = vector.shape_cast %broadcast_in_dim3A_32 : vector<16xf32> to vector<16xf32>
    tpu.vector_store %arg5[%swap3A_33], %swap3A_36 {strides = array<i32>} : memref<128xf32, #tpu.memory_space<vmem>>, vector<16xf32>,
    %broadcast_in_dim3A_37 = arith.constant 0.000000e+00 : f32
    %broadcast_in_dim3A_38 = vector.broadcast %broadcast_in_dim3A_37 : f32 to vector<16xf32>
    %swap3A_39 = arith.constant 48 : index
    %swap3A_40 = tpu.vector_load %arg6[%swap3A_39] {strides = array<i32>} : memref<128xf32, #tpu.memory_space<vmem>>, vector<16xf32>,
    %swap3A_41 = vector.shape_cast %swap3A_40 : vector<16xf32> to vector<16xf32>
    %swap3A_42 = vector.shape_cast %broadcast_in_dim3A_38 : vector<16xf32> to vector<16xf32>
    tpu.vector_store %arg6[%swap3A_39], %swap3A_42 {strides = array<i32>} : memref<128xf32, #tpu.memory_space<vmem>>, vector<16xf32>,
    %broadcast_in_dim3A_43 = arith.constant 1.000000e+00 : f32
    %broadcast_in_dim3A_44 = vector.broadcast %broadcast_in_dim3A_43 : f32 to vector<16xf32>
    %swap3A_45 = arith.constant 48 : index
    %swap3A_46 = tpu.vector_load %arg5[%swap3A_45] {strides = array<i32>} : memref<128xf32, #tpu.memory_space<vmem>>, vector<16xf32>,
    %swap3A_47 = vector.shape_cast %swap3A_46 : vector<16xf32> to vector<16xf32>
    %swap3A_48 = vector.shape_cast %broadcast_in_dim3A_44 : vector<16xf32> to vector<16xf32>
    tpu.vector_store %arg5[%swap3A_45], %swap3A_48 {strides = array<i32>} : memref<128xf32, #tpu.memory_space<vmem>>, vector<16xf32>,
    %broadcast_in_dim3A_49 = arith.constant 0.000000e+00 : f32
    %broadcast_in_dim3A_50 = vector.broadcast %broadcast_in_dim3A_49 : f32 to vector<16xf32>
    %swap3A_51 = arith.constant 64 : index
    %swap3A_52 = tpu.vector_load %arg6[%swap3A_51] {strides = array<i32>} : memref<128xf32, #tpu.memory_space<vmem>>, vector<16xf32>,
    %swap3A_53 = vector.shape_cast %swap3A_52 : vector<16xf32> to vector<16xf32>
    %swap3A_54 = vector.shape_cast %broadcast_in_dim3A_50 : vector<16xf32> to vector<16xf32>
    tpu.vector_store %arg6[%swap3A_51], %swap3A_54 {strides = array<i32>} : memref<128xf32, #tpu.memory_space<vmem>>, vector<16xf32>,
    %broadcast_in_dim3A_55 = arith.constant 1.000000e+00 : f32
    %broadcast_in_dim3A_56 = vector.broadcast %broadcast_in_dim3A_55 : f32 to vector<16xf32>
    %swap3A_57 = arith.constant 64 : index
    %swap3A_58 = tpu.vector_load %arg5[%swap3A_57] {strides = array<i32>} : memref<128xf32, #tpu.memory_space<vmem>>, vector<16xf32>,
    %swap3A_59 = vector.shape_cast %swap3A_58 : vector<16xf32> to vector<16xf32>
    %swap3A_60 = vector.shape_cast %broadcast_in_dim3A_56 : vector<16xf32> to vector<16xf32>
    tpu.vector_store %arg5[%swap3A_57], %swap3A_60 {strides = array<i32>} : memref<128xf32, #tpu.memory_space<vmem>>, vector<16xf32>,
    %broadcast_in_dim3A_61 = arith.constant 0.000000e+00 : f32
    %broadcast_in_dim3A_62 = vector.broadcast %broadcast_in_dim3A_61 : f32 to vector<16xf32>
    %swap3A_63 = arith.constant 80 : index
    %swap3A_64 = tpu.vector_load %arg6[%swap3A_63] {strides = array<i32>} : memref<128xf32, #tpu.memory_space<vmem>>, vector<16xf32>,
    %swap3A_65 = vector.shape_cast %swap3A_64 : vector<16xf32> to vector<16xf32>
    %swap3A_66 = vector.shape_cast %broadcast_in_dim3A_62 : vector<16xf32> to vector<16xf32>
    tpu.vector_store %arg6[%swap3A_63], %swap3A_66 {strides = array<i32>} : memref<128xf32, #tpu.memory_space<vmem>>, vector<16xf32>,
    %broadcast_in_dim3A_67 = arith.constant 1.000000e+00 : f32
    %broadcast_in_dim3A_68 = vector.broadcast %broadcast_in_dim3A_67 : f32 to vector<16xf32>
    %swap3A_69 = arith.constant 80 : index
    %swap3A_70 = tpu.vector_load %arg5[%swap3A_69] {strides = array<i32>} : memref<128xf32, #tpu.memory_space<vmem>>, vector<16xf32>,
    %swap3A_71 = vector.shape_cast %swap3A_70 : vector<16xf32> to vector<16xf32>
    %swap3A_72 = vector.shape_cast %broadcast_in_dim3A_68 : vector<16xf32> to vector<16xf32>
    tpu.vector_store %arg5[%swap3A_69], %swap3A_72 {strides = array<i32>} : memref<128xf32, #tpu.memory_space<vmem>>, vector<16xf32>,
    %broadcast_in_dim3A_73 = arith.constant 0.000000e+00 : f32
    %broadcast_in_dim3A_74 = vector.broadcast %broadcast_in_dim3A_73 : f32 to vector<16xf32>
    %swap3A_75 = arith.constant 96 : index
    %swap3A_76 = tpu.vector_load %arg6[%swap3A_75] {strides = array<i32>} : memref<128xf32, #tpu.memory_space<vmem>>, vector<16xf32>,
    %swap3A_77 = vector.shape_cast %swap3A_76 : vector<16xf32> to vector<16xf32>
    %swap3A_78 = vector.shape_cast %broadcast_in_dim3A_74 : vector<16xf32> to vector<16xf32>
    tpu.vector_store %arg6[%swap3A_75], %swap3A_78 {strides = array<i32>} : memref<128xf32, #tpu.memory_space<vmem>>, vector<16xf32>,
    %broadcast_in_dim3A_79 = arith.constant 1.000000e+00 : f32
    %broadcast_in_dim3A_80 = vector.broadcast %broadcast_in_dim3A_79 : f32 to vector<16xf32>
    %swap3A_81 = arith.constant 96 : index
    %swap3A_82 = tpu.vector_load %arg5[%swap3A_81] {strides = array<i32>} : memref<128xf32, #tpu.memory_space<vmem>>, vector<16xf32>,
    %swap3A_83 = vector.shape_cast %swap3A_82 : vector<16xf32> to vector<16xf32>
    %swap3A_84 = vector.shape_cast %broadcast_in_dim3A_80 : vector<16xf32> to vector<16xf32>
    tpu.vector_store %arg5[%swap3A_81], %swap3A_84 {strides = array<i32>} : memref<128xf32, #tpu.memory_space<vmem>>, vector<16xf32>,
    %broadcast_in_dim3A_85 = arith.constant 0.000000e+00 : f32
    %broadcast_in_dim3A_86 = vector.broadcast %broadcast_in_dim3A_85 : f32 to vector<16xf32>
    %swap3A_87 = arith.constant 112 : index
    %swap3A_88 = tpu.vector_load %arg6[%swap3A_87] {strides = array<i32>} : memref<128xf32, #tpu.memory_space<vmem>>, vector<16xf32>,
    %swap3A_89 = vector.shape_cast %swap3A_88 : vector<16xf32> to vector<16xf32>
    %swap3A_90 = vector.shape_cast %broadcast_in_dim3A_86 : vector<16xf32> to vector<16xf32>
    tpu.vector_store %arg6[%swap3A_87], %swap3A_90 {strides = array<i32>} : memref<128xf32, #tpu.memory_space<vmem>>, vector<16xf32>,
    %broadcast_in_dim3A_91 = arith.constant 1.000000e+00 : f32
    %broadcast_in_dim3A_92 = vector.broadcast %broadcast_in_dim3A_91 : f32 to vector<16xf32>
    %swap3A_93 = arith.constant 112 : index
    %swap3A_94 = tpu.vector_load %arg5[%swap3A_93] {strides = array<i32>} : memref<128xf32, #tpu.memory_space<vmem>>, vector<16xf32>,
    %swap3A_95 = vector.shape_cast %swap3A_94 : vector<16xf32> to vector<16xf32>
    %swap3A_96 = vector.shape_cast %broadcast_in_dim3A_92 : vector<16xf32> to vector<16xf32>
    tpu.vector_store %arg5[%swap3A_93], %swap3A_96 {strides = array<i32>} : memref<128xf32, #tpu.memory_space<vmem>>, vector<16xf32>,
    %add3A_97 = arith.constant 0 : i32
    %add3A_98 = arith.addi %mul3A_2, %add3A_97 : i32
    "tpu.region"() ({
      %run_scoped3A = tpu.sem_alloc : memref<!tpu.dma_semaphore, #tpu.memory_space<semaphore_mem>>
      %dma_start3A = tpu.memref_slice %arg7[%add3A_98] : memref<10240xf32, #tpu.memory_space<vmem_shared>> -> memref<128xf32, #tpu.memory_space<vmem_shared>>
      %dma_start3A_112 = tpu.memref_slice %arg7[%add3A_98] : memref<10240xf32, #tpu.memory_space<vmem_shared>> -> memref<128xf32, #tpu.memory_space<vmem_shared>>
      tpu.enqueue_dma source(%arg6 : memref<128xf32, #tpu.memory_space<vmem>>) target(%dma_start3A_112 : memref<128xf32, #tpu.memory_space<vmem_shared>>) target_semaphore(%run_scoped3A : memref<!tpu.dma_semaphore, #tpu.memory_space<semaphore_mem>>)
      %dma_wait3A = tpu.memref_slice %arg7[%add3A_98] : memref<10240xf32, #tpu.memory_space<vmem_shared>> -> memref<128xf32, #tpu.memory_space<vmem_shared>>
      %dma_wait3A_113 = tpu.memref_slice %arg7[%add3A_98] : memref<10240xf32, #tpu.memory_space<vmem_shared>> -> memref<128xf32, #tpu.memory_space<vmem_shared>>
      tpu.wait_dma2 semaphore(%run_scoped3A : memref<!tpu.dma_semaphore, #tpu.memory_space<semaphore_mem>>) src(%arg6 : memref<128xf32, #tpu.memory_space<vmem>>) dst(%dma_wait3A_113 : memref<128xf32, #tpu.memory_space<vmem_shared>>)
      tpu.yield
    }) : () -> ()
    %add3A_99 = arith.constant 128 : i32
    %add3A_100 = arith.addi %mul3A_2, %add3A_99 : i32
    "tpu.region"() ({
      %run_scoped3A = tpu.sem_alloc : memref<!tpu.dma_semaphore, #tpu.memory_space<semaphore_mem>>
      %dma_start3A = tpu.memref_slice %arg7[%add3A_100] : memref<10240xf32, #tpu.memory_space<vmem_shared>> -> memref<128xf32, #tpu.memory_space<vmem_shared>>
      %dma_start3A_112 = tpu.memref_slice %arg7[%add3A_100] : memref<10240xf32, #tpu.memory_space<vmem_shared>> -> memref<128xf32, #tpu.memory_space<vmem_shared>>
      tpu.enqueue_dma source(%arg6 : memref<128xf32, #tpu.memory_space<vmem>>) target(%dma_start3A_112 : memref<128xf32, #tpu.memory_space<vmem_shared>>) target_semaphore(%run_scoped3A : memref<!tpu.dma_semaphore, #tpu.memory_space<semaphore_mem>>)
      %dma_wait3A = tpu.memref_slice %arg7[%add3A_100] : memref<10240xf32, #tpu.memory_space<vmem_shared>> -> memref<128xf32, #tpu.memory_space<vmem_shared>>
      %dma_wait3A_113 = tpu.memref_slice %arg7[%add3A_100] : memref<10240xf32, #tpu.memory_space<vmem_shared>> -> memref<128xf32, #tpu.memory_space<vmem_shared>>
      tpu.wait_dma2 semaphore(%run_scoped3A : memref<!tpu.dma_semaphore, #tpu.memory_space<semaphore_mem>>) src(%arg6 : memref<128xf32, #tpu.memory_space<vmem>>) dst(%dma_wait3A_113 : memref<128xf32, #tpu.memory_space<vmem_shared>>)
      tpu.yield
    }) : () -> ()
    %add3A_101 = arith.constant 256 : i32
    %add3A_102 = arith.addi %mul3A_2, %add3A_101 : i32
    "tpu.region"() ({
      %run_scoped3A = tpu.sem_alloc : memref<!tpu.dma_semaphore, #tpu.memory_space<semaphore_mem>>
      %dma_start3A = tpu.memref_slice %arg7[%add3A_102] : memref<10240xf32, #tpu.memory_space<vmem_shared>> -> memref<128xf32, #tpu.memory_space<vmem_shared>>
      %dma_start3A_112 = tpu.memref_slice %arg7[%add3A_102] : memref<10240xf32, #tpu.memory_space<vmem_shared>> -> memref<128xf32, #tpu.memory_space<vmem_shared>>
      tpu.enqueue_dma source(%arg6 : memref<128xf32, #tpu.memory_space<vmem>>) target(%dma_start3A_112 : memref<128xf32, #tpu.memory_space<vmem_shared>>) target_semaphore(%run_scoped3A : memref<!tpu.dma_semaphore, #tpu.memory_space<semaphore_mem>>)
      %dma_wait3A = tpu.memref_slice %arg7[%add3A_102] : memref<10240xf32, #tpu.memory_space<vmem_shared>> -> memref<128xf32, #tpu.memory_space<vmem_shared>>
      %dma_wait3A_113 = tpu.memref_slice %arg7[%add3A_102] : memref<10240xf32, #tpu.memory_space<vmem_shared>> -> memref<128xf32, #tpu.memory_space<vmem_shared>>
      tpu.wait_dma2 semaphore(%run_scoped3A : memref<!tpu.dma_semaphore, #tpu.memory_space<semaphore_mem>>) src(%arg6 : memref<128xf32, #tpu.memory_space<vmem>>) dst(%dma_wait3A_113 : memref<128xf32, #tpu.memory_space<vmem_shared>>)
      tpu.yield
    }) : () -> ()
    %add3A_103 = arith.constant 384 : i32
    %add3A_104 = arith.addi %mul3A_2, %add3A_103 : i32
    "tpu.region"() ({
      %run_scoped3A = tpu.sem_alloc : memref<!tpu.dma_semaphore, #tpu.memory_space<semaphore_mem>>
      %dma_start3A = tpu.memref_slice %arg7[%add3A_104] : memref<10240xf32, #tpu.memory_space<vmem_shared>> -> memref<128xf32, #tpu.memory_space<vmem_shared>>
      %dma_start3A_112 = tpu.memref_slice %arg7[%add3A_104] : memref<10240xf32, #tpu.memory_space<vmem_shared>> -> memref<128xf32, #tpu.memory_space<vmem_shared>>
      tpu.enqueue_dma source(%arg6 : memref<128xf32, #tpu.memory_space<vmem>>) target(%dma_start3A_112 : memref<128xf32, #tpu.memory_space<vmem_shared>>) target_semaphore(%run_scoped3A : memref<!tpu.dma_semaphore, #tpu.memory_space<semaphore_mem>>)
      %dma_wait3A = tpu.memref_slice %arg7[%add3A_104] : memref<10240xf32, #tpu.memory_space<vmem_shared>> -> memref<128xf32, #tpu.memory_space<vmem_shared>>
      %dma_wait3A_113 = tpu.memref_slice %arg7[%add3A_104] : memref<10240xf32, #tpu.memory_space<vmem_shared>> -> memref<128xf32, #tpu.memory_space<vmem_shared>>
      tpu.wait_dma2 semaphore(%run_scoped3A : memref<!tpu.dma_semaphore, #tpu.memory_space<semaphore_mem>>) src(%arg6 : memref<128xf32, #tpu.memory_space<vmem>>) dst(%dma_wait3A_113 : memref<128xf32, #tpu.memory_space<vmem_shared>>)
      tpu.yield
    }) : () -> ()
    %add3A_105 = arith.constant 512 : i32
    %add3A_106 = arith.addi %mul3A_2, %add3A_105 : i32
    "tpu.region"() ({
      %run_scoped3A = tpu.sem_alloc : memref<!tpu.dma_semaphore, #tpu.memory_space<semaphore_mem>>
      %dma_start3A = tpu.memref_slice %arg7[%add3A_106] : memref<10240xf32, #tpu.memory_space<vmem_shared>> -> memref<128xf32, #tpu.memory_space<vmem_shared>>
      %dma_start3A_112 = tpu.memref_slice %arg7[%add3A_106] : memref<10240xf32, #tpu.memory_space<vmem_shared>> -> memref<128xf32, #tpu.memory_space<vmem_shared>>
      tpu.enqueue_dma source(%arg6 : memref<128xf32, #tpu.memory_space<vmem>>) target(%dma_start3A_112 : memref<128xf32, #tpu.memory_space<vmem_shared>>) target_semaphore(%run_scoped3A : memref<!tpu.dma_semaphore, #tpu.memory_space<semaphore_mem>>)
      %dma_wait3A = tpu.memref_slice %arg7[%add3A_106] : memref<10240xf32, #tpu.memory_space<vmem_shared>> -> memref<128xf32, #tpu.memory_space<vmem_shared>>
      %dma_wait3A_113 = tpu.memref_slice %arg7[%add3A_106] : memref<10240xf32, #tpu.memory_space<vmem_shared>> -> memref<128xf32, #tpu.memory_space<vmem_shared>>
      tpu.wait_dma2 semaphore(%run_scoped3A : memref<!tpu.dma_semaphore, #tpu.memory_space<semaphore_mem>>) src(%arg6 : memref<128xf32, #tpu.memory_space<vmem>>) dst(%dma_wait3A_113 : memref<128xf32, #tpu.memory_space<vmem_shared>>)
      tpu.yield
    }) : () -> ()
    "tpu.region"() ({
      %run_scoped3A = tpu.sem_alloc : memref<!tpu.dma_semaphore, #tpu.memory_space<semaphore_mem>>
      %dma_start3A = arith.constant 0 : i32
      %dma_start3A_112 = arith.constant 0 : i32
      %dma_start3A_113 = tpu.memref_slice %arg2[%add3A, %dma_start3A, %dma_start3A_112] : memref<32x42x128xi32, #tpu.memory_space<hbm>> -> memref<1x42x128xi32, #tpu.memory_space<hbm>>
      %dma_start3A_114 = tpu.memref_squeeze %dma_start3A_113 : memref<1x42x128xi32, #tpu.memory_space<hbm>> -> memref<42x128xi32, #tpu.memory_space<hbm>>
      %dma_start3A_115 = arith.constant 0 : i32
      %dma_start3A_116 = arith.constant 0 : i32
      %dma_start3A_117 = tpu.memref_slice %arg2[%add3A, %dma_start3A_115, %dma_start3A_116] : memref<32x42x128xi32, #tpu.memory_space<hbm>> -> memref<1x42x128xi32, #tpu.memory_space<hbm>>
      %dma_start3A_118 = tpu.memref_squeeze %dma_start3A_117 : memref<1x42x128xi32, #tpu.memory_space<hbm>> -> memref<42x128xi32, #tpu.memory_space<hbm>>
      tpu.enqueue_dma source(%dma_start3A_118 : memref<42x128xi32, #tpu.memory_space<hbm>>) target(%arg4 : memref<42x128xi32, #tpu.memory_space<vmem>>) target_semaphore(%run_scoped3A : memref<!tpu.dma_semaphore, #tpu.memory_space<semaphore_mem>>)
      %dma_wait3A = arith.constant 0 : i32
      %dma_wait3A_119 = arith.constant 0 : i32
      %dma_wait3A_120 = tpu.memref_slice %arg2[%add3A, %dma_wait3A, %dma_wait3A_119] : memref<32x42x128xi32, #tpu.memory_space<hbm>> -> memref<1x42x128xi32, #tpu.memory_space<hbm>>
      %dma_wait3A_121 = tpu.memref_squeeze %dma_wait3A_120 : memref<1x42x128xi32, #tpu.memory_space<hbm>> -> memref<42x128xi32, #tpu.memory_space<hbm>>
      %dma_wait3A_122 = arith.constant 0 : i32
      %dma_wait3A_123 = arith.constant 0 : i32
      %dma_wait3A_124 = tpu.memref_slice %arg2[%add3A, %dma_wait3A_122, %dma_wait3A_123] : memref<32x42x128xi32, #tpu.memory_space<hbm>> -> memref<1x42x128xi32, #tpu.memory_space<hbm>>
      %dma_wait3A_125 = tpu.memref_squeeze %dma_wait3A_124 : memref<1x42x128xi32, #tpu.memory_space<hbm>> -> memref<42x128xi32, #tpu.memory_space<hbm>>
      tpu.wait_dma2 semaphore(%run_scoped3A : memref<!tpu.dma_semaphore, #tpu.memory_space<semaphore_mem>>) src(%dma_wait3A_125 : memref<42x128xi32, #tpu.memory_space<hbm>>) dst(%arg4 : memref<42x128xi32, #tpu.memory_space<vmem>>)
      tpu.yield
    }) : () -> ()
    %barrier3A = arith.constant 0 : index
    tpu.barrier barrier_id(%barrier3A)
    %scan3A = arith.constant 0 : i32
    %scan3A_107 = arith.constant 42 : i32
    %scan3A_108 = arith.addi %scan3A, %scan3A_107 : i32
    %scan3A_109 = arith.constant 1 : i32
    scf.for %scan3A_112 = %scan3A to %scan3A_108 step %scan3A_109  : i32 {
      %mul3A_113 = arith.constant 1 : i32
      %mul3A_114 = arith.muli %scan3A_112, %mul3A_113 : i32
      %add3A_115 = arith.constant 0 : i32
      %add3A_116 = arith.addi %add3A_115, %mul3A_114 : i32
      "tpu.region"() ({
        %run_scoped3A = tpu.sem_alloc : memref<!tpu.dma_semaphore, #tpu.memory_space<semaphore_mem>>
        %dma_start3A = arith.constant 0 : i32
        %dma_start3A_117 = tpu.memref_slice %arg4[%add3A_116, %dma_start3A] : memref<42x128xi32, #tpu.memory_space<vmem>> -> memref<1x128xi32, #tpu.memory_space<vmem>>
        %dma_start3A_118 = tpu.memref_squeeze %dma_start3A_117 : memref<1x128xi32, #tpu.memory_space<vmem>> -> memref<128xi32, #tpu.memory_space<vmem>>
        %dma_start3A_119 = arith.constant 0 : i32
        %dma_start3A_120 = tpu.memref_slice %arg7[%dma_start3A_119] : memref<10240xf32, #tpu.memory_space<vmem_shared>> -> memref<10240xf32, #tpu.memory_space<vmem_shared>>
        tpu.enqueue_indirect_dma source(%arg5 : memref<128xf32, #tpu.memory_space<vmem>>) target(%dma_start3A_120 : memref<10240xf32, #tpu.memory_space<vmem_shared>>) offsets(%dma_start3A_118 : memref<128xi32, #tpu.memory_space<vmem>>) semaphore(%run_scoped3A : memref<!tpu.dma_semaphore, #tpu.memory_space<semaphore_mem>>) {add = true}
        %dma_wait3A = arith.constant 0 : i32
        %dma_wait3A_121 = tpu.memref_slice %arg4[%add3A_116, %dma_wait3A] : memref<42x128xi32, #tpu.memory_space<vmem>> -> memref<1x128xi32, #tpu.memory_space<vmem>>
        %dma_wait3A_122 = tpu.memref_squeeze %dma_wait3A_121 : memref<1x128xi32, #tpu.memory_space<vmem>> -> memref<128xi32, #tpu.memory_space<vmem>>
        %dma_wait3A_123 = arith.constant 0 : i32
        %dma_wait3A_124 = tpu.memref_slice %arg7[%dma_wait3A_123] : memref<10240xf32, #tpu.memory_space<vmem_shared>> -> memref<10240xf32, #tpu.memory_space<vmem_shared>>
        tpu.wait_indirect_dma semaphore(%run_scoped3A : memref<!tpu.dma_semaphore, #tpu.memory_space<semaphore_mem>>) src(%arg5 : memref<128xf32, #tpu.memory_space<vmem>>) dst(%dma_wait3A_124 : memref<10240xf32, #tpu.memory_space<vmem_shared>>)
        tpu.yield
      }) : () -> ()
    }
    %scan3A_110 = arith.constant 42 : i32
    %barrier3A_111 = arith.constant 0 : index
    tpu.barrier barrier_id(%barrier3A_111)
    "tpu.region"() ({
      %run_scoped3A = tpu.sem_alloc : memref<!tpu.dma_semaphore, #tpu.memory_space<semaphore_mem>>
      %dma_start3A = tpu.memref_slice %arg3[%arg0, %mul3A_2] : memref<2x10240xf32, #tpu.memory_space<hbm>> -> memref<1x640xf32, #tpu.memory_space<hbm>>
      %dma_start3A_112 = tpu.memref_squeeze %dma_start3A : memref<1x640xf32, #tpu.memory_space<hbm>> -> memref<640xf32, #tpu.memory_space<hbm>>
      %dma_start3A_113 = tpu.memref_slice %arg7[%mul3A_2] : memref<10240xf32, #tpu.memory_space<vmem_shared>> -> memref<640xf32, #tpu.memory_space<vmem_shared>>
      tpu.enqueue_dma source(%dma_start3A_113 : memref<640xf32, #tpu.memory_space<vmem_shared>>) target(%dma_start3A_112 : memref<640xf32, #tpu.memory_space<hbm>>) target_semaphore(%run_scoped3A : memref<!tpu.dma_semaphore, #tpu.memory_space<semaphore_mem>>)
      %dma_wait3A = tpu.memref_slice %arg3[%arg0, %mul3A_2] : memref<2x10240xf32, #tpu.memory_space<hbm>> -> memref<1x640xf32, #tpu.memory_space<hbm>>
      %dma_wait3A_114 = tpu.memref_squeeze %dma_wait3A : memref<1x640xf32, #tpu.memory_space<hbm>> -> memref<640xf32, #tpu.memory_space<hbm>>
      %dma_wait3A_115 = tpu.memref_slice %arg7[%mul3A_2] : memref<10240xf32, #tpu.memory_space<vmem_shared>> -> memref<640xf32, #tpu.memory_space<vmem_shared>>
      tpu.wait_dma2 semaphore(%run_scoped3A : memref<!tpu.dma_semaphore, #tpu.memory_space<semaphore_mem>>) src(%dma_wait3A_115 : memref<640xf32, #tpu.memory_space<vmem_shared>>) dst(%dma_wait3A_114 : memref<640xf32, #tpu.memory_space<hbm>>)
      tpu.yield
    }) : () -> ()
    return
  }
}

#map = affine_map<(d0, d1) -> (0, 0)>
#map1 = affine_map<(d0, d1) -> (0)>
#map2 = affine_map<(d0, d1) -> (0, 0, 0)>
module attributes {stable_mosaic.version = 14 : i64} {
  func.func @_prop_body(%arg0: i32, %arg1: i32, %arg2: memref<20480x64xf32, #tpu.memory_space<hbm>>, %arg3: memref<20480x64xf32, #tpu.memory_space<hbm>>, %arg4: memref<10240xf32, #tpu.memory_space<hbm>>, %arg5: memref<16x42x256xi32, #tpu.memory_space<hbm>>, %arg6: memref<16x42x256xi32, #tpu.memory_space<hbm>>, %arg7: memref<20480x64xf32, #tpu.memory_space<hbm>>, %arg8: memref<42x256xi32, #tpu.memory_space<vmem>>, %arg9: memref<42x256xi32, #tpu.memory_space<vmem>>, %arg10: memref<2x256x64xf32, #tpu.memory_space<vmem>>, %arg11: memref<128x64xf32, #tpu.memory_space<vmem>>, %arg12: memref<128x64xf32, #tpu.memory_space<vmem>>, %arg13: memref<128x64xf32, #tpu.memory_space<vmem>>, %arg14: memref<640xf32, #tpu.memory_space<vmem>>, %arg15: memref<10240x64xf32, #tpu.memory_space<vmem_shared>>, %arg16: memref<!tpu.dma_semaphore, #tpu.memory_space<semaphore_mem>>, %arg17: memref<!tpu.dma_semaphore, #tpu.memory_space<semaphore_mem>>) attributes {dimension_semantics = [#tpu.dimension_semantics<core_parallel>, #tpu.dimension_semantics<subcore_parallel>], iteration_bounds = array<i64: 2, 16>, scalar_prefetch = 0 : i64, scratch_operands = 10 : i64, tpu.core_type = #tpu.core_type<sc_vector_subcore>, window_params = [{transform_indices = #map}, {transform_indices = #map}, {transform_indices = #map1}, {transform_indices = #map2}, {transform_indices = #map2}, {transform_indices = #map}]} {
    %mul3A = arith.constant 640 : i32
    %mul3A_0 = arith.muli %arg1, %mul3A : i32
    %mul3A_1 = arith.constant 10240 : i32
    %mul3A_2 = arith.muli %arg0, %mul3A_1 : i32
    %add3A = arith.addi %mul3A_2, %mul3A_0 : i32
    "tpu.region"() ({
      %run_scoped3A = tpu.sem_alloc : memref<!tpu.dma_semaphore, #tpu.memory_space<semaphore_mem>>
      %dma_start3A = arith.constant 0 : i32
      %dma_start3A_39 = arith.constant 0 : i32
      %dma_start3A_40 = tpu.memref_slice %arg5[%arg1, %dma_start3A, %dma_start3A_39] : memref<16x42x256xi32, #tpu.memory_space<hbm>> -> memref<1x42x256xi32, #tpu.memory_space<hbm>>
      %dma_start3A_41 = tpu.memref_squeeze %dma_start3A_40 : memref<1x42x256xi32, #tpu.memory_space<hbm>> -> memref<42x256xi32, #tpu.memory_space<hbm>>
      %dma_start3A_42 = arith.constant 0 : i32
      %dma_start3A_43 = arith.constant 0 : i32
      %dma_start3A_44 = tpu.memref_slice %arg5[%arg1, %dma_start3A_42, %dma_start3A_43] : memref<16x42x256xi32, #tpu.memory_space<hbm>> -> memref<1x42x256xi32, #tpu.memory_space<hbm>>
      %dma_start3A_45 = tpu.memref_squeeze %dma_start3A_44 : memref<1x42x256xi32, #tpu.memory_space<hbm>> -> memref<42x256xi32, #tpu.memory_space<hbm>>
      tpu.enqueue_dma source(%dma_start3A_45 : memref<42x256xi32, #tpu.memory_space<hbm>>) target(%arg8 : memref<42x256xi32, #tpu.memory_space<vmem>>) target_semaphore(%run_scoped3A : memref<!tpu.dma_semaphore, #tpu.memory_space<semaphore_mem>>)
      %dma_wait3A = arith.constant 0 : i32
      %dma_wait3A_46 = arith.constant 0 : i32
      %dma_wait3A_47 = tpu.memref_slice %arg5[%arg1, %dma_wait3A, %dma_wait3A_46] : memref<16x42x256xi32, #tpu.memory_space<hbm>> -> memref<1x42x256xi32, #tpu.memory_space<hbm>>
      %dma_wait3A_48 = tpu.memref_squeeze %dma_wait3A_47 : memref<1x42x256xi32, #tpu.memory_space<hbm>> -> memref<42x256xi32, #tpu.memory_space<hbm>>
      %dma_wait3A_49 = arith.constant 0 : i32
      %dma_wait3A_50 = arith.constant 0 : i32
      %dma_wait3A_51 = tpu.memref_slice %arg5[%arg1, %dma_wait3A_49, %dma_wait3A_50] : memref<16x42x256xi32, #tpu.memory_space<hbm>> -> memref<1x42x256xi32, #tpu.memory_space<hbm>>
      %dma_wait3A_52 = tpu.memref_squeeze %dma_wait3A_51 : memref<1x42x256xi32, #tpu.memory_space<hbm>> -> memref<42x256xi32, #tpu.memory_space<hbm>>
      tpu.wait_dma2 semaphore(%run_scoped3A : memref<!tpu.dma_semaphore, #tpu.memory_space<semaphore_mem>>) src(%dma_wait3A_52 : memref<42x256xi32, #tpu.memory_space<hbm>>) dst(%arg8 : memref<42x256xi32, #tpu.memory_space<vmem>>)
      tpu.yield
    }) : () -> ()
    "tpu.region"() ({
      %run_scoped3A = tpu.sem_alloc : memref<!tpu.dma_semaphore, #tpu.memory_space<semaphore_mem>>
      %dma_start3A = arith.constant 0 : i32
      %dma_start3A_39 = arith.constant 0 : i32
      %dma_start3A_40 = tpu.memref_slice %arg6[%arg1, %dma_start3A, %dma_start3A_39] : memref<16x42x256xi32, #tpu.memory_space<hbm>> -> memref<1x42x256xi32, #tpu.memory_space<hbm>>
      %dma_start3A_41 = tpu.memref_squeeze %dma_start3A_40 : memref<1x42x256xi32, #tpu.memory_space<hbm>> -> memref<42x256xi32, #tpu.memory_space<hbm>>
      %dma_start3A_42 = arith.constant 0 : i32
      %dma_start3A_43 = arith.constant 0 : i32
      %dma_start3A_44 = tpu.memref_slice %arg6[%arg1, %dma_start3A_42, %dma_start3A_43] : memref<16x42x256xi32, #tpu.memory_space<hbm>> -> memref<1x42x256xi32, #tpu.memory_space<hbm>>
      %dma_start3A_45 = tpu.memref_squeeze %dma_start3A_44 : memref<1x42x256xi32, #tpu.memory_space<hbm>> -> memref<42x256xi32, #tpu.memory_space<hbm>>
      tpu.enqueue_dma source(%dma_start3A_45 : memref<42x256xi32, #tpu.memory_space<hbm>>) target(%arg9 : memref<42x256xi32, #tpu.memory_space<vmem>>) target_semaphore(%run_scoped3A : memref<!tpu.dma_semaphore, #tpu.memory_space<semaphore_mem>>)
      %dma_wait3A = arith.constant 0 : i32
      %dma_wait3A_46 = arith.constant 0 : i32
      %dma_wait3A_47 = tpu.memref_slice %arg6[%arg1, %dma_wait3A, %dma_wait3A_46] : memref<16x42x256xi32, #tpu.memory_space<hbm>> -> memref<1x42x256xi32, #tpu.memory_space<hbm>>
      %dma_wait3A_48 = tpu.memref_squeeze %dma_wait3A_47 : memref<1x42x256xi32, #tpu.memory_space<hbm>> -> memref<42x256xi32, #tpu.memory_space<hbm>>
      %dma_wait3A_49 = arith.constant 0 : i32
      %dma_wait3A_50 = arith.constant 0 : i32
      %dma_wait3A_51 = tpu.memref_slice %arg6[%arg1, %dma_wait3A_49, %dma_wait3A_50] : memref<16x42x256xi32, #tpu.memory_space<hbm>> -> memref<1x42x256xi32, #tpu.memory_space<hbm>>
      %dma_wait3A_52 = tpu.memref_squeeze %dma_wait3A_51 : memref<1x42x256xi32, #tpu.memory_space<hbm>> -> memref<42x256xi32, #tpu.memory_space<hbm>>
      tpu.wait_dma2 semaphore(%run_scoped3A : memref<!tpu.dma_semaphore, #tpu.memory_space<semaphore_mem>>) src(%dma_wait3A_52 : memref<42x256xi32, #tpu.memory_space<hbm>>) dst(%arg9 : memref<42x256xi32, #tpu.memory_space<vmem>>)
      tpu.yield
    }) : () -> ()
    "tpu.region"() ({
      %run_scoped3A = tpu.sem_alloc : memref<!tpu.dma_semaphore, #tpu.memory_space<semaphore_mem>>
      %dma_start3A = tpu.memref_slice %arg4[%mul3A_0] : memref<10240xf32, #tpu.memory_space<hbm>> -> memref<640xf32, #tpu.memory_space<hbm>>
      %dma_start3A_39 = tpu.memref_slice %arg4[%mul3A_0] : memref<10240xf32, #tpu.memory_space<hbm>> -> memref<640xf32, #tpu.memory_space<hbm>>
      tpu.enqueue_dma source(%dma_start3A_39 : memref<640xf32, #tpu.memory_space<hbm>>) target(%arg14 : memref<640xf32, #tpu.memory_space<vmem>>) target_semaphore(%run_scoped3A : memref<!tpu.dma_semaphore, #tpu.memory_space<semaphore_mem>>)
      %dma_wait3A = tpu.memref_slice %arg4[%mul3A_0] : memref<10240xf32, #tpu.memory_space<hbm>> -> memref<640xf32, #tpu.memory_space<hbm>>
      %dma_wait3A_40 = tpu.memref_slice %arg4[%mul3A_0] : memref<10240xf32, #tpu.memory_space<hbm>> -> memref<640xf32, #tpu.memory_space<hbm>>
      tpu.wait_dma2 semaphore(%run_scoped3A : memref<!tpu.dma_semaphore, #tpu.memory_space<semaphore_mem>>) src(%dma_wait3A_40 : memref<640xf32, #tpu.memory_space<hbm>>) dst(%arg14 : memref<640xf32, #tpu.memory_space<vmem>>)
      tpu.yield
    }) : () -> ()
    %mul3A_3 = arith.constant 10240 : i32
    %mul3A_4 = arith.muli %arg0, %mul3A_3 : i32
    %scan3A = arith.constant 0 : i32
    %scan3A_5 = arith.constant 42 : i32
    %scan3A_6 = arith.addi %scan3A, %scan3A_5 : i32
    %scan3A_7 = arith.constant 1 : i32
    scf.for %scan3A_39 = %scan3A to %scan3A_6 step %scan3A_7  : i32 {
      %mul3A_40 = arith.constant 1 : i32
      %mul3A_41 = arith.muli %scan3A_39, %mul3A_40 : i32
      %add3A_42 = arith.constant 0 : i32
      %add3A_43 = arith.addi %add3A_42, %mul3A_41 : i32
      %get3A = arith.index_cast %add3A_43 : i32 to index
      %get3A_44 = arith.constant 0 : index
      %get3A_45 = tpu.vector_load %arg8[%get3A, %get3A_44] {strides = array<i32>} : memref<42x256xi32, #tpu.memory_space<vmem>>, vector<1x16xi32>,
      %get3A_46 = vector.shape_cast %get3A_45 : vector<1x16xi32> to vector<16xi32>
      %add3A_47 = vector.broadcast %mul3A_4 : i32 to vector<16xi32>
      %add3A_48 = arith.addi %get3A_46, %add3A_47 : vector<16xi32>
      %swap3A = arith.index_cast %add3A_43 : i32 to index
      %swap3A_49 = arith.constant 0 : index
      %swap3A_50 = tpu.vector_load %arg8[%swap3A, %swap3A_49] {strides = array<i32>} : memref<42x256xi32, #tpu.memory_space<vmem>>, vector<1x16xi32>,
      %swap3A_51 = vector.shape_cast %swap3A_50 : vector<1x16xi32> to vector<16xi32>
      %swap3A_52 = vector.shape_cast %add3A_48 : vector<16xi32> to vector<1x16xi32>
      tpu.vector_store %arg8[%swap3A, %swap3A_49], %swap3A_52 {strides = array<i32>} : memref<42x256xi32, #tpu.memory_space<vmem>>, vector<1x16xi32>,
      %get3A_53 = arith.index_cast %add3A_43 : i32 to index
      %get3A_54 = arith.constant 16 : index
      %get3A_55 = tpu.vector_load %arg8[%get3A_53, %get3A_54] {strides = array<i32>} : memref<42x256xi32, #tpu.memory_space<vmem>>, vector<1x16xi32>,
      %get3A_56 = vector.shape_cast %get3A_55 : vector<1x16xi32> to vector<16xi32>
      %add3A_57 = vector.broadcast %mul3A_4 : i32 to vector<16xi32>
      %add3A_58 = arith.addi %get3A_56, %add3A_57 : vector<16xi32>
      %swap3A_59 = arith.index_cast %add3A_43 : i32 to index
      %swap3A_60 = arith.constant 16 : index
      %swap3A_61 = tpu.vector_load %arg8[%swap3A_59, %swap3A_60] {strides = array<i32>} : memref<42x256xi32, #tpu.memory_space<vmem>>, vector<1x16xi32>,
      %swap3A_62 = vector.shape_cast %swap3A_61 : vector<1x16xi32> to vector<16xi32>
      %swap3A_63 = vector.shape_cast %add3A_58 : vector<16xi32> to vector<1x16xi32>
      tpu.vector_store %arg8[%swap3A_59, %swap3A_60], %swap3A_63 {strides = array<i32>} : memref<42x256xi32, #tpu.memory_space<vmem>>, vector<1x16xi32>,
      %get3A_64 = arith.index_cast %add3A_43 : i32 to index
      %get3A_65 = arith.constant 32 : index
      %get3A_66 = tpu.vector_load %arg8[%get3A_64, %get3A_65] {strides = array<i32>} : memref<42x256xi32, #tpu.memory_space<vmem>>, vector<1x16xi32>,
      %get3A_67 = vector.shape_cast %get3A_66 : vector<1x16xi32> to vector<16xi32>
      %add3A_68 = vector.broadcast %mul3A_4 : i32 to vector<16xi32>
      %add3A_69 = arith.addi %get3A_67, %add3A_68 : vector<16xi32>
      %swap3A_70 = arith.index_cast %add3A_43 : i32 to index
      %swap3A_71 = arith.constant 32 : index
      %swap3A_72 = tpu.vector_load %arg8[%swap3A_70, %swap3A_71] {strides = array<i32>} : memref<42x256xi32, #tpu.memory_space<vmem>>, vector<1x16xi32>,
      %swap3A_73 = vector.shape_cast %swap3A_72 : vector<1x16xi32> to vector<16xi32>
      %swap3A_74 = vector.shape_cast %add3A_69 : vector<16xi32> to vector<1x16xi32>
      tpu.vector_store %arg8[%swap3A_70, %swap3A_71], %swap3A_74 {strides = array<i32>} : memref<42x256xi32, #tpu.memory_space<vmem>>, vector<1x16xi32>,
      %get3A_75 = arith.index_cast %add3A_43 : i32 to index
      %get3A_76 = arith.constant 48 : index
      %get3A_77 = tpu.vector_load %arg8[%get3A_75, %get3A_76] {strides = array<i32>} : memref<42x256xi32, #tpu.memory_space<vmem>>, vector<1x16xi32>,
      %get3A_78 = vector.shape_cast %get3A_77 : vector<1x16xi32> to vector<16xi32>
      %add3A_79 = vector.broadcast %mul3A_4 : i32 to vector<16xi32>
      %add3A_80 = arith.addi %get3A_78, %add3A_79 : vector<16xi32>
      %swap3A_81 = arith.index_cast %add3A_43 : i32 to index
      %swap3A_82 = arith.constant 48 : index
      %swap3A_83 = tpu.vector_load %arg8[%swap3A_81, %swap3A_82] {strides = array<i32>} : memref<42x256xi32, #tpu.memory_space<vmem>>, vector<1x16xi32>,
      %swap3A_84 = vector.shape_cast %swap3A_83 : vector<1x16xi32> to vector<16xi32>
      %swap3A_85 = vector.shape_cast %add3A_80 : vector<16xi32> to vector<1x16xi32>
      tpu.vector_store %arg8[%swap3A_81, %swap3A_82], %swap3A_85 {strides = array<i32>} : memref<42x256xi32, #tpu.memory_space<vmem>>, vector<1x16xi32>,
      %get3A_86 = arith.index_cast %add3A_43 : i32 to index
      %get3A_87 = arith.constant 64 : index
      %get3A_88 = tpu.vector_load %arg8[%get3A_86, %get3A_87] {strides = array<i32>} : memref<42x256xi32, #tpu.memory_space<vmem>>, vector<1x16xi32>,
      %get3A_89 = vector.shape_cast %get3A_88 : vector<1x16xi32> to vector<16xi32>
      %add3A_90 = vector.broadcast %mul3A_4 : i32 to vector<16xi32>
      %add3A_91 = arith.addi %get3A_89, %add3A_90 : vector<16xi32>
      %swap3A_92 = arith.index_cast %add3A_43 : i32 to index
      %swap3A_93 = arith.constant 64 : index
      %swap3A_94 = tpu.vector_load %arg8[%swap3A_92, %swap3A_93] {strides = array<i32>} : memref<42x256xi32, #tpu.memory_space<vmem>>, vector<1x16xi32>,
      %swap3A_95 = vector.shape_cast %swap3A_94 : vector<1x16xi32> to vector<16xi32>
      %swap3A_96 = vector.shape_cast %add3A_91 : vector<16xi32> to vector<1x16xi32>
      tpu.vector_store %arg8[%swap3A_92, %swap3A_93], %swap3A_96 {strides = array<i32>} : memref<42x256xi32, #tpu.memory_space<vmem>>, vector<1x16xi32>,
      %get3A_97 = arith.index_cast %add3A_43 : i32 to index
      %get3A_98 = arith.constant 80 : index
      %get3A_99 = tpu.vector_load %arg8[%get3A_97, %get3A_98] {strides = array<i32>} : memref<42x256xi32, #tpu.memory_space<vmem>>, vector<1x16xi32>,
      %get3A_100 = vector.shape_cast %get3A_99 : vector<1x16xi32> to vector<16xi32>
      %add3A_101 = vector.broadcast %mul3A_4 : i32 to vector<16xi32>
      %add3A_102 = arith.addi %get3A_100, %add3A_101 : vector<16xi32>
      %swap3A_103 = arith.index_cast %add3A_43 : i32 to index
      %swap3A_104 = arith.constant 80 : index
      %swap3A_105 = tpu.vector_load %arg8[%swap3A_103, %swap3A_104] {strides = array<i32>} : memref<42x256xi32, #tpu.memory_space<vmem>>, vector<1x16xi32>,
      %swap3A_106 = vector.shape_cast %swap3A_105 : vector<1x16xi32> to vector<16xi32>
      %swap3A_107 = vector.shape_cast %add3A_102 : vector<16xi32> to vector<1x16xi32>
      tpu.vector_store %arg8[%swap3A_103, %swap3A_104], %swap3A_107 {strides = array<i32>} : memref<42x256xi32, #tpu.memory_space<vmem>>, vector<1x16xi32>,
      %get3A_108 = arith.index_cast %add3A_43 : i32 to index
      %get3A_109 = arith.constant 96 : index
      %get3A_110 = tpu.vector_load %arg8[%get3A_108, %get3A_109] {strides = array<i32>} : memref<42x256xi32, #tpu.memory_space<vmem>>, vector<1x16xi32>,
      %get3A_111 = vector.shape_cast %get3A_110 : vector<1x16xi32> to vector<16xi32>
      %add3A_112 = vector.broadcast %mul3A_4 : i32 to vector<16xi32>
      %add3A_113 = arith.addi %get3A_111, %add3A_112 : vector<16xi32>
      %swap3A_114 = arith.index_cast %add3A_43 : i32 to index
      %swap3A_115 = arith.constant 96 : index
      %swap3A_116 = tpu.vector_load %arg8[%swap3A_114, %swap3A_115] {strides = array<i32>} : memref<42x256xi32, #tpu.memory_space<vmem>>, vector<1x16xi32>,
      %swap3A_117 = vector.shape_cast %swap3A_116 : vector<1x16xi32> to vector<16xi32>
      %swap3A_118 = vector.shape_cast %add3A_113 : vector<16xi32> to vector<1x16xi32>
      tpu.vector_store %arg8[%swap3A_114, %swap3A_115], %swap3A_118 {strides = array<i32>} : memref<42x256xi32, #tpu.memory_space<vmem>>, vector<1x16xi32>,
      %get3A_119 = arith.index_cast %add3A_43 : i32 to index
      %get3A_120 = arith.constant 112 : index
      %get3A_121 = tpu.vector_load %arg8[%get3A_119, %get3A_120] {strides = array<i32>} : memref<42x256xi32, #tpu.memory_space<vmem>>, vector<1x16xi32>,
      %get3A_122 = vector.shape_cast %get3A_121 : vector<1x16xi32> to vector<16xi32>
      %add3A_123 = vector.broadcast %mul3A_4 : i32 to vector<16xi32>
      %add3A_124 = arith.addi %get3A_122, %add3A_123 : vector<16xi32>
      %swap3A_125 = arith.index_cast %add3A_43 : i32 to index
      %swap3A_126 = arith.constant 112 : index
      %swap3A_127 = tpu.vector_load %arg8[%swap3A_125, %swap3A_126] {strides = array<i32>} : memref<42x256xi32, #tpu.memory_space<vmem>>, vector<1x16xi32>,
      %swap3A_128 = vector.shape_cast %swap3A_127 : vector<1x16xi32> to vector<16xi32>
      %swap3A_129 = vector.shape_cast %add3A_124 : vector<16xi32> to vector<1x16xi32>
      tpu.vector_store %arg8[%swap3A_125, %swap3A_126], %swap3A_129 {strides = array<i32>} : memref<42x256xi32, #tpu.memory_space<vmem>>, vector<1x16xi32>,
      %get3A_130 = arith.index_cast %add3A_43 : i32 to index
      %get3A_131 = arith.constant 128 : index
      %get3A_132 = tpu.vector_load %arg8[%get3A_130, %get3A_131] {strides = array<i32>} : memref<42x256xi32, #tpu.memory_space<vmem>>, vector<1x16xi32>,
      %get3A_133 = vector.shape_cast %get3A_132 : vector<1x16xi32> to vector<16xi32>
      %add3A_134 = vector.broadcast %mul3A_4 : i32 to vector<16xi32>
      %add3A_135 = arith.addi %get3A_133, %add3A_134 : vector<16xi32>
      %swap3A_136 = arith.index_cast %add3A_43 : i32 to index
      %swap3A_137 = arith.constant 128 : index
      %swap3A_138 = tpu.vector_load %arg8[%swap3A_136, %swap3A_137] {strides = array<i32>} : memref<42x256xi32, #tpu.memory_space<vmem>>, vector<1x16xi32>,
      %swap3A_139 = vector.shape_cast %swap3A_138 : vector<1x16xi32> to vector<16xi32>
      %swap3A_140 = vector.shape_cast %add3A_135 : vector<16xi32> to vector<1x16xi32>
      tpu.vector_store %arg8[%swap3A_136, %swap3A_137], %swap3A_140 {strides = array<i32>} : memref<42x256xi32, #tpu.memory_space<vmem>>, vector<1x16xi32>,
      %get3A_141 = arith.index_cast %add3A_43 : i32 to index
      %get3A_142 = arith.constant 144 : index
      %get3A_143 = tpu.vector_load %arg8[%get3A_141, %get3A_142] {strides = array<i32>} : memref<42x256xi32, #tpu.memory_space<vmem>>, vector<1x16xi32>,
      %get3A_144 = vector.shape_cast %get3A_143 : vector<1x16xi32> to vector<16xi32>
      %add3A_145 = vector.broadcast %mul3A_4 : i32 to vector<16xi32>
      %add3A_146 = arith.addi %get3A_144, %add3A_145 : vector<16xi32>
      %swap3A_147 = arith.index_cast %add3A_43 : i32 to index
      %swap3A_148 = arith.constant 144 : index
      %swap3A_149 = tpu.vector_load %arg8[%swap3A_147, %swap3A_148] {strides = array<i32>} : memref<42x256xi32, #tpu.memory_space<vmem>>, vector<1x16xi32>,
      %swap3A_150 = vector.shape_cast %swap3A_149 : vector<1x16xi32> to vector<16xi32>
      %swap3A_151 = vector.shape_cast %add3A_146 : vector<16xi32> to vector<1x16xi32>
      tpu.vector_store %arg8[%swap3A_147, %swap3A_148], %swap3A_151 {strides = array<i32>} : memref<42x256xi32, #tpu.memory_space<vmem>>, vector<1x16xi32>,
      %get3A_152 = arith.index_cast %add3A_43 : i32 to index
      %get3A_153 = arith.constant 160 : index
      %get3A_154 = tpu.vector_load %arg8[%get3A_152, %get3A_153] {strides = array<i32>} : memref<42x256xi32, #tpu.memory_space<vmem>>, vector<1x16xi32>,
      %get3A_155 = vector.shape_cast %get3A_154 : vector<1x16xi32> to vector<16xi32>
      %add3A_156 = vector.broadcast %mul3A_4 : i32 to vector<16xi32>
      %add3A_157 = arith.addi %get3A_155, %add3A_156 : vector<16xi32>
      %swap3A_158 = arith.index_cast %add3A_43 : i32 to index
      %swap3A_159 = arith.constant 160 : index
      %swap3A_160 = tpu.vector_load %arg8[%swap3A_158, %swap3A_159] {strides = array<i32>} : memref<42x256xi32, #tpu.memory_space<vmem>>, vector<1x16xi32>,
      %swap3A_161 = vector.shape_cast %swap3A_160 : vector<1x16xi32> to vector<16xi32>
      %swap3A_162 = vector.shape_cast %add3A_157 : vector<16xi32> to vector<1x16xi32>
      tpu.vector_store %arg8[%swap3A_158, %swap3A_159], %swap3A_162 {strides = array<i32>} : memref<42x256xi32, #tpu.memory_space<vmem>>, vector<1x16xi32>,
      %get3A_163 = arith.index_cast %add3A_43 : i32 to index
      %get3A_164 = arith.constant 176 : index
      %get3A_165 = tpu.vector_load %arg8[%get3A_163, %get3A_164] {strides = array<i32>} : memref<42x256xi32, #tpu.memory_space<vmem>>, vector<1x16xi32>,
      %get3A_166 = vector.shape_cast %get3A_165 : vector<1x16xi32> to vector<16xi32>
      %add3A_167 = vector.broadcast %mul3A_4 : i32 to vector<16xi32>
      %add3A_168 = arith.addi %get3A_166, %add3A_167 : vector<16xi32>
      %swap3A_169 = arith.index_cast %add3A_43 : i32 to index
      %swap3A_170 = arith.constant 176 : index
      %swap3A_171 = tpu.vector_load %arg8[%swap3A_169, %swap3A_170] {strides = array<i32>} : memref<42x256xi32, #tpu.memory_space<vmem>>, vector<1x16xi32>,
      %swap3A_172 = vector.shape_cast %swap3A_171 : vector<1x16xi32> to vector<16xi32>
      %swap3A_173 = vector.shape_cast %add3A_168 : vector<16xi32> to vector<1x16xi32>
      tpu.vector_store %arg8[%swap3A_169, %swap3A_170], %swap3A_173 {strides = array<i32>} : memref<42x256xi32, #tpu.memory_space<vmem>>, vector<1x16xi32>,
      %get3A_174 = arith.index_cast %add3A_43 : i32 to index
      %get3A_175 = arith.constant 192 : index
      %get3A_176 = tpu.vector_load %arg8[%get3A_174, %get3A_175] {strides = array<i32>} : memref<42x256xi32, #tpu.memory_space<vmem>>, vector<1x16xi32>,
      %get3A_177 = vector.shape_cast %get3A_176 : vector<1x16xi32> to vector<16xi32>
      %add3A_178 = vector.broadcast %mul3A_4 : i32 to vector<16xi32>
      %add3A_179 = arith.addi %get3A_177, %add3A_178 : vector<16xi32>
      %swap3A_180 = arith.index_cast %add3A_43 : i32 to index
      %swap3A_181 = arith.constant 192 : index
      %swap3A_182 = tpu.vector_load %arg8[%swap3A_180, %swap3A_181] {strides = array<i32>} : memref<42x256xi32, #tpu.memory_space<vmem>>, vector<1x16xi32>,
      %swap3A_183 = vector.shape_cast %swap3A_182 : vector<1x16xi32> to vector<16xi32>
      %swap3A_184 = vector.shape_cast %add3A_179 : vector<16xi32> to vector<1x16xi32>
      tpu.vector_store %arg8[%swap3A_180, %swap3A_181], %swap3A_184 {strides = array<i32>} : memref<42x256xi32, #tpu.memory_space<vmem>>, vector<1x16xi32>,
      %get3A_185 = arith.index_cast %add3A_43 : i32 to index
      %get3A_186 = arith.constant 208 : index
      %get3A_187 = tpu.vector_load %arg8[%get3A_185, %get3A_186] {strides = array<i32>} : memref<42x256xi32, #tpu.memory_space<vmem>>, vector<1x16xi32>,
      %get3A_188 = vector.shape_cast %get3A_187 : vector<1x16xi32> to vector<16xi32>
      %add3A_189 = vector.broadcast %mul3A_4 : i32 to vector<16xi32>
      %add3A_190 = arith.addi %get3A_188, %add3A_189 : vector<16xi32>
      %swap3A_191 = arith.index_cast %add3A_43 : i32 to index
      %swap3A_192 = arith.constant 208 : index
      %swap3A_193 = tpu.vector_load %arg8[%swap3A_191, %swap3A_192] {strides = array<i32>} : memref<42x256xi32, #tpu.memory_space<vmem>>, vector<1x16xi32>,
      %swap3A_194 = vector.shape_cast %swap3A_193 : vector<1x16xi32> to vector<16xi32>
      %swap3A_195 = vector.shape_cast %add3A_190 : vector<16xi32> to vector<1x16xi32>
      tpu.vector_store %arg8[%swap3A_191, %swap3A_192], %swap3A_195 {strides = array<i32>} : memref<42x256xi32, #tpu.memory_space<vmem>>, vector<1x16xi32>,
      %get3A_196 = arith.index_cast %add3A_43 : i32 to index
      %get3A_197 = arith.constant 224 : index
      %get3A_198 = tpu.vector_load %arg8[%get3A_196, %get3A_197] {strides = array<i32>} : memref<42x256xi32, #tpu.memory_space<vmem>>, vector<1x16xi32>,
      %get3A_199 = vector.shape_cast %get3A_198 : vector<1x16xi32> to vector<16xi32>
      %add3A_200 = vector.broadcast %mul3A_4 : i32 to vector<16xi32>
      %add3A_201 = arith.addi %get3A_199, %add3A_200 : vector<16xi32>
      %swap3A_202 = arith.index_cast %add3A_43 : i32 to index
      %swap3A_203 = arith.constant 224 : index
      %swap3A_204 = tpu.vector_load %arg8[%swap3A_202, %swap3A_203] {strides = array<i32>} : memref<42x256xi32, #tpu.memory_space<vmem>>, vector<1x16xi32>,
      %swap3A_205 = vector.shape_cast %swap3A_204 : vector<1x16xi32> to vector<16xi32>
      %swap3A_206 = vector.shape_cast %add3A_201 : vector<16xi32> to vector<1x16xi32>
      tpu.vector_store %arg8[%swap3A_202, %swap3A_203], %swap3A_206 {strides = array<i32>} : memref<42x256xi32, #tpu.memory_space<vmem>>, vector<1x16xi32>,
      %get3A_207 = arith.index_cast %add3A_43 : i32 to index
      %get3A_208 = arith.constant 240 : index
      %get3A_209 = tpu.vector_load %arg8[%get3A_207, %get3A_208] {strides = array<i32>} : memref<42x256xi32, #tpu.memory_space<vmem>>, vector<1x16xi32>,
      %get3A_210 = vector.shape_cast %get3A_209 : vector<1x16xi32> to vector<16xi32>
      %add3A_211 = vector.broadcast %mul3A_4 : i32 to vector<16xi32>
      %add3A_212 = arith.addi %get3A_210, %add3A_211 : vector<16xi32>
      %swap3A_213 = arith.index_cast %add3A_43 : i32 to index
      %swap3A_214 = arith.constant 240 : index
      %swap3A_215 = tpu.vector_load %arg8[%swap3A_213, %swap3A_214] {strides = array<i32>} : memref<42x256xi32, #tpu.memory_space<vmem>>, vector<1x16xi32>,
      %swap3A_216 = vector.shape_cast %swap3A_215 : vector<1x16xi32> to vector<16xi32>
      %swap3A_217 = vector.shape_cast %add3A_212 : vector<16xi32> to vector<1x16xi32>
      tpu.vector_store %arg8[%swap3A_213, %swap3A_214], %swap3A_217 {strides = array<i32>} : memref<42x256xi32, #tpu.memory_space<vmem>>, vector<1x16xi32>,
    }
    %scan3A_8 = arith.constant 42 : i32
    %scan3A_9 = arith.constant 0 : i32
    %scan3A_10 = arith.constant 128 : i32
    %scan3A_11 = arith.addi %scan3A_9, %scan3A_10 : i32
    %scan3A_12 = arith.constant 1 : i32
    scf.for %scan3A_39 = %scan3A_9 to %scan3A_11 step %scan3A_12  : i32 {
      %mul3A_40 = arith.constant 1 : i32
      %mul3A_41 = arith.muli %scan3A_39, %mul3A_40 : i32
      %add3A_42 = arith.constant 0 : i32
      %add3A_43 = arith.addi %add3A_42, %mul3A_41 : i32
      %broadcast_in_dim3A = arith.constant 0.000000e+00 : f32
      %broadcast_in_dim3A_44 = vector.broadcast %broadcast_in_dim3A : f32 to vector<16xf32>
      %swap3A = arith.index_cast %add3A_43 : i32 to index
      %swap3A_45 = arith.constant 0 : index
      %swap3A_46 = tpu.vector_load %arg13[%swap3A, %swap3A_45] {strides = array<i32>} : memref<128x64xf32, #tpu.memory_space<vmem>>, vector<1x16xf32>,
      %swap3A_47 = vector.shape_cast %swap3A_46 : vector<1x16xf32> to vector<16xf32>
      %swap3A_48 = vector.shape_cast %broadcast_in_dim3A_44 : vector<16xf32> to vector<1x16xf32>
      tpu.vector_store %arg13[%swap3A, %swap3A_45], %swap3A_48 {strides = array<i32>} : memref<128x64xf32, #tpu.memory_space<vmem>>, vector<1x16xf32>,
      %broadcast_in_dim3A_49 = arith.constant 0.000000e+00 : f32
      %broadcast_in_dim3A_50 = vector.broadcast %broadcast_in_dim3A_49 : f32 to vector<16xf32>
      %swap3A_51 = arith.index_cast %add3A_43 : i32 to index
      %swap3A_52 = arith.constant 16 : index
      %swap3A_53 = tpu.vector_load %arg13[%swap3A_51, %swap3A_52] {strides = array<i32>} : memref<128x64xf32, #tpu.memory_space<vmem>>, vector<1x16xf32>,
      %swap3A_54 = vector.shape_cast %swap3A_53 : vector<1x16xf32> to vector<16xf32>
      %swap3A_55 = vector.shape_cast %broadcast_in_dim3A_50 : vector<16xf32> to vector<1x16xf32>
      tpu.vector_store %arg13[%swap3A_51, %swap3A_52], %swap3A_55 {strides = array<i32>} : memref<128x64xf32, #tpu.memory_space<vmem>>, vector<1x16xf32>,
      %broadcast_in_dim3A_56 = arith.constant 0.000000e+00 : f32
      %broadcast_in_dim3A_57 = vector.broadcast %broadcast_in_dim3A_56 : f32 to vector<16xf32>
      %swap3A_58 = arith.index_cast %add3A_43 : i32 to index
      %swap3A_59 = arith.constant 32 : index
      %swap3A_60 = tpu.vector_load %arg13[%swap3A_58, %swap3A_59] {strides = array<i32>} : memref<128x64xf32, #tpu.memory_space<vmem>>, vector<1x16xf32>,
      %swap3A_61 = vector.shape_cast %swap3A_60 : vector<1x16xf32> to vector<16xf32>
      %swap3A_62 = vector.shape_cast %broadcast_in_dim3A_57 : vector<16xf32> to vector<1x16xf32>
      tpu.vector_store %arg13[%swap3A_58, %swap3A_59], %swap3A_62 {strides = array<i32>} : memref<128x64xf32, #tpu.memory_space<vmem>>, vector<1x16xf32>,
      %broadcast_in_dim3A_63 = arith.constant 0.000000e+00 : f32
      %broadcast_in_dim3A_64 = vector.broadcast %broadcast_in_dim3A_63 : f32 to vector<16xf32>
      %swap3A_65 = arith.index_cast %add3A_43 : i32 to index
      %swap3A_66 = arith.constant 48 : index
      %swap3A_67 = tpu.vector_load %arg13[%swap3A_65, %swap3A_66] {strides = array<i32>} : memref<128x64xf32, #tpu.memory_space<vmem>>, vector<1x16xf32>,
      %swap3A_68 = vector.shape_cast %swap3A_67 : vector<1x16xf32> to vector<16xf32>
      %swap3A_69 = vector.shape_cast %broadcast_in_dim3A_64 : vector<16xf32> to vector<1x16xf32>
      tpu.vector_store %arg13[%swap3A_65, %swap3A_66], %swap3A_69 {strides = array<i32>} : memref<128x64xf32, #tpu.memory_space<vmem>>, vector<1x16xf32>,
    }
    %scan3A_13 = arith.constant 128 : i32
    %add3A_14 = arith.constant 0 : i32
    %add3A_15 = arith.addi %add3A, %add3A_14 : i32
    "tpu.region"() ({
      %run_scoped3A = tpu.sem_alloc : memref<!tpu.dma_semaphore, #tpu.memory_space<semaphore_mem>>
      %dma_start3A = arith.constant 0 : i32
      %dma_start3A_39 = tpu.memref_slice %arg2[%add3A_15, %dma_start3A] : memref<20480x64xf32, #tpu.memory_space<hbm>> -> memref<128x64xf32, #tpu.memory_space<hbm>>
      %dma_start3A_40 = arith.constant 0 : i32
      %dma_start3A_41 = tpu.memref_slice %arg2[%add3A_15, %dma_start3A_40] : memref<20480x64xf32, #tpu.memory_space<hbm>> -> memref<128x64xf32, #tpu.memory_space<hbm>>
      tpu.enqueue_dma source(%dma_start3A_41 : memref<128x64xf32, #tpu.memory_space<hbm>>) target(%arg11 : memref<128x64xf32, #tpu.memory_space<vmem>>) target_semaphore(%run_scoped3A : memref<!tpu.dma_semaphore, #tpu.memory_space<semaphore_mem>>)
      %dma_wait3A = arith.constant 0 : i32
      %dma_wait3A_42 = tpu.memref_slice %arg2[%add3A_15, %dma_wait3A] : memref<20480x64xf32, #tpu.memory_space<hbm>> -> memref<128x64xf32, #tpu.memory_space<hbm>>
      %dma_wait3A_43 = arith.constant 0 : i32
      %dma_wait3A_44 = tpu.memref_slice %arg2[%add3A_15, %dma_wait3A_43] : memref<20480x64xf32, #tpu.memory_space<hbm>> -> memref<128x64xf32, #tpu.memory_space<hbm>>
      tpu.wait_dma2 semaphore(%run_scoped3A : memref<!tpu.dma_semaphore, #tpu.memory_space<semaphore_mem>>) src(%dma_wait3A_44 : memref<128x64xf32, #tpu.memory_space<hbm>>) dst(%arg11 : memref<128x64xf32, #tpu.memory_space<vmem>>)
      tpu.yield
    }) : () -> ()
    %add3A_16 = arith.constant 0 : i32
    %add3A_17 = arith.addi %add3A, %add3A_16 : i32
    "tpu.region"() ({
      %run_scoped3A = tpu.sem_alloc : memref<!tpu.dma_semaphore, #tpu.memory_space<semaphore_mem>>
      %dma_start3A = arith.constant 0 : i32
      %dma_start3A_39 = tpu.memref_slice %arg7[%add3A_17, %dma_start3A] : memref<20480x64xf32, #tpu.memory_space<hbm>> -> memref<128x64xf32, #tpu.memory_space<hbm>>
      %dma_start3A_40 = arith.constant 0 : i32
      %dma_start3A_41 = tpu.memref_slice %arg7[%add3A_17, %dma_start3A_40] : memref<20480x64xf32, #tpu.memory_space<hbm>> -> memref<128x64xf32, #tpu.memory_space<hbm>>
      tpu.enqueue_dma source(%arg11 : memref<128x64xf32, #tpu.memory_space<vmem>>) target(%dma_start3A_41 : memref<128x64xf32, #tpu.memory_space<hbm>>) target_semaphore(%run_scoped3A : memref<!tpu.dma_semaphore, #tpu.memory_space<semaphore_mem>>)
      %dma_wait3A = arith.constant 0 : i32
      %dma_wait3A_42 = tpu.memref_slice %arg7[%add3A_17, %dma_wait3A] : memref<20480x64xf32, #tpu.memory_space<hbm>> -> memref<128x64xf32, #tpu.memory_space<hbm>>
      %dma_wait3A_43 = arith.constant 0 : i32
      %dma_wait3A_44 = tpu.memref_slice %arg7[%add3A_17, %dma_wait3A_43] : memref<20480x64xf32, #tpu.memory_space<hbm>> -> memref<128x64xf32, #tpu.memory_space<hbm>>
      tpu.wait_dma2 semaphore(%run_scoped3A : memref<!tpu.dma_semaphore, #tpu.memory_space<semaphore_mem>>) src(%arg11 : memref<128x64xf32, #tpu.memory_space<vmem>>) dst(%dma_wait3A_44 : memref<128x64xf32, #tpu.memory_space<hbm>>)
      tpu.yield
    }) : () -> ()
    %add3A_18 = arith.constant 128 : i32
    %add3A_19 = arith.addi %add3A, %add3A_18 : i32
    "tpu.region"() ({
      %run_scoped3A = tpu.sem_alloc : memref<!tpu.dma_semaphore, #tpu.memory_space<semaphore_mem>>
      %dma_start3A = arith.constant 0 : i32
      %dma_start3A_39 = tpu.memref_slice %arg2[%add3A_19, %dma_start3A] : memref<20480x64xf32, #tpu.memory_space<hbm>> -> memref<128x64xf32, #tpu.memory_space<hbm>>
      %dma_start3A_40 = arith.constant 0 : i32
      %dma_start3A_41 = tpu.memref_slice %arg2[%add3A_19, %dma_start3A_40] : memref<20480x64xf32, #tpu.memory_space<hbm>> -> memref<128x64xf32, #tpu.memory_space<hbm>>
      tpu.enqueue_dma source(%dma_start3A_41 : memref<128x64xf32, #tpu.memory_space<hbm>>) target(%arg11 : memref<128x64xf32, #tpu.memory_space<vmem>>) target_semaphore(%run_scoped3A : memref<!tpu.dma_semaphore, #tpu.memory_space<semaphore_mem>>)
      %dma_wait3A = arith.constant 0 : i32
      %dma_wait3A_42 = tpu.memref_slice %arg2[%add3A_19, %dma_wait3A] : memref<20480x64xf32, #tpu.memory_space<hbm>> -> memref<128x64xf32, #tpu.memory_space<hbm>>
      %dma_wait3A_43 = arith.constant 0 : i32
      %dma_wait3A_44 = tpu.memref_slice %arg2[%add3A_19, %dma_wait3A_43] : memref<20480x64xf32, #tpu.memory_space<hbm>> -> memref<128x64xf32, #tpu.memory_space<hbm>>
      tpu.wait_dma2 semaphore(%run_scoped3A : memref<!tpu.dma_semaphore, #tpu.memory_space<semaphore_mem>>) src(%dma_wait3A_44 : memref<128x64xf32, #tpu.memory_space<hbm>>) dst(%arg11 : memref<128x64xf32, #tpu.memory_space<vmem>>)
      tpu.yield
    }) : () -> ()
    %add3A_20 = arith.constant 128 : i32
    %add3A_21 = arith.addi %add3A, %add3A_20 : i32
    "tpu.region"() ({
      %run_scoped3A = tpu.sem_alloc : memref<!tpu.dma_semaphore, #tpu.memory_space<semaphore_mem>>
      %dma_start3A = arith.constant 0 : i32
      %dma_start3A_39 = tpu.memref_slice %arg7[%add3A_21, %dma_start3A] : memref<20480x64xf32, #tpu.memory_space<hbm>> -> memref<128x64xf32, #tpu.memory_space<hbm>>
      %dma_start3A_40 = arith.constant 0 : i32
      %dma_start3A_41 = tpu.memref_slice %arg7[%add3A_21, %dma_start3A_40] : memref<20480x64xf32, #tpu.memory_space<hbm>> -> memref<128x64xf32, #tpu.memory_space<hbm>>
      tpu.enqueue_dma source(%arg11 : memref<128x64xf32, #tpu.memory_space<vmem>>) target(%dma_start3A_41 : memref<128x64xf32, #tpu.memory_space<hbm>>) target_semaphore(%run_scoped3A : memref<!tpu.dma_semaphore, #tpu.memory_space<semaphore_mem>>)
      %dma_wait3A = arith.constant 0 : i32
      %dma_wait3A_42 = tpu.memref_slice %arg7[%add3A_21, %dma_wait3A] : memref<20480x64xf32, #tpu.memory_space<hbm>> -> memref<128x64xf32, #tpu.memory_space<hbm>>
      %dma_wait3A_43 = arith.constant 0 : i32
      %dma_wait3A_44 = tpu.memref_slice %arg7[%add3A_21, %dma_wait3A_43] : memref<20480x64xf32, #tpu.memory_space<hbm>> -> memref<128x64xf32, #tpu.memory_space<hbm>>
      tpu.wait_dma2 semaphore(%run_scoped3A : memref<!tpu.dma_semaphore, #tpu.memory_space<semaphore_mem>>) src(%arg11 : memref<128x64xf32, #tpu.memory_space<vmem>>) dst(%dma_wait3A_44 : memref<128x64xf32, #tpu.memory_space<hbm>>)
      tpu.yield
    }) : () -> ()
    %add3A_22 = arith.constant 256 : i32
    %add3A_23 = arith.addi %add3A, %add3A_22 : i32
    "tpu.region"() ({
      %run_scoped3A = tpu.sem_alloc : memref<!tpu.dma_semaphore, #tpu.memory_space<semaphore_mem>>
      %dma_start3A = arith.constant 0 : i32
      %dma_start3A_39 = tpu.memref_slice %arg2[%add3A_23, %dma_start3A] : memref<20480x64xf32, #tpu.memory_space<hbm>> -> memref<128x64xf32, #tpu.memory_space<hbm>>
      %dma_start3A_40 = arith.constant 0 : i32
      %dma_start3A_41 = tpu.memref_slice %arg2[%add3A_23, %dma_start3A_40] : memref<20480x64xf32, #tpu.memory_space<hbm>> -> memref<128x64xf32, #tpu.memory_space<hbm>>
      tpu.enqueue_dma source(%dma_start3A_41 : memref<128x64xf32, #tpu.memory_space<hbm>>) target(%arg11 : memref<128x64xf32, #tpu.memory_space<vmem>>) target_semaphore(%run_scoped3A : memref<!tpu.dma_semaphore, #tpu.memory_space<semaphore_mem>>)
      %dma_wait3A = arith.constant 0 : i32
      %dma_wait3A_42 = tpu.memref_slice %arg2[%add3A_23, %dma_wait3A] : memref<20480x64xf32, #tpu.memory_space<hbm>> -> memref<128x64xf32, #tpu.memory_space<hbm>>
      %dma_wait3A_43 = arith.constant 0 : i32
      %dma_wait3A_44 = tpu.memref_slice %arg2[%add3A_23, %dma_wait3A_43] : memref<20480x64xf32, #tpu.memory_space<hbm>> -> memref<128x64xf32, #tpu.memory_space<hbm>>
      tpu.wait_dma2 semaphore(%run_scoped3A : memref<!tpu.dma_semaphore, #tpu.memory_space<semaphore_mem>>) src(%dma_wait3A_44 : memref<128x64xf32, #tpu.memory_space<hbm>>) dst(%arg11 : memref<128x64xf32, #tpu.memory_space<vmem>>)
      tpu.yield
    }) : () -> ()
    %add3A_24 = arith.constant 256 : i32
    %add3A_25 = arith.addi %add3A, %add3A_24 : i32
    "tpu.region"() ({
      %run_scoped3A = tpu.sem_alloc : memref<!tpu.dma_semaphore, #tpu.memory_space<semaphore_mem>>
      %dma_start3A = arith.constant 0 : i32
      %dma_start3A_39 = tpu.memref_slice %arg7[%add3A_25, %dma_start3A] : memref<20480x64xf32, #tpu.memory_space<hbm>> -> memref<128x64xf32, #tpu.memory_space<hbm>>
      %dma_start3A_40 = arith.constant 0 : i32
      %dma_start3A_41 = tpu.memref_slice %arg7[%add3A_25, %dma_start3A_40] : memref<20480x64xf32, #tpu.memory_space<hbm>> -> memref<128x64xf32, #tpu.memory_space<hbm>>
      tpu.enqueue_dma source(%arg11 : memref<128x64xf32, #tpu.memory_space<vmem>>) target(%dma_start3A_41 : memref<128x64xf32, #tpu.memory_space<hbm>>) target_semaphore(%run_scoped3A : memref<!tpu.dma_semaphore, #tpu.memory_space<semaphore_mem>>)
      %dma_wait3A = arith.constant 0 : i32
      %dma_wait3A_42 = tpu.memref_slice %arg7[%add3A_25, %dma_wait3A] : memref<20480x64xf32, #tpu.memory_space<hbm>> -> memref<128x64xf32, #tpu.memory_space<hbm>>
      %dma_wait3A_43 = arith.constant 0 : i32
      %dma_wait3A_44 = tpu.memref_slice %arg7[%add3A_25, %dma_wait3A_43] : memref<20480x64xf32, #tpu.memory_space<hbm>> -> memref<128x64xf32, #tpu.memory_space<hbm>>
      tpu.wait_dma2 semaphore(%run_scoped3A : memref<!tpu.dma_semaphore, #tpu.memory_space<semaphore_mem>>) src(%arg11 : memref<128x64xf32, #tpu.memory_space<vmem>>) dst(%dma_wait3A_44 : memref<128x64xf32, #tpu.memory_space<hbm>>)
      tpu.yield
    }) : () -> ()
    %add3A_26 = arith.constant 384 : i32
    %add3A_27 = arith.addi %add3A, %add3A_26 : i32
    "tpu.region"() ({
      %run_scoped3A = tpu.sem_alloc : memref<!tpu.dma_semaphore, #tpu.memory_space<semaphore_mem>>
      %dma_start3A = arith.constant 0 : i32
      %dma_start3A_39 = tpu.memref_slice %arg2[%add3A_27, %dma_start3A] : memref<20480x64xf32, #tpu.memory_space<hbm>> -> memref<128x64xf32, #tpu.memory_space<hbm>>
      %dma_start3A_40 = arith.constant 0 : i32
      %dma_start3A_41 = tpu.memref_slice %arg2[%add3A_27, %dma_start3A_40] : memref<20480x64xf32, #tpu.memory_space<hbm>> -> memref<128x64xf32, #tpu.memory_space<hbm>>
      tpu.enqueue_dma source(%dma_start3A_41 : memref<128x64xf32, #tpu.memory_space<hbm>>) target(%arg11 : memref<128x64xf32, #tpu.memory_space<vmem>>) target_semaphore(%run_scoped3A : memref<!tpu.dma_semaphore, #tpu.memory_space<semaphore_mem>>)
      %dma_wait3A = arith.constant 0 : i32
      %dma_wait3A_42 = tpu.memref_slice %arg2[%add3A_27, %dma_wait3A] : memref<20480x64xf32, #tpu.memory_space<hbm>> -> memref<128x64xf32, #tpu.memory_space<hbm>>
      %dma_wait3A_43 = arith.constant 0 : i32
      %dma_wait3A_44 = tpu.memref_slice %arg2[%add3A_27, %dma_wait3A_43] : memref<20480x64xf32, #tpu.memory_space<hbm>> -> memref<128x64xf32, #tpu.memory_space<hbm>>
      tpu.wait_dma2 semaphore(%run_scoped3A : memref<!tpu.dma_semaphore, #tpu.memory_space<semaphore_mem>>) src(%dma_wait3A_44 : memref<128x64xf32, #tpu.memory_space<hbm>>) dst(%arg11 : memref<128x64xf32, #tpu.memory_space<vmem>>)
      tpu.yield
    }) : () -> ()
    %add3A_28 = arith.constant 384 : i32
    %add3A_29 = arith.addi %add3A, %add3A_28 : i32
    "tpu.region"() ({
      %run_scoped3A = tpu.sem_alloc : memref<!tpu.dma_semaphore, #tpu.memory_space<semaphore_mem>>
      %dma_start3A = arith.constant 0 : i32
      %dma_start3A_39 = tpu.memref_slice %arg7[%add3A_29, %dma_start3A] : memref<20480x64xf32, #tpu.memory_space<hbm>> -> memref<128x64xf32, #tpu.memory_space<hbm>>
      %dma_start3A_40 = arith.constant 0 : i32
      %dma_start3A_41 = tpu.memref_slice %arg7[%add3A_29, %dma_start3A_40] : memref<20480x64xf32, #tpu.memory_space<hbm>> -> memref<128x64xf32, #tpu.memory_space<hbm>>
      tpu.enqueue_dma source(%arg11 : memref<128x64xf32, #tpu.memory_space<vmem>>) target(%dma_start3A_41 : memref<128x64xf32, #tpu.memory_space<hbm>>) target_semaphore(%run_scoped3A : memref<!tpu.dma_semaphore, #tpu.memory_space<semaphore_mem>>)
      %dma_wait3A = arith.constant 0 : i32
      %dma_wait3A_42 = tpu.memref_slice %arg7[%add3A_29, %dma_wait3A] : memref<20480x64xf32, #tpu.memory_space<hbm>> -> memref<128x64xf32, #tpu.memory_space<hbm>>
      %dma_wait3A_43 = arith.constant 0 : i32
      %dma_wait3A_44 = tpu.memref_slice %arg7[%add3A_29, %dma_wait3A_43] : memref<20480x64xf32, #tpu.memory_space<hbm>> -> memref<128x64xf32, #tpu.memory_space<hbm>>
      tpu.wait_dma2 semaphore(%run_scoped3A : memref<!tpu.dma_semaphore, #tpu.memory_space<semaphore_mem>>) src(%arg11 : memref<128x64xf32, #tpu.memory_space<vmem>>) dst(%dma_wait3A_44 : memref<128x64xf32, #tpu.memory_space<hbm>>)
      tpu.yield
    }) : () -> ()
    %add3A_30 = arith.constant 512 : i32
    %add3A_31 = arith.addi %add3A, %add3A_30 : i32
    "tpu.region"() ({
      %run_scoped3A = tpu.sem_alloc : memref<!tpu.dma_semaphore, #tpu.memory_space<semaphore_mem>>
      %dma_start3A = arith.constant 0 : i32
      %dma_start3A_39 = tpu.memref_slice %arg2[%add3A_31, %dma_start3A] : memref<20480x64xf32, #tpu.memory_space<hbm>> -> memref<128x64xf32, #tpu.memory_space<hbm>>
      %dma_start3A_40 = arith.constant 0 : i32
      %dma_start3A_41 = tpu.memref_slice %arg2[%add3A_31, %dma_start3A_40] : memref<20480x64xf32, #tpu.memory_space<hbm>> -> memref<128x64xf32, #tpu.memory_space<hbm>>
      tpu.enqueue_dma source(%dma_start3A_41 : memref<128x64xf32, #tpu.memory_space<hbm>>) target(%arg11 : memref<128x64xf32, #tpu.memory_space<vmem>>) target_semaphore(%run_scoped3A : memref<!tpu.dma_semaphore, #tpu.memory_space<semaphore_mem>>)
      %dma_wait3A = arith.constant 0 : i32
      %dma_wait3A_42 = tpu.memref_slice %arg2[%add3A_31, %dma_wait3A] : memref<20480x64xf32, #tpu.memory_space<hbm>> -> memref<128x64xf32, #tpu.memory_space<hbm>>
      %dma_wait3A_43 = arith.constant 0 : i32
      %dma_wait3A_44 = tpu.memref_slice %arg2[%add3A_31, %dma_wait3A_43] : memref<20480x64xf32, #tpu.memory_space<hbm>> -> memref<128x64xf32, #tpu.memory_space<hbm>>
      tpu.wait_dma2 semaphore(%run_scoped3A : memref<!tpu.dma_semaphore, #tpu.memory_space<semaphore_mem>>) src(%dma_wait3A_44 : memref<128x64xf32, #tpu.memory_space<hbm>>) dst(%arg11 : memref<128x64xf32, #tpu.memory_space<vmem>>)
      tpu.yield
    }) : () -> ()
    %add3A_32 = arith.constant 512 : i32
    %add3A_33 = arith.addi %add3A, %add3A_32 : i32
    "tpu.region"() ({
      %run_scoped3A = tpu.sem_alloc : memref<!tpu.dma_semaphore, #tpu.memory_space<semaphore_mem>>
      %dma_start3A = arith.constant 0 : i32
      %dma_start3A_39 = tpu.memref_slice %arg7[%add3A_33, %dma_start3A] : memref<20480x64xf32, #tpu.memory_space<hbm>> -> memref<128x64xf32, #tpu.memory_space<hbm>>
      %dma_start3A_40 = arith.constant 0 : i32
      %dma_start3A_41 = tpu.memref_slice %arg7[%add3A_33, %dma_start3A_40] : memref<20480x64xf32, #tpu.memory_space<hbm>> -> memref<128x64xf32, #tpu.memory_space<hbm>>
      tpu.enqueue_dma source(%arg11 : memref<128x64xf32, #tpu.memory_space<vmem>>) target(%dma_start3A_41 : memref<128x64xf32, #tpu.memory_space<hbm>>) target_semaphore(%run_scoped3A : memref<!tpu.dma_semaphore, #tpu.memory_space<semaphore_mem>>)
      %dma_wait3A = arith.constant 0 : i32
      %dma_wait3A_42 = tpu.memref_slice %arg7[%add3A_33, %dma_wait3A] : memref<20480x64xf32, #tpu.memory_space<hbm>> -> memref<128x64xf32, #tpu.memory_space<hbm>>
      %dma_wait3A_43 = arith.constant 0 : i32
      %dma_wait3A_44 = tpu.memref_slice %arg7[%add3A_33, %dma_wait3A_43] : memref<20480x64xf32, #tpu.memory_space<hbm>> -> memref<128x64xf32, #tpu.memory_space<hbm>>
      tpu.wait_dma2 semaphore(%run_scoped3A : memref<!tpu.dma_semaphore, #tpu.memory_space<semaphore_mem>>) src(%arg11 : memref<128x64xf32, #tpu.memory_space<vmem>>) dst(%dma_wait3A_44 : memref<128x64xf32, #tpu.memory_space<hbm>>)
      tpu.yield
    }) : () -> ()
    %barrier3A = arith.constant 0 : index
    tpu.barrier barrier_id(%barrier3A)
    %scan3A_34 = arith.constant 0 : i32
    %scan3A_35 = arith.constant 10 : i32
    %scan3A_36 = arith.addi %scan3A_34, %scan3A_35 : i32
    %scan3A_37 = arith.constant 1 : i32
    scf.for %scan3A_39 = %scan3A_34 to %scan3A_36 step %scan3A_37  : i32 {
      %mul3A_40 = arith.constant 1 : i32
      %mul3A_41 = arith.muli %scan3A_39, %mul3A_40 : i32
      %add3A_42 = arith.constant 0 : i32
      %add3A_43 = arith.addi %add3A_42, %mul3A_41 : i32
      %add3A_44 = arith.constant 0 : i32
      %add3A_45 = arith.addi %mul3A_0, %add3A_44 : i32
      "tpu.region"() ({
        %run_scoped3A_116 = tpu.sem_alloc : memref<!tpu.dma_semaphore, #tpu.memory_space<semaphore_mem>>
        %dma_start3A_117 = arith.constant 0 : i32
        %dma_start3A_118 = tpu.memref_slice %arg15[%add3A_45, %dma_start3A_117] : memref<10240x64xf32, #tpu.memory_space<vmem_shared>> -> memref<128x64xf32, #tpu.memory_space<vmem_shared>>
        %dma_start3A_119 = arith.constant 0 : i32
        %dma_start3A_120 = tpu.memref_slice %arg15[%add3A_45, %dma_start3A_119] : memref<10240x64xf32, #tpu.memory_space<vmem_shared>> -> memref<128x64xf32, #tpu.memory_space<vmem_shared>>
        tpu.enqueue_dma source(%arg13 : memref<128x64xf32, #tpu.memory_space<vmem>>) target(%dma_start3A_120 : memref<128x64xf32, #tpu.memory_space<vmem_shared>>) target_semaphore(%run_scoped3A_116 : memref<!tpu.dma_semaphore, #tpu.memory_space<semaphore_mem>>)
        %dma_wait3A_121 = arith.constant 0 : i32
        %dma_wait3A_122 = tpu.memref_slice %arg15[%add3A_45, %dma_wait3A_121] : memref<10240x64xf32, #tpu.memory_space<vmem_shared>> -> memref<128x64xf32, #tpu.memory_space<vmem_shared>>
        %dma_wait3A_123 = arith.constant 0 : i32
        %dma_wait3A_124 = tpu.memref_slice %arg15[%add3A_45, %dma_wait3A_123] : memref<10240x64xf32, #tpu.memory_space<vmem_shared>> -> memref<128x64xf32, #tpu.memory_space<vmem_shared>>
        tpu.wait_dma2 semaphore(%run_scoped3A_116 : memref<!tpu.dma_semaphore, #tpu.memory_space<semaphore_mem>>) src(%arg13 : memref<128x64xf32, #tpu.memory_space<vmem>>) dst(%dma_wait3A_124 : memref<128x64xf32, #tpu.memory_space<vmem_shared>>)
        tpu.yield
      }) : () -> ()
      %add3A_46 = arith.constant 128 : i32
      %add3A_47 = arith.addi %mul3A_0, %add3A_46 : i32
      "tpu.region"() ({
        %run_scoped3A_116 = tpu.sem_alloc : memref<!tpu.dma_semaphore, #tpu.memory_space<semaphore_mem>>
        %dma_start3A_117 = arith.constant 0 : i32
        %dma_start3A_118 = tpu.memref_slice %arg15[%add3A_47, %dma_start3A_117] : memref<10240x64xf32, #tpu.memory_space<vmem_shared>> -> memref<128x64xf32, #tpu.memory_space<vmem_shared>>
        %dma_start3A_119 = arith.constant 0 : i32
        %dma_start3A_120 = tpu.memref_slice %arg15[%add3A_47, %dma_start3A_119] : memref<10240x64xf32, #tpu.memory_space<vmem_shared>> -> memref<128x64xf32, #tpu.memory_space<vmem_shared>>
        tpu.enqueue_dma source(%arg13 : memref<128x64xf32, #tpu.memory_space<vmem>>) target(%dma_start3A_120 : memref<128x64xf32, #tpu.memory_space<vmem_shared>>) target_semaphore(%run_scoped3A_116 : memref<!tpu.dma_semaphore, #tpu.memory_space<semaphore_mem>>)
        %dma_wait3A_121 = arith.constant 0 : i32
        %dma_wait3A_122 = tpu.memref_slice %arg15[%add3A_47, %dma_wait3A_121] : memref<10240x64xf32, #tpu.memory_space<vmem_shared>> -> memref<128x64xf32, #tpu.memory_space<vmem_shared>>
        %dma_wait3A_123 = arith.constant 0 : i32
        %dma_wait3A_124 = tpu.memref_slice %arg15[%add3A_47, %dma_wait3A_123] : memref<10240x64xf32, #tpu.memory_space<vmem_shared>> -> memref<128x64xf32, #tpu.memory_space<vmem_shared>>
        tpu.wait_dma2 semaphore(%run_scoped3A_116 : memref<!tpu.dma_semaphore, #tpu.memory_space<semaphore_mem>>) src(%arg13 : memref<128x64xf32, #tpu.memory_space<vmem>>) dst(%dma_wait3A_124 : memref<128x64xf32, #tpu.memory_space<vmem_shared>>)
        tpu.yield
      }) : () -> ()
      %add3A_48 = arith.constant 256 : i32
      %add3A_49 = arith.addi %mul3A_0, %add3A_48 : i32
      "tpu.region"() ({
        %run_scoped3A_116 = tpu.sem_alloc : memref<!tpu.dma_semaphore, #tpu.memory_space<semaphore_mem>>
        %dma_start3A_117 = arith.constant 0 : i32
        %dma_start3A_118 = tpu.memref_slice %arg15[%add3A_49, %dma_start3A_117] : memref<10240x64xf32, #tpu.memory_space<vmem_shared>> -> memref<128x64xf32, #tpu.memory_space<vmem_shared>>
        %dma_start3A_119 = arith.constant 0 : i32
        %dma_start3A_120 = tpu.memref_slice %arg15[%add3A_49, %dma_start3A_119] : memref<10240x64xf32, #tpu.memory_space<vmem_shared>> -> memref<128x64xf32, #tpu.memory_space<vmem_shared>>
        tpu.enqueue_dma source(%arg13 : memref<128x64xf32, #tpu.memory_space<vmem>>) target(%dma_start3A_120 : memref<128x64xf32, #tpu.memory_space<vmem_shared>>) target_semaphore(%run_scoped3A_116 : memref<!tpu.dma_semaphore, #tpu.memory_space<semaphore_mem>>)
        %dma_wait3A_121 = arith.constant 0 : i32
        %dma_wait3A_122 = tpu.memref_slice %arg15[%add3A_49, %dma_wait3A_121] : memref<10240x64xf32, #tpu.memory_space<vmem_shared>> -> memref<128x64xf32, #tpu.memory_space<vmem_shared>>
        %dma_wait3A_123 = arith.constant 0 : i32
        %dma_wait3A_124 = tpu.memref_slice %arg15[%add3A_49, %dma_wait3A_123] : memref<10240x64xf32, #tpu.memory_space<vmem_shared>> -> memref<128x64xf32, #tpu.memory_space<vmem_shared>>
        tpu.wait_dma2 semaphore(%run_scoped3A_116 : memref<!tpu.dma_semaphore, #tpu.memory_space<semaphore_mem>>) src(%arg13 : memref<128x64xf32, #tpu.memory_space<vmem>>) dst(%dma_wait3A_124 : memref<128x64xf32, #tpu.memory_space<vmem_shared>>)
        tpu.yield
      }) : () -> ()
      %add3A_50 = arith.constant 384 : i32
      %add3A_51 = arith.addi %mul3A_0, %add3A_50 : i32
      "tpu.region"() ({
        %run_scoped3A_116 = tpu.sem_alloc : memref<!tpu.dma_semaphore, #tpu.memory_space<semaphore_mem>>
        %dma_start3A_117 = arith.constant 0 : i32
        %dma_start3A_118 = tpu.memref_slice %arg15[%add3A_51, %dma_start3A_117] : memref<10240x64xf32, #tpu.memory_space<vmem_shared>> -> memref<128x64xf32, #tpu.memory_space<vmem_shared>>
        %dma_start3A_119 = arith.constant 0 : i32
        %dma_start3A_120 = tpu.memref_slice %arg15[%add3A_51, %dma_start3A_119] : memref<10240x64xf32, #tpu.memory_space<vmem_shared>> -> memref<128x64xf32, #tpu.memory_space<vmem_shared>>
        tpu.enqueue_dma source(%arg13 : memref<128x64xf32, #tpu.memory_space<vmem>>) target(%dma_start3A_120 : memref<128x64xf32, #tpu.memory_space<vmem_shared>>) target_semaphore(%run_scoped3A_116 : memref<!tpu.dma_semaphore, #tpu.memory_space<semaphore_mem>>)
        %dma_wait3A_121 = arith.constant 0 : i32
        %dma_wait3A_122 = tpu.memref_slice %arg15[%add3A_51, %dma_wait3A_121] : memref<10240x64xf32, #tpu.memory_space<vmem_shared>> -> memref<128x64xf32, #tpu.memory_space<vmem_shared>>
        %dma_wait3A_123 = arith.constant 0 : i32
        %dma_wait3A_124 = tpu.memref_slice %arg15[%add3A_51, %dma_wait3A_123] : memref<10240x64xf32, #tpu.memory_space<vmem_shared>> -> memref<128x64xf32, #tpu.memory_space<vmem_shared>>
        tpu.wait_dma2 semaphore(%run_scoped3A_116 : memref<!tpu.dma_semaphore, #tpu.memory_space<semaphore_mem>>) src(%arg13 : memref<128x64xf32, #tpu.memory_space<vmem>>) dst(%dma_wait3A_124 : memref<128x64xf32, #tpu.memory_space<vmem_shared>>)
        tpu.yield
      }) : () -> ()
      %add3A_52 = arith.constant 512 : i32
      %add3A_53 = arith.addi %mul3A_0, %add3A_52 : i32
      "tpu.region"() ({
        %run_scoped3A_116 = tpu.sem_alloc : memref<!tpu.dma_semaphore, #tpu.memory_space<semaphore_mem>>
        %dma_start3A_117 = arith.constant 0 : i32
        %dma_start3A_118 = tpu.memref_slice %arg15[%add3A_53, %dma_start3A_117] : memref<10240x64xf32, #tpu.memory_space<vmem_shared>> -> memref<128x64xf32, #tpu.memory_space<vmem_shared>>
        %dma_start3A_119 = arith.constant 0 : i32
        %dma_start3A_120 = tpu.memref_slice %arg15[%add3A_53, %dma_start3A_119] : memref<10240x64xf32, #tpu.memory_space<vmem_shared>> -> memref<128x64xf32, #tpu.memory_space<vmem_shared>>
        tpu.enqueue_dma source(%arg13 : memref<128x64xf32, #tpu.memory_space<vmem>>) target(%dma_start3A_120 : memref<128x64xf32, #tpu.memory_space<vmem_shared>>) target_semaphore(%run_scoped3A_116 : memref<!tpu.dma_semaphore, #tpu.memory_space<semaphore_mem>>)
        %dma_wait3A_121 = arith.constant 0 : i32
        %dma_wait3A_122 = tpu.memref_slice %arg15[%add3A_53, %dma_wait3A_121] : memref<10240x64xf32, #tpu.memory_space<vmem_shared>> -> memref<128x64xf32, #tpu.memory_space<vmem_shared>>
        %dma_wait3A_123 = arith.constant 0 : i32
        %dma_wait3A_124 = tpu.memref_slice %arg15[%add3A_53, %dma_wait3A_123] : memref<10240x64xf32, #tpu.memory_space<vmem_shared>> -> memref<128x64xf32, #tpu.memory_space<vmem_shared>>
        tpu.wait_dma2 semaphore(%run_scoped3A_116 : memref<!tpu.dma_semaphore, #tpu.memory_space<semaphore_mem>>) src(%arg13 : memref<128x64xf32, #tpu.memory_space<vmem>>) dst(%dma_wait3A_124 : memref<128x64xf32, #tpu.memory_space<vmem_shared>>)
        tpu.yield
      }) : () -> ()
      %barrier3A_54 = arith.constant 0 : index
      tpu.barrier barrier_id(%barrier3A_54)
      %dma_start3A = arith.constant 0 : i32
      %dma_start3A_55 = arith.constant 0 : i32
      %dma_start3A_56 = arith.constant 0 : i32
      %dma_start3A_57 = arith.constant 0 : i32
      %dma_start3A_58 = tpu.memref_slice %arg10[%dma_start3A_55, %dma_start3A_56, %dma_start3A_57] : memref<2x256x64xf32, #tpu.memory_space<vmem>> -> memref<1x256x64xf32, #tpu.memory_space<vmem>>
      %dma_start3A_59 = tpu.memref_squeeze %dma_start3A_58 : memref<1x256x64xf32, #tpu.memory_space<vmem>> -> memref<256x64xf32, #tpu.memory_space<vmem>>
      %dma_start3A_60 = arith.constant 0 : i32
      %dma_start3A_61 = tpu.memref_slice %arg8[%dma_start3A, %dma_start3A_60] : memref<42x256xi32, #tpu.memory_space<vmem>> -> memref<1x256xi32, #tpu.memory_space<vmem>>
      %dma_start3A_62 = tpu.memref_squeeze %dma_start3A_61 : memref<1x256xi32, #tpu.memory_space<vmem>> -> memref<256xi32, #tpu.memory_space<vmem>>
      %dma_start3A_63 = arith.constant 0 : i32
      %dma_start3A_64 = arith.constant 0 : i32
      %dma_start3A_65 = tpu.memref_slice %arg7[%dma_start3A_63, %dma_start3A_64] : memref<20480x64xf32, #tpu.memory_space<hbm>> -> memref<20480x64xf32, #tpu.memory_space<hbm>>
      tpu.enqueue_indirect_dma source(%dma_start3A_65 : memref<20480x64xf32, #tpu.memory_space<hbm>>) target(%dma_start3A_59 : memref<256x64xf32, #tpu.memory_space<vmem>>) offsets(%dma_start3A_62 : memref<256xi32, #tpu.memory_space<vmem>>) semaphore(%arg16 : memref<!tpu.dma_semaphore, #tpu.memory_space<semaphore_mem>>)
      %scan3A_66 = arith.constant 0 : i32
      %scan3A_67 = arith.constant 20 : i32
      %scan3A_68 = arith.addi %scan3A_66, %scan3A_67 : i32
      %scan3A_69 = arith.constant 1 : i32
      scf.for %scan3A_116 = %scan3A_66 to %scan3A_68 step %scan3A_69  : i32 {
        %mul3A_117 = arith.constant 1 : i32
        %mul3A_118 = arith.muli %scan3A_116, %mul3A_117 : i32
        %add3A_119 = arith.constant 0 : i32
        %add3A_120 = arith.addi %add3A_119, %mul3A_118 : i32
        %mul3A_121 = arith.constant 2 : i32
        %mul3A_122 = arith.muli %mul3A_121, %add3A_120 : i32
        %dma_wait3A_123 = arith.constant 0 : i32
        %dma_wait3A_124 = arith.constant 0 : i32
        %dma_wait3A_125 = arith.constant 0 : i32
        %dma_wait3A_126 = tpu.memref_slice %arg10[%dma_wait3A_123, %dma_wait3A_124, %dma_wait3A_125] : memref<2x256x64xf32, #tpu.memory_space<vmem>> -> memref<1x256x64xf32, #tpu.memory_space<vmem>>
        %dma_wait3A_127 = tpu.memref_squeeze %dma_wait3A_126 : memref<1x256x64xf32, #tpu.memory_space<vmem>> -> memref<256x64xf32, #tpu.memory_space<vmem>>
        %dma_wait3A_128 = arith.constant 0 : i32
        %dma_wait3A_129 = tpu.memref_slice %arg8[%mul3A_122, %dma_wait3A_128] : memref<42x256xi32, #tpu.memory_space<vmem>> -> memref<1x256xi32, #tpu.memory_space<vmem>>
        %dma_wait3A_130 = tpu.memref_squeeze %dma_wait3A_129 : memref<1x256xi32, #tpu.memory_space<vmem>> -> memref<256xi32, #tpu.memory_space<vmem>>
        %dma_wait3A_131 = arith.constant 0 : i32
        %dma_wait3A_132 = arith.constant 0 : i32
        %dma_wait3A_133 = tpu.memref_slice %arg7[%dma_wait3A_131, %dma_wait3A_132] : memref<20480x64xf32, #tpu.memory_space<hbm>> -> memref<20480x64xf32, #tpu.memory_space<hbm>>
        tpu.wait_indirect_dma semaphore(%arg16 : memref<!tpu.dma_semaphore, #tpu.memory_space<semaphore_mem>>) src(%dma_wait3A_133 : memref<20480x64xf32, #tpu.memory_space<hbm>>) dst(%dma_wait3A_127 : memref<256x64xf32, #tpu.memory_space<vmem>>)
        %add3A_134 = arith.constant 1 : i32
        %add3A_135 = arith.addi %mul3A_122, %add3A_134 : i32
        %dma_start3A_136 = arith.constant 1 : i32
        %dma_start3A_137 = arith.constant 0 : i32
        %dma_start3A_138 = arith.constant 0 : i32
        %dma_start3A_139 = tpu.memref_slice %arg10[%dma_start3A_136, %dma_start3A_137, %dma_start3A_138] : memref<2x256x64xf32, #tpu.memory_space<vmem>> -> memref<1x256x64xf32, #tpu.memory_space<vmem>>
        %dma_start3A_140 = tpu.memref_squeeze %dma_start3A_139 : memref<1x256x64xf32, #tpu.memory_space<vmem>> -> memref<256x64xf32, #tpu.memory_space<vmem>>
        %dma_start3A_141 = arith.constant 0 : i32
        %dma_start3A_142 = tpu.memref_slice %arg8[%add3A_135, %dma_start3A_141] : memref<42x256xi32, #tpu.memory_space<vmem>> -> memref<1x256xi32, #tpu.memory_space<vmem>>
        %dma_start3A_143 = tpu.memref_squeeze %dma_start3A_142 : memref<1x256xi32, #tpu.memory_space<vmem>> -> memref<256xi32, #tpu.memory_space<vmem>>
        %dma_start3A_144 = arith.constant 0 : i32
        %dma_start3A_145 = arith.constant 0 : i32
        %dma_start3A_146 = tpu.memref_slice %arg7[%dma_start3A_144, %dma_start3A_145] : memref<20480x64xf32, #tpu.memory_space<hbm>> -> memref<20480x64xf32, #tpu.memory_space<hbm>>
        tpu.enqueue_indirect_dma source(%dma_start3A_146 : memref<20480x64xf32, #tpu.memory_space<hbm>>) target(%dma_start3A_140 : memref<256x64xf32, #tpu.memory_space<vmem>>) offsets(%dma_start3A_143 : memref<256xi32, #tpu.memory_space<vmem>>) semaphore(%arg17 : memref<!tpu.dma_semaphore, #tpu.memory_space<semaphore_mem>>)
        %run_scoped3A_147 = arith.constant 0 : i32
        "tpu.region"() ({
          %run_scoped3A_177 = tpu.sem_alloc : memref<!tpu.dma_semaphore, #tpu.memory_space<semaphore_mem>>
          %dma_start3A_178 = arith.constant 0 : i32
          %dma_start3A_179 = arith.constant 0 : i32
          %dma_start3A_180 = tpu.memref_slice %arg10[%run_scoped3A_147, %dma_start3A_178, %dma_start3A_179] : memref<2x256x64xf32, #tpu.memory_space<vmem>> -> memref<1x256x64xf32, #tpu.memory_space<vmem>>
          %dma_start3A_181 = tpu.memref_squeeze %dma_start3A_180 : memref<1x256x64xf32, #tpu.memory_space<vmem>> -> memref<256x64xf32, #tpu.memory_space<vmem>>
          %dma_start3A_182 = arith.constant 0 : i32
          %dma_start3A_183 = tpu.memref_slice %arg9[%mul3A_122, %dma_start3A_182] : memref<42x256xi32, #tpu.memory_space<vmem>> -> memref<1x256xi32, #tpu.memory_space<vmem>>
          %dma_start3A_184 = tpu.memref_squeeze %dma_start3A_183 : memref<1x256xi32, #tpu.memory_space<vmem>> -> memref<256xi32, #tpu.memory_space<vmem>>
          %dma_start3A_185 = arith.constant 0 : i32
          %dma_start3A_186 = arith.constant 0 : i32
          %dma_start3A_187 = tpu.memref_slice %arg15[%dma_start3A_185, %dma_start3A_186] : memref<10240x64xf32, #tpu.memory_space<vmem_shared>> -> memref<10240x64xf32, #tpu.memory_space<vmem_shared>>
          tpu.enqueue_indirect_dma source(%dma_start3A_181 : memref<256x64xf32, #tpu.memory_space<vmem>>) target(%dma_start3A_187 : memref<10240x64xf32, #tpu.memory_space<vmem_shared>>) offsets(%dma_start3A_184 : memref<256xi32, #tpu.memory_space<vmem>>) semaphore(%run_scoped3A_177 : memref<!tpu.dma_semaphore, #tpu.memory_space<semaphore_mem>>) {add = true}
          %dma_wait3A_188 = arith.constant 0 : i32
          %dma_wait3A_189 = arith.constant 0 : i32
          %dma_wait3A_190 = tpu.memref_slice %arg10[%run_scoped3A_147, %dma_wait3A_188, %dma_wait3A_189] : memref<2x256x64xf32, #tpu.memory_space<vmem>> -> memref<1x256x64xf32, #tpu.memory_space<vmem>>
          %dma_wait3A_191 = tpu.memref_squeeze %dma_wait3A_190 : memref<1x256x64xf32, #tpu.memory_space<vmem>> -> memref<256x64xf32, #tpu.memory_space<vmem>>
          %dma_wait3A_192 = arith.constant 0 : i32
          %dma_wait3A_193 = tpu.memref_slice %arg9[%mul3A_122, %dma_wait3A_192] : memref<42x256xi32, #tpu.memory_space<vmem>> -> memref<1x256xi32, #tpu.memory_space<vmem>>
          %dma_wait3A_194 = tpu.memref_squeeze %dma_wait3A_193 : memref<1x256xi32, #tpu.memory_space<vmem>> -> memref<256xi32, #tpu.memory_space<vmem>>
          %dma_wait3A_195 = arith.constant 0 : i32
          %dma_wait3A_196 = arith.constant 0 : i32
          %dma_wait3A_197 = tpu.memref_slice %arg15[%dma_wait3A_195, %dma_wait3A_196] : memref<10240x64xf32, #tpu.memory_space<vmem_shared>> -> memref<10240x64xf32, #tpu.memory_space<vmem_shared>>
          tpu.wait_indirect_dma semaphore(%run_scoped3A_177 : memref<!tpu.dma_semaphore, #tpu.memory_space<semaphore_mem>>) src(%dma_wait3A_191 : memref<256x64xf32, #tpu.memory_space<vmem>>) dst(%dma_wait3A_197 : memref<10240x64xf32, #tpu.memory_space<vmem_shared>>)
          tpu.yield
        }) : () -> ()
        %add3A_148 = arith.constant 1 : i32
        %add3A_149 = arith.addi %mul3A_122, %add3A_148 : i32
        %dma_wait3A_150 = arith.constant 1 : i32
        %dma_wait3A_151 = arith.constant 0 : i32
        %dma_wait3A_152 = arith.constant 0 : i32
        %dma_wait3A_153 = tpu.memref_slice %arg10[%dma_wait3A_150, %dma_wait3A_151, %dma_wait3A_152] : memref<2x256x64xf32, #tpu.memory_space<vmem>> -> memref<1x256x64xf32, #tpu.memory_space<vmem>>
        %dma_wait3A_154 = tpu.memref_squeeze %dma_wait3A_153 : memref<1x256x64xf32, #tpu.memory_space<vmem>> -> memref<256x64xf32, #tpu.memory_space<vmem>>
        %dma_wait3A_155 = arith.constant 0 : i32
        %dma_wait3A_156 = tpu.memref_slice %arg8[%add3A_149, %dma_wait3A_155] : memref<42x256xi32, #tpu.memory_space<vmem>> -> memref<1x256xi32, #tpu.memory_space<vmem>>
        %dma_wait3A_157 = tpu.memref_squeeze %dma_wait3A_156 : memref<1x256xi32, #tpu.memory_space<vmem>> -> memref<256xi32, #tpu.memory_space<vmem>>
        %dma_wait3A_158 = arith.constant 0 : i32
        %dma_wait3A_159 = arith.constant 0 : i32
        %dma_wait3A_160 = tpu.memref_slice %arg7[%dma_wait3A_158, %dma_wait3A_159] : memref<20480x64xf32, #tpu.memory_space<hbm>> -> memref<20480x64xf32, #tpu.memory_space<hbm>>
        tpu.wait_indirect_dma semaphore(%arg17 : memref<!tpu.dma_semaphore, #tpu.memory_space<semaphore_mem>>) src(%dma_wait3A_160 : memref<20480x64xf32, #tpu.memory_space<hbm>>) dst(%dma_wait3A_154 : memref<256x64xf32, #tpu.memory_space<vmem>>)
        %add3A_161 = arith.constant 2 : i32
        %add3A_162 = arith.addi %mul3A_122, %add3A_161 : i32
        %dma_start3A_163 = arith.constant 0 : i32
        %dma_start3A_164 = arith.constant 0 : i32
        %dma_start3A_165 = arith.constant 0 : i32
        %dma_start3A_166 = tpu.memref_slice %arg10[%dma_start3A_163, %dma_start3A_164, %dma_start3A_165] : memref<2x256x64xf32, #tpu.memory_space<vmem>> -> memref<1x256x64xf32, #tpu.memory_space<vmem>>
        %dma_start3A_167 = tpu.memref_squeeze %dma_start3A_166 : memref<1x256x64xf32, #tpu.memory_space<vmem>> -> memref<256x64xf32, #tpu.memory_space<vmem>>
        %dma_start3A_168 = arith.constant 0 : i32
        %dma_start3A_169 = tpu.memref_slice %arg8[%add3A_162, %dma_start3A_168] : memref<42x256xi32, #tpu.memory_space<vmem>> -> memref<1x256xi32, #tpu.memory_space<vmem>>
        %dma_start3A_170 = tpu.memref_squeeze %dma_start3A_169 : memref<1x256xi32, #tpu.memory_space<vmem>> -> memref<256xi32, #tpu.memory_space<vmem>>
        %dma_start3A_171 = arith.constant 0 : i32
        %dma_start3A_172 = arith.constant 0 : i32
        %dma_start3A_173 = tpu.memref_slice %arg7[%dma_start3A_171, %dma_start3A_172] : memref<20480x64xf32, #tpu.memory_space<hbm>> -> memref<20480x64xf32, #tpu.memory_space<hbm>>
        tpu.enqueue_indirect_dma source(%dma_start3A_173 : memref<20480x64xf32, #tpu.memory_space<hbm>>) target(%dma_start3A_167 : memref<256x64xf32, #tpu.memory_space<vmem>>) offsets(%dma_start3A_170 : memref<256xi32, #tpu.memory_space<vmem>>) semaphore(%arg16 : memref<!tpu.dma_semaphore, #tpu.memory_space<semaphore_mem>>)
        %add3A_174 = arith.constant 1 : i32
        %add3A_175 = arith.addi %mul3A_122, %add3A_174 : i32
        %run_scoped3A_176 = arith.constant 1 : i32
        "tpu.region"() ({
          %run_scoped3A_177 = tpu.sem_alloc : memref<!tpu.dma_semaphore, #tpu.memory_space<semaphore_mem>>
          %dma_start3A_178 = arith.constant 0 : i32
          %dma_start3A_179 = arith.constant 0 : i32
          %dma_start3A_180 = tpu.memref_slice %arg10[%run_scoped3A_176, %dma_start3A_178, %dma_start3A_179] : memref<2x256x64xf32, #tpu.memory_space<vmem>> -> memref<1x256x64xf32, #tpu.memory_space<vmem>>
          %dma_start3A_181 = tpu.memref_squeeze %dma_start3A_180 : memref<1x256x64xf32, #tpu.memory_space<vmem>> -> memref<256x64xf32, #tpu.memory_space<vmem>>
          %dma_start3A_182 = arith.constant 0 : i32
          %dma_start3A_183 = tpu.memref_slice %arg9[%add3A_175, %dma_start3A_182] : memref<42x256xi32, #tpu.memory_space<vmem>> -> memref<1x256xi32, #tpu.memory_space<vmem>>
          %dma_start3A_184 = tpu.memref_squeeze %dma_start3A_183 : memref<1x256xi32, #tpu.memory_space<vmem>> -> memref<256xi32, #tpu.memory_space<vmem>>
          %dma_start3A_185 = arith.constant 0 : i32
          %dma_start3A_186 = arith.constant 0 : i32
          %dma_start3A_187 = tpu.memref_slice %arg15[%dma_start3A_185, %dma_start3A_186] : memref<10240x64xf32, #tpu.memory_space<vmem_shared>> -> memref<10240x64xf32, #tpu.memory_space<vmem_shared>>
          tpu.enqueue_indirect_dma source(%dma_start3A_181 : memref<256x64xf32, #tpu.memory_space<vmem>>) target(%dma_start3A_187 : memref<10240x64xf32, #tpu.memory_space<vmem_shared>>) offsets(%dma_start3A_184 : memref<256xi32, #tpu.memory_space<vmem>>) semaphore(%run_scoped3A_177 : memref<!tpu.dma_semaphore, #tpu.memory_space<semaphore_mem>>) {add = true}
          %dma_wait3A_188 = arith.constant 0 : i32
          %dma_wait3A_189 = arith.constant 0 : i32
          %dma_wait3A_190 = tpu.memref_slice %arg10[%run_scoped3A_176, %dma_wait3A_188, %dma_wait3A_189] : memref<2x256x64xf32, #tpu.memory_space<vmem>> -> memref<1x256x64xf32, #tpu.memory_space<vmem>>
          %dma_wait3A_191 = tpu.memref_squeeze %dma_wait3A_190 : memref<1x256x64xf32, #tpu.memory_space<vmem>> -> memref<256x64xf32, #tpu.memory_space<vmem>>
          %dma_wait3A_192 = arith.constant 0 : i32
          %dma_wait3A_193 = tpu.memref_slice %arg9[%add3A_175, %dma_wait3A_192] : memref<42x256xi32, #tpu.memory_space<vmem>> -> memref<1x256xi32, #tpu.memory_space<vmem>>
          %dma_wait3A_194 = tpu.memref_squeeze %dma_wait3A_193 : memref<1x256xi32, #tpu.memory_space<vmem>> -> memref<256xi32, #tpu.memory_space<vmem>>
          %dma_wait3A_195 = arith.constant 0 : i32
          %dma_wait3A_196 = arith.constant 0 : i32
          %dma_wait3A_197 = tpu.memref_slice %arg15[%dma_wait3A_195, %dma_wait3A_196] : memref<10240x64xf32, #tpu.memory_space<vmem_shared>> -> memref<10240x64xf32, #tpu.memory_space<vmem_shared>>
          tpu.wait_indirect_dma semaphore(%run_scoped3A_177 : memref<!tpu.dma_semaphore, #tpu.memory_space<semaphore_mem>>) src(%dma_wait3A_191 : memref<256x64xf32, #tpu.memory_space<vmem>>) dst(%dma_wait3A_197 : memref<10240x64xf32, #tpu.memory_space<vmem_shared>>)
          tpu.yield
        }) : () -> ()
      }
      %scan3A_70 = arith.constant 20 : i32
      %dma_wait3A = arith.constant 40 : i32
      %dma_wait3A_71 = arith.constant 0 : i32
      %dma_wait3A_72 = arith.constant 0 : i32
      %dma_wait3A_73 = arith.constant 0 : i32
      %dma_wait3A_74 = tpu.memref_slice %arg10[%dma_wait3A_71, %dma_wait3A_72, %dma_wait3A_73] : memref<2x256x64xf32, #tpu.memory_space<vmem>> -> memref<1x256x64xf32, #tpu.memory_space<vmem>>
      %dma_wait3A_75 = tpu.memref_squeeze %dma_wait3A_74 : memref<1x256x64xf32, #tpu.memory_space<vmem>> -> memref<256x64xf32, #tpu.memory_space<vmem>>
      %dma_wait3A_76 = arith.constant 0 : i32
      %dma_wait3A_77 = tpu.memref_slice %arg8[%dma_wait3A, %dma_wait3A_76] : memref<42x256xi32, #tpu.memory_space<vmem>> -> memref<1x256xi32, #tpu.memory_space<vmem>>
      %dma_wait3A_78 = tpu.memref_squeeze %dma_wait3A_77 : memref<1x256xi32, #tpu.memory_space<vmem>> -> memref<256xi32, #tpu.memory_space<vmem>>
      %dma_wait3A_79 = arith.constant 0 : i32
      %dma_wait3A_80 = arith.constant 0 : i32
      %dma_wait3A_81 = tpu.memref_slice %arg7[%dma_wait3A_79, %dma_wait3A_80] : memref<20480x64xf32, #tpu.memory_space<hbm>> -> memref<20480x64xf32, #tpu.memory_space<hbm>>
      tpu.wait_indirect_dma semaphore(%arg16 : memref<!tpu.dma_semaphore, #tpu.memory_space<semaphore_mem>>) src(%dma_wait3A_81 : memref<20480x64xf32, #tpu.memory_space<hbm>>) dst(%dma_wait3A_75 : memref<256x64xf32, #tpu.memory_space<vmem>>)
      %dma_start3A_82 = arith.constant 41 : i32
      %dma_start3A_83 = arith.constant 1 : i32
      %dma_start3A_84 = arith.constant 0 : i32
      %dma_start3A_85 = arith.constant 0 : i32
      %dma_start3A_86 = tpu.memref_slice %arg10[%dma_start3A_83, %dma_start3A_84, %dma_start3A_85] : memref<2x256x64xf32, #tpu.memory_space<vmem>> -> memref<1x256x64xf32, #tpu.memory_space<vmem>>
      %dma_start3A_87 = tpu.memref_squeeze %dma_start3A_86 : memref<1x256x64xf32, #tpu.memory_space<vmem>> -> memref<256x64xf32, #tpu.memory_space<vmem>>
      %dma_start3A_88 = arith.constant 0 : i32
      %dma_start3A_89 = tpu.memref_slice %arg8[%dma_start3A_82, %dma_start3A_88] : memref<42x256xi32, #tpu.memory_space<vmem>> -> memref<1x256xi32, #tpu.memory_space<vmem>>
      %dma_start3A_90 = tpu.memref_squeeze %dma_start3A_89 : memref<1x256xi32, #tpu.memory_space<vmem>> -> memref<256xi32, #tpu.memory_space<vmem>>
      %dma_start3A_91 = arith.constant 0 : i32
      %dma_start3A_92 = arith.constant 0 : i32
      %dma_start3A_93 = tpu.memref_slice %arg7[%dma_start3A_91, %dma_start3A_92] : memref<20480x64xf32, #tpu.memory_space<hbm>> -> memref<20480x64xf32, #tpu.memory_space<hbm>>
      tpu.enqueue_indirect_dma source(%dma_start3A_93 : memref<20480x64xf32, #tpu.memory_space<hbm>>) target(%dma_start3A_87 : memref<256x64xf32, #tpu.memory_space<vmem>>) offsets(%dma_start3A_90 : memref<256xi32, #tpu.memory_space<vmem>>) semaphore(%arg17 : memref<!tpu.dma_semaphore, #tpu.memory_space<semaphore_mem>>)
      %run_scoped3A = arith.constant 0 : i32
      %run_scoped3A_94 = arith.constant 40 : i32
      "tpu.region"() ({
        %run_scoped3A_116 = tpu.sem_alloc : memref<!tpu.dma_semaphore, #tpu.memory_space<semaphore_mem>>
        %dma_start3A_117 = arith.constant 0 : i32
        %dma_start3A_118 = arith.constant 0 : i32
        %dma_start3A_119 = tpu.memref_slice %arg10[%run_scoped3A, %dma_start3A_117, %dma_start3A_118] : memref<2x256x64xf32, #tpu.memory_space<vmem>> -> memref<1x256x64xf32, #tpu.memory_space<vmem>>
        %dma_start3A_120 = tpu.memref_squeeze %dma_start3A_119 : memref<1x256x64xf32, #tpu.memory_space<vmem>> -> memref<256x64xf32, #tpu.memory_space<vmem>>
        %dma_start3A_121 = arith.constant 0 : i32
        %dma_start3A_122 = tpu.memref_slice %arg9[%run_scoped3A_94, %dma_start3A_121] : memref<42x256xi32, #tpu.memory_space<vmem>> -> memref<1x256xi32, #tpu.memory_space<vmem>>
        %dma_start3A_123 = tpu.memref_squeeze %dma_start3A_122 : memref<1x256xi32, #tpu.memory_space<vmem>> -> memref<256xi32, #tpu.memory_space<vmem>>
        %dma_start3A_124 = arith.constant 0 : i32
        %dma_start3A_125 = arith.constant 0 : i32
        %dma_start3A_126 = tpu.memref_slice %arg15[%dma_start3A_124, %dma_start3A_125] : memref<10240x64xf32, #tpu.memory_space<vmem_shared>> -> memref<10240x64xf32, #tpu.memory_space<vmem_shared>>
        tpu.enqueue_indirect_dma source(%dma_start3A_120 : memref<256x64xf32, #tpu.memory_space<vmem>>) target(%dma_start3A_126 : memref<10240x64xf32, #tpu.memory_space<vmem_shared>>) offsets(%dma_start3A_123 : memref<256xi32, #tpu.memory_space<vmem>>) semaphore(%run_scoped3A_116 : memref<!tpu.dma_semaphore, #tpu.memory_space<semaphore_mem>>) {add = true}
        %dma_wait3A_127 = arith.constant 0 : i32
        %dma_wait3A_128 = arith.constant 0 : i32
        %dma_wait3A_129 = tpu.memref_slice %arg10[%run_scoped3A, %dma_wait3A_127, %dma_wait3A_128] : memref<2x256x64xf32, #tpu.memory_space<vmem>> -> memref<1x256x64xf32, #tpu.memory_space<vmem>>
        %dma_wait3A_130 = tpu.memref_squeeze %dma_wait3A_129 : memref<1x256x64xf32, #tpu.memory_space<vmem>> -> memref<256x64xf32, #tpu.memory_space<vmem>>
        %dma_wait3A_131 = arith.constant 0 : i32
        %dma_wait3A_132 = tpu.memref_slice %arg9[%run_scoped3A_94, %dma_wait3A_131] : memref<42x256xi32, #tpu.memory_space<vmem>> -> memref<1x256xi32, #tpu.memory_space<vmem>>
        %dma_wait3A_133 = tpu.memref_squeeze %dma_wait3A_132 : memref<1x256xi32, #tpu.memory_space<vmem>> -> memref<256xi32, #tpu.memory_space<vmem>>
        %dma_wait3A_134 = arith.constant 0 : i32
        %dma_wait3A_135 = arith.constant 0 : i32
        %dma_wait3A_136 = tpu.memref_slice %arg15[%dma_wait3A_134, %dma_wait3A_135] : memref<10240x64xf32, #tpu.memory_space<vmem_shared>> -> memref<10240x64xf32, #tpu.memory_space<vmem_shared>>
        tpu.wait_indirect_dma semaphore(%run_scoped3A_116 : memref<!tpu.dma_semaphore, #tpu.memory_space<semaphore_mem>>) src(%dma_wait3A_130 : memref<256x64xf32, #tpu.memory_space<vmem>>) dst(%dma_wait3A_136 : memref<10240x64xf32, #tpu.memory_space<vmem_shared>>)
        tpu.yield
      }) : () -> ()
      %dma_wait3A_95 = arith.constant 41 : i32
      %dma_wait3A_96 = arith.constant 1 : i32
      %dma_wait3A_97 = arith.constant 0 : i32
      %dma_wait3A_98 = arith.constant 0 : i32
      %dma_wait3A_99 = tpu.memref_slice %arg10[%dma_wait3A_96, %dma_wait3A_97, %dma_wait3A_98] : memref<2x256x64xf32, #tpu.memory_space<vmem>> -> memref<1x256x64xf32, #tpu.memory_space<vmem>>
      %dma_wait3A_100 = tpu.memref_squeeze %dma_wait3A_99 : memref<1x256x64xf32, #tpu.memory_space<vmem>> -> memref<256x64xf32, #tpu.memory_space<vmem>>
      %dma_wait3A_101 = arith.constant 0 : i32
      %dma_wait3A_102 = tpu.memref_slice %arg8[%dma_wait3A_95, %dma_wait3A_101] : memref<42x256xi32, #tpu.memory_space<vmem>> -> memref<1x256xi32, #tpu.memory_space<vmem>>
      %dma_wait3A_103 = tpu.memref_squeeze %dma_wait3A_102 : memref<1x256xi32, #tpu.memory_space<vmem>> -> memref<256xi32, #tpu.memory_space<vmem>>
      %dma_wait3A_104 = arith.constant 0 : i32
      %dma_wait3A_105 = arith.constant 0 : i32
      %dma_wait3A_106 = tpu.memref_slice %arg7[%dma_wait3A_104, %dma_wait3A_105] : memref<20480x64xf32, #tpu.memory_space<hbm>> -> memref<20480x64xf32, #tpu.memory_space<hbm>>
      tpu.wait_indirect_dma semaphore(%arg17 : memref<!tpu.dma_semaphore, #tpu.memory_space<semaphore_mem>>) src(%dma_wait3A_106 : memref<20480x64xf32, #tpu.memory_space<hbm>>) dst(%dma_wait3A_100 : memref<256x64xf32, #tpu.memory_space<vmem>>)
      %run_scoped3A_107 = arith.constant 1 : i32
      %run_scoped3A_108 = arith.constant 41 : i32
      "tpu.region"() ({
        %run_scoped3A_116 = tpu.sem_alloc : memref<!tpu.dma_semaphore, #tpu.memory_space<semaphore_mem>>
        %dma_start3A_117 = arith.constant 0 : i32
        %dma_start3A_118 = arith.constant 0 : i32
        %dma_start3A_119 = tpu.memref_slice %arg10[%run_scoped3A_107, %dma_start3A_117, %dma_start3A_118] : memref<2x256x64xf32, #tpu.memory_space<vmem>> -> memref<1x256x64xf32, #tpu.memory_space<vmem>>
        %dma_start3A_120 = tpu.memref_squeeze %dma_start3A_119 : memref<1x256x64xf32, #tpu.memory_space<vmem>> -> memref<256x64xf32, #tpu.memory_space<vmem>>
        %dma_start3A_121 = arith.constant 0 : i32
        %dma_start3A_122 = tpu.memref_slice %arg9[%run_scoped3A_108, %dma_start3A_121] : memref<42x256xi32, #tpu.memory_space<vmem>> -> memref<1x256xi32, #tpu.memory_space<vmem>>
        %dma_start3A_123 = tpu.memref_squeeze %dma_start3A_122 : memref<1x256xi32, #tpu.memory_space<vmem>> -> memref<256xi32, #tpu.memory_space<vmem>>
        %dma_start3A_124 = arith.constant 0 : i32
        %dma_start3A_125 = arith.constant 0 : i32
        %dma_start3A_126 = tpu.memref_slice %arg15[%dma_start3A_124, %dma_start3A_125] : memref<10240x64xf32, #tpu.memory_space<vmem_shared>> -> memref<10240x64xf32, #tpu.memory_space<vmem_shared>>
        tpu.enqueue_indirect_dma source(%dma_start3A_120 : memref<256x64xf32, #tpu.memory_space<vmem>>) target(%dma_start3A_126 : memref<10240x64xf32, #tpu.memory_space<vmem_shared>>) offsets(%dma_start3A_123 : memref<256xi32, #tpu.memory_space<vmem>>) semaphore(%run_scoped3A_116 : memref<!tpu.dma_semaphore, #tpu.memory_space<semaphore_mem>>) {add = true}
        %dma_wait3A_127 = arith.constant 0 : i32
        %dma_wait3A_128 = arith.constant 0 : i32
        %dma_wait3A_129 = tpu.memref_slice %arg10[%run_scoped3A_107, %dma_wait3A_127, %dma_wait3A_128] : memref<2x256x64xf32, #tpu.memory_space<vmem>> -> memref<1x256x64xf32, #tpu.memory_space<vmem>>
        %dma_wait3A_130 = tpu.memref_squeeze %dma_wait3A_129 : memref<1x256x64xf32, #tpu.memory_space<vmem>> -> memref<256x64xf32, #tpu.memory_space<vmem>>
        %dma_wait3A_131 = arith.constant 0 : i32
        %dma_wait3A_132 = tpu.memref_slice %arg9[%run_scoped3A_108, %dma_wait3A_131] : memref<42x256xi32, #tpu.memory_space<vmem>> -> memref<1x256xi32, #tpu.memory_space<vmem>>
        %dma_wait3A_133 = tpu.memref_squeeze %dma_wait3A_132 : memref<1x256xi32, #tpu.memory_space<vmem>> -> memref<256xi32, #tpu.memory_space<vmem>>
        %dma_wait3A_134 = arith.constant 0 : i32
        %dma_wait3A_135 = arith.constant 0 : i32
        %dma_wait3A_136 = tpu.memref_slice %arg15[%dma_wait3A_134, %dma_wait3A_135] : memref<10240x64xf32, #tpu.memory_space<vmem_shared>> -> memref<10240x64xf32, #tpu.memory_space<vmem_shared>>
        tpu.wait_indirect_dma semaphore(%run_scoped3A_116 : memref<!tpu.dma_semaphore, #tpu.memory_space<semaphore_mem>>) src(%dma_wait3A_130 : memref<256x64xf32, #tpu.memory_space<vmem>>) dst(%dma_wait3A_136 : memref<10240x64xf32, #tpu.memory_space<vmem_shared>>)
        tpu.yield
      }) : () -> ()
      %barrier3A_109 = arith.constant 0 : index
      tpu.barrier barrier_id(%barrier3A_109)
      %scan3A_110 = arith.constant 0 : i32
      %scan3A_111 = arith.constant 5 : i32
      %scan3A_112 = arith.addi %scan3A_110, %scan3A_111 : i32
      %scan3A_113 = arith.constant 1 : i32
      scf.for %scan3A_116 = %scan3A_110 to %scan3A_112 step %scan3A_113  : i32 {
        %mul3A_117 = arith.constant 1 : i32
        %mul3A_118 = arith.muli %scan3A_116, %mul3A_117 : i32
        %add3A_119 = arith.constant 0 : i32
        %add3A_120 = arith.addi %add3A_119, %mul3A_118 : i32
        %mul3A_121 = arith.constant 128 : i32
        %mul3A_122 = arith.muli %add3A_120, %mul3A_121 : i32
        %add3A_123 = arith.addi %mul3A_0, %mul3A_122 : i32
        "tpu.region"() ({
          %run_scoped3A_135 = tpu.sem_alloc : memref<!tpu.dma_semaphore, #tpu.memory_space<semaphore_mem>>
          %dma_start3A_136 = arith.constant 0 : i32
          %dma_start3A_137 = tpu.memref_slice %arg15[%add3A_123, %dma_start3A_136] : memref<10240x64xf32, #tpu.memory_space<vmem_shared>> -> memref<128x64xf32, #tpu.memory_space<vmem_shared>>
          %dma_start3A_138 = arith.constant 0 : i32
          %dma_start3A_139 = tpu.memref_slice %arg15[%add3A_123, %dma_start3A_138] : memref<10240x64xf32, #tpu.memory_space<vmem_shared>> -> memref<128x64xf32, #tpu.memory_space<vmem_shared>>
          tpu.enqueue_dma source(%dma_start3A_139 : memref<128x64xf32, #tpu.memory_space<vmem_shared>>) target(%arg11 : memref<128x64xf32, #tpu.memory_space<vmem>>) target_semaphore(%run_scoped3A_135 : memref<!tpu.dma_semaphore, #tpu.memory_space<semaphore_mem>>)
          %dma_wait3A_140 = arith.constant 0 : i32
          %dma_wait3A_141 = tpu.memref_slice %arg15[%add3A_123, %dma_wait3A_140] : memref<10240x64xf32, #tpu.memory_space<vmem_shared>> -> memref<128x64xf32, #tpu.memory_space<vmem_shared>>
          %dma_wait3A_142 = arith.constant 0 : i32
          %dma_wait3A_143 = tpu.memref_slice %arg15[%add3A_123, %dma_wait3A_142] : memref<10240x64xf32, #tpu.memory_space<vmem_shared>> -> memref<128x64xf32, #tpu.memory_space<vmem_shared>>
          tpu.wait_dma2 semaphore(%run_scoped3A_135 : memref<!tpu.dma_semaphore, #tpu.memory_space<semaphore_mem>>) src(%dma_wait3A_143 : memref<128x64xf32, #tpu.memory_space<vmem_shared>>) dst(%arg11 : memref<128x64xf32, #tpu.memory_space<vmem>>)
          tpu.yield
        }) : () -> ()
        %mul3A_124 = arith.constant 128 : i32
        %mul3A_125 = arith.muli %add3A_120, %mul3A_124 : i32
        %add3A_126 = arith.addi %add3A, %mul3A_125 : i32
        "tpu.region"() ({
          %run_scoped3A_135 = tpu.sem_alloc : memref<!tpu.dma_semaphore, #tpu.memory_space<semaphore_mem>>
          %dma_start3A_136 = arith.constant 0 : i32
          %dma_start3A_137 = tpu.memref_slice %arg3[%add3A_126, %dma_start3A_136] : memref<20480x64xf32, #tpu.memory_space<hbm>> -> memref<128x64xf32, #tpu.memory_space<hbm>>
          %dma_start3A_138 = arith.constant 0 : i32
          %dma_start3A_139 = tpu.memref_slice %arg3[%add3A_126, %dma_start3A_138] : memref<20480x64xf32, #tpu.memory_space<hbm>> -> memref<128x64xf32, #tpu.memory_space<hbm>>
          tpu.enqueue_dma source(%dma_start3A_139 : memref<128x64xf32, #tpu.memory_space<hbm>>) target(%arg12 : memref<128x64xf32, #tpu.memory_space<vmem>>) target_semaphore(%run_scoped3A_135 : memref<!tpu.dma_semaphore, #tpu.memory_space<semaphore_mem>>)
          %dma_wait3A_140 = arith.constant 0 : i32
          %dma_wait3A_141 = tpu.memref_slice %arg3[%add3A_126, %dma_wait3A_140] : memref<20480x64xf32, #tpu.memory_space<hbm>> -> memref<128x64xf32, #tpu.memory_space<hbm>>
          %dma_wait3A_142 = arith.constant 0 : i32
          %dma_wait3A_143 = tpu.memref_slice %arg3[%add3A_126, %dma_wait3A_142] : memref<20480x64xf32, #tpu.memory_space<hbm>> -> memref<128x64xf32, #tpu.memory_space<hbm>>
          tpu.wait_dma2 semaphore(%run_scoped3A_135 : memref<!tpu.dma_semaphore, #tpu.memory_space<semaphore_mem>>) src(%dma_wait3A_143 : memref<128x64xf32, #tpu.memory_space<hbm>>) dst(%arg12 : memref<128x64xf32, #tpu.memory_space<vmem>>)
          tpu.yield
        }) : () -> ()
        %scan3A_127 = arith.constant 0 : i32
        %scan3A_128 = arith.constant 8 : i32
        %scan3A_129 = arith.addi %scan3A_127, %scan3A_128 : i32
        %scan3A_130 = arith.constant 1 : i32
        scf.for %scan3A_135 = %scan3A_127 to %scan3A_129 step %scan3A_130  : i32 {
          %mul3A_136 = arith.constant 1 : i32
          %mul3A_137 = arith.muli %scan3A_135, %mul3A_136 : i32
          %add3A_138 = arith.constant 0 : i32
          %add3A_139 = arith.addi %add3A_138, %mul3A_137 : i32
          %mul3A_140 = arith.constant 128 : i32
          %mul3A_141 = arith.muli %add3A_120, %mul3A_140 : i32
          %mul3A_142 = arith.constant 16 : i32
          %mul3A_143 = arith.muli %add3A_139, %mul3A_142 : i32
          %add3A_144 = arith.addi %mul3A_141, %mul3A_143 : i32
          %get3A = arith.index_cast %add3A_144 : i32 to index
          %get3A_145 = tpu.vector_load %arg14[%get3A] {strides = array<i32>} : memref<640xf32, #tpu.memory_space<vmem>>, vector<16xf32>,
          %get3A_146 = vector.shape_cast %get3A_145 : vector<16xf32> to vector<16xf32>
          %mul3A_147 = arith.constant 16 : i32
          %mul3A_148 = arith.muli %add3A_139, %mul3A_147 : i32
          %add3A_149 = arith.constant 0 : i32
          %add3A_150 = arith.addi %mul3A_148, %add3A_149 : i32
          %slice3A = vector.extract_strided_slice %get3A_146 {offsets = [0], sizes = [1], strides = [1]} : vector<16xf32> to vector<1xf32>
          %squeeze3A = vector.extract %slice3A[0] : f32 from vector<1xf32>
          %get3A_151 = arith.index_cast %add3A_150 : i32 to index
          %get3A_152 = arith.constant 0 : index
          %get3A_153 = tpu.vector_load %arg11[%get3A_151, %get3A_152] {strides = array<i32>} : memref<128x64xf32, #tpu.memory_space<vmem>>, vector<1x16xf32>,
          %get3A_154 = vector.shape_cast %get3A_153 : vector<1x16xf32> to vector<16xf32>
          %mul3A_155 = vector.broadcast %squeeze3A : f32 to vector<16xf32>
          %mul3A_156 = arith.mulf %get3A_154, %mul3A_155 : vector<16xf32>
          %get3A_157 = arith.index_cast %add3A_150 : i32 to index
          %get3A_158 = arith.constant 0 : index
          %get3A_159 = tpu.vector_load %arg12[%get3A_157, %get3A_158] {strides = array<i32>} : memref<128x64xf32, #tpu.memory_space<vmem>>, vector<1x16xf32>,
          %get3A_160 = vector.shape_cast %get3A_159 : vector<1x16xf32> to vector<16xf32>
          %add3A_161 = arith.addf %mul3A_156, %get3A_160 : vector<16xf32>
          %swap3A = arith.index_cast %add3A_150 : i32 to index
          %swap3A_162 = arith.constant 0 : index
          %swap3A_163 = tpu.vector_load %arg11[%swap3A, %swap3A_162] {strides = array<i32>} : memref<128x64xf32, #tpu.memory_space<vmem>>, vector<1x16xf32>,
          %swap3A_164 = vector.shape_cast %swap3A_163 : vector<1x16xf32> to vector<16xf32>
          %swap3A_165 = vector.shape_cast %add3A_161 : vector<16xf32> to vector<1x16xf32>
          tpu.vector_store %arg11[%swap3A, %swap3A_162], %swap3A_165 {strides = array<i32>} : memref<128x64xf32, #tpu.memory_space<vmem>>, vector<1x16xf32>,
          %get3A_166 = arith.index_cast %add3A_150 : i32 to index
          %get3A_167 = arith.constant 16 : index
          %get3A_168 = tpu.vector_load %arg11[%get3A_166, %get3A_167] {strides = array<i32>} : memref<128x64xf32, #tpu.memory_space<vmem>>, vector<1x16xf32>,
          %get3A_169 = vector.shape_cast %get3A_168 : vector<1x16xf32> to vector<16xf32>
          %mul3A_170 = vector.broadcast %squeeze3A : f32 to vector<16xf32>
          %mul3A_171 = arith.mulf %get3A_169, %mul3A_170 : vector<16xf32>
          %get3A_172 = arith.index_cast %add3A_150 : i32 to index
          %get3A_173 = arith.constant 16 : index
          %get3A_174 = tpu.vector_load %arg12[%get3A_172, %get3A_173] {strides = array<i32>} : memref<128x64xf32, #tpu.memory_space<vmem>>, vector<1x16xf32>,
          %get3A_175 = vector.shape_cast %get3A_174 : vector<1x16xf32> to vector<16xf32>
          %add3A_176 = arith.addf %mul3A_171, %get3A_175 : vector<16xf32>
          %swap3A_177 = arith.index_cast %add3A_150 : i32 to index
          %swap3A_178 = arith.constant 16 : index
          %swap3A_179 = tpu.vector_load %arg11[%swap3A_177, %swap3A_178] {strides = array<i32>} : memref<128x64xf32, #tpu.memory_space<vmem>>, vector<1x16xf32>,
          %swap3A_180 = vector.shape_cast %swap3A_179 : vector<1x16xf32> to vector<16xf32>
          %swap3A_181 = vector.shape_cast %add3A_176 : vector<16xf32> to vector<1x16xf32>
          tpu.vector_store %arg11[%swap3A_177, %swap3A_178], %swap3A_181 {strides = array<i32>} : memref<128x64xf32, #tpu.memory_space<vmem>>, vector<1x16xf32>,
          %get3A_182 = arith.index_cast %add3A_150 : i32 to index
          %get3A_183 = arith.constant 32 : index
          %get3A_184 = tpu.vector_load %arg11[%get3A_182, %get3A_183] {strides = array<i32>} : memref<128x64xf32, #tpu.memory_space<vmem>>, vector<1x16xf32>,
          %get3A_185 = vector.shape_cast %get3A_184 : vector<1x16xf32> to vector<16xf32>
          %mul3A_186 = vector.broadcast %squeeze3A : f32 to vector<16xf32>
          %mul3A_187 = arith.mulf %get3A_185, %mul3A_186 : vector<16xf32>
          %get3A_188 = arith.index_cast %add3A_150 : i32 to index
          %get3A_189 = arith.constant 32 : index
          %get3A_190 = tpu.vector_load %arg12[%get3A_188, %get3A_189] {strides = array<i32>} : memref<128x64xf32, #tpu.memory_space<vmem>>, vector<1x16xf32>,
          %get3A_191 = vector.shape_cast %get3A_190 : vector<1x16xf32> to vector<16xf32>
          %add3A_192 = arith.addf %mul3A_187, %get3A_191 : vector<16xf32>
          %swap3A_193 = arith.index_cast %add3A_150 : i32 to index
          %swap3A_194 = arith.constant 32 : index
          %swap3A_195 = tpu.vector_load %arg11[%swap3A_193, %swap3A_194] {strides = array<i32>} : memref<128x64xf32, #tpu.memory_space<vmem>>, vector<1x16xf32>,
          %swap3A_196 = vector.shape_cast %swap3A_195 : vector<1x16xf32> to vector<16xf32>
          %swap3A_197 = vector.shape_cast %add3A_192 : vector<16xf32> to vector<1x16xf32>
          tpu.vector_store %arg11[%swap3A_193, %swap3A_194], %swap3A_197 {strides = array<i32>} : memref<128x64xf32, #tpu.memory_space<vmem>>, vector<1x16xf32>,
          %get3A_198 = arith.index_cast %add3A_150 : i32 to index
          %get3A_199 = arith.constant 48 : index
          %get3A_200 = tpu.vector_load %arg11[%get3A_198, %get3A_199] {strides = array<i32>} : memref<128x64xf32, #tpu.memory_space<vmem>>, vector<1x16xf32>,
          %get3A_201 = vector.shape_cast %get3A_200 : vector<1x16xf32> to vector<16xf32>
          %mul3A_202 = vector.broadcast %squeeze3A : f32 to vector<16xf32>
          %mul3A_203 = arith.mulf %get3A_201, %mul3A_202 : vector<16xf32>
          %get3A_204 = arith.index_cast %add3A_150 : i32 to index
          %get3A_205 = arith.constant 48 : index
          %get3A_206 = tpu.vector_load %arg12[%get3A_204, %get3A_205] {strides = array<i32>} : memref<128x64xf32, #tpu.memory_space<vmem>>, vector<1x16xf32>,
          %get3A_207 = vector.shape_cast %get3A_206 : vector<1x16xf32> to vector<16xf32>
          %add3A_208 = arith.addf %mul3A_203, %get3A_207 : vector<16xf32>
          %swap3A_209 = arith.index_cast %add3A_150 : i32 to index
          %swap3A_210 = arith.constant 48 : index
          %swap3A_211 = tpu.vector_load %arg11[%swap3A_209, %swap3A_210] {strides = array<i32>} : memref<128x64xf32, #tpu.memory_space<vmem>>, vector<1x16xf32>,
          %swap3A_212 = vector.shape_cast %swap3A_211 : vector<1x16xf32> to vector<16xf32>
          %swap3A_213 = vector.shape_cast %add3A_208 : vector<16xf32> to vector<1x16xf32>
          tpu.vector_store %arg11[%swap3A_209, %swap3A_210], %swap3A_213 {strides = array<i32>} : memref<128x64xf32, #tpu.memory_space<vmem>>, vector<1x16xf32>,
          %mul3A_214 = arith.constant 16 : i32
          %mul3A_215 = arith.muli %add3A_139, %mul3A_214 : i32
          %add3A_216 = arith.constant 1 : i32
          %add3A_217 = arith.addi %mul3A_215, %add3A_216 : i32
          %slice3A_218 = vector.extract_strided_slice %get3A_146 {offsets = [1], sizes = [1], strides = [1]} : vector<16xf32> to vector<1xf32>
          %squeeze3A_219 = vector.extract %slice3A_218[0] : f32 from vector<1xf32>
          %get3A_220 = arith.index_cast %add3A_217 : i32 to index
          %get3A_221 = arith.constant 0 : index
          %get3A_222 = tpu.vector_load %arg11[%get3A_220, %get3A_221] {strides = array<i32>} : memref<128x64xf32, #tpu.memory_space<vmem>>, vector<1x16xf32>,
          %get3A_223 = vector.shape_cast %get3A_222 : vector<1x16xf32> to vector<16xf32>
          %mul3A_224 = vector.broadcast %squeeze3A_219 : f32 to vector<16xf32>
          %mul3A_225 = arith.mulf %get3A_223, %mul3A_224 : vector<16xf32>
          %get3A_226 = arith.index_cast %add3A_217 : i32 to index
          %get3A_227 = arith.constant 0 : index
          %get3A_228 = tpu.vector_load %arg12[%get3A_226, %get3A_227] {strides = array<i32>} : memref<128x64xf32, #tpu.memory_space<vmem>>, vector<1x16xf32>,
          %get3A_229 = vector.shape_cast %get3A_228 : vector<1x16xf32> to vector<16xf32>
          %add3A_230 = arith.addf %mul3A_225, %get3A_229 : vector<16xf32>
          %swap3A_231 = arith.index_cast %add3A_217 : i32 to index
          %swap3A_232 = arith.constant 0 : index
          %swap3A_233 = tpu.vector_load %arg11[%swap3A_231, %swap3A_232] {strides = array<i32>} : memref<128x64xf32, #tpu.memory_space<vmem>>, vector<1x16xf32>,
          %swap3A_234 = vector.shape_cast %swap3A_233 : vector<1x16xf32> to vector<16xf32>
          %swap3A_235 = vector.shape_cast %add3A_230 : vector<16xf32> to vector<1x16xf32>
          tpu.vector_store %arg11[%swap3A_231, %swap3A_232], %swap3A_235 {strides = array<i32>} : memref<128x64xf32, #tpu.memory_space<vmem>>, vector<1x16xf32>,
          %get3A_236 = arith.index_cast %add3A_217 : i32 to index
          %get3A_237 = arith.constant 16 : index
          %get3A_238 = tpu.vector_load %arg11[%get3A_236, %get3A_237] {strides = array<i32>} : memref<128x64xf32, #tpu.memory_space<vmem>>, vector<1x16xf32>,
          %get3A_239 = vector.shape_cast %get3A_238 : vector<1x16xf32> to vector<16xf32>
          %mul3A_240 = vector.broadcast %squeeze3A_219 : f32 to vector<16xf32>
          %mul3A_241 = arith.mulf %get3A_239, %mul3A_240 : vector<16xf32>
          %get3A_242 = arith.index_cast %add3A_217 : i32 to index
          %get3A_243 = arith.constant 16 : index
          %get3A_244 = tpu.vector_load %arg12[%get3A_242, %get3A_243] {strides = array<i32>} : memref<128x64xf32, #tpu.memory_space<vmem>>, vector<1x16xf32>,
          %get3A_245 = vector.shape_cast %get3A_244 : vector<1x16xf32> to vector<16xf32>
          %add3A_246 = arith.addf %mul3A_241, %get3A_245 : vector<16xf32>
          %swap3A_247 = arith.index_cast %add3A_217 : i32 to index
          %swap3A_248 = arith.constant 16 : index
          %swap3A_249 = tpu.vector_load %arg11[%swap3A_247, %swap3A_248] {strides = array<i32>} : memref<128x64xf32, #tpu.memory_space<vmem>>, vector<1x16xf32>,
          %swap3A_250 = vector.shape_cast %swap3A_249 : vector<1x16xf32> to vector<16xf32>
          %swap3A_251 = vector.shape_cast %add3A_246 : vector<16xf32> to vector<1x16xf32>
          tpu.vector_store %arg11[%swap3A_247, %swap3A_248], %swap3A_251 {strides = array<i32>} : memref<128x64xf32, #tpu.memory_space<vmem>>, vector<1x16xf32>,
          %get3A_252 = arith.index_cast %add3A_217 : i32 to index
          %get3A_253 = arith.constant 32 : index
          %get3A_254 = tpu.vector_load %arg11[%get3A_252, %get3A_253] {strides = array<i32>} : memref<128x64xf32, #tpu.memory_space<vmem>>, vector<1x16xf32>,
          %get3A_255 = vector.shape_cast %get3A_254 : vector<1x16xf32> to vector<16xf32>
          %mul3A_256 = vector.broadcast %squeeze3A_219 : f32 to vector<16xf32>
          %mul3A_257 = arith.mulf %get3A_255, %mul3A_256 : vector<16xf32>
          %get3A_258 = arith.index_cast %add3A_217 : i32 to index
          %get3A_259 = arith.constant 32 : index
          %get3A_260 = tpu.vector_load %arg12[%get3A_258, %get3A_259] {strides = array<i32>} : memref<128x64xf32, #tpu.memory_space<vmem>>, vector<1x16xf32>,
          %get3A_261 = vector.shape_cast %get3A_260 : vector<1x16xf32> to vector<16xf32>
          %add3A_262 = arith.addf %mul3A_257, %get3A_261 : vector<16xf32>
          %swap3A_263 = arith.index_cast %add3A_217 : i32 to index
          %swap3A_264 = arith.constant 32 : index
          %swap3A_265 = tpu.vector_load %arg11[%swap3A_263, %swap3A_264] {strides = array<i32>} : memref<128x64xf32, #tpu.memory_space<vmem>>, vector<1x16xf32>,
          %swap3A_266 = vector.shape_cast %swap3A_265 : vector<1x16xf32> to vector<16xf32>
          %swap3A_267 = vector.shape_cast %add3A_262 : vector<16xf32> to vector<1x16xf32>
          tpu.vector_store %arg11[%swap3A_263, %swap3A_264], %swap3A_267 {strides = array<i32>} : memref<128x64xf32, #tpu.memory_space<vmem>>, vector<1x16xf32>,
          %get3A_268 = arith.index_cast %add3A_217 : i32 to index
          %get3A_269 = arith.constant 48 : index
          %get3A_270 = tpu.vector_load %arg11[%get3A_268, %get3A_269] {strides = array<i32>} : memref<128x64xf32, #tpu.memory_space<vmem>>, vector<1x16xf32>,
          %get3A_271 = vector.shape_cast %get3A_270 : vector<1x16xf32> to vector<16xf32>
          %mul3A_272 = vector.broadcast %squeeze3A_219 : f32 to vector<16xf32>
          %mul3A_273 = arith.mulf %get3A_271, %mul3A_272 : vector<16xf32>
          %get3A_274 = arith.index_cast %add3A_217 : i32 to index
          %get3A_275 = arith.constant 48 : index
          %get3A_276 = tpu.vector_load %arg12[%get3A_274, %get3A_275] {strides = array<i32>} : memref<128x64xf32, #tpu.memory_space<vmem>>, vector<1x16xf32>,
          %get3A_277 = vector.shape_cast %get3A_276 : vector<1x16xf32> to vector<16xf32>
          %add3A_278 = arith.addf %mul3A_273, %get3A_277 : vector<16xf32>
          %swap3A_279 = arith.index_cast %add3A_217 : i32 to index
          %swap3A_280 = arith.constant 48 : index
          %swap3A_281 = tpu.vector_load %arg11[%swap3A_279, %swap3A_280] {strides = array<i32>} : memref<128x64xf32, #tpu.memory_space<vmem>>, vector<1x16xf32>,
          %swap3A_282 = vector.shape_cast %swap3A_281 : vector<1x16xf32> to vector<16xf32>
          %swap3A_283 = vector.shape_cast %add3A_278 : vector<16xf32> to vector<1x16xf32>
          tpu.vector_store %arg11[%swap3A_279, %swap3A_280], %swap3A_283 {strides = array<i32>} : memref<128x64xf32, #tpu.memory_space<vmem>>, vector<1x16xf32>,
          %mul3A_284 = arith.constant 16 : i32
          %mul3A_285 = arith.muli %add3A_139, %mul3A_284 : i32
          %add3A_286 = arith.constant 2 : i32
          %add3A_287 = arith.addi %mul3A_285, %add3A_286 : i32
          %slice3A_288 = vector.extract_strided_slice %get3A_146 {offsets = [2], sizes = [1], strides = [1]} : vector<16xf32> to vector<1xf32>
          %squeeze3A_289 = vector.extract %slice3A_288[0] : f32 from vector<1xf32>
          %get3A_290 = arith.index_cast %add3A_287 : i32 to index
          %get3A_291 = arith.constant 0 : index
          %get3A_292 = tpu.vector_load %arg11[%get3A_290, %get3A_291] {strides = array<i32>} : memref<128x64xf32, #tpu.memory_space<vmem>>, vector<1x16xf32>,
          %get3A_293 = vector.shape_cast %get3A_292 : vector<1x16xf32> to vector<16xf32>
          %mul3A_294 = vector.broadcast %squeeze3A_289 : f32 to vector<16xf32>
          %mul3A_295 = arith.mulf %get3A_293, %mul3A_294 : vector<16xf32>
          %get3A_296 = arith.index_cast %add3A_287 : i32 to index
          %get3A_297 = arith.constant 0 : index
          %get3A_298 = tpu.vector_load %arg12[%get3A_296, %get3A_297] {strides = array<i32>} : memref<128x64xf32, #tpu.memory_space<vmem>>, vector<1x16xf32>,
          %get3A_299 = vector.shape_cast %get3A_298 : vector<1x16xf32> to vector<16xf32>
          %add3A_300 = arith.addf %mul3A_295, %get3A_299 : vector<16xf32>
          %swap3A_301 = arith.index_cast %add3A_287 : i32 to index
          %swap3A_302 = arith.constant 0 : index
          %swap3A_303 = tpu.vector_load %arg11[%swap3A_301, %swap3A_302] {strides = array<i32>} : memref<128x64xf32, #tpu.memory_space<vmem>>, vector<1x16xf32>,
          %swap3A_304 = vector.shape_cast %swap3A_303 : vector<1x16xf32> to vector<16xf32>
          %swap3A_305 = vector.shape_cast %add3A_300 : vector<16xf32> to vector<1x16xf32>
          tpu.vector_store %arg11[%swap3A_301, %swap3A_302], %swap3A_305 {strides = array<i32>} : memref<128x64xf32, #tpu.memory_space<vmem>>, vector<1x16xf32>,
          %get3A_306 = arith.index_cast %add3A_287 : i32 to index
          %get3A_307 = arith.constant 16 : index
          %get3A_308 = tpu.vector_load %arg11[%get3A_306, %get3A_307] {strides = array<i32>} : memref<128x64xf32, #tpu.memory_space<vmem>>, vector<1x16xf32>,
          %get3A_309 = vector.shape_cast %get3A_308 : vector<1x16xf32> to vector<16xf32>
          %mul3A_310 = vector.broadcast %squeeze3A_289 : f32 to vector<16xf32>
          %mul3A_311 = arith.mulf %get3A_309, %mul3A_310 : vector<16xf32>
          %get3A_312 = arith.index_cast %add3A_287 : i32 to index
          %get3A_313 = arith.constant 16 : index
          %get3A_314 = tpu.vector_load %arg12[%get3A_312, %get3A_313] {strides = array<i32>} : memref<128x64xf32, #tpu.memory_space<vmem>>, vector<1x16xf32>,
          %get3A_315 = vector.shape_cast %get3A_314 : vector<1x16xf32> to vector<16xf32>
          %add3A_316 = arith.addf %mul3A_311, %get3A_315 : vector<16xf32>
          %swap3A_317 = arith.index_cast %add3A_287 : i32 to index
          %swap3A_318 = arith.constant 16 : index
          %swap3A_319 = tpu.vector_load %arg11[%swap3A_317, %swap3A_318] {strides = array<i32>} : memref<128x64xf32, #tpu.memory_space<vmem>>, vector<1x16xf32>,
          %swap3A_320 = vector.shape_cast %swap3A_319 : vector<1x16xf32> to vector<16xf32>
          %swap3A_321 = vector.shape_cast %add3A_316 : vector<16xf32> to vector<1x16xf32>
          tpu.vector_store %arg11[%swap3A_317, %swap3A_318], %swap3A_321 {strides = array<i32>} : memref<128x64xf32, #tpu.memory_space<vmem>>, vector<1x16xf32>,
          %get3A_322 = arith.index_cast %add3A_287 : i32 to index
          %get3A_323 = arith.constant 32 : index
          %get3A_324 = tpu.vector_load %arg11[%get3A_322, %get3A_323] {strides = array<i32>} : memref<128x64xf32, #tpu.memory_space<vmem>>, vector<1x16xf32>,
          %get3A_325 = vector.shape_cast %get3A_324 : vector<1x16xf32> to vector<16xf32>
          %mul3A_326 = vector.broadcast %squeeze3A_289 : f32 to vector<16xf32>
          %mul3A_327 = arith.mulf %get3A_325, %mul3A_326 : vector<16xf32>
          %get3A_328 = arith.index_cast %add3A_287 : i32 to index
          %get3A_329 = arith.constant 32 : index
          %get3A_330 = tpu.vector_load %arg12[%get3A_328, %get3A_329] {strides = array<i32>} : memref<128x64xf32, #tpu.memory_space<vmem>>, vector<1x16xf32>,
          %get3A_331 = vector.shape_cast %get3A_330 : vector<1x16xf32> to vector<16xf32>
          %add3A_332 = arith.addf %mul3A_327, %get3A_331 : vector<16xf32>
          %swap3A_333 = arith.index_cast %add3A_287 : i32 to index
          %swap3A_334 = arith.constant 32 : index
          %swap3A_335 = tpu.vector_load %arg11[%swap3A_333, %swap3A_334] {strides = array<i32>} : memref<128x64xf32, #tpu.memory_space<vmem>>, vector<1x16xf32>,
          %swap3A_336 = vector.shape_cast %swap3A_335 : vector<1x16xf32> to vector<16xf32>
          %swap3A_337 = vector.shape_cast %add3A_332 : vector<16xf32> to vector<1x16xf32>
          tpu.vector_store %arg11[%swap3A_333, %swap3A_334], %swap3A_337 {strides = array<i32>} : memref<128x64xf32, #tpu.memory_space<vmem>>, vector<1x16xf32>,
          %get3A_338 = arith.index_cast %add3A_287 : i32 to index
          %get3A_339 = arith.constant 48 : index
          %get3A_340 = tpu.vector_load %arg11[%get3A_338, %get3A_339] {strides = array<i32>} : memref<128x64xf32, #tpu.memory_space<vmem>>, vector<1x16xf32>,
          %get3A_341 = vector.shape_cast %get3A_340 : vector<1x16xf32> to vector<16xf32>
          %mul3A_342 = vector.broadcast %squeeze3A_289 : f32 to vector<16xf32>
          %mul3A_343 = arith.mulf %get3A_341, %mul3A_342 : vector<16xf32>
          %get3A_344 = arith.index_cast %add3A_287 : i32 to index
          %get3A_345 = arith.constant 48 : index
          %get3A_346 = tpu.vector_load %arg12[%get3A_344, %get3A_345] {strides = array<i32>} : memref<128x64xf32, #tpu.memory_space<vmem>>, vector<1x16xf32>,
          %get3A_347 = vector.shape_cast %get3A_346 : vector<1x16xf32> to vector<16xf32>
          %add3A_348 = arith.addf %mul3A_343, %get3A_347 : vector<16xf32>
          %swap3A_349 = arith.index_cast %add3A_287 : i32 to index
          %swap3A_350 = arith.constant 48 : index
          %swap3A_351 = tpu.vector_load %arg11[%swap3A_349, %swap3A_350] {strides = array<i32>} : memref<128x64xf32, #tpu.memory_space<vmem>>, vector<1x16xf32>,
          %swap3A_352 = vector.shape_cast %swap3A_351 : vector<1x16xf32> to vector<16xf32>
          %swap3A_353 = vector.shape_cast %add3A_348 : vector<16xf32> to vector<1x16xf32>
          tpu.vector_store %arg11[%swap3A_349, %swap3A_350], %swap3A_353 {strides = array<i32>} : memref<128x64xf32, #tpu.memory_space<vmem>>, vector<1x16xf32>,
          %mul3A_354 = arith.constant 16 : i32
          %mul3A_355 = arith.muli %add3A_139, %mul3A_354 : i32
          %add3A_356 = arith.constant 3 : i32
          %add3A_357 = arith.addi %mul3A_355, %add3A_356 : i32
          %slice3A_358 = vector.extract_strided_slice %get3A_146 {offsets = [3], sizes = [1], strides = [1]} : vector<16xf32> to vector<1xf32>
          %squeeze3A_359 = vector.extract %slice3A_358[0] : f32 from vector<1xf32>
          %get3A_360 = arith.index_cast %add3A_357 : i32 to index
          %get3A_361 = arith.constant 0 : index
          %get3A_362 = tpu.vector_load %arg11[%get3A_360, %get3A_361] {strides = array<i32>} : memref<128x64xf32, #tpu.memory_space<vmem>>, vector<1x16xf32>,
          %get3A_363 = vector.shape_cast %get3A_362 : vector<1x16xf32> to vector<16xf32>
          %mul3A_364 = vector.broadcast %squeeze3A_359 : f32 to vector<16xf32>
          %mul3A_365 = arith.mulf %get3A_363, %mul3A_364 : vector<16xf32>
          %get3A_366 = arith.index_cast %add3A_357 : i32 to index
          %get3A_367 = arith.constant 0 : index
          %get3A_368 = tpu.vector_load %arg12[%get3A_366, %get3A_367] {strides = array<i32>} : memref<128x64xf32, #tpu.memory_space<vmem>>, vector<1x16xf32>,
          %get3A_369 = vector.shape_cast %get3A_368 : vector<1x16xf32> to vector<16xf32>
          %add3A_370 = arith.addf %mul3A_365, %get3A_369 : vector<16xf32>
          %swap3A_371 = arith.index_cast %add3A_357 : i32 to index
          %swap3A_372 = arith.constant 0 : index
          %swap3A_373 = tpu.vector_load %arg11[%swap3A_371, %swap3A_372] {strides = array<i32>} : memref<128x64xf32, #tpu.memory_space<vmem>>, vector<1x16xf32>,
          %swap3A_374 = vector.shape_cast %swap3A_373 : vector<1x16xf32> to vector<16xf32>
          %swap3A_375 = vector.shape_cast %add3A_370 : vector<16xf32> to vector<1x16xf32>
          tpu.vector_store %arg11[%swap3A_371, %swap3A_372], %swap3A_375 {strides = array<i32>} : memref<128x64xf32, #tpu.memory_space<vmem>>, vector<1x16xf32>,
          %get3A_376 = arith.index_cast %add3A_357 : i32 to index
          %get3A_377 = arith.constant 16 : index
          %get3A_378 = tpu.vector_load %arg11[%get3A_376, %get3A_377] {strides = array<i32>} : memref<128x64xf32, #tpu.memory_space<vmem>>, vector<1x16xf32>,
          %get3A_379 = vector.shape_cast %get3A_378 : vector<1x16xf32> to vector<16xf32>
          %mul3A_380 = vector.broadcast %squeeze3A_359 : f32 to vector<16xf32>
          %mul3A_381 = arith.mulf %get3A_379, %mul3A_380 : vector<16xf32>
          %get3A_382 = arith.index_cast %add3A_357 : i32 to index
          %get3A_383 = arith.constant 16 : index
          %get3A_384 = tpu.vector_load %arg12[%get3A_382, %get3A_383] {strides = array<i32>} : memref<128x64xf32, #tpu.memory_space<vmem>>, vector<1x16xf32>,
          %get3A_385 = vector.shape_cast %get3A_384 : vector<1x16xf32> to vector<16xf32>
          %add3A_386 = arith.addf %mul3A_381, %get3A_385 : vector<16xf32>
          %swap3A_387 = arith.index_cast %add3A_357 : i32 to index
          %swap3A_388 = arith.constant 16 : index
          %swap3A_389 = tpu.vector_load %arg11[%swap3A_387, %swap3A_388] {strides = array<i32>} : memref<128x64xf32, #tpu.memory_space<vmem>>, vector<1x16xf32>,
          %swap3A_390 = vector.shape_cast %swap3A_389 : vector<1x16xf32> to vector<16xf32>
          %swap3A_391 = vector.shape_cast %add3A_386 : vector<16xf32> to vector<1x16xf32>
          tpu.vector_store %arg11[%swap3A_387, %swap3A_388], %swap3A_391 {strides = array<i32>} : memref<128x64xf32, #tpu.memory_space<vmem>>, vector<1x16xf32>,
          %get3A_392 = arith.index_cast %add3A_357 : i32 to index
          %get3A_393 = arith.constant 32 : index
          %get3A_394 = tpu.vector_load %arg11[%get3A_392, %get3A_393] {strides = array<i32>} : memref<128x64xf32, #tpu.memory_space<vmem>>, vector<1x16xf32>,
          %get3A_395 = vector.shape_cast %get3A_394 : vector<1x16xf32> to vector<16xf32>
          %mul3A_396 = vector.broadcast %squeeze3A_359 : f32 to vector<16xf32>
          %mul3A_397 = arith.mulf %get3A_395, %mul3A_396 : vector<16xf32>
          %get3A_398 = arith.index_cast %add3A_357 : i32 to index
          %get3A_399 = arith.constant 32 : index
          %get3A_400 = tpu.vector_load %arg12[%get3A_398, %get3A_399] {strides = array<i32>} : memref<128x64xf32, #tpu.memory_space<vmem>>, vector<1x16xf32>,
          %get3A_401 = vector.shape_cast %get3A_400 : vector<1x16xf32> to vector<16xf32>
          %add3A_402 = arith.addf %mul3A_397, %get3A_401 : vector<16xf32>
          %swap3A_403 = arith.index_cast %add3A_357 : i32 to index
          %swap3A_404 = arith.constant 32 : index
          %swap3A_405 = tpu.vector_load %arg11[%swap3A_403, %swap3A_404] {strides = array<i32>} : memref<128x64xf32, #tpu.memory_space<vmem>>, vector<1x16xf32>,
          %swap3A_406 = vector.shape_cast %swap3A_405 : vector<1x16xf32> to vector<16xf32>
          %swap3A_407 = vector.shape_cast %add3A_402 : vector<16xf32> to vector<1x16xf32>
          tpu.vector_store %arg11[%swap3A_403, %swap3A_404], %swap3A_407 {strides = array<i32>} : memref<128x64xf32, #tpu.memory_space<vmem>>, vector<1x16xf32>,
          %get3A_408 = arith.index_cast %add3A_357 : i32 to index
          %get3A_409 = arith.constant 48 : index
          %get3A_410 = tpu.vector_load %arg11[%get3A_408, %get3A_409] {strides = array<i32>} : memref<128x64xf32, #tpu.memory_space<vmem>>, vector<1x16xf32>,
          %get3A_411 = vector.shape_cast %get3A_410 : vector<1x16xf32> to vector<16xf32>
          %mul3A_412 = vector.broadcast %squeeze3A_359 : f32 to vector<16xf32>
          %mul3A_413 = arith.mulf %get3A_411, %mul3A_412 : vector<16xf32>
          %get3A_414 = arith.index_cast %add3A_357 : i32 to index
          %get3A_415 = arith.constant 48 : index
          %get3A_416 = tpu.vector_load %arg12[%get3A_414, %get3A_415] {strides = array<i32>} : memref<128x64xf32, #tpu.memory_space<vmem>>, vector<1x16xf32>,
          %get3A_417 = vector.shape_cast %get3A_416 : vector<1x16xf32> to vector<16xf32>
          %add3A_418 = arith.addf %mul3A_413, %get3A_417 : vector<16xf32>
          %swap3A_419 = arith.index_cast %add3A_357 : i32 to index
          %swap3A_420 = arith.constant 48 : index
          %swap3A_421 = tpu.vector_load %arg11[%swap3A_419, %swap3A_420] {strides = array<i32>} : memref<128x64xf32, #tpu.memory_space<vmem>>, vector<1x16xf32>,
          %swap3A_422 = vector.shape_cast %swap3A_421 : vector<1x16xf32> to vector<16xf32>
          %swap3A_423 = vector.shape_cast %add3A_418 : vector<16xf32> to vector<1x16xf32>
          tpu.vector_store %arg11[%swap3A_419, %swap3A_420], %swap3A_423 {strides = array<i32>} : memref<128x64xf32, #tpu.memory_space<vmem>>, vector<1x16xf32>,
          %mul3A_424 = arith.constant 16 : i32
          %mul3A_425 = arith.muli %add3A_139, %mul3A_424 : i32
          %add3A_426 = arith.constant 4 : i32
          %add3A_427 = arith.addi %mul3A_425, %add3A_426 : i32
          %slice3A_428 = vector.extract_strided_slice %get3A_146 {offsets = [4], sizes = [1], strides = [1]} : vector<16xf32> to vector<1xf32>
          %squeeze3A_429 = vector.extract %slice3A_428[0] : f32 from vector<1xf32>
          %get3A_430 = arith.index_cast %add3A_427 : i32 to index
          %get3A_431 = arith.constant 0 : index
          %get3A_432 = tpu.vector_load %arg11[%get3A_430, %get3A_431] {strides = array<i32>} : memref<128x64xf32, #tpu.memory_space<vmem>>, vector<1x16xf32>,
          %get3A_433 = vector.shape_cast %get3A_432 : vector<1x16xf32> to vector<16xf32>
          %mul3A_434 = vector.broadcast %squeeze3A_429 : f32 to vector<16xf32>
          %mul3A_435 = arith.mulf %get3A_433, %mul3A_434 : vector<16xf32>
          %get3A_436 = arith.index_cast %add3A_427 : i32 to index
          %get3A_437 = arith.constant 0 : index
          %get3A_438 = tpu.vector_load %arg12[%get3A_436, %get3A_437] {strides = array<i32>} : memref<128x64xf32, #tpu.memory_space<vmem>>, vector<1x16xf32>,
          %get3A_439 = vector.shape_cast %get3A_438 : vector<1x16xf32> to vector<16xf32>
          %add3A_440 = arith.addf %mul3A_435, %get3A_439 : vector<16xf32>
          %swap3A_441 = arith.index_cast %add3A_427 : i32 to index
          %swap3A_442 = arith.constant 0 : index
          %swap3A_443 = tpu.vector_load %arg11[%swap3A_441, %swap3A_442] {strides = array<i32>} : memref<128x64xf32, #tpu.memory_space<vmem>>, vector<1x16xf32>,
          %swap3A_444 = vector.shape_cast %swap3A_443 : vector<1x16xf32> to vector<16xf32>
          %swap3A_445 = vector.shape_cast %add3A_440 : vector<16xf32> to vector<1x16xf32>
          tpu.vector_store %arg11[%swap3A_441, %swap3A_442], %swap3A_445 {strides = array<i32>} : memref<128x64xf32, #tpu.memory_space<vmem>>, vector<1x16xf32>,
          %get3A_446 = arith.index_cast %add3A_427 : i32 to index
          %get3A_447 = arith.constant 16 : index
          %get3A_448 = tpu.vector_load %arg11[%get3A_446, %get3A_447] {strides = array<i32>} : memref<128x64xf32, #tpu.memory_space<vmem>>, vector<1x16xf32>,
          %get3A_449 = vector.shape_cast %get3A_448 : vector<1x16xf32> to vector<16xf32>
          %mul3A_450 = vector.broadcast %squeeze3A_429 : f32 to vector<16xf32>
          %mul3A_451 = arith.mulf %get3A_449, %mul3A_450 : vector<16xf32>
          %get3A_452 = arith.index_cast %add3A_427 : i32 to index
          %get3A_453 = arith.constant 16 : index
          %get3A_454 = tpu.vector_load %arg12[%get3A_452, %get3A_453] {strides = array<i32>} : memref<128x64xf32, #tpu.memory_space<vmem>>, vector<1x16xf32>,
          %get3A_455 = vector.shape_cast %get3A_454 : vector<1x16xf32> to vector<16xf32>
          %add3A_456 = arith.addf %mul3A_451, %get3A_455 : vector<16xf32>
          %swap3A_457 = arith.index_cast %add3A_427 : i32 to index
          %swap3A_458 = arith.constant 16 : index
          %swap3A_459 = tpu.vector_load %arg11[%swap3A_457, %swap3A_458] {strides = array<i32>} : memref<128x64xf32, #tpu.memory_space<vmem>>, vector<1x16xf32>,
          %swap3A_460 = vector.shape_cast %swap3A_459 : vector<1x16xf32> to vector<16xf32>
          %swap3A_461 = vector.shape_cast %add3A_456 : vector<16xf32> to vector<1x16xf32>
          tpu.vector_store %arg11[%swap3A_457, %swap3A_458], %swap3A_461 {strides = array<i32>} : memref<128x64xf32, #tpu.memory_space<vmem>>, vector<1x16xf32>,
          %get3A_462 = arith.index_cast %add3A_427 : i32 to index
          %get3A_463 = arith.constant 32 : index
          %get3A_464 = tpu.vector_load %arg11[%get3A_462, %get3A_463] {strides = array<i32>} : memref<128x64xf32, #tpu.memory_space<vmem>>, vector<1x16xf32>,
          %get3A_465 = vector.shape_cast %get3A_464 : vector<1x16xf32> to vector<16xf32>
          %mul3A_466 = vector.broadcast %squeeze3A_429 : f32 to vector<16xf32>
          %mul3A_467 = arith.mulf %get3A_465, %mul3A_466 : vector<16xf32>
          %get3A_468 = arith.index_cast %add3A_427 : i32 to index
          %get3A_469 = arith.constant 32 : index
          %get3A_470 = tpu.vector_load %arg12[%get3A_468, %get3A_469] {strides = array<i32>} : memref<128x64xf32, #tpu.memory_space<vmem>>, vector<1x16xf32>,
          %get3A_471 = vector.shape_cast %get3A_470 : vector<1x16xf32> to vector<16xf32>
          %add3A_472 = arith.addf %mul3A_467, %get3A_471 : vector<16xf32>
          %swap3A_473 = arith.index_cast %add3A_427 : i32 to index
          %swap3A_474 = arith.constant 32 : index
          %swap3A_475 = tpu.vector_load %arg11[%swap3A_473, %swap3A_474] {strides = array<i32>} : memref<128x64xf32, #tpu.memory_space<vmem>>, vector<1x16xf32>,
          %swap3A_476 = vector.shape_cast %swap3A_475 : vector<1x16xf32> to vector<16xf32>
          %swap3A_477 = vector.shape_cast %add3A_472 : vector<16xf32> to vector<1x16xf32>
          tpu.vector_store %arg11[%swap3A_473, %swap3A_474], %swap3A_477 {strides = array<i32>} : memref<128x64xf32, #tpu.memory_space<vmem>>, vector<1x16xf32>,
          %get3A_478 = arith.index_cast %add3A_427 : i32 to index
          %get3A_479 = arith.constant 48 : index
          %get3A_480 = tpu.vector_load %arg11[%get3A_478, %get3A_479] {strides = array<i32>} : memref<128x64xf32, #tpu.memory_space<vmem>>, vector<1x16xf32>,
          %get3A_481 = vector.shape_cast %get3A_480 : vector<1x16xf32> to vector<16xf32>
          %mul3A_482 = vector.broadcast %squeeze3A_429 : f32 to vector<16xf32>
          %mul3A_483 = arith.mulf %get3A_481, %mul3A_482 : vector<16xf32>
          %get3A_484 = arith.index_cast %add3A_427 : i32 to index
          %get3A_485 = arith.constant 48 : index
          %get3A_486 = tpu.vector_load %arg12[%get3A_484, %get3A_485] {strides = array<i32>} : memref<128x64xf32, #tpu.memory_space<vmem>>, vector<1x16xf32>,
          %get3A_487 = vector.shape_cast %get3A_486 : vector<1x16xf32> to vector<16xf32>
          %add3A_488 = arith.addf %mul3A_483, %get3A_487 : vector<16xf32>
          %swap3A_489 = arith.index_cast %add3A_427 : i32 to index
          %swap3A_490 = arith.constant 48 : index
          %swap3A_491 = tpu.vector_load %arg11[%swap3A_489, %swap3A_490] {strides = array<i32>} : memref<128x64xf32, #tpu.memory_space<vmem>>, vector<1x16xf32>,
          %swap3A_492 = vector.shape_cast %swap3A_491 : vector<1x16xf32> to vector<16xf32>
          %swap3A_493 = vector.shape_cast %add3A_488 : vector<16xf32> to vector<1x16xf32>
          tpu.vector_store %arg11[%swap3A_489, %swap3A_490], %swap3A_493 {strides = array<i32>} : memref<128x64xf32, #tpu.memory_space<vmem>>, vector<1x16xf32>,
          %mul3A_494 = arith.constant 16 : i32
          %mul3A_495 = arith.muli %add3A_139, %mul3A_494 : i32
          %add3A_496 = arith.constant 5 : i32
          %add3A_497 = arith.addi %mul3A_495, %add3A_496 : i32
          %slice3A_498 = vector.extract_strided_slice %get3A_146 {offsets = [5], sizes = [1], strides = [1]} : vector<16xf32> to vector<1xf32>
          %squeeze3A_499 = vector.extract %slice3A_498[0] : f32 from vector<1xf32>
          %get3A_500 = arith.index_cast %add3A_497 : i32 to index
          %get3A_501 = arith.constant 0 : index
          %get3A_502 = tpu.vector_load %arg11[%get3A_500, %get3A_501] {strides = array<i32>} : memref<128x64xf32, #tpu.memory_space<vmem>>, vector<1x16xf32>,
          %get3A_503 = vector.shape_cast %get3A_502 : vector<1x16xf32> to vector<16xf32>
          %mul3A_504 = vector.broadcast %squeeze3A_499 : f32 to vector<16xf32>
          %mul3A_505 = arith.mulf %get3A_503, %mul3A_504 : vector<16xf32>
          %get3A_506 = arith.index_cast %add3A_497 : i32 to index
          %get3A_507 = arith.constant 0 : index
          %get3A_508 = tpu.vector_load %arg12[%get3A_506, %get3A_507] {strides = array<i32>} : memref<128x64xf32, #tpu.memory_space<vmem>>, vector<1x16xf32>,
          %get3A_509 = vector.shape_cast %get3A_508 : vector<1x16xf32> to vector<16xf32>
          %add3A_510 = arith.addf %mul3A_505, %get3A_509 : vector<16xf32>
          %swap3A_511 = arith.index_cast %add3A_497 : i32 to index
          %swap3A_512 = arith.constant 0 : index
          %swap3A_513 = tpu.vector_load %arg11[%swap3A_511, %swap3A_512] {strides = array<i32>} : memref<128x64xf32, #tpu.memory_space<vmem>>, vector<1x16xf32>,
          %swap3A_514 = vector.shape_cast %swap3A_513 : vector<1x16xf32> to vector<16xf32>
          %swap3A_515 = vector.shape_cast %add3A_510 : vector<16xf32> to vector<1x16xf32>
          tpu.vector_store %arg11[%swap3A_511, %swap3A_512], %swap3A_515 {strides = array<i32>} : memref<128x64xf32, #tpu.memory_space<vmem>>, vector<1x16xf32>,
          %get3A_516 = arith.index_cast %add3A_497 : i32 to index
          %get3A_517 = arith.constant 16 : index
          %get3A_518 = tpu.vector_load %arg11[%get3A_516, %get3A_517] {strides = array<i32>} : memref<128x64xf32, #tpu.memory_space<vmem>>, vector<1x16xf32>,
          %get3A_519 = vector.shape_cast %get3A_518 : vector<1x16xf32> to vector<16xf32>
          %mul3A_520 = vector.broadcast %squeeze3A_499 : f32 to vector<16xf32>
          %mul3A_521 = arith.mulf %get3A_519, %mul3A_520 : vector<16xf32>
          %get3A_522 = arith.index_cast %add3A_497 : i32 to index
          %get3A_523 = arith.constant 16 : index
          %get3A_524 = tpu.vector_load %arg12[%get3A_522, %get3A_523] {strides = array<i32>} : memref<128x64xf32, #tpu.memory_space<vmem>>, vector<1x16xf32>,
          %get3A_525 = vector.shape_cast %get3A_524 : vector<1x16xf32> to vector<16xf32>
          %add3A_526 = arith.addf %mul3A_521, %get3A_525 : vector<16xf32>
          %swap3A_527 = arith.index_cast %add3A_497 : i32 to index
          %swap3A_528 = arith.constant 16 : index
          %swap3A_529 = tpu.vector_load %arg11[%swap3A_527, %swap3A_528] {strides = array<i32>} : memref<128x64xf32, #tpu.memory_space<vmem>>, vector<1x16xf32>,
          %swap3A_530 = vector.shape_cast %swap3A_529 : vector<1x16xf32> to vector<16xf32>
          %swap3A_531 = vector.shape_cast %add3A_526 : vector<16xf32> to vector<1x16xf32>
          tpu.vector_store %arg11[%swap3A_527, %swap3A_528], %swap3A_531 {strides = array<i32>} : memref<128x64xf32, #tpu.memory_space<vmem>>, vector<1x16xf32>,
          %get3A_532 = arith.index_cast %add3A_497 : i32 to index
          %get3A_533 = arith.constant 32 : index
          %get3A_534 = tpu.vector_load %arg11[%get3A_532, %get3A_533] {strides = array<i32>} : memref<128x64xf32, #tpu.memory_space<vmem>>, vector<1x16xf32>,
          %get3A_535 = vector.shape_cast %get3A_534 : vector<1x16xf32> to vector<16xf32>
          %mul3A_536 = vector.broadcast %squeeze3A_499 : f32 to vector<16xf32>
          %mul3A_537 = arith.mulf %get3A_535, %mul3A_536 : vector<16xf32>
          %get3A_538 = arith.index_cast %add3A_497 : i32 to index
          %get3A_539 = arith.constant 32 : index
          %get3A_540 = tpu.vector_load %arg12[%get3A_538, %get3A_539] {strides = array<i32>} : memref<128x64xf32, #tpu.memory_space<vmem>>, vector<1x16xf32>,
          %get3A_541 = vector.shape_cast %get3A_540 : vector<1x16xf32> to vector<16xf32>
          %add3A_542 = arith.addf %mul3A_537, %get3A_541 : vector<16xf32>
          %swap3A_543 = arith.index_cast %add3A_497 : i32 to index
          %swap3A_544 = arith.constant 32 : index
          %swap3A_545 = tpu.vector_load %arg11[%swap3A_543, %swap3A_544] {strides = array<i32>} : memref<128x64xf32, #tpu.memory_space<vmem>>, vector<1x16xf32>,
          %swap3A_546 = vector.shape_cast %swap3A_545 : vector<1x16xf32> to vector<16xf32>
          %swap3A_547 = vector.shape_cast %add3A_542 : vector<16xf32> to vector<1x16xf32>
          tpu.vector_store %arg11[%swap3A_543, %swap3A_544], %swap3A_547 {strides = array<i32>} : memref<128x64xf32, #tpu.memory_space<vmem>>, vector<1x16xf32>,
          %get3A_548 = arith.index_cast %add3A_497 : i32 to index
          %get3A_549 = arith.constant 48 : index
          %get3A_550 = tpu.vector_load %arg11[%get3A_548, %get3A_549] {strides = array<i32>} : memref<128x64xf32, #tpu.memory_space<vmem>>, vector<1x16xf32>,
          %get3A_551 = vector.shape_cast %get3A_550 : vector<1x16xf32> to vector<16xf32>
          %mul3A_552 = vector.broadcast %squeeze3A_499 : f32 to vector<16xf32>
          %mul3A_553 = arith.mulf %get3A_551, %mul3A_552 : vector<16xf32>
          %get3A_554 = arith.index_cast %add3A_497 : i32 to index
          %get3A_555 = arith.constant 48 : index
          %get3A_556 = tpu.vector_load %arg12[%get3A_554, %get3A_555] {strides = array<i32>} : memref<128x64xf32, #tpu.memory_space<vmem>>, vector<1x16xf32>,
          %get3A_557 = vector.shape_cast %get3A_556 : vector<1x16xf32> to vector<16xf32>
          %add3A_558 = arith.addf %mul3A_553, %get3A_557 : vector<16xf32>
          %swap3A_559 = arith.index_cast %add3A_497 : i32 to index
          %swap3A_560 = arith.constant 48 : index
          %swap3A_561 = tpu.vector_load %arg11[%swap3A_559, %swap3A_560] {strides = array<i32>} : memref<128x64xf32, #tpu.memory_space<vmem>>, vector<1x16xf32>,
          %swap3A_562 = vector.shape_cast %swap3A_561 : vector<1x16xf32> to vector<16xf32>
          %swap3A_563 = vector.shape_cast %add3A_558 : vector<16xf32> to vector<1x16xf32>
          tpu.vector_store %arg11[%swap3A_559, %swap3A_560], %swap3A_563 {strides = array<i32>} : memref<128x64xf32, #tpu.memory_space<vmem>>, vector<1x16xf32>,
          %mul3A_564 = arith.constant 16 : i32
          %mul3A_565 = arith.muli %add3A_139, %mul3A_564 : i32
          %add3A_566 = arith.constant 6 : i32
          %add3A_567 = arith.addi %mul3A_565, %add3A_566 : i32
          %slice3A_568 = vector.extract_strided_slice %get3A_146 {offsets = [6], sizes = [1], strides = [1]} : vector<16xf32> to vector<1xf32>
          %squeeze3A_569 = vector.extract %slice3A_568[0] : f32 from vector<1xf32>
          %get3A_570 = arith.index_cast %add3A_567 : i32 to index
          %get3A_571 = arith.constant 0 : index
          %get3A_572 = tpu.vector_load %arg11[%get3A_570, %get3A_571] {strides = array<i32>} : memref<128x64xf32, #tpu.memory_space<vmem>>, vector<1x16xf32>,
          %get3A_573 = vector.shape_cast %get3A_572 : vector<1x16xf32> to vector<16xf32>
          %mul3A_574 = vector.broadcast %squeeze3A_569 : f32 to vector<16xf32>
          %mul3A_575 = arith.mulf %get3A_573, %mul3A_574 : vector<16xf32>
          %get3A_576 = arith.index_cast %add3A_567 : i32 to index
          %get3A_577 = arith.constant 0 : index
          %get3A_578 = tpu.vector_load %arg12[%get3A_576, %get3A_577] {strides = array<i32>} : memref<128x64xf32, #tpu.memory_space<vmem>>, vector<1x16xf32>,
          %get3A_579 = vector.shape_cast %get3A_578 : vector<1x16xf32> to vector<16xf32>
          %add3A_580 = arith.addf %mul3A_575, %get3A_579 : vector<16xf32>
          %swap3A_581 = arith.index_cast %add3A_567 : i32 to index
          %swap3A_582 = arith.constant 0 : index
          %swap3A_583 = tpu.vector_load %arg11[%swap3A_581, %swap3A_582] {strides = array<i32>} : memref<128x64xf32, #tpu.memory_space<vmem>>, vector<1x16xf32>,
          %swap3A_584 = vector.shape_cast %swap3A_583 : vector<1x16xf32> to vector<16xf32>
          %swap3A_585 = vector.shape_cast %add3A_580 : vector<16xf32> to vector<1x16xf32>
          tpu.vector_store %arg11[%swap3A_581, %swap3A_582], %swap3A_585 {strides = array<i32>} : memref<128x64xf32, #tpu.memory_space<vmem>>, vector<1x16xf32>,
          %get3A_586 = arith.index_cast %add3A_567 : i32 to index
          %get3A_587 = arith.constant 16 : index
          %get3A_588 = tpu.vector_load %arg11[%get3A_586, %get3A_587] {strides = array<i32>} : memref<128x64xf32, #tpu.memory_space<vmem>>, vector<1x16xf32>,
          %get3A_589 = vector.shape_cast %get3A_588 : vector<1x16xf32> to vector<16xf32>
          %mul3A_590 = vector.broadcast %squeeze3A_569 : f32 to vector<16xf32>
          %mul3A_591 = arith.mulf %get3A_589, %mul3A_590 : vector<16xf32>
          %get3A_592 = arith.index_cast %add3A_567 : i32 to index
          %get3A_593 = arith.constant 16 : index
          %get3A_594 = tpu.vector_load %arg12[%get3A_592, %get3A_593] {strides = array<i32>} : memref<128x64xf32, #tpu.memory_space<vmem>>, vector<1x16xf32>,
          %get3A_595 = vector.shape_cast %get3A_594 : vector<1x16xf32> to vector<16xf32>
          %add3A_596 = arith.addf %mul3A_591, %get3A_595 : vector<16xf32>
          %swap3A_597 = arith.index_cast %add3A_567 : i32 to index
          %swap3A_598 = arith.constant 16 : index
          %swap3A_599 = tpu.vector_load %arg11[%swap3A_597, %swap3A_598] {strides = array<i32>} : memref<128x64xf32, #tpu.memory_space<vmem>>, vector<1x16xf32>,
          %swap3A_600 = vector.shape_cast %swap3A_599 : vector<1x16xf32> to vector<16xf32>
          %swap3A_601 = vector.shape_cast %add3A_596 : vector<16xf32> to vector<1x16xf32>
          tpu.vector_store %arg11[%swap3A_597, %swap3A_598], %swap3A_601 {strides = array<i32>} : memref<128x64xf32, #tpu.memory_space<vmem>>, vector<1x16xf32>,
          %get3A_602 = arith.index_cast %add3A_567 : i32 to index
          %get3A_603 = arith.constant 32 : index
          %get3A_604 = tpu.vector_load %arg11[%get3A_602, %get3A_603] {strides = array<i32>} : memref<128x64xf32, #tpu.memory_space<vmem>>, vector<1x16xf32>,
          %get3A_605 = vector.shape_cast %get3A_604 : vector<1x16xf32> to vector<16xf32>
          %mul3A_606 = vector.broadcast %squeeze3A_569 : f32 to vector<16xf32>
          %mul3A_607 = arith.mulf %get3A_605, %mul3A_606 : vector<16xf32>
          %get3A_608 = arith.index_cast %add3A_567 : i32 to index
          %get3A_609 = arith.constant 32 : index
          %get3A_610 = tpu.vector_load %arg12[%get3A_608, %get3A_609] {strides = array<i32>} : memref<128x64xf32, #tpu.memory_space<vmem>>, vector<1x16xf32>,
          %get3A_611 = vector.shape_cast %get3A_610 : vector<1x16xf32> to vector<16xf32>
          %add3A_612 = arith.addf %mul3A_607, %get3A_611 : vector<16xf32>
          %swap3A_613 = arith.index_cast %add3A_567 : i32 to index
          %swap3A_614 = arith.constant 32 : index
          %swap3A_615 = tpu.vector_load %arg11[%swap3A_613, %swap3A_614] {strides = array<i32>} : memref<128x64xf32, #tpu.memory_space<vmem>>, vector<1x16xf32>,
          %swap3A_616 = vector.shape_cast %swap3A_615 : vector<1x16xf32> to vector<16xf32>
          %swap3A_617 = vector.shape_cast %add3A_612 : vector<16xf32> to vector<1x16xf32>
          tpu.vector_store %arg11[%swap3A_613, %swap3A_614], %swap3A_617 {strides = array<i32>} : memref<128x64xf32, #tpu.memory_space<vmem>>, vector<1x16xf32>,
          %get3A_618 = arith.index_cast %add3A_567 : i32 to index
          %get3A_619 = arith.constant 48 : index
          %get3A_620 = tpu.vector_load %arg11[%get3A_618, %get3A_619] {strides = array<i32>} : memref<128x64xf32, #tpu.memory_space<vmem>>, vector<1x16xf32>,
          %get3A_621 = vector.shape_cast %get3A_620 : vector<1x16xf32> to vector<16xf32>
          %mul3A_622 = vector.broadcast %squeeze3A_569 : f32 to vector<16xf32>
          %mul3A_623 = arith.mulf %get3A_621, %mul3A_622 : vector<16xf32>
          %get3A_624 = arith.index_cast %add3A_567 : i32 to index
          %get3A_625 = arith.constant 48 : index
          %get3A_626 = tpu.vector_load %arg12[%get3A_624, %get3A_625] {strides = array<i32>} : memref<128x64xf32, #tpu.memory_space<vmem>>, vector<1x16xf32>,
          %get3A_627 = vector.shape_cast %get3A_626 : vector<1x16xf32> to vector<16xf32>
          %add3A_628 = arith.addf %mul3A_623, %get3A_627 : vector<16xf32>
          %swap3A_629 = arith.index_cast %add3A_567 : i32 to index
          %swap3A_630 = arith.constant 48 : index
          %swap3A_631 = tpu.vector_load %arg11[%swap3A_629, %swap3A_630] {strides = array<i32>} : memref<128x64xf32, #tpu.memory_space<vmem>>, vector<1x16xf32>,
          %swap3A_632 = vector.shape_cast %swap3A_631 : vector<1x16xf32> to vector<16xf32>
          %swap3A_633 = vector.shape_cast %add3A_628 : vector<16xf32> to vector<1x16xf32>
          tpu.vector_store %arg11[%swap3A_629, %swap3A_630], %swap3A_633 {strides = array<i32>} : memref<128x64xf32, #tpu.memory_space<vmem>>, vector<1x16xf32>,
          %mul3A_634 = arith.constant 16 : i32
          %mul3A_635 = arith.muli %add3A_139, %mul3A_634 : i32
          %add3A_636 = arith.constant 7 : i32
          %add3A_637 = arith.addi %mul3A_635, %add3A_636 : i32
          %slice3A_638 = vector.extract_strided_slice %get3A_146 {offsets = [7], sizes = [1], strides = [1]} : vector<16xf32> to vector<1xf32>
          %squeeze3A_639 = vector.extract %slice3A_638[0] : f32 from vector<1xf32>
          %get3A_640 = arith.index_cast %add3A_637 : i32 to index
          %get3A_641 = arith.constant 0 : index
          %get3A_642 = tpu.vector_load %arg11[%get3A_640, %get3A_641] {strides = array<i32>} : memref<128x64xf32, #tpu.memory_space<vmem>>, vector<1x16xf32>,
          %get3A_643 = vector.shape_cast %get3A_642 : vector<1x16xf32> to vector<16xf32>
          %mul3A_644 = vector.broadcast %squeeze3A_639 : f32 to vector<16xf32>
          %mul3A_645 = arith.mulf %get3A_643, %mul3A_644 : vector<16xf32>
          %get3A_646 = arith.index_cast %add3A_637 : i32 to index
          %get3A_647 = arith.constant 0 : index
          %get3A_648 = tpu.vector_load %arg12[%get3A_646, %get3A_647] {strides = array<i32>} : memref<128x64xf32, #tpu.memory_space<vmem>>, vector<1x16xf32>,
          %get3A_649 = vector.shape_cast %get3A_648 : vector<1x16xf32> to vector<16xf32>
          %add3A_650 = arith.addf %mul3A_645, %get3A_649 : vector<16xf32>
          %swap3A_651 = arith.index_cast %add3A_637 : i32 to index
          %swap3A_652 = arith.constant 0 : index
          %swap3A_653 = tpu.vector_load %arg11[%swap3A_651, %swap3A_652] {strides = array<i32>} : memref<128x64xf32, #tpu.memory_space<vmem>>, vector<1x16xf32>,
          %swap3A_654 = vector.shape_cast %swap3A_653 : vector<1x16xf32> to vector<16xf32>
          %swap3A_655 = vector.shape_cast %add3A_650 : vector<16xf32> to vector<1x16xf32>
          tpu.vector_store %arg11[%swap3A_651, %swap3A_652], %swap3A_655 {strides = array<i32>} : memref<128x64xf32, #tpu.memory_space<vmem>>, vector<1x16xf32>,
          %get3A_656 = arith.index_cast %add3A_637 : i32 to index
          %get3A_657 = arith.constant 16 : index
          %get3A_658 = tpu.vector_load %arg11[%get3A_656, %get3A_657] {strides = array<i32>} : memref<128x64xf32, #tpu.memory_space<vmem>>, vector<1x16xf32>,
          %get3A_659 = vector.shape_cast %get3A_658 : vector<1x16xf32> to vector<16xf32>
          %mul3A_660 = vector.broadcast %squeeze3A_639 : f32 to vector<16xf32>
          %mul3A_661 = arith.mulf %get3A_659, %mul3A_660 : vector<16xf32>
          %get3A_662 = arith.index_cast %add3A_637 : i32 to index
          %get3A_663 = arith.constant 16 : index
          %get3A_664 = tpu.vector_load %arg12[%get3A_662, %get3A_663] {strides = array<i32>} : memref<128x64xf32, #tpu.memory_space<vmem>>, vector<1x16xf32>,
          %get3A_665 = vector.shape_cast %get3A_664 : vector<1x16xf32> to vector<16xf32>
          %add3A_666 = arith.addf %mul3A_661, %get3A_665 : vector<16xf32>
          %swap3A_667 = arith.index_cast %add3A_637 : i32 to index
          %swap3A_668 = arith.constant 16 : index
          %swap3A_669 = tpu.vector_load %arg11[%swap3A_667, %swap3A_668] {strides = array<i32>} : memref<128x64xf32, #tpu.memory_space<vmem>>, vector<1x16xf32>,
          %swap3A_670 = vector.shape_cast %swap3A_669 : vector<1x16xf32> to vector<16xf32>
          %swap3A_671 = vector.shape_cast %add3A_666 : vector<16xf32> to vector<1x16xf32>
          tpu.vector_store %arg11[%swap3A_667, %swap3A_668], %swap3A_671 {strides = array<i32>} : memref<128x64xf32, #tpu.memory_space<vmem>>, vector<1x16xf32>,
          %get3A_672 = arith.index_cast %add3A_637 : i32 to index
          %get3A_673 = arith.constant 32 : index
          %get3A_674 = tpu.vector_load %arg11[%get3A_672, %get3A_673] {strides = array<i32>} : memref<128x64xf32, #tpu.memory_space<vmem>>, vector<1x16xf32>,
          %get3A_675 = vector.shape_cast %get3A_674 : vector<1x16xf32> to vector<16xf32>
          %mul3A_676 = vector.broadcast %squeeze3A_639 : f32 to vector<16xf32>
          %mul3A_677 = arith.mulf %get3A_675, %mul3A_676 : vector<16xf32>
          %get3A_678 = arith.index_cast %add3A_637 : i32 to index
          %get3A_679 = arith.constant 32 : index
          %get3A_680 = tpu.vector_load %arg12[%get3A_678, %get3A_679] {strides = array<i32>} : memref<128x64xf32, #tpu.memory_space<vmem>>, vector<1x16xf32>,
          %get3A_681 = vector.shape_cast %get3A_680 : vector<1x16xf32> to vector<16xf32>
          %add3A_682 = arith.addf %mul3A_677, %get3A_681 : vector<16xf32>
          %swap3A_683 = arith.index_cast %add3A_637 : i32 to index
          %swap3A_684 = arith.constant 32 : index
          %swap3A_685 = tpu.vector_load %arg11[%swap3A_683, %swap3A_684] {strides = array<i32>} : memref<128x64xf32, #tpu.memory_space<vmem>>, vector<1x16xf32>,
          %swap3A_686 = vector.shape_cast %swap3A_685 : vector<1x16xf32> to vector<16xf32>
          %swap3A_687 = vector.shape_cast %add3A_682 : vector<16xf32> to vector<1x16xf32>
          tpu.vector_store %arg11[%swap3A_683, %swap3A_684], %swap3A_687 {strides = array<i32>} : memref<128x64xf32, #tpu.memory_space<vmem>>, vector<1x16xf32>,
          %get3A_688 = arith.index_cast %add3A_637 : i32 to index
          %get3A_689 = arith.constant 48 : index
          %get3A_690 = tpu.vector_load %arg11[%get3A_688, %get3A_689] {strides = array<i32>} : memref<128x64xf32, #tpu.memory_space<vmem>>, vector<1x16xf32>,
          %get3A_691 = vector.shape_cast %get3A_690 : vector<1x16xf32> to vector<16xf32>
          %mul3A_692 = vector.broadcast %squeeze3A_639 : f32 to vector<16xf32>
          %mul3A_693 = arith.mulf %get3A_691, %mul3A_692 : vector<16xf32>
          %get3A_694 = arith.index_cast %add3A_637 : i32 to index
          %get3A_695 = arith.constant 48 : index
          %get3A_696 = tpu.vector_load %arg12[%get3A_694, %get3A_695] {strides = array<i32>} : memref<128x64xf32, #tpu.memory_space<vmem>>, vector<1x16xf32>,
          %get3A_697 = vector.shape_cast %get3A_696 : vector<1x16xf32> to vector<16xf32>
          %add3A_698 = arith.addf %mul3A_693, %get3A_697 : vector<16xf32>
          %swap3A_699 = arith.index_cast %add3A_637 : i32 to index
          %swap3A_700 = arith.constant 48 : index
          %swap3A_701 = tpu.vector_load %arg11[%swap3A_699, %swap3A_700] {strides = array<i32>} : memref<128x64xf32, #tpu.memory_space<vmem>>, vector<1x16xf32>,
          %swap3A_702 = vector.shape_cast %swap3A_701 : vector<1x16xf32> to vector<16xf32>
          %swap3A_703 = vector.shape_cast %add3A_698 : vector<16xf32> to vector<1x16xf32>
          tpu.vector_store %arg11[%swap3A_699, %swap3A_700], %swap3A_703 {strides = array<i32>} : memref<128x64xf32, #tpu.memory_space<vmem>>, vector<1x16xf32>,
          %mul3A_704 = arith.constant 16 : i32
          %mul3A_705 = arith.muli %add3A_139, %mul3A_704 : i32
          %add3A_706 = arith.constant 8 : i32
          %add3A_707 = arith.addi %mul3A_705, %add3A_706 : i32
          %slice3A_708 = vector.extract_strided_slice %get3A_146 {offsets = [8], sizes = [1], strides = [1]} : vector<16xf32> to vector<1xf32>
          %squeeze3A_709 = vector.extract %slice3A_708[0] : f32 from vector<1xf32>
          %get3A_710 = arith.index_cast %add3A_707 : i32 to index
          %get3A_711 = arith.constant 0 : index
          %get3A_712 = tpu.vector_load %arg11[%get3A_710, %get3A_711] {strides = array<i32>} : memref<128x64xf32, #tpu.memory_space<vmem>>, vector<1x16xf32>,
          %get3A_713 = vector.shape_cast %get3A_712 : vector<1x16xf32> to vector<16xf32>
          %mul3A_714 = vector.broadcast %squeeze3A_709 : f32 to vector<16xf32>
          %mul3A_715 = arith.mulf %get3A_713, %mul3A_714 : vector<16xf32>
          %get3A_716 = arith.index_cast %add3A_707 : i32 to index
          %get3A_717 = arith.constant 0 : index
          %get3A_718 = tpu.vector_load %arg12[%get3A_716, %get3A_717] {strides = array<i32>} : memref<128x64xf32, #tpu.memory_space<vmem>>, vector<1x16xf32>,
          %get3A_719 = vector.shape_cast %get3A_718 : vector<1x16xf32> to vector<16xf32>
          %add3A_720 = arith.addf %mul3A_715, %get3A_719 : vector<16xf32>
          %swap3A_721 = arith.index_cast %add3A_707 : i32 to index
          %swap3A_722 = arith.constant 0 : index
          %swap3A_723 = tpu.vector_load %arg11[%swap3A_721, %swap3A_722] {strides = array<i32>} : memref<128x64xf32, #tpu.memory_space<vmem>>, vector<1x16xf32>,
          %swap3A_724 = vector.shape_cast %swap3A_723 : vector<1x16xf32> to vector<16xf32>
          %swap3A_725 = vector.shape_cast %add3A_720 : vector<16xf32> to vector<1x16xf32>
          tpu.vector_store %arg11[%swap3A_721, %swap3A_722], %swap3A_725 {strides = array<i32>} : memref<128x64xf32, #tpu.memory_space<vmem>>, vector<1x16xf32>,
          %get3A_726 = arith.index_cast %add3A_707 : i32 to index
          %get3A_727 = arith.constant 16 : index
          %get3A_728 = tpu.vector_load %arg11[%get3A_726, %get3A_727] {strides = array<i32>} : memref<128x64xf32, #tpu.memory_space<vmem>>, vector<1x16xf32>,
          %get3A_729 = vector.shape_cast %get3A_728 : vector<1x16xf32> to vector<16xf32>
          %mul3A_730 = vector.broadcast %squeeze3A_709 : f32 to vector<16xf32>
          %mul3A_731 = arith.mulf %get3A_729, %mul3A_730 : vector<16xf32>
          %get3A_732 = arith.index_cast %add3A_707 : i32 to index
          %get3A_733 = arith.constant 16 : index
          %get3A_734 = tpu.vector_load %arg12[%get3A_732, %get3A_733] {strides = array<i32>} : memref<128x64xf32, #tpu.memory_space<vmem>>, vector<1x16xf32>,
          %get3A_735 = vector.shape_cast %get3A_734 : vector<1x16xf32> to vector<16xf32>
          %add3A_736 = arith.addf %mul3A_731, %get3A_735 : vector<16xf32>
          %swap3A_737 = arith.index_cast %add3A_707 : i32 to index
          %swap3A_738 = arith.constant 16 : index
          %swap3A_739 = tpu.vector_load %arg11[%swap3A_737, %swap3A_738] {strides = array<i32>} : memref<128x64xf32, #tpu.memory_space<vmem>>, vector<1x16xf32>,
          %swap3A_740 = vector.shape_cast %swap3A_739 : vector<1x16xf32> to vector<16xf32>
          %swap3A_741 = vector.shape_cast %add3A_736 : vector<16xf32> to vector<1x16xf32>
          tpu.vector_store %arg11[%swap3A_737, %swap3A_738], %swap3A_741 {strides = array<i32>} : memref<128x64xf32, #tpu.memory_space<vmem>>, vector<1x16xf32>,
          %get3A_742 = arith.index_cast %add3A_707 : i32 to index
          %get3A_743 = arith.constant 32 : index
          %get3A_744 = tpu.vector_load %arg11[%get3A_742, %get3A_743] {strides = array<i32>} : memref<128x64xf32, #tpu.memory_space<vmem>>, vector<1x16xf32>,
          %get3A_745 = vector.shape_cast %get3A_744 : vector<1x16xf32> to vector<16xf32>
          %mul3A_746 = vector.broadcast %squeeze3A_709 : f32 to vector<16xf32>
          %mul3A_747 = arith.mulf %get3A_745, %mul3A_746 : vector<16xf32>
          %get3A_748 = arith.index_cast %add3A_707 : i32 to index
          %get3A_749 = arith.constant 32 : index
          %get3A_750 = tpu.vector_load %arg12[%get3A_748, %get3A_749] {strides = array<i32>} : memref<128x64xf32, #tpu.memory_space<vmem>>, vector<1x16xf32>,
          %get3A_751 = vector.shape_cast %get3A_750 : vector<1x16xf32> to vector<16xf32>
          %add3A_752 = arith.addf %mul3A_747, %get3A_751 : vector<16xf32>
          %swap3A_753 = arith.index_cast %add3A_707 : i32 to index
          %swap3A_754 = arith.constant 32 : index
          %swap3A_755 = tpu.vector_load %arg11[%swap3A_753, %swap3A_754] {strides = array<i32>} : memref<128x64xf32, #tpu.memory_space<vmem>>, vector<1x16xf32>,
          %swap3A_756 = vector.shape_cast %swap3A_755 : vector<1x16xf32> to vector<16xf32>
          %swap3A_757 = vector.shape_cast %add3A_752 : vector<16xf32> to vector<1x16xf32>
          tpu.vector_store %arg11[%swap3A_753, %swap3A_754], %swap3A_757 {strides = array<i32>} : memref<128x64xf32, #tpu.memory_space<vmem>>, vector<1x16xf32>,
          %get3A_758 = arith.index_cast %add3A_707 : i32 to index
          %get3A_759 = arith.constant 48 : index
          %get3A_760 = tpu.vector_load %arg11[%get3A_758, %get3A_759] {strides = array<i32>} : memref<128x64xf32, #tpu.memory_space<vmem>>, vector<1x16xf32>,
          %get3A_761 = vector.shape_cast %get3A_760 : vector<1x16xf32> to vector<16xf32>
          %mul3A_762 = vector.broadcast %squeeze3A_709 : f32 to vector<16xf32>
          %mul3A_763 = arith.mulf %get3A_761, %mul3A_762 : vector<16xf32>
          %get3A_764 = arith.index_cast %add3A_707 : i32 to index
          %get3A_765 = arith.constant 48 : index
          %get3A_766 = tpu.vector_load %arg12[%get3A_764, %get3A_765] {strides = array<i32>} : memref<128x64xf32, #tpu.memory_space<vmem>>, vector<1x16xf32>,
          %get3A_767 = vector.shape_cast %get3A_766 : vector<1x16xf32> to vector<16xf32>
          %add3A_768 = arith.addf %mul3A_763, %get3A_767 : vector<16xf32>
          %swap3A_769 = arith.index_cast %add3A_707 : i32 to index
          %swap3A_770 = arith.constant 48 : index
          %swap3A_771 = tpu.vector_load %arg11[%swap3A_769, %swap3A_770] {strides = array<i32>} : memref<128x64xf32, #tpu.memory_space<vmem>>, vector<1x16xf32>,
          %swap3A_772 = vector.shape_cast %swap3A_771 : vector<1x16xf32> to vector<16xf32>
          %swap3A_773 = vector.shape_cast %add3A_768 : vector<16xf32> to vector<1x16xf32>
          tpu.vector_store %arg11[%swap3A_769, %swap3A_770], %swap3A_773 {strides = array<i32>} : memref<128x64xf32, #tpu.memory_space<vmem>>, vector<1x16xf32>,
          %mul3A_774 = arith.constant 16 : i32
          %mul3A_775 = arith.muli %add3A_139, %mul3A_774 : i32
          %add3A_776 = arith.constant 9 : i32
          %add3A_777 = arith.addi %mul3A_775, %add3A_776 : i32
          %slice3A_778 = vector.extract_strided_slice %get3A_146 {offsets = [9], sizes = [1], strides = [1]} : vector<16xf32> to vector<1xf32>
          %squeeze3A_779 = vector.extract %slice3A_778[0] : f32 from vector<1xf32>
          %get3A_780 = arith.index_cast %add3A_777 : i32 to index
          %get3A_781 = arith.constant 0 : index
          %get3A_782 = tpu.vector_load %arg11[%get3A_780, %get3A_781] {strides = array<i32>} : memref<128x64xf32, #tpu.memory_space<vmem>>, vector<1x16xf32>,
          %get3A_783 = vector.shape_cast %get3A_782 : vector<1x16xf32> to vector<16xf32>
          %mul3A_784 = vector.broadcast %squeeze3A_779 : f32 to vector<16xf32>
          %mul3A_785 = arith.mulf %get3A_783, %mul3A_784 : vector<16xf32>
          %get3A_786 = arith.index_cast %add3A_777 : i32 to index
          %get3A_787 = arith.constant 0 : index
          %get3A_788 = tpu.vector_load %arg12[%get3A_786, %get3A_787] {strides = array<i32>} : memref<128x64xf32, #tpu.memory_space<vmem>>, vector<1x16xf32>,
          %get3A_789 = vector.shape_cast %get3A_788 : vector<1x16xf32> to vector<16xf32>
          %add3A_790 = arith.addf %mul3A_785, %get3A_789 : vector<16xf32>
          %swap3A_791 = arith.index_cast %add3A_777 : i32 to index
          %swap3A_792 = arith.constant 0 : index
          %swap3A_793 = tpu.vector_load %arg11[%swap3A_791, %swap3A_792] {strides = array<i32>} : memref<128x64xf32, #tpu.memory_space<vmem>>, vector<1x16xf32>,
          %swap3A_794 = vector.shape_cast %swap3A_793 : vector<1x16xf32> to vector<16xf32>
          %swap3A_795 = vector.shape_cast %add3A_790 : vector<16xf32> to vector<1x16xf32>
          tpu.vector_store %arg11[%swap3A_791, %swap3A_792], %swap3A_795 {strides = array<i32>} : memref<128x64xf32, #tpu.memory_space<vmem>>, vector<1x16xf32>,
          %get3A_796 = arith.index_cast %add3A_777 : i32 to index
          %get3A_797 = arith.constant 16 : index
          %get3A_798 = tpu.vector_load %arg11[%get3A_796, %get3A_797] {strides = array<i32>} : memref<128x64xf32, #tpu.memory_space<vmem>>, vector<1x16xf32>,
          %get3A_799 = vector.shape_cast %get3A_798 : vector<1x16xf32> to vector<16xf32>
          %mul3A_800 = vector.broadcast %squeeze3A_779 : f32 to vector<16xf32>
          %mul3A_801 = arith.mulf %get3A_799, %mul3A_800 : vector<16xf32>
          %get3A_802 = arith.index_cast %add3A_777 : i32 to index
          %get3A_803 = arith.constant 16 : index
          %get3A_804 = tpu.vector_load %arg12[%get3A_802, %get3A_803] {strides = array<i32>} : memref<128x64xf32, #tpu.memory_space<vmem>>, vector<1x16xf32>,
          %get3A_805 = vector.shape_cast %get3A_804 : vector<1x16xf32> to vector<16xf32>
          %add3A_806 = arith.addf %mul3A_801, %get3A_805 : vector<16xf32>
          %swap3A_807 = arith.index_cast %add3A_777 : i32 to index
          %swap3A_808 = arith.constant 16 : index
          %swap3A_809 = tpu.vector_load %arg11[%swap3A_807, %swap3A_808] {strides = array<i32>} : memref<128x64xf32, #tpu.memory_space<vmem>>, vector<1x16xf32>,
          %swap3A_810 = vector.shape_cast %swap3A_809 : vector<1x16xf32> to vector<16xf32>
          %swap3A_811 = vector.shape_cast %add3A_806 : vector<16xf32> to vector<1x16xf32>
          tpu.vector_store %arg11[%swap3A_807, %swap3A_808], %swap3A_811 {strides = array<i32>} : memref<128x64xf32, #tpu.memory_space<vmem>>, vector<1x16xf32>,
          %get3A_812 = arith.index_cast %add3A_777 : i32 to index
          %get3A_813 = arith.constant 32 : index
          %get3A_814 = tpu.vector_load %arg11[%get3A_812, %get3A_813] {strides = array<i32>} : memref<128x64xf32, #tpu.memory_space<vmem>>, vector<1x16xf32>,
          %get3A_815 = vector.shape_cast %get3A_814 : vector<1x16xf32> to vector<16xf32>
          %mul3A_816 = vector.broadcast %squeeze3A_779 : f32 to vector<16xf32>
          %mul3A_817 = arith.mulf %get3A_815, %mul3A_816 : vector<16xf32>
          %get3A_818 = arith.index_cast %add3A_777 : i32 to index
          %get3A_819 = arith.constant 32 : index
          %get3A_820 = tpu.vector_load %arg12[%get3A_818, %get3A_819] {strides = array<i32>} : memref<128x64xf32, #tpu.memory_space<vmem>>, vector<1x16xf32>,
          %get3A_821 = vector.shape_cast %get3A_820 : vector<1x16xf32> to vector<16xf32>
          %add3A_822 = arith.addf %mul3A_817, %get3A_821 : vector<16xf32>
          %swap3A_823 = arith.index_cast %add3A_777 : i32 to index
          %swap3A_824 = arith.constant 32 : index
          %swap3A_825 = tpu.vector_load %arg11[%swap3A_823, %swap3A_824] {strides = array<i32>} : memref<128x64xf32, #tpu.memory_space<vmem>>, vector<1x16xf32>,
          %swap3A_826 = vector.shape_cast %swap3A_825 : vector<1x16xf32> to vector<16xf32>
          %swap3A_827 = vector.shape_cast %add3A_822 : vector<16xf32> to vector<1x16xf32>
          tpu.vector_store %arg11[%swap3A_823, %swap3A_824], %swap3A_827 {strides = array<i32>} : memref<128x64xf32, #tpu.memory_space<vmem>>, vector<1x16xf32>,
          %get3A_828 = arith.index_cast %add3A_777 : i32 to index
          %get3A_829 = arith.constant 48 : index
          %get3A_830 = tpu.vector_load %arg11[%get3A_828, %get3A_829] {strides = array<i32>} : memref<128x64xf32, #tpu.memory_space<vmem>>, vector<1x16xf32>,
          %get3A_831 = vector.shape_cast %get3A_830 : vector<1x16xf32> to vector<16xf32>
          %mul3A_832 = vector.broadcast %squeeze3A_779 : f32 to vector<16xf32>
          %mul3A_833 = arith.mulf %get3A_831, %mul3A_832 : vector<16xf32>
          %get3A_834 = arith.index_cast %add3A_777 : i32 to index
          %get3A_835 = arith.constant 48 : index
          %get3A_836 = tpu.vector_load %arg12[%get3A_834, %get3A_835] {strides = array<i32>} : memref<128x64xf32, #tpu.memory_space<vmem>>, vector<1x16xf32>,
          %get3A_837 = vector.shape_cast %get3A_836 : vector<1x16xf32> to vector<16xf32>
          %add3A_838 = arith.addf %mul3A_833, %get3A_837 : vector<16xf32>
          %swap3A_839 = arith.index_cast %add3A_777 : i32 to index
          %swap3A_840 = arith.constant 48 : index
          %swap3A_841 = tpu.vector_load %arg11[%swap3A_839, %swap3A_840] {strides = array<i32>} : memref<128x64xf32, #tpu.memory_space<vmem>>, vector<1x16xf32>,
          %swap3A_842 = vector.shape_cast %swap3A_841 : vector<1x16xf32> to vector<16xf32>
          %swap3A_843 = vector.shape_cast %add3A_838 : vector<16xf32> to vector<1x16xf32>
          tpu.vector_store %arg11[%swap3A_839, %swap3A_840], %swap3A_843 {strides = array<i32>} : memref<128x64xf32, #tpu.memory_space<vmem>>, vector<1x16xf32>,
          %mul3A_844 = arith.constant 16 : i32
          %mul3A_845 = arith.muli %add3A_139, %mul3A_844 : i32
          %add3A_846 = arith.constant 10 : i32
          %add3A_847 = arith.addi %mul3A_845, %add3A_846 : i32
          %slice3A_848 = vector.extract_strided_slice %get3A_146 {offsets = [10], sizes = [1], strides = [1]} : vector<16xf32> to vector<1xf32>
          %squeeze3A_849 = vector.extract %slice3A_848[0] : f32 from vector<1xf32>
          %get3A_850 = arith.index_cast %add3A_847 : i32 to index
          %get3A_851 = arith.constant 0 : index
          %get3A_852 = tpu.vector_load %arg11[%get3A_850, %get3A_851] {strides = array<i32>} : memref<128x64xf32, #tpu.memory_space<vmem>>, vector<1x16xf32>,
          %get3A_853 = vector.shape_cast %get3A_852 : vector<1x16xf32> to vector<16xf32>
          %mul3A_854 = vector.broadcast %squeeze3A_849 : f32 to vector<16xf32>
          %mul3A_855 = arith.mulf %get3A_853, %mul3A_854 : vector<16xf32>
          %get3A_856 = arith.index_cast %add3A_847 : i32 to index
          %get3A_857 = arith.constant 0 : index
          %get3A_858 = tpu.vector_load %arg12[%get3A_856, %get3A_857] {strides = array<i32>} : memref<128x64xf32, #tpu.memory_space<vmem>>, vector<1x16xf32>,
          %get3A_859 = vector.shape_cast %get3A_858 : vector<1x16xf32> to vector<16xf32>
          %add3A_860 = arith.addf %mul3A_855, %get3A_859 : vector<16xf32>
          %swap3A_861 = arith.index_cast %add3A_847 : i32 to index
          %swap3A_862 = arith.constant 0 : index
          %swap3A_863 = tpu.vector_load %arg11[%swap3A_861, %swap3A_862] {strides = array<i32>} : memref<128x64xf32, #tpu.memory_space<vmem>>, vector<1x16xf32>,
          %swap3A_864 = vector.shape_cast %swap3A_863 : vector<1x16xf32> to vector<16xf32>
          %swap3A_865 = vector.shape_cast %add3A_860 : vector<16xf32> to vector<1x16xf32>
          tpu.vector_store %arg11[%swap3A_861, %swap3A_862], %swap3A_865 {strides = array<i32>} : memref<128x64xf32, #tpu.memory_space<vmem>>, vector<1x16xf32>,
          %get3A_866 = arith.index_cast %add3A_847 : i32 to index
          %get3A_867 = arith.constant 16 : index
          %get3A_868 = tpu.vector_load %arg11[%get3A_866, %get3A_867] {strides = array<i32>} : memref<128x64xf32, #tpu.memory_space<vmem>>, vector<1x16xf32>,
          %get3A_869 = vector.shape_cast %get3A_868 : vector<1x16xf32> to vector<16xf32>
          %mul3A_870 = vector.broadcast %squeeze3A_849 : f32 to vector<16xf32>
          %mul3A_871 = arith.mulf %get3A_869, %mul3A_870 : vector<16xf32>
          %get3A_872 = arith.index_cast %add3A_847 : i32 to index
          %get3A_873 = arith.constant 16 : index
          %get3A_874 = tpu.vector_load %arg12[%get3A_872, %get3A_873] {strides = array<i32>} : memref<128x64xf32, #tpu.memory_space<vmem>>, vector<1x16xf32>,
          %get3A_875 = vector.shape_cast %get3A_874 : vector<1x16xf32> to vector<16xf32>
          %add3A_876 = arith.addf %mul3A_871, %get3A_875 : vector<16xf32>
          %swap3A_877 = arith.index_cast %add3A_847 : i32 to index
          %swap3A_878 = arith.constant 16 : index
          %swap3A_879 = tpu.vector_load %arg11[%swap3A_877, %swap3A_878] {strides = array<i32>} : memref<128x64xf32, #tpu.memory_space<vmem>>, vector<1x16xf32>,
          %swap3A_880 = vector.shape_cast %swap3A_879 : vector<1x16xf32> to vector<16xf32>
          %swap3A_881 = vector.shape_cast %add3A_876 : vector<16xf32> to vector<1x16xf32>
          tpu.vector_store %arg11[%swap3A_877, %swap3A_878], %swap3A_881 {strides = array<i32>} : memref<128x64xf32, #tpu.memory_space<vmem>>, vector<1x16xf32>,
          %get3A_882 = arith.index_cast %add3A_847 : i32 to index
          %get3A_883 = arith.constant 32 : index
          %get3A_884 = tpu.vector_load %arg11[%get3A_882, %get3A_883] {strides = array<i32>} : memref<128x64xf32, #tpu.memory_space<vmem>>, vector<1x16xf32>,
          %get3A_885 = vector.shape_cast %get3A_884 : vector<1x16xf32> to vector<16xf32>
          %mul3A_886 = vector.broadcast %squeeze3A_849 : f32 to vector<16xf32>
          %mul3A_887 = arith.mulf %get3A_885, %mul3A_886 : vector<16xf32>
          %get3A_888 = arith.index_cast %add3A_847 : i32 to index
          %get3A_889 = arith.constant 32 : index
          %get3A_890 = tpu.vector_load %arg12[%get3A_888, %get3A_889] {strides = array<i32>} : memref<128x64xf32, #tpu.memory_space<vmem>>, vector<1x16xf32>,
          %get3A_891 = vector.shape_cast %get3A_890 : vector<1x16xf32> to vector<16xf32>
          %add3A_892 = arith.addf %mul3A_887, %get3A_891 : vector<16xf32>
          %swap3A_893 = arith.index_cast %add3A_847 : i32 to index
          %swap3A_894 = arith.constant 32 : index
          %swap3A_895 = tpu.vector_load %arg11[%swap3A_893, %swap3A_894] {strides = array<i32>} : memref<128x64xf32, #tpu.memory_space<vmem>>, vector<1x16xf32>,
          %swap3A_896 = vector.shape_cast %swap3A_895 : vector<1x16xf32> to vector<16xf32>
          %swap3A_897 = vector.shape_cast %add3A_892 : vector<16xf32> to vector<1x16xf32>
          tpu.vector_store %arg11[%swap3A_893, %swap3A_894], %swap3A_897 {strides = array<i32>} : memref<128x64xf32, #tpu.memory_space<vmem>>, vector<1x16xf32>,
          %get3A_898 = arith.index_cast %add3A_847 : i32 to index
          %get3A_899 = arith.constant 48 : index
          %get3A_900 = tpu.vector_load %arg11[%get3A_898, %get3A_899] {strides = array<i32>} : memref<128x64xf32, #tpu.memory_space<vmem>>, vector<1x16xf32>,
          %get3A_901 = vector.shape_cast %get3A_900 : vector<1x16xf32> to vector<16xf32>
          %mul3A_902 = vector.broadcast %squeeze3A_849 : f32 to vector<16xf32>
          %mul3A_903 = arith.mulf %get3A_901, %mul3A_902 : vector<16xf32>
          %get3A_904 = arith.index_cast %add3A_847 : i32 to index
          %get3A_905 = arith.constant 48 : index
          %get3A_906 = tpu.vector_load %arg12[%get3A_904, %get3A_905] {strides = array<i32>} : memref<128x64xf32, #tpu.memory_space<vmem>>, vector<1x16xf32>,
          %get3A_907 = vector.shape_cast %get3A_906 : vector<1x16xf32> to vector<16xf32>
          %add3A_908 = arith.addf %mul3A_903, %get3A_907 : vector<16xf32>
          %swap3A_909 = arith.index_cast %add3A_847 : i32 to index
          %swap3A_910 = arith.constant 48 : index
          %swap3A_911 = tpu.vector_load %arg11[%swap3A_909, %swap3A_910] {strides = array<i32>} : memref<128x64xf32, #tpu.memory_space<vmem>>, vector<1x16xf32>,
          %swap3A_912 = vector.shape_cast %swap3A_911 : vector<1x16xf32> to vector<16xf32>
          %swap3A_913 = vector.shape_cast %add3A_908 : vector<16xf32> to vector<1x16xf32>
          tpu.vector_store %arg11[%swap3A_909, %swap3A_910], %swap3A_913 {strides = array<i32>} : memref<128x64xf32, #tpu.memory_space<vmem>>, vector<1x16xf32>,
          %mul3A_914 = arith.constant 16 : i32
          %mul3A_915 = arith.muli %add3A_139, %mul3A_914 : i32
          %add3A_916 = arith.constant 11 : i32
          %add3A_917 = arith.addi %mul3A_915, %add3A_916 : i32
          %slice3A_918 = vector.extract_strided_slice %get3A_146 {offsets = [11], sizes = [1], strides = [1]} : vector<16xf32> to vector<1xf32>
          %squeeze3A_919 = vector.extract %slice3A_918[0] : f32 from vector<1xf32>
          %get3A_920 = arith.index_cast %add3A_917 : i32 to index
          %get3A_921 = arith.constant 0 : index
          %get3A_922 = tpu.vector_load %arg11[%get3A_920, %get3A_921] {strides = array<i32>} : memref<128x64xf32, #tpu.memory_space<vmem>>, vector<1x16xf32>,
          %get3A_923 = vector.shape_cast %get3A_922 : vector<1x16xf32> to vector<16xf32>
          %mul3A_924 = vector.broadcast %squeeze3A_919 : f32 to vector<16xf32>
          %mul3A_925 = arith.mulf %get3A_923, %mul3A_924 : vector<16xf32>
          %get3A_926 = arith.index_cast %add3A_917 : i32 to index
          %get3A_927 = arith.constant 0 : index
          %get3A_928 = tpu.vector_load %arg12[%get3A_926, %get3A_927] {strides = array<i32>} : memref<128x64xf32, #tpu.memory_space<vmem>>, vector<1x16xf32>,
          %get3A_929 = vector.shape_cast %get3A_928 : vector<1x16xf32> to vector<16xf32>
          %add3A_930 = arith.addf %mul3A_925, %get3A_929 : vector<16xf32>
          %swap3A_931 = arith.index_cast %add3A_917 : i32 to index
          %swap3A_932 = arith.constant 0 : index
          %swap3A_933 = tpu.vector_load %arg11[%swap3A_931, %swap3A_932] {strides = array<i32>} : memref<128x64xf32, #tpu.memory_space<vmem>>, vector<1x16xf32>,
          %swap3A_934 = vector.shape_cast %swap3A_933 : vector<1x16xf32> to vector<16xf32>
          %swap3A_935 = vector.shape_cast %add3A_930 : vector<16xf32> to vector<1x16xf32>
          tpu.vector_store %arg11[%swap3A_931, %swap3A_932], %swap3A_935 {strides = array<i32>} : memref<128x64xf32, #tpu.memory_space<vmem>>, vector<1x16xf32>,
          %get3A_936 = arith.index_cast %add3A_917 : i32 to index
          %get3A_937 = arith.constant 16 : index
          %get3A_938 = tpu.vector_load %arg11[%get3A_936, %get3A_937] {strides = array<i32>} : memref<128x64xf32, #tpu.memory_space<vmem>>, vector<1x16xf32>,
          %get3A_939 = vector.shape_cast %get3A_938 : vector<1x16xf32> to vector<16xf32>
          %mul3A_940 = vector.broadcast %squeeze3A_919 : f32 to vector<16xf32>
          %mul3A_941 = arith.mulf %get3A_939, %mul3A_940 : vector<16xf32>
          %get3A_942 = arith.index_cast %add3A_917 : i32 to index
          %get3A_943 = arith.constant 16 : index
          %get3A_944 = tpu.vector_load %arg12[%get3A_942, %get3A_943] {strides = array<i32>} : memref<128x64xf32, #tpu.memory_space<vmem>>, vector<1x16xf32>,
          %get3A_945 = vector.shape_cast %get3A_944 : vector<1x16xf32> to vector<16xf32>
          %add3A_946 = arith.addf %mul3A_941, %get3A_945 : vector<16xf32>
          %swap3A_947 = arith.index_cast %add3A_917 : i32 to index
          %swap3A_948 = arith.constant 16 : index
          %swap3A_949 = tpu.vector_load %arg11[%swap3A_947, %swap3A_948] {strides = array<i32>} : memref<128x64xf32, #tpu.memory_space<vmem>>, vector<1x16xf32>,
          %swap3A_950 = vector.shape_cast %swap3A_949 : vector<1x16xf32> to vector<16xf32>
          %swap3A_951 = vector.shape_cast %add3A_946 : vector<16xf32> to vector<1x16xf32>
          tpu.vector_store %arg11[%swap3A_947, %swap3A_948], %swap3A_951 {strides = array<i32>} : memref<128x64xf32, #tpu.memory_space<vmem>>, vector<1x16xf32>,
          %get3A_952 = arith.index_cast %add3A_917 : i32 to index
          %get3A_953 = arith.constant 32 : index
          %get3A_954 = tpu.vector_load %arg11[%get3A_952, %get3A_953] {strides = array<i32>} : memref<128x64xf32, #tpu.memory_space<vmem>>, vector<1x16xf32>,
          %get3A_955 = vector.shape_cast %get3A_954 : vector<1x16xf32> to vector<16xf32>
          %mul3A_956 = vector.broadcast %squeeze3A_919 : f32 to vector<16xf32>
          %mul3A_957 = arith.mulf %get3A_955, %mul3A_956 : vector<16xf32>
          %get3A_958 = arith.index_cast %add3A_917 : i32 to index
          %get3A_959 = arith.constant 32 : index
          %get3A_960 = tpu.vector_load %arg12[%get3A_958, %get3A_959] {strides = array<i32>} : memref<128x64xf32, #tpu.memory_space<vmem>>, vector<1x16xf32>,
          %get3A_961 = vector.shape_cast %get3A_960 : vector<1x16xf32> to vector<16xf32>
          %add3A_962 = arith.addf %mul3A_957, %get3A_961 : vector<16xf32>
          %swap3A_963 = arith.index_cast %add3A_917 : i32 to index
          %swap3A_964 = arith.constant 32 : index
          %swap3A_965 = tpu.vector_load %arg11[%swap3A_963, %swap3A_964] {strides = array<i32>} : memref<128x64xf32, #tpu.memory_space<vmem>>, vector<1x16xf32>,
          %swap3A_966 = vector.shape_cast %swap3A_965 : vector<1x16xf32> to vector<16xf32>
          %swap3A_967 = vector.shape_cast %add3A_962 : vector<16xf32> to vector<1x16xf32>
          tpu.vector_store %arg11[%swap3A_963, %swap3A_964], %swap3A_967 {strides = array<i32>} : memref<128x64xf32, #tpu.memory_space<vmem>>, vector<1x16xf32>,
          %get3A_968 = arith.index_cast %add3A_917 : i32 to index
          %get3A_969 = arith.constant 48 : index
          %get3A_970 = tpu.vector_load %arg11[%get3A_968, %get3A_969] {strides = array<i32>} : memref<128x64xf32, #tpu.memory_space<vmem>>, vector<1x16xf32>,
          %get3A_971 = vector.shape_cast %get3A_970 : vector<1x16xf32> to vector<16xf32>
          %mul3A_972 = vector.broadcast %squeeze3A_919 : f32 to vector<16xf32>
          %mul3A_973 = arith.mulf %get3A_971, %mul3A_972 : vector<16xf32>
          %get3A_974 = arith.index_cast %add3A_917 : i32 to index
          %get3A_975 = arith.constant 48 : index
          %get3A_976 = tpu.vector_load %arg12[%get3A_974, %get3A_975] {strides = array<i32>} : memref<128x64xf32, #tpu.memory_space<vmem>>, vector<1x16xf32>,
          %get3A_977 = vector.shape_cast %get3A_976 : vector<1x16xf32> to vector<16xf32>
          %add3A_978 = arith.addf %mul3A_973, %get3A_977 : vector<16xf32>
          %swap3A_979 = arith.index_cast %add3A_917 : i32 to index
          %swap3A_980 = arith.constant 48 : index
          %swap3A_981 = tpu.vector_load %arg11[%swap3A_979, %swap3A_980] {strides = array<i32>} : memref<128x64xf32, #tpu.memory_space<vmem>>, vector<1x16xf32>,
          %swap3A_982 = vector.shape_cast %swap3A_981 : vector<1x16xf32> to vector<16xf32>
          %swap3A_983 = vector.shape_cast %add3A_978 : vector<16xf32> to vector<1x16xf32>
          tpu.vector_store %arg11[%swap3A_979, %swap3A_980], %swap3A_983 {strides = array<i32>} : memref<128x64xf32, #tpu.memory_space<vmem>>, vector<1x16xf32>,
          %mul3A_984 = arith.constant 16 : i32
          %mul3A_985 = arith.muli %add3A_139, %mul3A_984 : i32
          %add3A_986 = arith.constant 12 : i32
          %add3A_987 = arith.addi %mul3A_985, %add3A_986 : i32
          %slice3A_988 = vector.extract_strided_slice %get3A_146 {offsets = [12], sizes = [1], strides = [1]} : vector<16xf32> to vector<1xf32>
          %squeeze3A_989 = vector.extract %slice3A_988[0] : f32 from vector<1xf32>
          %get3A_990 = arith.index_cast %add3A_987 : i32 to index
          %get3A_991 = arith.constant 0 : index
          %get3A_992 = tpu.vector_load %arg11[%get3A_990, %get3A_991] {strides = array<i32>} : memref<128x64xf32, #tpu.memory_space<vmem>>, vector<1x16xf32>,
          %get3A_993 = vector.shape_cast %get3A_992 : vector<1x16xf32> to vector<16xf32>
          %mul3A_994 = vector.broadcast %squeeze3A_989 : f32 to vector<16xf32>
          %mul3A_995 = arith.mulf %get3A_993, %mul3A_994 : vector<16xf32>
          %get3A_996 = arith.index_cast %add3A_987 : i32 to index
          %get3A_997 = arith.constant 0 : index
          %get3A_998 = tpu.vector_load %arg12[%get3A_996, %get3A_997] {strides = array<i32>} : memref<128x64xf32, #tpu.memory_space<vmem>>, vector<1x16xf32>,
          %get3A_999 = vector.shape_cast %get3A_998 : vector<1x16xf32> to vector<16xf32>
          %add3A_1000 = arith.addf %mul3A_995, %get3A_999 : vector<16xf32>
          %swap3A_1001 = arith.index_cast %add3A_987 : i32 to index
          %swap3A_1002 = arith.constant 0 : index
          %swap3A_1003 = tpu.vector_load %arg11[%swap3A_1001, %swap3A_1002] {strides = array<i32>} : memref<128x64xf32, #tpu.memory_space<vmem>>, vector<1x16xf32>,
          %swap3A_1004 = vector.shape_cast %swap3A_1003 : vector<1x16xf32> to vector<16xf32>
          %swap3A_1005 = vector.shape_cast %add3A_1000 : vector<16xf32> to vector<1x16xf32>
          tpu.vector_store %arg11[%swap3A_1001, %swap3A_1002], %swap3A_1005 {strides = array<i32>} : memref<128x64xf32, #tpu.memory_space<vmem>>, vector<1x16xf32>,
          %get3A_1006 = arith.index_cast %add3A_987 : i32 to index
          %get3A_1007 = arith.constant 16 : index
          %get3A_1008 = tpu.vector_load %arg11[%get3A_1006, %get3A_1007] {strides = array<i32>} : memref<128x64xf32, #tpu.memory_space<vmem>>, vector<1x16xf32>,
          %get3A_1009 = vector.shape_cast %get3A_1008 : vector<1x16xf32> to vector<16xf32>
          %mul3A_1010 = vector.broadcast %squeeze3A_989 : f32 to vector<16xf32>
          %mul3A_1011 = arith.mulf %get3A_1009, %mul3A_1010 : vector<16xf32>
          %get3A_1012 = arith.index_cast %add3A_987 : i32 to index
          %get3A_1013 = arith.constant 16 : index
          %get3A_1014 = tpu.vector_load %arg12[%get3A_1012, %get3A_1013] {strides = array<i32>} : memref<128x64xf32, #tpu.memory_space<vmem>>, vector<1x16xf32>,
          %get3A_1015 = vector.shape_cast %get3A_1014 : vector<1x16xf32> to vector<16xf32>
          %add3A_1016 = arith.addf %mul3A_1011, %get3A_1015 : vector<16xf32>
          %swap3A_1017 = arith.index_cast %add3A_987 : i32 to index
          %swap3A_1018 = arith.constant 16 : index
          %swap3A_1019 = tpu.vector_load %arg11[%swap3A_1017, %swap3A_1018] {strides = array<i32>} : memref<128x64xf32, #tpu.memory_space<vmem>>, vector<1x16xf32>,
          %swap3A_1020 = vector.shape_cast %swap3A_1019 : vector<1x16xf32> to vector<16xf32>
          %swap3A_1021 = vector.shape_cast %add3A_1016 : vector<16xf32> to vector<1x16xf32>
          tpu.vector_store %arg11[%swap3A_1017, %swap3A_1018], %swap3A_1021 {strides = array<i32>} : memref<128x64xf32, #tpu.memory_space<vmem>>, vector<1x16xf32>,
          %get3A_1022 = arith.index_cast %add3A_987 : i32 to index
          %get3A_1023 = arith.constant 32 : index
          %get3A_1024 = tpu.vector_load %arg11[%get3A_1022, %get3A_1023] {strides = array<i32>} : memref<128x64xf32, #tpu.memory_space<vmem>>, vector<1x16xf32>,
          %get3A_1025 = vector.shape_cast %get3A_1024 : vector<1x16xf32> to vector<16xf32>
          %mul3A_1026 = vector.broadcast %squeeze3A_989 : f32 to vector<16xf32>
          %mul3A_1027 = arith.mulf %get3A_1025, %mul3A_1026 : vector<16xf32>
          %get3A_1028 = arith.index_cast %add3A_987 : i32 to index
          %get3A_1029 = arith.constant 32 : index
          %get3A_1030 = tpu.vector_load %arg12[%get3A_1028, %get3A_1029] {strides = array<i32>} : memref<128x64xf32, #tpu.memory_space<vmem>>, vector<1x16xf32>,
          %get3A_1031 = vector.shape_cast %get3A_1030 : vector<1x16xf32> to vector<16xf32>
          %add3A_1032 = arith.addf %mul3A_1027, %get3A_1031 : vector<16xf32>
          %swap3A_1033 = arith.index_cast %add3A_987 : i32 to index
          %swap3A_1034 = arith.constant 32 : index
          %swap3A_1035 = tpu.vector_load %arg11[%swap3A_1033, %swap3A_1034] {strides = array<i32>} : memref<128x64xf32, #tpu.memory_space<vmem>>, vector<1x16xf32>,
          %swap3A_1036 = vector.shape_cast %swap3A_1035 : vector<1x16xf32> to vector<16xf32>
          %swap3A_1037 = vector.shape_cast %add3A_1032 : vector<16xf32> to vector<1x16xf32>
          tpu.vector_store %arg11[%swap3A_1033, %swap3A_1034], %swap3A_1037 {strides = array<i32>} : memref<128x64xf32, #tpu.memory_space<vmem>>, vector<1x16xf32>,
          %get3A_1038 = arith.index_cast %add3A_987 : i32 to index
          %get3A_1039 = arith.constant 48 : index
          %get3A_1040 = tpu.vector_load %arg11[%get3A_1038, %get3A_1039] {strides = array<i32>} : memref<128x64xf32, #tpu.memory_space<vmem>>, vector<1x16xf32>,
          %get3A_1041 = vector.shape_cast %get3A_1040 : vector<1x16xf32> to vector<16xf32>
          %mul3A_1042 = vector.broadcast %squeeze3A_989 : f32 to vector<16xf32>
          %mul3A_1043 = arith.mulf %get3A_1041, %mul3A_1042 : vector<16xf32>
          %get3A_1044 = arith.index_cast %add3A_987 : i32 to index
          %get3A_1045 = arith.constant 48 : index
          %get3A_1046 = tpu.vector_load %arg12[%get3A_1044, %get3A_1045] {strides = array<i32>} : memref<128x64xf32, #tpu.memory_space<vmem>>, vector<1x16xf32>,
          %get3A_1047 = vector.shape_cast %get3A_1046 : vector<1x16xf32> to vector<16xf32>
          %add3A_1048 = arith.addf %mul3A_1043, %get3A_1047 : vector<16xf32>
          %swap3A_1049 = arith.index_cast %add3A_987 : i32 to index
          %swap3A_1050 = arith.constant 48 : index
          %swap3A_1051 = tpu.vector_load %arg11[%swap3A_1049, %swap3A_1050] {strides = array<i32>} : memref<128x64xf32, #tpu.memory_space<vmem>>, vector<1x16xf32>,
          %swap3A_1052 = vector.shape_cast %swap3A_1051 : vector<1x16xf32> to vector<16xf32>
          %swap3A_1053 = vector.shape_cast %add3A_1048 : vector<16xf32> to vector<1x16xf32>
          tpu.vector_store %arg11[%swap3A_1049, %swap3A_1050], %swap3A_1053 {strides = array<i32>} : memref<128x64xf32, #tpu.memory_space<vmem>>, vector<1x16xf32>,
          %mul3A_1054 = arith.constant 16 : i32
          %mul3A_1055 = arith.muli %add3A_139, %mul3A_1054 : i32
          %add3A_1056 = arith.constant 13 : i32
          %add3A_1057 = arith.addi %mul3A_1055, %add3A_1056 : i32
          %slice3A_1058 = vector.extract_strided_slice %get3A_146 {offsets = [13], sizes = [1], strides = [1]} : vector<16xf32> to vector<1xf32>
          %squeeze3A_1059 = vector.extract %slice3A_1058[0] : f32 from vector<1xf32>
          %get3A_1060 = arith.index_cast %add3A_1057 : i32 to index
          %get3A_1061 = arith.constant 0 : index
          %get3A_1062 = tpu.vector_load %arg11[%get3A_1060, %get3A_1061] {strides = array<i32>} : memref<128x64xf32, #tpu.memory_space<vmem>>, vector<1x16xf32>,
          %get3A_1063 = vector.shape_cast %get3A_1062 : vector<1x16xf32> to vector<16xf32>
          %mul3A_1064 = vector.broadcast %squeeze3A_1059 : f32 to vector<16xf32>
          %mul3A_1065 = arith.mulf %get3A_1063, %mul3A_1064 : vector<16xf32>
          %get3A_1066 = arith.index_cast %add3A_1057 : i32 to index
          %get3A_1067 = arith.constant 0 : index
          %get3A_1068 = tpu.vector_load %arg12[%get3A_1066, %get3A_1067] {strides = array<i32>} : memref<128x64xf32, #tpu.memory_space<vmem>>, vector<1x16xf32>,
          %get3A_1069 = vector.shape_cast %get3A_1068 : vector<1x16xf32> to vector<16xf32>
          %add3A_1070 = arith.addf %mul3A_1065, %get3A_1069 : vector<16xf32>
          %swap3A_1071 = arith.index_cast %add3A_1057 : i32 to index
          %swap3A_1072 = arith.constant 0 : index
          %swap3A_1073 = tpu.vector_load %arg11[%swap3A_1071, %swap3A_1072] {strides = array<i32>} : memref<128x64xf32, #tpu.memory_space<vmem>>, vector<1x16xf32>,
          %swap3A_1074 = vector.shape_cast %swap3A_1073 : vector<1x16xf32> to vector<16xf32>
          %swap3A_1075 = vector.shape_cast %add3A_1070 : vector<16xf32> to vector<1x16xf32>
          tpu.vector_store %arg11[%swap3A_1071, %swap3A_1072], %swap3A_1075 {strides = array<i32>} : memref<128x64xf32, #tpu.memory_space<vmem>>, vector<1x16xf32>,
          %get3A_1076 = arith.index_cast %add3A_1057 : i32 to index
          %get3A_1077 = arith.constant 16 : index
          %get3A_1078 = tpu.vector_load %arg11[%get3A_1076, %get3A_1077] {strides = array<i32>} : memref<128x64xf32, #tpu.memory_space<vmem>>, vector<1x16xf32>,
          %get3A_1079 = vector.shape_cast %get3A_1078 : vector<1x16xf32> to vector<16xf32>
          %mul3A_1080 = vector.broadcast %squeeze3A_1059 : f32 to vector<16xf32>
          %mul3A_1081 = arith.mulf %get3A_1079, %mul3A_1080 : vector<16xf32>
          %get3A_1082 = arith.index_cast %add3A_1057 : i32 to index
          %get3A_1083 = arith.constant 16 : index
          %get3A_1084 = tpu.vector_load %arg12[%get3A_1082, %get3A_1083] {strides = array<i32>} : memref<128x64xf32, #tpu.memory_space<vmem>>, vector<1x16xf32>,
          %get3A_1085 = vector.shape_cast %get3A_1084 : vector<1x16xf32> to vector<16xf32>
          %add3A_1086 = arith.addf %mul3A_1081, %get3A_1085 : vector<16xf32>
          %swap3A_1087 = arith.index_cast %add3A_1057 : i32 to index
          %swap3A_1088 = arith.constant 16 : index
          %swap3A_1089 = tpu.vector_load %arg11[%swap3A_1087, %swap3A_1088] {strides = array<i32>} : memref<128x64xf32, #tpu.memory_space<vmem>>, vector<1x16xf32>,
          %swap3A_1090 = vector.shape_cast %swap3A_1089 : vector<1x16xf32> to vector<16xf32>
          %swap3A_1091 = vector.shape_cast %add3A_1086 : vector<16xf32> to vector<1x16xf32>
          tpu.vector_store %arg11[%swap3A_1087, %swap3A_1088], %swap3A_1091 {strides = array<i32>} : memref<128x64xf32, #tpu.memory_space<vmem>>, vector<1x16xf32>,
          %get3A_1092 = arith.index_cast %add3A_1057 : i32 to index
          %get3A_1093 = arith.constant 32 : index
          %get3A_1094 = tpu.vector_load %arg11[%get3A_1092, %get3A_1093] {strides = array<i32>} : memref<128x64xf32, #tpu.memory_space<vmem>>, vector<1x16xf32>,
          %get3A_1095 = vector.shape_cast %get3A_1094 : vector<1x16xf32> to vector<16xf32>
          %mul3A_1096 = vector.broadcast %squeeze3A_1059 : f32 to vector<16xf32>
          %mul3A_1097 = arith.mulf %get3A_1095, %mul3A_1096 : vector<16xf32>
          %get3A_1098 = arith.index_cast %add3A_1057 : i32 to index
          %get3A_1099 = arith.constant 32 : index
          %get3A_1100 = tpu.vector_load %arg12[%get3A_1098, %get3A_1099] {strides = array<i32>} : memref<128x64xf32, #tpu.memory_space<vmem>>, vector<1x16xf32>,
          %get3A_1101 = vector.shape_cast %get3A_1100 : vector<1x16xf32> to vector<16xf32>
          %add3A_1102 = arith.addf %mul3A_1097, %get3A_1101 : vector<16xf32>
          %swap3A_1103 = arith.index_cast %add3A_1057 : i32 to index
          %swap3A_1104 = arith.constant 32 : index
          %swap3A_1105 = tpu.vector_load %arg11[%swap3A_1103, %swap3A_1104] {strides = array<i32>} : memref<128x64xf32, #tpu.memory_space<vmem>>, vector<1x16xf32>,
          %swap3A_1106 = vector.shape_cast %swap3A_1105 : vector<1x16xf32> to vector<16xf32>
          %swap3A_1107 = vector.shape_cast %add3A_1102 : vector<16xf32> to vector<1x16xf32>
          tpu.vector_store %arg11[%swap3A_1103, %swap3A_1104], %swap3A_1107 {strides = array<i32>} : memref<128x64xf32, #tpu.memory_space<vmem>>, vector<1x16xf32>,
          %get3A_1108 = arith.index_cast %add3A_1057 : i32 to index
          %get3A_1109 = arith.constant 48 : index
          %get3A_1110 = tpu.vector_load %arg11[%get3A_1108, %get3A_1109] {strides = array<i32>} : memref<128x64xf32, #tpu.memory_space<vmem>>, vector<1x16xf32>,
          %get3A_1111 = vector.shape_cast %get3A_1110 : vector<1x16xf32> to vector<16xf32>
          %mul3A_1112 = vector.broadcast %squeeze3A_1059 : f32 to vector<16xf32>
          %mul3A_1113 = arith.mulf %get3A_1111, %mul3A_1112 : vector<16xf32>
          %get3A_1114 = arith.index_cast %add3A_1057 : i32 to index
          %get3A_1115 = arith.constant 48 : index
          %get3A_1116 = tpu.vector_load %arg12[%get3A_1114, %get3A_1115] {strides = array<i32>} : memref<128x64xf32, #tpu.memory_space<vmem>>, vector<1x16xf32>,
          %get3A_1117 = vector.shape_cast %get3A_1116 : vector<1x16xf32> to vector<16xf32>
          %add3A_1118 = arith.addf %mul3A_1113, %get3A_1117 : vector<16xf32>
          %swap3A_1119 = arith.index_cast %add3A_1057 : i32 to index
          %swap3A_1120 = arith.constant 48 : index
          %swap3A_1121 = tpu.vector_load %arg11[%swap3A_1119, %swap3A_1120] {strides = array<i32>} : memref<128x64xf32, #tpu.memory_space<vmem>>, vector<1x16xf32>,
          %swap3A_1122 = vector.shape_cast %swap3A_1121 : vector<1x16xf32> to vector<16xf32>
          %swap3A_1123 = vector.shape_cast %add3A_1118 : vector<16xf32> to vector<1x16xf32>
          tpu.vector_store %arg11[%swap3A_1119, %swap3A_1120], %swap3A_1123 {strides = array<i32>} : memref<128x64xf32, #tpu.memory_space<vmem>>, vector<1x16xf32>,
          %mul3A_1124 = arith.constant 16 : i32
          %mul3A_1125 = arith.muli %add3A_139, %mul3A_1124 : i32
          %add3A_1126 = arith.constant 14 : i32
          %add3A_1127 = arith.addi %mul3A_1125, %add3A_1126 : i32
          %slice3A_1128 = vector.extract_strided_slice %get3A_146 {offsets = [14], sizes = [1], strides = [1]} : vector<16xf32> to vector<1xf32>
          %squeeze3A_1129 = vector.extract %slice3A_1128[0] : f32 from vector<1xf32>
          %get3A_1130 = arith.index_cast %add3A_1127 : i32 to index
          %get3A_1131 = arith.constant 0 : index
          %get3A_1132 = tpu.vector_load %arg11[%get3A_1130, %get3A_1131] {strides = array<i32>} : memref<128x64xf32, #tpu.memory_space<vmem>>, vector<1x16xf32>,
          %get3A_1133 = vector.shape_cast %get3A_1132 : vector<1x16xf32> to vector<16xf32>
          %mul3A_1134 = vector.broadcast %squeeze3A_1129 : f32 to vector<16xf32>
          %mul3A_1135 = arith.mulf %get3A_1133, %mul3A_1134 : vector<16xf32>
          %get3A_1136 = arith.index_cast %add3A_1127 : i32 to index
          %get3A_1137 = arith.constant 0 : index
          %get3A_1138 = tpu.vector_load %arg12[%get3A_1136, %get3A_1137] {strides = array<i32>} : memref<128x64xf32, #tpu.memory_space<vmem>>, vector<1x16xf32>,
          %get3A_1139 = vector.shape_cast %get3A_1138 : vector<1x16xf32> to vector<16xf32>
          %add3A_1140 = arith.addf %mul3A_1135, %get3A_1139 : vector<16xf32>
          %swap3A_1141 = arith.index_cast %add3A_1127 : i32 to index
          %swap3A_1142 = arith.constant 0 : index
          %swap3A_1143 = tpu.vector_load %arg11[%swap3A_1141, %swap3A_1142] {strides = array<i32>} : memref<128x64xf32, #tpu.memory_space<vmem>>, vector<1x16xf32>,
          %swap3A_1144 = vector.shape_cast %swap3A_1143 : vector<1x16xf32> to vector<16xf32>
          %swap3A_1145 = vector.shape_cast %add3A_1140 : vector<16xf32> to vector<1x16xf32>
          tpu.vector_store %arg11[%swap3A_1141, %swap3A_1142], %swap3A_1145 {strides = array<i32>} : memref<128x64xf32, #tpu.memory_space<vmem>>, vector<1x16xf32>,
          %get3A_1146 = arith.index_cast %add3A_1127 : i32 to index
          %get3A_1147 = arith.constant 16 : index
          %get3A_1148 = tpu.vector_load %arg11[%get3A_1146, %get3A_1147] {strides = array<i32>} : memref<128x64xf32, #tpu.memory_space<vmem>>, vector<1x16xf32>,
          %get3A_1149 = vector.shape_cast %get3A_1148 : vector<1x16xf32> to vector<16xf32>
          %mul3A_1150 = vector.broadcast %squeeze3A_1129 : f32 to vector<16xf32>
          %mul3A_1151 = arith.mulf %get3A_1149, %mul3A_1150 : vector<16xf32>
          %get3A_1152 = arith.index_cast %add3A_1127 : i32 to index
          %get3A_1153 = arith.constant 16 : index
          %get3A_1154 = tpu.vector_load %arg12[%get3A_1152, %get3A_1153] {strides = array<i32>} : memref<128x64xf32, #tpu.memory_space<vmem>>, vector<1x16xf32>,
          %get3A_1155 = vector.shape_cast %get3A_1154 : vector<1x16xf32> to vector<16xf32>
          %add3A_1156 = arith.addf %mul3A_1151, %get3A_1155 : vector<16xf32>
          %swap3A_1157 = arith.index_cast %add3A_1127 : i32 to index
          %swap3A_1158 = arith.constant 16 : index
          %swap3A_1159 = tpu.vector_load %arg11[%swap3A_1157, %swap3A_1158] {strides = array<i32>} : memref<128x64xf32, #tpu.memory_space<vmem>>, vector<1x16xf32>,
          %swap3A_1160 = vector.shape_cast %swap3A_1159 : vector<1x16xf32> to vector<16xf32>
          %swap3A_1161 = vector.shape_cast %add3A_1156 : vector<16xf32> to vector<1x16xf32>
          tpu.vector_store %arg11[%swap3A_1157, %swap3A_1158], %swap3A_1161 {strides = array<i32>} : memref<128x64xf32, #tpu.memory_space<vmem>>, vector<1x16xf32>,
          %get3A_1162 = arith.index_cast %add3A_1127 : i32 to index
          %get3A_1163 = arith.constant 32 : index
          %get3A_1164 = tpu.vector_load %arg11[%get3A_1162, %get3A_1163] {strides = array<i32>} : memref<128x64xf32, #tpu.memory_space<vmem>>, vector<1x16xf32>,
          %get3A_1165 = vector.shape_cast %get3A_1164 : vector<1x16xf32> to vector<16xf32>
          %mul3A_1166 = vector.broadcast %squeeze3A_1129 : f32 to vector<16xf32>
          %mul3A_1167 = arith.mulf %get3A_1165, %mul3A_1166 : vector<16xf32>
          %get3A_1168 = arith.index_cast %add3A_1127 : i32 to index
          %get3A_1169 = arith.constant 32 : index
          %get3A_1170 = tpu.vector_load %arg12[%get3A_1168, %get3A_1169] {strides = array<i32>} : memref<128x64xf32, #tpu.memory_space<vmem>>, vector<1x16xf32>,
          %get3A_1171 = vector.shape_cast %get3A_1170 : vector<1x16xf32> to vector<16xf32>
          %add3A_1172 = arith.addf %mul3A_1167, %get3A_1171 : vector<16xf32>
          %swap3A_1173 = arith.index_cast %add3A_1127 : i32 to index
          %swap3A_1174 = arith.constant 32 : index
          %swap3A_1175 = tpu.vector_load %arg11[%swap3A_1173, %swap3A_1174] {strides = array<i32>} : memref<128x64xf32, #tpu.memory_space<vmem>>, vector<1x16xf32>,
          %swap3A_1176 = vector.shape_cast %swap3A_1175 : vector<1x16xf32> to vector<16xf32>
          %swap3A_1177 = vector.shape_cast %add3A_1172 : vector<16xf32> to vector<1x16xf32>
          tpu.vector_store %arg11[%swap3A_1173, %swap3A_1174], %swap3A_1177 {strides = array<i32>} : memref<128x64xf32, #tpu.memory_space<vmem>>, vector<1x16xf32>,
          %get3A_1178 = arith.index_cast %add3A_1127 : i32 to index
          %get3A_1179 = arith.constant 48 : index
          %get3A_1180 = tpu.vector_load %arg11[%get3A_1178, %get3A_1179] {strides = array<i32>} : memref<128x64xf32, #tpu.memory_space<vmem>>, vector<1x16xf32>,
          %get3A_1181 = vector.shape_cast %get3A_1180 : vector<1x16xf32> to vector<16xf32>
          %mul3A_1182 = vector.broadcast %squeeze3A_1129 : f32 to vector<16xf32>
          %mul3A_1183 = arith.mulf %get3A_1181, %mul3A_1182 : vector<16xf32>
          %get3A_1184 = arith.index_cast %add3A_1127 : i32 to index
          %get3A_1185 = arith.constant 48 : index
          %get3A_1186 = tpu.vector_load %arg12[%get3A_1184, %get3A_1185] {strides = array<i32>} : memref<128x64xf32, #tpu.memory_space<vmem>>, vector<1x16xf32>,
          %get3A_1187 = vector.shape_cast %get3A_1186 : vector<1x16xf32> to vector<16xf32>
          %add3A_1188 = arith.addf %mul3A_1183, %get3A_1187 : vector<16xf32>
          %swap3A_1189 = arith.index_cast %add3A_1127 : i32 to index
          %swap3A_1190 = arith.constant 48 : index
          %swap3A_1191 = tpu.vector_load %arg11[%swap3A_1189, %swap3A_1190] {strides = array<i32>} : memref<128x64xf32, #tpu.memory_space<vmem>>, vector<1x16xf32>,
          %swap3A_1192 = vector.shape_cast %swap3A_1191 : vector<1x16xf32> to vector<16xf32>
          %swap3A_1193 = vector.shape_cast %add3A_1188 : vector<16xf32> to vector<1x16xf32>
          tpu.vector_store %arg11[%swap3A_1189, %swap3A_1190], %swap3A_1193 {strides = array<i32>} : memref<128x64xf32, #tpu.memory_space<vmem>>, vector<1x16xf32>,
          %mul3A_1194 = arith.constant 16 : i32
          %mul3A_1195 = arith.muli %add3A_139, %mul3A_1194 : i32
          %add3A_1196 = arith.constant 15 : i32
          %add3A_1197 = arith.addi %mul3A_1195, %add3A_1196 : i32
          %slice3A_1198 = vector.extract_strided_slice %get3A_146 {offsets = [15], sizes = [1], strides = [1]} : vector<16xf32> to vector<1xf32>
          %squeeze3A_1199 = vector.extract %slice3A_1198[0] : f32 from vector<1xf32>
          %get3A_1200 = arith.index_cast %add3A_1197 : i32 to index
          %get3A_1201 = arith.constant 0 : index
          %get3A_1202 = tpu.vector_load %arg11[%get3A_1200, %get3A_1201] {strides = array<i32>} : memref<128x64xf32, #tpu.memory_space<vmem>>, vector<1x16xf32>,
          %get3A_1203 = vector.shape_cast %get3A_1202 : vector<1x16xf32> to vector<16xf32>
          %mul3A_1204 = vector.broadcast %squeeze3A_1199 : f32 to vector<16xf32>
          %mul3A_1205 = arith.mulf %get3A_1203, %mul3A_1204 : vector<16xf32>
          %get3A_1206 = arith.index_cast %add3A_1197 : i32 to index
          %get3A_1207 = arith.constant 0 : index
          %get3A_1208 = tpu.vector_load %arg12[%get3A_1206, %get3A_1207] {strides = array<i32>} : memref<128x64xf32, #tpu.memory_space<vmem>>, vector<1x16xf32>,
          %get3A_1209 = vector.shape_cast %get3A_1208 : vector<1x16xf32> to vector<16xf32>
          %add3A_1210 = arith.addf %mul3A_1205, %get3A_1209 : vector<16xf32>
          %swap3A_1211 = arith.index_cast %add3A_1197 : i32 to index
          %swap3A_1212 = arith.constant 0 : index
          %swap3A_1213 = tpu.vector_load %arg11[%swap3A_1211, %swap3A_1212] {strides = array<i32>} : memref<128x64xf32, #tpu.memory_space<vmem>>, vector<1x16xf32>,
          %swap3A_1214 = vector.shape_cast %swap3A_1213 : vector<1x16xf32> to vector<16xf32>
          %swap3A_1215 = vector.shape_cast %add3A_1210 : vector<16xf32> to vector<1x16xf32>
          tpu.vector_store %arg11[%swap3A_1211, %swap3A_1212], %swap3A_1215 {strides = array<i32>} : memref<128x64xf32, #tpu.memory_space<vmem>>, vector<1x16xf32>,
          %get3A_1216 = arith.index_cast %add3A_1197 : i32 to index
          %get3A_1217 = arith.constant 16 : index
          %get3A_1218 = tpu.vector_load %arg11[%get3A_1216, %get3A_1217] {strides = array<i32>} : memref<128x64xf32, #tpu.memory_space<vmem>>, vector<1x16xf32>,
          %get3A_1219 = vector.shape_cast %get3A_1218 : vector<1x16xf32> to vector<16xf32>
          %mul3A_1220 = vector.broadcast %squeeze3A_1199 : f32 to vector<16xf32>
          %mul3A_1221 = arith.mulf %get3A_1219, %mul3A_1220 : vector<16xf32>
          %get3A_1222 = arith.index_cast %add3A_1197 : i32 to index
          %get3A_1223 = arith.constant 16 : index
          %get3A_1224 = tpu.vector_load %arg12[%get3A_1222, %get3A_1223] {strides = array<i32>} : memref<128x64xf32, #tpu.memory_space<vmem>>, vector<1x16xf32>,
          %get3A_1225 = vector.shape_cast %get3A_1224 : vector<1x16xf32> to vector<16xf32>
          %add3A_1226 = arith.addf %mul3A_1221, %get3A_1225 : vector<16xf32>
          %swap3A_1227 = arith.index_cast %add3A_1197 : i32 to index
          %swap3A_1228 = arith.constant 16 : index
          %swap3A_1229 = tpu.vector_load %arg11[%swap3A_1227, %swap3A_1228] {strides = array<i32>} : memref<128x64xf32, #tpu.memory_space<vmem>>, vector<1x16xf32>,
          %swap3A_1230 = vector.shape_cast %swap3A_1229 : vector<1x16xf32> to vector<16xf32>
          %swap3A_1231 = vector.shape_cast %add3A_1226 : vector<16xf32> to vector<1x16xf32>
          tpu.vector_store %arg11[%swap3A_1227, %swap3A_1228], %swap3A_1231 {strides = array<i32>} : memref<128x64xf32, #tpu.memory_space<vmem>>, vector<1x16xf32>,
          %get3A_1232 = arith.index_cast %add3A_1197 : i32 to index
          %get3A_1233 = arith.constant 32 : index
          %get3A_1234 = tpu.vector_load %arg11[%get3A_1232, %get3A_1233] {strides = array<i32>} : memref<128x64xf32, #tpu.memory_space<vmem>>, vector<1x16xf32>,
          %get3A_1235 = vector.shape_cast %get3A_1234 : vector<1x16xf32> to vector<16xf32>
          %mul3A_1236 = vector.broadcast %squeeze3A_1199 : f32 to vector<16xf32>
          %mul3A_1237 = arith.mulf %get3A_1235, %mul3A_1236 : vector<16xf32>
          %get3A_1238 = arith.index_cast %add3A_1197 : i32 to index
          %get3A_1239 = arith.constant 32 : index
          %get3A_1240 = tpu.vector_load %arg12[%get3A_1238, %get3A_1239] {strides = array<i32>} : memref<128x64xf32, #tpu.memory_space<vmem>>, vector<1x16xf32>,
          %get3A_1241 = vector.shape_cast %get3A_1240 : vector<1x16xf32> to vector<16xf32>
          %add3A_1242 = arith.addf %mul3A_1237, %get3A_1241 : vector<16xf32>
          %swap3A_1243 = arith.index_cast %add3A_1197 : i32 to index
          %swap3A_1244 = arith.constant 32 : index
          %swap3A_1245 = tpu.vector_load %arg11[%swap3A_1243, %swap3A_1244] {strides = array<i32>} : memref<128x64xf32, #tpu.memory_space<vmem>>, vector<1x16xf32>,
          %swap3A_1246 = vector.shape_cast %swap3A_1245 : vector<1x16xf32> to vector<16xf32>
          %swap3A_1247 = vector.shape_cast %add3A_1242 : vector<16xf32> to vector<1x16xf32>
          tpu.vector_store %arg11[%swap3A_1243, %swap3A_1244], %swap3A_1247 {strides = array<i32>} : memref<128x64xf32, #tpu.memory_space<vmem>>, vector<1x16xf32>,
          %get3A_1248 = arith.index_cast %add3A_1197 : i32 to index
          %get3A_1249 = arith.constant 48 : index
          %get3A_1250 = tpu.vector_load %arg11[%get3A_1248, %get3A_1249] {strides = array<i32>} : memref<128x64xf32, #tpu.memory_space<vmem>>, vector<1x16xf32>,
          %get3A_1251 = vector.shape_cast %get3A_1250 : vector<1x16xf32> to vector<16xf32>
          %mul3A_1252 = vector.broadcast %squeeze3A_1199 : f32 to vector<16xf32>
          %mul3A_1253 = arith.mulf %get3A_1251, %mul3A_1252 : vector<16xf32>
          %get3A_1254 = arith.index_cast %add3A_1197 : i32 to index
          %get3A_1255 = arith.constant 48 : index
          %get3A_1256 = tpu.vector_load %arg12[%get3A_1254, %get3A_1255] {strides = array<i32>} : memref<128x64xf32, #tpu.memory_space<vmem>>, vector<1x16xf32>,
          %get3A_1257 = vector.shape_cast %get3A_1256 : vector<1x16xf32> to vector<16xf32>
          %add3A_1258 = arith.addf %mul3A_1253, %get3A_1257 : vector<16xf32>
          %swap3A_1259 = arith.index_cast %add3A_1197 : i32 to index
          %swap3A_1260 = arith.constant 48 : index
          %swap3A_1261 = tpu.vector_load %arg11[%swap3A_1259, %swap3A_1260] {strides = array<i32>} : memref<128x64xf32, #tpu.memory_space<vmem>>, vector<1x16xf32>,
          %swap3A_1262 = vector.shape_cast %swap3A_1261 : vector<1x16xf32> to vector<16xf32>
          %swap3A_1263 = vector.shape_cast %add3A_1258 : vector<16xf32> to vector<1x16xf32>
          tpu.vector_store %arg11[%swap3A_1259, %swap3A_1260], %swap3A_1263 {strides = array<i32>} : memref<128x64xf32, #tpu.memory_space<vmem>>, vector<1x16xf32>,
        }
        %scan3A_131 = arith.constant 8 : i32
        %mul3A_132 = arith.constant 128 : i32
        %mul3A_133 = arith.muli %add3A_120, %mul3A_132 : i32
        %add3A_134 = arith.addi %add3A, %mul3A_133 : i32
        "tpu.region"() ({
          %run_scoped3A_135 = tpu.sem_alloc : memref<!tpu.dma_semaphore, #tpu.memory_space<semaphore_mem>>
          %dma_start3A_136 = arith.constant 0 : i32
          %dma_start3A_137 = tpu.memref_slice %arg7[%add3A_134, %dma_start3A_136] : memref<20480x64xf32, #tpu.memory_space<hbm>> -> memref<128x64xf32, #tpu.memory_space<hbm>>
          %dma_start3A_138 = arith.constant 0 : i32
          %dma_start3A_139 = tpu.memref_slice %arg7[%add3A_134, %dma_start3A_138] : memref<20480x64xf32, #tpu.memory_space<hbm>> -> memref<128x64xf32, #tpu.memory_space<hbm>>
          tpu.enqueue_dma source(%arg11 : memref<128x64xf32, #tpu.memory_space<vmem>>) target(%dma_start3A_139 : memref<128x64xf32, #tpu.memory_space<hbm>>) target_semaphore(%run_scoped3A_135 : memref<!tpu.dma_semaphore, #tpu.memory_space<semaphore_mem>>)
          %dma_wait3A_140 = arith.constant 0 : i32
          %dma_wait3A_141 = tpu.memref_slice %arg7[%add3A_134, %dma_wait3A_140] : memref<20480x64xf32, #tpu.memory_space<hbm>> -> memref<128x64xf32, #tpu.memory_space<hbm>>
          %dma_wait3A_142 = arith.constant 0 : i32
          %dma_wait3A_143 = tpu.memref_slice %arg7[%add3A_134, %dma_wait3A_142] : memref<20480x64xf32, #tpu.memory_space<hbm>> -> memref<128x64xf32, #tpu.memory_space<hbm>>
          tpu.wait_dma2 semaphore(%run_scoped3A_135 : memref<!tpu.dma_semaphore, #tpu.memory_space<semaphore_mem>>) src(%arg11 : memref<128x64xf32, #tpu.memory_space<vmem>>) dst(%dma_wait3A_143 : memref<128x64xf32, #tpu.memory_space<hbm>>)
          tpu.yield
        }) : () -> ()
      }
      %scan3A_114 = arith.constant 5 : i32
      %barrier3A_115 = arith.constant 0 : index
      tpu.barrier barrier_id(%barrier3A_115)
    }
    %scan3A_38 = arith.constant 10 : i32
    return
  }
}

#map = affine_map<(d0, d1) -> (0, 0)>
#map1 = affine_map<(d0, d1) -> (0)>
#map2 = affine_map<(d0, d1) -> (0, 0, 0)>
module attributes {stable_mosaic.version = 14 : i64} {
  func.func @_prop_body(%arg0: i32, %arg1: i32, %arg2: memref<20480x32xf32, #tpu.memory_space<hbm>>, %arg3: memref<20480x32xf32, #tpu.memory_space<hbm>>, %arg4: memref<10240xf32, #tpu.memory_space<hbm>>, %arg5: memref<16x42x256xi32, #tpu.memory_space<hbm>>, %arg6: memref<16x42x256xi32, #tpu.memory_space<hbm>>, %arg7: memref<20480x32xf32, #tpu.memory_space<hbm>>, %arg8: memref<42x256xi32, #tpu.memory_space<vmem>>, %arg9: memref<42x256xi32, #tpu.memory_space<vmem>>, %arg10: memref<2x256x32xf32, #tpu.memory_space<vmem>>, %arg11: memref<128x32xf32, #tpu.memory_space<vmem>>, %arg12: memref<128x32xf32, #tpu.memory_space<vmem>>, %arg13: memref<128x32xf32, #tpu.memory_space<vmem>>, %arg14: memref<640xf32, #tpu.memory_space<vmem>>, %arg15: memref<10240x32xf32, #tpu.memory_space<vmem_shared>>, %arg16: memref<!tpu.dma_semaphore, #tpu.memory_space<semaphore_mem>>, %arg17: memref<!tpu.dma_semaphore, #tpu.memory_space<semaphore_mem>>) attributes {dimension_semantics = [#tpu.dimension_semantics<core_parallel>, #tpu.dimension_semantics<subcore_parallel>], iteration_bounds = array<i64: 2, 16>, scalar_prefetch = 0 : i64, scratch_operands = 10 : i64, tpu.core_type = #tpu.core_type<sc_vector_subcore>, window_params = [{transform_indices = #map}, {transform_indices = #map}, {transform_indices = #map1}, {transform_indices = #map2}, {transform_indices = #map2}, {transform_indices = #map}]} {
    %mul3A = arith.constant 640 : i32
    %mul3A_0 = arith.muli %arg1, %mul3A : i32
    %mul3A_1 = arith.constant 10240 : i32
    %mul3A_2 = arith.muli %arg0, %mul3A_1 : i32
    %add3A = arith.addi %mul3A_2, %mul3A_0 : i32
    "tpu.region"() ({
      %run_scoped3A = tpu.sem_alloc : memref<!tpu.dma_semaphore, #tpu.memory_space<semaphore_mem>>
      %dma_start3A = arith.constant 0 : i32
      %dma_start3A_39 = arith.constant 0 : i32
      %dma_start3A_40 = tpu.memref_slice %arg5[%arg1, %dma_start3A, %dma_start3A_39] : memref<16x42x256xi32, #tpu.memory_space<hbm>> -> memref<1x42x256xi32, #tpu.memory_space<hbm>>
      %dma_start3A_41 = tpu.memref_squeeze %dma_start3A_40 : memref<1x42x256xi32, #tpu.memory_space<hbm>> -> memref<42x256xi32, #tpu.memory_space<hbm>>
      %dma_start3A_42 = arith.constant 0 : i32
      %dma_start3A_43 = arith.constant 0 : i32
      %dma_start3A_44 = tpu.memref_slice %arg5[%arg1, %dma_start3A_42, %dma_start3A_43] : memref<16x42x256xi32, #tpu.memory_space<hbm>> -> memref<1x42x256xi32, #tpu.memory_space<hbm>>
      %dma_start3A_45 = tpu.memref_squeeze %dma_start3A_44 : memref<1x42x256xi32, #tpu.memory_space<hbm>> -> memref<42x256xi32, #tpu.memory_space<hbm>>
      tpu.enqueue_dma source(%dma_start3A_45 : memref<42x256xi32, #tpu.memory_space<hbm>>) target(%arg8 : memref<42x256xi32, #tpu.memory_space<vmem>>) target_semaphore(%run_scoped3A : memref<!tpu.dma_semaphore, #tpu.memory_space<semaphore_mem>>)
      %dma_wait3A = arith.constant 0 : i32
      %dma_wait3A_46 = arith.constant 0 : i32
      %dma_wait3A_47 = tpu.memref_slice %arg5[%arg1, %dma_wait3A, %dma_wait3A_46] : memref<16x42x256xi32, #tpu.memory_space<hbm>> -> memref<1x42x256xi32, #tpu.memory_space<hbm>>
      %dma_wait3A_48 = tpu.memref_squeeze %dma_wait3A_47 : memref<1x42x256xi32, #tpu.memory_space<hbm>> -> memref<42x256xi32, #tpu.memory_space<hbm>>
      %dma_wait3A_49 = arith.constant 0 : i32
      %dma_wait3A_50 = arith.constant 0 : i32
      %dma_wait3A_51 = tpu.memref_slice %arg5[%arg1, %dma_wait3A_49, %dma_wait3A_50] : memref<16x42x256xi32, #tpu.memory_space<hbm>> -> memref<1x42x256xi32, #tpu.memory_space<hbm>>
      %dma_wait3A_52 = tpu.memref_squeeze %dma_wait3A_51 : memref<1x42x256xi32, #tpu.memory_space<hbm>> -> memref<42x256xi32, #tpu.memory_space<hbm>>
      tpu.wait_dma2 semaphore(%run_scoped3A : memref<!tpu.dma_semaphore, #tpu.memory_space<semaphore_mem>>) src(%dma_wait3A_52 : memref<42x256xi32, #tpu.memory_space<hbm>>) dst(%arg8 : memref<42x256xi32, #tpu.memory_space<vmem>>)
      tpu.yield
    }) : () -> ()
    "tpu.region"() ({
      %run_scoped3A = tpu.sem_alloc : memref<!tpu.dma_semaphore, #tpu.memory_space<semaphore_mem>>
      %dma_start3A = arith.constant 0 : i32
      %dma_start3A_39 = arith.constant 0 : i32
      %dma_start3A_40 = tpu.memref_slice %arg6[%arg1, %dma_start3A, %dma_start3A_39] : memref<16x42x256xi32, #tpu.memory_space<hbm>> -> memref<1x42x256xi32, #tpu.memory_space<hbm>>
      %dma_start3A_41 = tpu.memref_squeeze %dma_start3A_40 : memref<1x42x256xi32, #tpu.memory_space<hbm>> -> memref<42x256xi32, #tpu.memory_space<hbm>>
      %dma_start3A_42 = arith.constant 0 : i32
      %dma_start3A_43 = arith.constant 0 : i32
      %dma_start3A_44 = tpu.memref_slice %arg6[%arg1, %dma_start3A_42, %dma_start3A_43] : memref<16x42x256xi32, #tpu.memory_space<hbm>> -> memref<1x42x256xi32, #tpu.memory_space<hbm>>
      %dma_start3A_45 = tpu.memref_squeeze %dma_start3A_44 : memref<1x42x256xi32, #tpu.memory_space<hbm>> -> memref<42x256xi32, #tpu.memory_space<hbm>>
      tpu.enqueue_dma source(%dma_start3A_45 : memref<42x256xi32, #tpu.memory_space<hbm>>) target(%arg9 : memref<42x256xi32, #tpu.memory_space<vmem>>) target_semaphore(%run_scoped3A : memref<!tpu.dma_semaphore, #tpu.memory_space<semaphore_mem>>)
      %dma_wait3A = arith.constant 0 : i32
      %dma_wait3A_46 = arith.constant 0 : i32
      %dma_wait3A_47 = tpu.memref_slice %arg6[%arg1, %dma_wait3A, %dma_wait3A_46] : memref<16x42x256xi32, #tpu.memory_space<hbm>> -> memref<1x42x256xi32, #tpu.memory_space<hbm>>
      %dma_wait3A_48 = tpu.memref_squeeze %dma_wait3A_47 : memref<1x42x256xi32, #tpu.memory_space<hbm>> -> memref<42x256xi32, #tpu.memory_space<hbm>>
      %dma_wait3A_49 = arith.constant 0 : i32
      %dma_wait3A_50 = arith.constant 0 : i32
      %dma_wait3A_51 = tpu.memref_slice %arg6[%arg1, %dma_wait3A_49, %dma_wait3A_50] : memref<16x42x256xi32, #tpu.memory_space<hbm>> -> memref<1x42x256xi32, #tpu.memory_space<hbm>>
      %dma_wait3A_52 = tpu.memref_squeeze %dma_wait3A_51 : memref<1x42x256xi32, #tpu.memory_space<hbm>> -> memref<42x256xi32, #tpu.memory_space<hbm>>
      tpu.wait_dma2 semaphore(%run_scoped3A : memref<!tpu.dma_semaphore, #tpu.memory_space<semaphore_mem>>) src(%dma_wait3A_52 : memref<42x256xi32, #tpu.memory_space<hbm>>) dst(%arg9 : memref<42x256xi32, #tpu.memory_space<vmem>>)
      tpu.yield
    }) : () -> ()
    "tpu.region"() ({
      %run_scoped3A = tpu.sem_alloc : memref<!tpu.dma_semaphore, #tpu.memory_space<semaphore_mem>>
      %dma_start3A = tpu.memref_slice %arg4[%mul3A_0] : memref<10240xf32, #tpu.memory_space<hbm>> -> memref<640xf32, #tpu.memory_space<hbm>>
      %dma_start3A_39 = tpu.memref_slice %arg4[%mul3A_0] : memref<10240xf32, #tpu.memory_space<hbm>> -> memref<640xf32, #tpu.memory_space<hbm>>
      tpu.enqueue_dma source(%dma_start3A_39 : memref<640xf32, #tpu.memory_space<hbm>>) target(%arg14 : memref<640xf32, #tpu.memory_space<vmem>>) target_semaphore(%run_scoped3A : memref<!tpu.dma_semaphore, #tpu.memory_space<semaphore_mem>>)
      %dma_wait3A = tpu.memref_slice %arg4[%mul3A_0] : memref<10240xf32, #tpu.memory_space<hbm>> -> memref<640xf32, #tpu.memory_space<hbm>>
      %dma_wait3A_40 = tpu.memref_slice %arg4[%mul3A_0] : memref<10240xf32, #tpu.memory_space<hbm>> -> memref<640xf32, #tpu.memory_space<hbm>>
      tpu.wait_dma2 semaphore(%run_scoped3A : memref<!tpu.dma_semaphore, #tpu.memory_space<semaphore_mem>>) src(%dma_wait3A_40 : memref<640xf32, #tpu.memory_space<hbm>>) dst(%arg14 : memref<640xf32, #tpu.memory_space<vmem>>)
      tpu.yield
    }) : () -> ()
    %mul3A_3 = arith.constant 10240 : i32
    %mul3A_4 = arith.muli %arg0, %mul3A_3 : i32
    %scan3A = arith.constant 0 : i32
    %scan3A_5 = arith.constant 42 : i32
    %scan3A_6 = arith.addi %scan3A, %scan3A_5 : i32
    %scan3A_7 = arith.constant 1 : i32
    scf.for %scan3A_39 = %scan3A to %scan3A_6 step %scan3A_7  : i32 {
      %mul3A_40 = arith.constant 1 : i32
      %mul3A_41 = arith.muli %scan3A_39, %mul3A_40 : i32
      %add3A_42 = arith.constant 0 : i32
      %add3A_43 = arith.addi %add3A_42, %mul3A_41 : i32
      %get3A = arith.index_cast %add3A_43 : i32 to index
      %get3A_44 = arith.constant 0 : index
      %get3A_45 = tpu.vector_load %arg8[%get3A, %get3A_44] {strides = array<i32>} : memref<42x256xi32, #tpu.memory_space<vmem>>, vector<1x16xi32>,
      %get3A_46 = vector.shape_cast %get3A_45 : vector<1x16xi32> to vector<16xi32>
      %add3A_47 = vector.broadcast %mul3A_4 : i32 to vector<16xi32>
      %add3A_48 = arith.addi %get3A_46, %add3A_47 : vector<16xi32>
      %swap3A = arith.index_cast %add3A_43 : i32 to index
      %swap3A_49 = arith.constant 0 : index
      %swap3A_50 = tpu.vector_load %arg8[%swap3A, %swap3A_49] {strides = array<i32>} : memref<42x256xi32, #tpu.memory_space<vmem>>, vector<1x16xi32>,
      %swap3A_51 = vector.shape_cast %swap3A_50 : vector<1x16xi32> to vector<16xi32>
      %swap3A_52 = vector.shape_cast %add3A_48 : vector<16xi32> to vector<1x16xi32>
      tpu.vector_store %arg8[%swap3A, %swap3A_49], %swap3A_52 {strides = array<i32>} : memref<42x256xi32, #tpu.memory_space<vmem>>, vector<1x16xi32>,
      %get3A_53 = arith.index_cast %add3A_43 : i32 to index
      %get3A_54 = arith.constant 16 : index
      %get3A_55 = tpu.vector_load %arg8[%get3A_53, %get3A_54] {strides = array<i32>} : memref<42x256xi32, #tpu.memory_space<vmem>>, vector<1x16xi32>,
      %get3A_56 = vector.shape_cast %get3A_55 : vector<1x16xi32> to vector<16xi32>
      %add3A_57 = vector.broadcast %mul3A_4 : i32 to vector<16xi32>
      %add3A_58 = arith.addi %get3A_56, %add3A_57 : vector<16xi32>
      %swap3A_59 = arith.index_cast %add3A_43 : i32 to index
      %swap3A_60 = arith.constant 16 : index
      %swap3A_61 = tpu.vector_load %arg8[%swap3A_59, %swap3A_60] {strides = array<i32>} : memref<42x256xi32, #tpu.memory_space<vmem>>, vector<1x16xi32>,
      %swap3A_62 = vector.shape_cast %swap3A_61 : vector<1x16xi32> to vector<16xi32>
      %swap3A_63 = vector.shape_cast %add3A_58 : vector<16xi32> to vector<1x16xi32>
      tpu.vector_store %arg8[%swap3A_59, %swap3A_60], %swap3A_63 {strides = array<i32>} : memref<42x256xi32, #tpu.memory_space<vmem>>, vector<1x16xi32>,
      %get3A_64 = arith.index_cast %add3A_43 : i32 to index
      %get3A_65 = arith.constant 32 : index
      %get3A_66 = tpu.vector_load %arg8[%get3A_64, %get3A_65] {strides = array<i32>} : memref<42x256xi32, #tpu.memory_space<vmem>>, vector<1x16xi32>,
      %get3A_67 = vector.shape_cast %get3A_66 : vector<1x16xi32> to vector<16xi32>
      %add3A_68 = vector.broadcast %mul3A_4 : i32 to vector<16xi32>
      %add3A_69 = arith.addi %get3A_67, %add3A_68 : vector<16xi32>
      %swap3A_70 = arith.index_cast %add3A_43 : i32 to index
      %swap3A_71 = arith.constant 32 : index
      %swap3A_72 = tpu.vector_load %arg8[%swap3A_70, %swap3A_71] {strides = array<i32>} : memref<42x256xi32, #tpu.memory_space<vmem>>, vector<1x16xi32>,
      %swap3A_73 = vector.shape_cast %swap3A_72 : vector<1x16xi32> to vector<16xi32>
      %swap3A_74 = vector.shape_cast %add3A_69 : vector<16xi32> to vector<1x16xi32>
      tpu.vector_store %arg8[%swap3A_70, %swap3A_71], %swap3A_74 {strides = array<i32>} : memref<42x256xi32, #tpu.memory_space<vmem>>, vector<1x16xi32>,
      %get3A_75 = arith.index_cast %add3A_43 : i32 to index
      %get3A_76 = arith.constant 48 : index
      %get3A_77 = tpu.vector_load %arg8[%get3A_75, %get3A_76] {strides = array<i32>} : memref<42x256xi32, #tpu.memory_space<vmem>>, vector<1x16xi32>,
      %get3A_78 = vector.shape_cast %get3A_77 : vector<1x16xi32> to vector<16xi32>
      %add3A_79 = vector.broadcast %mul3A_4 : i32 to vector<16xi32>
      %add3A_80 = arith.addi %get3A_78, %add3A_79 : vector<16xi32>
      %swap3A_81 = arith.index_cast %add3A_43 : i32 to index
      %swap3A_82 = arith.constant 48 : index
      %swap3A_83 = tpu.vector_load %arg8[%swap3A_81, %swap3A_82] {strides = array<i32>} : memref<42x256xi32, #tpu.memory_space<vmem>>, vector<1x16xi32>,
      %swap3A_84 = vector.shape_cast %swap3A_83 : vector<1x16xi32> to vector<16xi32>
      %swap3A_85 = vector.shape_cast %add3A_80 : vector<16xi32> to vector<1x16xi32>
      tpu.vector_store %arg8[%swap3A_81, %swap3A_82], %swap3A_85 {strides = array<i32>} : memref<42x256xi32, #tpu.memory_space<vmem>>, vector<1x16xi32>,
      %get3A_86 = arith.index_cast %add3A_43 : i32 to index
      %get3A_87 = arith.constant 64 : index
      %get3A_88 = tpu.vector_load %arg8[%get3A_86, %get3A_87] {strides = array<i32>} : memref<42x256xi32, #tpu.memory_space<vmem>>, vector<1x16xi32>,
      %get3A_89 = vector.shape_cast %get3A_88 : vector<1x16xi32> to vector<16xi32>
      %add3A_90 = vector.broadcast %mul3A_4 : i32 to vector<16xi32>
      %add3A_91 = arith.addi %get3A_89, %add3A_90 : vector<16xi32>
      %swap3A_92 = arith.index_cast %add3A_43 : i32 to index
      %swap3A_93 = arith.constant 64 : index
      %swap3A_94 = tpu.vector_load %arg8[%swap3A_92, %swap3A_93] {strides = array<i32>} : memref<42x256xi32, #tpu.memory_space<vmem>>, vector<1x16xi32>,
      %swap3A_95 = vector.shape_cast %swap3A_94 : vector<1x16xi32> to vector<16xi32>
      %swap3A_96 = vector.shape_cast %add3A_91 : vector<16xi32> to vector<1x16xi32>
      tpu.vector_store %arg8[%swap3A_92, %swap3A_93], %swap3A_96 {strides = array<i32>} : memref<42x256xi32, #tpu.memory_space<vmem>>, vector<1x16xi32>,
      %get3A_97 = arith.index_cast %add3A_43 : i32 to index
      %get3A_98 = arith.constant 80 : index
      %get3A_99 = tpu.vector_load %arg8[%get3A_97, %get3A_98] {strides = array<i32>} : memref<42x256xi32, #tpu.memory_space<vmem>>, vector<1x16xi32>,
      %get3A_100 = vector.shape_cast %get3A_99 : vector<1x16xi32> to vector<16xi32>
      %add3A_101 = vector.broadcast %mul3A_4 : i32 to vector<16xi32>
      %add3A_102 = arith.addi %get3A_100, %add3A_101 : vector<16xi32>
      %swap3A_103 = arith.index_cast %add3A_43 : i32 to index
      %swap3A_104 = arith.constant 80 : index
      %swap3A_105 = tpu.vector_load %arg8[%swap3A_103, %swap3A_104] {strides = array<i32>} : memref<42x256xi32, #tpu.memory_space<vmem>>, vector<1x16xi32>,
      %swap3A_106 = vector.shape_cast %swap3A_105 : vector<1x16xi32> to vector<16xi32>
      %swap3A_107 = vector.shape_cast %add3A_102 : vector<16xi32> to vector<1x16xi32>
      tpu.vector_store %arg8[%swap3A_103, %swap3A_104], %swap3A_107 {strides = array<i32>} : memref<42x256xi32, #tpu.memory_space<vmem>>, vector<1x16xi32>,
      %get3A_108 = arith.index_cast %add3A_43 : i32 to index
      %get3A_109 = arith.constant 96 : index
      %get3A_110 = tpu.vector_load %arg8[%get3A_108, %get3A_109] {strides = array<i32>} : memref<42x256xi32, #tpu.memory_space<vmem>>, vector<1x16xi32>,
      %get3A_111 = vector.shape_cast %get3A_110 : vector<1x16xi32> to vector<16xi32>
      %add3A_112 = vector.broadcast %mul3A_4 : i32 to vector<16xi32>
      %add3A_113 = arith.addi %get3A_111, %add3A_112 : vector<16xi32>
      %swap3A_114 = arith.index_cast %add3A_43 : i32 to index
      %swap3A_115 = arith.constant 96 : index
      %swap3A_116 = tpu.vector_load %arg8[%swap3A_114, %swap3A_115] {strides = array<i32>} : memref<42x256xi32, #tpu.memory_space<vmem>>, vector<1x16xi32>,
      %swap3A_117 = vector.shape_cast %swap3A_116 : vector<1x16xi32> to vector<16xi32>
      %swap3A_118 = vector.shape_cast %add3A_113 : vector<16xi32> to vector<1x16xi32>
      tpu.vector_store %arg8[%swap3A_114, %swap3A_115], %swap3A_118 {strides = array<i32>} : memref<42x256xi32, #tpu.memory_space<vmem>>, vector<1x16xi32>,
      %get3A_119 = arith.index_cast %add3A_43 : i32 to index
      %get3A_120 = arith.constant 112 : index
      %get3A_121 = tpu.vector_load %arg8[%get3A_119, %get3A_120] {strides = array<i32>} : memref<42x256xi32, #tpu.memory_space<vmem>>, vector<1x16xi32>,
      %get3A_122 = vector.shape_cast %get3A_121 : vector<1x16xi32> to vector<16xi32>
      %add3A_123 = vector.broadcast %mul3A_4 : i32 to vector<16xi32>
      %add3A_124 = arith.addi %get3A_122, %add3A_123 : vector<16xi32>
      %swap3A_125 = arith.index_cast %add3A_43 : i32 to index
      %swap3A_126 = arith.constant 112 : index
      %swap3A_127 = tpu.vector_load %arg8[%swap3A_125, %swap3A_126] {strides = array<i32>} : memref<42x256xi32, #tpu.memory_space<vmem>>, vector<1x16xi32>,
      %swap3A_128 = vector.shape_cast %swap3A_127 : vector<1x16xi32> to vector<16xi32>
      %swap3A_129 = vector.shape_cast %add3A_124 : vector<16xi32> to vector<1x16xi32>
      tpu.vector_store %arg8[%swap3A_125, %swap3A_126], %swap3A_129 {strides = array<i32>} : memref<42x256xi32, #tpu.memory_space<vmem>>, vector<1x16xi32>,
      %get3A_130 = arith.index_cast %add3A_43 : i32 to index
      %get3A_131 = arith.constant 128 : index
      %get3A_132 = tpu.vector_load %arg8[%get3A_130, %get3A_131] {strides = array<i32>} : memref<42x256xi32, #tpu.memory_space<vmem>>, vector<1x16xi32>,
      %get3A_133 = vector.shape_cast %get3A_132 : vector<1x16xi32> to vector<16xi32>
      %add3A_134 = vector.broadcast %mul3A_4 : i32 to vector<16xi32>
      %add3A_135 = arith.addi %get3A_133, %add3A_134 : vector<16xi32>
      %swap3A_136 = arith.index_cast %add3A_43 : i32 to index
      %swap3A_137 = arith.constant 128 : index
      %swap3A_138 = tpu.vector_load %arg8[%swap3A_136, %swap3A_137] {strides = array<i32>} : memref<42x256xi32, #tpu.memory_space<vmem>>, vector<1x16xi32>,
      %swap3A_139 = vector.shape_cast %swap3A_138 : vector<1x16xi32> to vector<16xi32>
      %swap3A_140 = vector.shape_cast %add3A_135 : vector<16xi32> to vector<1x16xi32>
      tpu.vector_store %arg8[%swap3A_136, %swap3A_137], %swap3A_140 {strides = array<i32>} : memref<42x256xi32, #tpu.memory_space<vmem>>, vector<1x16xi32>,
      %get3A_141 = arith.index_cast %add3A_43 : i32 to index
      %get3A_142 = arith.constant 144 : index
      %get3A_143 = tpu.vector_load %arg8[%get3A_141, %get3A_142] {strides = array<i32>} : memref<42x256xi32, #tpu.memory_space<vmem>>, vector<1x16xi32>,
      %get3A_144 = vector.shape_cast %get3A_143 : vector<1x16xi32> to vector<16xi32>
      %add3A_145 = vector.broadcast %mul3A_4 : i32 to vector<16xi32>
      %add3A_146 = arith.addi %get3A_144, %add3A_145 : vector<16xi32>
      %swap3A_147 = arith.index_cast %add3A_43 : i32 to index
      %swap3A_148 = arith.constant 144 : index
      %swap3A_149 = tpu.vector_load %arg8[%swap3A_147, %swap3A_148] {strides = array<i32>} : memref<42x256xi32, #tpu.memory_space<vmem>>, vector<1x16xi32>,
      %swap3A_150 = vector.shape_cast %swap3A_149 : vector<1x16xi32> to vector<16xi32>
      %swap3A_151 = vector.shape_cast %add3A_146 : vector<16xi32> to vector<1x16xi32>
      tpu.vector_store %arg8[%swap3A_147, %swap3A_148], %swap3A_151 {strides = array<i32>} : memref<42x256xi32, #tpu.memory_space<vmem>>, vector<1x16xi32>,
      %get3A_152 = arith.index_cast %add3A_43 : i32 to index
      %get3A_153 = arith.constant 160 : index
      %get3A_154 = tpu.vector_load %arg8[%get3A_152, %get3A_153] {strides = array<i32>} : memref<42x256xi32, #tpu.memory_space<vmem>>, vector<1x16xi32>,
      %get3A_155 = vector.shape_cast %get3A_154 : vector<1x16xi32> to vector<16xi32>
      %add3A_156 = vector.broadcast %mul3A_4 : i32 to vector<16xi32>
      %add3A_157 = arith.addi %get3A_155, %add3A_156 : vector<16xi32>
      %swap3A_158 = arith.index_cast %add3A_43 : i32 to index
      %swap3A_159 = arith.constant 160 : index
      %swap3A_160 = tpu.vector_load %arg8[%swap3A_158, %swap3A_159] {strides = array<i32>} : memref<42x256xi32, #tpu.memory_space<vmem>>, vector<1x16xi32>,
      %swap3A_161 = vector.shape_cast %swap3A_160 : vector<1x16xi32> to vector<16xi32>
      %swap3A_162 = vector.shape_cast %add3A_157 : vector<16xi32> to vector<1x16xi32>
      tpu.vector_store %arg8[%swap3A_158, %swap3A_159], %swap3A_162 {strides = array<i32>} : memref<42x256xi32, #tpu.memory_space<vmem>>, vector<1x16xi32>,
      %get3A_163 = arith.index_cast %add3A_43 : i32 to index
      %get3A_164 = arith.constant 176 : index
      %get3A_165 = tpu.vector_load %arg8[%get3A_163, %get3A_164] {strides = array<i32>} : memref<42x256xi32, #tpu.memory_space<vmem>>, vector<1x16xi32>,
      %get3A_166 = vector.shape_cast %get3A_165 : vector<1x16xi32> to vector<16xi32>
      %add3A_167 = vector.broadcast %mul3A_4 : i32 to vector<16xi32>
      %add3A_168 = arith.addi %get3A_166, %add3A_167 : vector<16xi32>
      %swap3A_169 = arith.index_cast %add3A_43 : i32 to index
      %swap3A_170 = arith.constant 176 : index
      %swap3A_171 = tpu.vector_load %arg8[%swap3A_169, %swap3A_170] {strides = array<i32>} : memref<42x256xi32, #tpu.memory_space<vmem>>, vector<1x16xi32>,
      %swap3A_172 = vector.shape_cast %swap3A_171 : vector<1x16xi32> to vector<16xi32>
      %swap3A_173 = vector.shape_cast %add3A_168 : vector<16xi32> to vector<1x16xi32>
      tpu.vector_store %arg8[%swap3A_169, %swap3A_170], %swap3A_173 {strides = array<i32>} : memref<42x256xi32, #tpu.memory_space<vmem>>, vector<1x16xi32>,
      %get3A_174 = arith.index_cast %add3A_43 : i32 to index
      %get3A_175 = arith.constant 192 : index
      %get3A_176 = tpu.vector_load %arg8[%get3A_174, %get3A_175] {strides = array<i32>} : memref<42x256xi32, #tpu.memory_space<vmem>>, vector<1x16xi32>,
      %get3A_177 = vector.shape_cast %get3A_176 : vector<1x16xi32> to vector<16xi32>
      %add3A_178 = vector.broadcast %mul3A_4 : i32 to vector<16xi32>
      %add3A_179 = arith.addi %get3A_177, %add3A_178 : vector<16xi32>
      %swap3A_180 = arith.index_cast %add3A_43 : i32 to index
      %swap3A_181 = arith.constant 192 : index
      %swap3A_182 = tpu.vector_load %arg8[%swap3A_180, %swap3A_181] {strides = array<i32>} : memref<42x256xi32, #tpu.memory_space<vmem>>, vector<1x16xi32>,
      %swap3A_183 = vector.shape_cast %swap3A_182 : vector<1x16xi32> to vector<16xi32>
      %swap3A_184 = vector.shape_cast %add3A_179 : vector<16xi32> to vector<1x16xi32>
      tpu.vector_store %arg8[%swap3A_180, %swap3A_181], %swap3A_184 {strides = array<i32>} : memref<42x256xi32, #tpu.memory_space<vmem>>, vector<1x16xi32>,
      %get3A_185 = arith.index_cast %add3A_43 : i32 to index
      %get3A_186 = arith.constant 208 : index
      %get3A_187 = tpu.vector_load %arg8[%get3A_185, %get3A_186] {strides = array<i32>} : memref<42x256xi32, #tpu.memory_space<vmem>>, vector<1x16xi32>,
      %get3A_188 = vector.shape_cast %get3A_187 : vector<1x16xi32> to vector<16xi32>
      %add3A_189 = vector.broadcast %mul3A_4 : i32 to vector<16xi32>
      %add3A_190 = arith.addi %get3A_188, %add3A_189 : vector<16xi32>
      %swap3A_191 = arith.index_cast %add3A_43 : i32 to index
      %swap3A_192 = arith.constant 208 : index
      %swap3A_193 = tpu.vector_load %arg8[%swap3A_191, %swap3A_192] {strides = array<i32>} : memref<42x256xi32, #tpu.memory_space<vmem>>, vector<1x16xi32>,
      %swap3A_194 = vector.shape_cast %swap3A_193 : vector<1x16xi32> to vector<16xi32>
      %swap3A_195 = vector.shape_cast %add3A_190 : vector<16xi32> to vector<1x16xi32>
      tpu.vector_store %arg8[%swap3A_191, %swap3A_192], %swap3A_195 {strides = array<i32>} : memref<42x256xi32, #tpu.memory_space<vmem>>, vector<1x16xi32>,
      %get3A_196 = arith.index_cast %add3A_43 : i32 to index
      %get3A_197 = arith.constant 224 : index
      %get3A_198 = tpu.vector_load %arg8[%get3A_196, %get3A_197] {strides = array<i32>} : memref<42x256xi32, #tpu.memory_space<vmem>>, vector<1x16xi32>,
      %get3A_199 = vector.shape_cast %get3A_198 : vector<1x16xi32> to vector<16xi32>
      %add3A_200 = vector.broadcast %mul3A_4 : i32 to vector<16xi32>
      %add3A_201 = arith.addi %get3A_199, %add3A_200 : vector<16xi32>
      %swap3A_202 = arith.index_cast %add3A_43 : i32 to index
      %swap3A_203 = arith.constant 224 : index
      %swap3A_204 = tpu.vector_load %arg8[%swap3A_202, %swap3A_203] {strides = array<i32>} : memref<42x256xi32, #tpu.memory_space<vmem>>, vector<1x16xi32>,
      %swap3A_205 = vector.shape_cast %swap3A_204 : vector<1x16xi32> to vector<16xi32>
      %swap3A_206 = vector.shape_cast %add3A_201 : vector<16xi32> to vector<1x16xi32>
      tpu.vector_store %arg8[%swap3A_202, %swap3A_203], %swap3A_206 {strides = array<i32>} : memref<42x256xi32, #tpu.memory_space<vmem>>, vector<1x16xi32>,
      %get3A_207 = arith.index_cast %add3A_43 : i32 to index
      %get3A_208 = arith.constant 240 : index
      %get3A_209 = tpu.vector_load %arg8[%get3A_207, %get3A_208] {strides = array<i32>} : memref<42x256xi32, #tpu.memory_space<vmem>>, vector<1x16xi32>,
      %get3A_210 = vector.shape_cast %get3A_209 : vector<1x16xi32> to vector<16xi32>
      %add3A_211 = vector.broadcast %mul3A_4 : i32 to vector<16xi32>
      %add3A_212 = arith.addi %get3A_210, %add3A_211 : vector<16xi32>
      %swap3A_213 = arith.index_cast %add3A_43 : i32 to index
      %swap3A_214 = arith.constant 240 : index
      %swap3A_215 = tpu.vector_load %arg8[%swap3A_213, %swap3A_214] {strides = array<i32>} : memref<42x256xi32, #tpu.memory_space<vmem>>, vector<1x16xi32>,
      %swap3A_216 = vector.shape_cast %swap3A_215 : vector<1x16xi32> to vector<16xi32>
      %swap3A_217 = vector.shape_cast %add3A_212 : vector<16xi32> to vector<1x16xi32>
      tpu.vector_store %arg8[%swap3A_213, %swap3A_214], %swap3A_217 {strides = array<i32>} : memref<42x256xi32, #tpu.memory_space<vmem>>, vector<1x16xi32>,
    }
    %scan3A_8 = arith.constant 42 : i32
    %scan3A_9 = arith.constant 0 : i32
    %scan3A_10 = arith.constant 128 : i32
    %scan3A_11 = arith.addi %scan3A_9, %scan3A_10 : i32
    %scan3A_12 = arith.constant 1 : i32
    scf.for %scan3A_39 = %scan3A_9 to %scan3A_11 step %scan3A_12  : i32 {
      %mul3A_40 = arith.constant 1 : i32
      %mul3A_41 = arith.muli %scan3A_39, %mul3A_40 : i32
      %add3A_42 = arith.constant 0 : i32
      %add3A_43 = arith.addi %add3A_42, %mul3A_41 : i32
      %broadcast_in_dim3A = arith.constant 0.000000e+00 : f32
      %broadcast_in_dim3A_44 = vector.broadcast %broadcast_in_dim3A : f32 to vector<16xf32>
      %swap3A = arith.index_cast %add3A_43 : i32 to index
      %swap3A_45 = arith.constant 0 : index
      %swap3A_46 = tpu.vector_load %arg13[%swap3A, %swap3A_45] {strides = array<i32>} : memref<128x32xf32, #tpu.memory_space<vmem>>, vector<1x16xf32>,
      %swap3A_47 = vector.shape_cast %swap3A_46 : vector<1x16xf32> to vector<16xf32>
      %swap3A_48 = vector.shape_cast %broadcast_in_dim3A_44 : vector<16xf32> to vector<1x16xf32>
      tpu.vector_store %arg13[%swap3A, %swap3A_45], %swap3A_48 {strides = array<i32>} : memref<128x32xf32, #tpu.memory_space<vmem>>, vector<1x16xf32>,
      %broadcast_in_dim3A_49 = arith.constant 0.000000e+00 : f32
      %broadcast_in_dim3A_50 = vector.broadcast %broadcast_in_dim3A_49 : f32 to vector<16xf32>
      %swap3A_51 = arith.index_cast %add3A_43 : i32 to index
      %swap3A_52 = arith.constant 16 : index
      %swap3A_53 = tpu.vector_load %arg13[%swap3A_51, %swap3A_52] {strides = array<i32>} : memref<128x32xf32, #tpu.memory_space<vmem>>, vector<1x16xf32>,
      %swap3A_54 = vector.shape_cast %swap3A_53 : vector<1x16xf32> to vector<16xf32>
      %swap3A_55 = vector.shape_cast %broadcast_in_dim3A_50 : vector<16xf32> to vector<1x16xf32>
      tpu.vector_store %arg13[%swap3A_51, %swap3A_52], %swap3A_55 {strides = array<i32>} : memref<128x32xf32, #tpu.memory_space<vmem>>, vector<1x16xf32>,
    }
    %scan3A_13 = arith.constant 128 : i32
    %add3A_14 = arith.constant 0 : i32
    %add3A_15 = arith.addi %add3A, %add3A_14 : i32
    "tpu.region"() ({
      %run_scoped3A = tpu.sem_alloc : memref<!tpu.dma_semaphore, #tpu.memory_space<semaphore_mem>>
      %dma_start3A = arith.constant 0 : i32
      %dma_start3A_39 = tpu.memref_slice %arg2[%add3A_15, %dma_start3A] : memref<20480x32xf32, #tpu.memory_space<hbm>> -> memref<128x32xf32, #tpu.memory_space<hbm>>
      %dma_start3A_40 = arith.constant 0 : i32
      %dma_start3A_41 = tpu.memref_slice %arg2[%add3A_15, %dma_start3A_40] : memref<20480x32xf32, #tpu.memory_space<hbm>> -> memref<128x32xf32, #tpu.memory_space<hbm>>
      tpu.enqueue_dma source(%dma_start3A_41 : memref<128x32xf32, #tpu.memory_space<hbm>>) target(%arg11 : memref<128x32xf32, #tpu.memory_space<vmem>>) target_semaphore(%run_scoped3A : memref<!tpu.dma_semaphore, #tpu.memory_space<semaphore_mem>>)
      %dma_wait3A = arith.constant 0 : i32
      %dma_wait3A_42 = tpu.memref_slice %arg2[%add3A_15, %dma_wait3A] : memref<20480x32xf32, #tpu.memory_space<hbm>> -> memref<128x32xf32, #tpu.memory_space<hbm>>
      %dma_wait3A_43 = arith.constant 0 : i32
      %dma_wait3A_44 = tpu.memref_slice %arg2[%add3A_15, %dma_wait3A_43] : memref<20480x32xf32, #tpu.memory_space<hbm>> -> memref<128x32xf32, #tpu.memory_space<hbm>>
      tpu.wait_dma2 semaphore(%run_scoped3A : memref<!tpu.dma_semaphore, #tpu.memory_space<semaphore_mem>>) src(%dma_wait3A_44 : memref<128x32xf32, #tpu.memory_space<hbm>>) dst(%arg11 : memref<128x32xf32, #tpu.memory_space<vmem>>)
      tpu.yield
    }) : () -> ()
    %add3A_16 = arith.constant 0 : i32
    %add3A_17 = arith.addi %add3A, %add3A_16 : i32
    "tpu.region"() ({
      %run_scoped3A = tpu.sem_alloc : memref<!tpu.dma_semaphore, #tpu.memory_space<semaphore_mem>>
      %dma_start3A = arith.constant 0 : i32
      %dma_start3A_39 = tpu.memref_slice %arg7[%add3A_17, %dma_start3A] : memref<20480x32xf32, #tpu.memory_space<hbm>> -> memref<128x32xf32, #tpu.memory_space<hbm>>
      %dma_start3A_40 = arith.constant 0 : i32
      %dma_start3A_41 = tpu.memref_slice %arg7[%add3A_17, %dma_start3A_40] : memref<20480x32xf32, #tpu.memory_space<hbm>> -> memref<128x32xf32, #tpu.memory_space<hbm>>
      tpu.enqueue_dma source(%arg11 : memref<128x32xf32, #tpu.memory_space<vmem>>) target(%dma_start3A_41 : memref<128x32xf32, #tpu.memory_space<hbm>>) target_semaphore(%run_scoped3A : memref<!tpu.dma_semaphore, #tpu.memory_space<semaphore_mem>>)
      %dma_wait3A = arith.constant 0 : i32
      %dma_wait3A_42 = tpu.memref_slice %arg7[%add3A_17, %dma_wait3A] : memref<20480x32xf32, #tpu.memory_space<hbm>> -> memref<128x32xf32, #tpu.memory_space<hbm>>
      %dma_wait3A_43 = arith.constant 0 : i32
      %dma_wait3A_44 = tpu.memref_slice %arg7[%add3A_17, %dma_wait3A_43] : memref<20480x32xf32, #tpu.memory_space<hbm>> -> memref<128x32xf32, #tpu.memory_space<hbm>>
      tpu.wait_dma2 semaphore(%run_scoped3A : memref<!tpu.dma_semaphore, #tpu.memory_space<semaphore_mem>>) src(%arg11 : memref<128x32xf32, #tpu.memory_space<vmem>>) dst(%dma_wait3A_44 : memref<128x32xf32, #tpu.memory_space<hbm>>)
      tpu.yield
    }) : () -> ()
    %add3A_18 = arith.constant 128 : i32
    %add3A_19 = arith.addi %add3A, %add3A_18 : i32
    "tpu.region"() ({
      %run_scoped3A = tpu.sem_alloc : memref<!tpu.dma_semaphore, #tpu.memory_space<semaphore_mem>>
      %dma_start3A = arith.constant 0 : i32
      %dma_start3A_39 = tpu.memref_slice %arg2[%add3A_19, %dma_start3A] : memref<20480x32xf32, #tpu.memory_space<hbm>> -> memref<128x32xf32, #tpu.memory_space<hbm>>
      %dma_start3A_40 = arith.constant 0 : i32
      %dma_start3A_41 = tpu.memref_slice %arg2[%add3A_19, %dma_start3A_40] : memref<20480x32xf32, #tpu.memory_space<hbm>> -> memref<128x32xf32, #tpu.memory_space<hbm>>
      tpu.enqueue_dma source(%dma_start3A_41 : memref<128x32xf32, #tpu.memory_space<hbm>>) target(%arg11 : memref<128x32xf32, #tpu.memory_space<vmem>>) target_semaphore(%run_scoped3A : memref<!tpu.dma_semaphore, #tpu.memory_space<semaphore_mem>>)
      %dma_wait3A = arith.constant 0 : i32
      %dma_wait3A_42 = tpu.memref_slice %arg2[%add3A_19, %dma_wait3A] : memref<20480x32xf32, #tpu.memory_space<hbm>> -> memref<128x32xf32, #tpu.memory_space<hbm>>
      %dma_wait3A_43 = arith.constant 0 : i32
      %dma_wait3A_44 = tpu.memref_slice %arg2[%add3A_19, %dma_wait3A_43] : memref<20480x32xf32, #tpu.memory_space<hbm>> -> memref<128x32xf32, #tpu.memory_space<hbm>>
      tpu.wait_dma2 semaphore(%run_scoped3A : memref<!tpu.dma_semaphore, #tpu.memory_space<semaphore_mem>>) src(%dma_wait3A_44 : memref<128x32xf32, #tpu.memory_space<hbm>>) dst(%arg11 : memref<128x32xf32, #tpu.memory_space<vmem>>)
      tpu.yield
    }) : () -> ()
    %add3A_20 = arith.constant 128 : i32
    %add3A_21 = arith.addi %add3A, %add3A_20 : i32
    "tpu.region"() ({
      %run_scoped3A = tpu.sem_alloc : memref<!tpu.dma_semaphore, #tpu.memory_space<semaphore_mem>>
      %dma_start3A = arith.constant 0 : i32
      %dma_start3A_39 = tpu.memref_slice %arg7[%add3A_21, %dma_start3A] : memref<20480x32xf32, #tpu.memory_space<hbm>> -> memref<128x32xf32, #tpu.memory_space<hbm>>
      %dma_start3A_40 = arith.constant 0 : i32
      %dma_start3A_41 = tpu.memref_slice %arg7[%add3A_21, %dma_start3A_40] : memref<20480x32xf32, #tpu.memory_space<hbm>> -> memref<128x32xf32, #tpu.memory_space<hbm>>
      tpu.enqueue_dma source(%arg11 : memref<128x32xf32, #tpu.memory_space<vmem>>) target(%dma_start3A_41 : memref<128x32xf32, #tpu.memory_space<hbm>>) target_semaphore(%run_scoped3A : memref<!tpu.dma_semaphore, #tpu.memory_space<semaphore_mem>>)
      %dma_wait3A = arith.constant 0 : i32
      %dma_wait3A_42 = tpu.memref_slice %arg7[%add3A_21, %dma_wait3A] : memref<20480x32xf32, #tpu.memory_space<hbm>> -> memref<128x32xf32, #tpu.memory_space<hbm>>
      %dma_wait3A_43 = arith.constant 0 : i32
      %dma_wait3A_44 = tpu.memref_slice %arg7[%add3A_21, %dma_wait3A_43] : memref<20480x32xf32, #tpu.memory_space<hbm>> -> memref<128x32xf32, #tpu.memory_space<hbm>>
      tpu.wait_dma2 semaphore(%run_scoped3A : memref<!tpu.dma_semaphore, #tpu.memory_space<semaphore_mem>>) src(%arg11 : memref<128x32xf32, #tpu.memory_space<vmem>>) dst(%dma_wait3A_44 : memref<128x32xf32, #tpu.memory_space<hbm>>)
      tpu.yield
    }) : () -> ()
    %add3A_22 = arith.constant 256 : i32
    %add3A_23 = arith.addi %add3A, %add3A_22 : i32
    "tpu.region"() ({
      %run_scoped3A = tpu.sem_alloc : memref<!tpu.dma_semaphore, #tpu.memory_space<semaphore_mem>>
      %dma_start3A = arith.constant 0 : i32
      %dma_start3A_39 = tpu.memref_slice %arg2[%add3A_23, %dma_start3A] : memref<20480x32xf32, #tpu.memory_space<hbm>> -> memref<128x32xf32, #tpu.memory_space<hbm>>
      %dma_start3A_40 = arith.constant 0 : i32
      %dma_start3A_41 = tpu.memref_slice %arg2[%add3A_23, %dma_start3A_40] : memref<20480x32xf32, #tpu.memory_space<hbm>> -> memref<128x32xf32, #tpu.memory_space<hbm>>
      tpu.enqueue_dma source(%dma_start3A_41 : memref<128x32xf32, #tpu.memory_space<hbm>>) target(%arg11 : memref<128x32xf32, #tpu.memory_space<vmem>>) target_semaphore(%run_scoped3A : memref<!tpu.dma_semaphore, #tpu.memory_space<semaphore_mem>>)
      %dma_wait3A = arith.constant 0 : i32
      %dma_wait3A_42 = tpu.memref_slice %arg2[%add3A_23, %dma_wait3A] : memref<20480x32xf32, #tpu.memory_space<hbm>> -> memref<128x32xf32, #tpu.memory_space<hbm>>
      %dma_wait3A_43 = arith.constant 0 : i32
      %dma_wait3A_44 = tpu.memref_slice %arg2[%add3A_23, %dma_wait3A_43] : memref<20480x32xf32, #tpu.memory_space<hbm>> -> memref<128x32xf32, #tpu.memory_space<hbm>>
      tpu.wait_dma2 semaphore(%run_scoped3A : memref<!tpu.dma_semaphore, #tpu.memory_space<semaphore_mem>>) src(%dma_wait3A_44 : memref<128x32xf32, #tpu.memory_space<hbm>>) dst(%arg11 : memref<128x32xf32, #tpu.memory_space<vmem>>)
      tpu.yield
    }) : () -> ()
    %add3A_24 = arith.constant 256 : i32
    %add3A_25 = arith.addi %add3A, %add3A_24 : i32
    "tpu.region"() ({
      %run_scoped3A = tpu.sem_alloc : memref<!tpu.dma_semaphore, #tpu.memory_space<semaphore_mem>>
      %dma_start3A = arith.constant 0 : i32
      %dma_start3A_39 = tpu.memref_slice %arg7[%add3A_25, %dma_start3A] : memref<20480x32xf32, #tpu.memory_space<hbm>> -> memref<128x32xf32, #tpu.memory_space<hbm>>
      %dma_start3A_40 = arith.constant 0 : i32
      %dma_start3A_41 = tpu.memref_slice %arg7[%add3A_25, %dma_start3A_40] : memref<20480x32xf32, #tpu.memory_space<hbm>> -> memref<128x32xf32, #tpu.memory_space<hbm>>
      tpu.enqueue_dma source(%arg11 : memref<128x32xf32, #tpu.memory_space<vmem>>) target(%dma_start3A_41 : memref<128x32xf32, #tpu.memory_space<hbm>>) target_semaphore(%run_scoped3A : memref<!tpu.dma_semaphore, #tpu.memory_space<semaphore_mem>>)
      %dma_wait3A = arith.constant 0 : i32
      %dma_wait3A_42 = tpu.memref_slice %arg7[%add3A_25, %dma_wait3A] : memref<20480x32xf32, #tpu.memory_space<hbm>> -> memref<128x32xf32, #tpu.memory_space<hbm>>
      %dma_wait3A_43 = arith.constant 0 : i32
      %dma_wait3A_44 = tpu.memref_slice %arg7[%add3A_25, %dma_wait3A_43] : memref<20480x32xf32, #tpu.memory_space<hbm>> -> memref<128x32xf32, #tpu.memory_space<hbm>>
      tpu.wait_dma2 semaphore(%run_scoped3A : memref<!tpu.dma_semaphore, #tpu.memory_space<semaphore_mem>>) src(%arg11 : memref<128x32xf32, #tpu.memory_space<vmem>>) dst(%dma_wait3A_44 : memref<128x32xf32, #tpu.memory_space<hbm>>)
      tpu.yield
    }) : () -> ()
    %add3A_26 = arith.constant 384 : i32
    %add3A_27 = arith.addi %add3A, %add3A_26 : i32
    "tpu.region"() ({
      %run_scoped3A = tpu.sem_alloc : memref<!tpu.dma_semaphore, #tpu.memory_space<semaphore_mem>>
      %dma_start3A = arith.constant 0 : i32
      %dma_start3A_39 = tpu.memref_slice %arg2[%add3A_27, %dma_start3A] : memref<20480x32xf32, #tpu.memory_space<hbm>> -> memref<128x32xf32, #tpu.memory_space<hbm>>
      %dma_start3A_40 = arith.constant 0 : i32
      %dma_start3A_41 = tpu.memref_slice %arg2[%add3A_27, %dma_start3A_40] : memref<20480x32xf32, #tpu.memory_space<hbm>> -> memref<128x32xf32, #tpu.memory_space<hbm>>
      tpu.enqueue_dma source(%dma_start3A_41 : memref<128x32xf32, #tpu.memory_space<hbm>>) target(%arg11 : memref<128x32xf32, #tpu.memory_space<vmem>>) target_semaphore(%run_scoped3A : memref<!tpu.dma_semaphore, #tpu.memory_space<semaphore_mem>>)
      %dma_wait3A = arith.constant 0 : i32
      %dma_wait3A_42 = tpu.memref_slice %arg2[%add3A_27, %dma_wait3A] : memref<20480x32xf32, #tpu.memory_space<hbm>> -> memref<128x32xf32, #tpu.memory_space<hbm>>
      %dma_wait3A_43 = arith.constant 0 : i32
      %dma_wait3A_44 = tpu.memref_slice %arg2[%add3A_27, %dma_wait3A_43] : memref<20480x32xf32, #tpu.memory_space<hbm>> -> memref<128x32xf32, #tpu.memory_space<hbm>>
      tpu.wait_dma2 semaphore(%run_scoped3A : memref<!tpu.dma_semaphore, #tpu.memory_space<semaphore_mem>>) src(%dma_wait3A_44 : memref<128x32xf32, #tpu.memory_space<hbm>>) dst(%arg11 : memref<128x32xf32, #tpu.memory_space<vmem>>)
      tpu.yield
    }) : () -> ()
    %add3A_28 = arith.constant 384 : i32
    %add3A_29 = arith.addi %add3A, %add3A_28 : i32
    "tpu.region"() ({
      %run_scoped3A = tpu.sem_alloc : memref<!tpu.dma_semaphore, #tpu.memory_space<semaphore_mem>>
      %dma_start3A = arith.constant 0 : i32
      %dma_start3A_39 = tpu.memref_slice %arg7[%add3A_29, %dma_start3A] : memref<20480x32xf32, #tpu.memory_space<hbm>> -> memref<128x32xf32, #tpu.memory_space<hbm>>
      %dma_start3A_40 = arith.constant 0 : i32
      %dma_start3A_41 = tpu.memref_slice %arg7[%add3A_29, %dma_start3A_40] : memref<20480x32xf32, #tpu.memory_space<hbm>> -> memref<128x32xf32, #tpu.memory_space<hbm>>
      tpu.enqueue_dma source(%arg11 : memref<128x32xf32, #tpu.memory_space<vmem>>) target(%dma_start3A_41 : memref<128x32xf32, #tpu.memory_space<hbm>>) target_semaphore(%run_scoped3A : memref<!tpu.dma_semaphore, #tpu.memory_space<semaphore_mem>>)
      %dma_wait3A = arith.constant 0 : i32
      %dma_wait3A_42 = tpu.memref_slice %arg7[%add3A_29, %dma_wait3A] : memref<20480x32xf32, #tpu.memory_space<hbm>> -> memref<128x32xf32, #tpu.memory_space<hbm>>
      %dma_wait3A_43 = arith.constant 0 : i32
      %dma_wait3A_44 = tpu.memref_slice %arg7[%add3A_29, %dma_wait3A_43] : memref<20480x32xf32, #tpu.memory_space<hbm>> -> memref<128x32xf32, #tpu.memory_space<hbm>>
      tpu.wait_dma2 semaphore(%run_scoped3A : memref<!tpu.dma_semaphore, #tpu.memory_space<semaphore_mem>>) src(%arg11 : memref<128x32xf32, #tpu.memory_space<vmem>>) dst(%dma_wait3A_44 : memref<128x32xf32, #tpu.memory_space<hbm>>)
      tpu.yield
    }) : () -> ()
    %add3A_30 = arith.constant 512 : i32
    %add3A_31 = arith.addi %add3A, %add3A_30 : i32
    "tpu.region"() ({
      %run_scoped3A = tpu.sem_alloc : memref<!tpu.dma_semaphore, #tpu.memory_space<semaphore_mem>>
      %dma_start3A = arith.constant 0 : i32
      %dma_start3A_39 = tpu.memref_slice %arg2[%add3A_31, %dma_start3A] : memref<20480x32xf32, #tpu.memory_space<hbm>> -> memref<128x32xf32, #tpu.memory_space<hbm>>
      %dma_start3A_40 = arith.constant 0 : i32
      %dma_start3A_41 = tpu.memref_slice %arg2[%add3A_31, %dma_start3A_40] : memref<20480x32xf32, #tpu.memory_space<hbm>> -> memref<128x32xf32, #tpu.memory_space<hbm>>
      tpu.enqueue_dma source(%dma_start3A_41 : memref<128x32xf32, #tpu.memory_space<hbm>>) target(%arg11 : memref<128x32xf32, #tpu.memory_space<vmem>>) target_semaphore(%run_scoped3A : memref<!tpu.dma_semaphore, #tpu.memory_space<semaphore_mem>>)
      %dma_wait3A = arith.constant 0 : i32
      %dma_wait3A_42 = tpu.memref_slice %arg2[%add3A_31, %dma_wait3A] : memref<20480x32xf32, #tpu.memory_space<hbm>> -> memref<128x32xf32, #tpu.memory_space<hbm>>
      %dma_wait3A_43 = arith.constant 0 : i32
      %dma_wait3A_44 = tpu.memref_slice %arg2[%add3A_31, %dma_wait3A_43] : memref<20480x32xf32, #tpu.memory_space<hbm>> -> memref<128x32xf32, #tpu.memory_space<hbm>>
      tpu.wait_dma2 semaphore(%run_scoped3A : memref<!tpu.dma_semaphore, #tpu.memory_space<semaphore_mem>>) src(%dma_wait3A_44 : memref<128x32xf32, #tpu.memory_space<hbm>>) dst(%arg11 : memref<128x32xf32, #tpu.memory_space<vmem>>)
      tpu.yield
    }) : () -> ()
    %add3A_32 = arith.constant 512 : i32
    %add3A_33 = arith.addi %add3A, %add3A_32 : i32
    "tpu.region"() ({
      %run_scoped3A = tpu.sem_alloc : memref<!tpu.dma_semaphore, #tpu.memory_space<semaphore_mem>>
      %dma_start3A = arith.constant 0 : i32
      %dma_start3A_39 = tpu.memref_slice %arg7[%add3A_33, %dma_start3A] : memref<20480x32xf32, #tpu.memory_space<hbm>> -> memref<128x32xf32, #tpu.memory_space<hbm>>
      %dma_start3A_40 = arith.constant 0 : i32
      %dma_start3A_41 = tpu.memref_slice %arg7[%add3A_33, %dma_start3A_40] : memref<20480x32xf32, #tpu.memory_space<hbm>> -> memref<128x32xf32, #tpu.memory_space<hbm>>
      tpu.enqueue_dma source(%arg11 : memref<128x32xf32, #tpu.memory_space<vmem>>) target(%dma_start3A_41 : memref<128x32xf32, #tpu.memory_space<hbm>>) target_semaphore(%run_scoped3A : memref<!tpu.dma_semaphore, #tpu.memory_space<semaphore_mem>>)
      %dma_wait3A = arith.constant 0 : i32
      %dma_wait3A_42 = tpu.memref_slice %arg7[%add3A_33, %dma_wait3A] : memref<20480x32xf32, #tpu.memory_space<hbm>> -> memref<128x32xf32, #tpu.memory_space<hbm>>
      %dma_wait3A_43 = arith.constant 0 : i32
      %dma_wait3A_44 = tpu.memref_slice %arg7[%add3A_33, %dma_wait3A_43] : memref<20480x32xf32, #tpu.memory_space<hbm>> -> memref<128x32xf32, #tpu.memory_space<hbm>>
      tpu.wait_dma2 semaphore(%run_scoped3A : memref<!tpu.dma_semaphore, #tpu.memory_space<semaphore_mem>>) src(%arg11 : memref<128x32xf32, #tpu.memory_space<vmem>>) dst(%dma_wait3A_44 : memref<128x32xf32, #tpu.memory_space<hbm>>)
      tpu.yield
    }) : () -> ()
    %barrier3A = arith.constant 0 : index
    tpu.barrier barrier_id(%barrier3A)
    %scan3A_34 = arith.constant 0 : i32
    %scan3A_35 = arith.constant 10 : i32
    %scan3A_36 = arith.addi %scan3A_34, %scan3A_35 : i32
    %scan3A_37 = arith.constant 1 : i32
    scf.for %scan3A_39 = %scan3A_34 to %scan3A_36 step %scan3A_37  : i32 {
      %mul3A_40 = arith.constant 1 : i32
      %mul3A_41 = arith.muli %scan3A_39, %mul3A_40 : i32
      %add3A_42 = arith.constant 0 : i32
      %add3A_43 = arith.addi %add3A_42, %mul3A_41 : i32
      %add3A_44 = arith.constant 0 : i32
      %add3A_45 = arith.addi %mul3A_0, %add3A_44 : i32
      "tpu.region"() ({
        %run_scoped3A_116 = tpu.sem_alloc : memref<!tpu.dma_semaphore, #tpu.memory_space<semaphore_mem>>
        %dma_start3A_117 = arith.constant 0 : i32
        %dma_start3A_118 = tpu.memref_slice %arg15[%add3A_45, %dma_start3A_117] : memref<10240x32xf32, #tpu.memory_space<vmem_shared>> -> memref<128x32xf32, #tpu.memory_space<vmem_shared>>
        %dma_start3A_119 = arith.constant 0 : i32
        %dma_start3A_120 = tpu.memref_slice %arg15[%add3A_45, %dma_start3A_119] : memref<10240x32xf32, #tpu.memory_space<vmem_shared>> -> memref<128x32xf32, #tpu.memory_space<vmem_shared>>
        tpu.enqueue_dma source(%arg13 : memref<128x32xf32, #tpu.memory_space<vmem>>) target(%dma_start3A_120 : memref<128x32xf32, #tpu.memory_space<vmem_shared>>) target_semaphore(%run_scoped3A_116 : memref<!tpu.dma_semaphore, #tpu.memory_space<semaphore_mem>>)
        %dma_wait3A_121 = arith.constant 0 : i32
        %dma_wait3A_122 = tpu.memref_slice %arg15[%add3A_45, %dma_wait3A_121] : memref<10240x32xf32, #tpu.memory_space<vmem_shared>> -> memref<128x32xf32, #tpu.memory_space<vmem_shared>>
        %dma_wait3A_123 = arith.constant 0 : i32
        %dma_wait3A_124 = tpu.memref_slice %arg15[%add3A_45, %dma_wait3A_123] : memref<10240x32xf32, #tpu.memory_space<vmem_shared>> -> memref<128x32xf32, #tpu.memory_space<vmem_shared>>
        tpu.wait_dma2 semaphore(%run_scoped3A_116 : memref<!tpu.dma_semaphore, #tpu.memory_space<semaphore_mem>>) src(%arg13 : memref<128x32xf32, #tpu.memory_space<vmem>>) dst(%dma_wait3A_124 : memref<128x32xf32, #tpu.memory_space<vmem_shared>>)
        tpu.yield
      }) : () -> ()
      %add3A_46 = arith.constant 128 : i32
      %add3A_47 = arith.addi %mul3A_0, %add3A_46 : i32
      "tpu.region"() ({
        %run_scoped3A_116 = tpu.sem_alloc : memref<!tpu.dma_semaphore, #tpu.memory_space<semaphore_mem>>
        %dma_start3A_117 = arith.constant 0 : i32
        %dma_start3A_118 = tpu.memref_slice %arg15[%add3A_47, %dma_start3A_117] : memref<10240x32xf32, #tpu.memory_space<vmem_shared>> -> memref<128x32xf32, #tpu.memory_space<vmem_shared>>
        %dma_start3A_119 = arith.constant 0 : i32
        %dma_start3A_120 = tpu.memref_slice %arg15[%add3A_47, %dma_start3A_119] : memref<10240x32xf32, #tpu.memory_space<vmem_shared>> -> memref<128x32xf32, #tpu.memory_space<vmem_shared>>
        tpu.enqueue_dma source(%arg13 : memref<128x32xf32, #tpu.memory_space<vmem>>) target(%dma_start3A_120 : memref<128x32xf32, #tpu.memory_space<vmem_shared>>) target_semaphore(%run_scoped3A_116 : memref<!tpu.dma_semaphore, #tpu.memory_space<semaphore_mem>>)
        %dma_wait3A_121 = arith.constant 0 : i32
        %dma_wait3A_122 = tpu.memref_slice %arg15[%add3A_47, %dma_wait3A_121] : memref<10240x32xf32, #tpu.memory_space<vmem_shared>> -> memref<128x32xf32, #tpu.memory_space<vmem_shared>>
        %dma_wait3A_123 = arith.constant 0 : i32
        %dma_wait3A_124 = tpu.memref_slice %arg15[%add3A_47, %dma_wait3A_123] : memref<10240x32xf32, #tpu.memory_space<vmem_shared>> -> memref<128x32xf32, #tpu.memory_space<vmem_shared>>
        tpu.wait_dma2 semaphore(%run_scoped3A_116 : memref<!tpu.dma_semaphore, #tpu.memory_space<semaphore_mem>>) src(%arg13 : memref<128x32xf32, #tpu.memory_space<vmem>>) dst(%dma_wait3A_124 : memref<128x32xf32, #tpu.memory_space<vmem_shared>>)
        tpu.yield
      }) : () -> ()
      %add3A_48 = arith.constant 256 : i32
      %add3A_49 = arith.addi %mul3A_0, %add3A_48 : i32
      "tpu.region"() ({
        %run_scoped3A_116 = tpu.sem_alloc : memref<!tpu.dma_semaphore, #tpu.memory_space<semaphore_mem>>
        %dma_start3A_117 = arith.constant 0 : i32
        %dma_start3A_118 = tpu.memref_slice %arg15[%add3A_49, %dma_start3A_117] : memref<10240x32xf32, #tpu.memory_space<vmem_shared>> -> memref<128x32xf32, #tpu.memory_space<vmem_shared>>
        %dma_start3A_119 = arith.constant 0 : i32
        %dma_start3A_120 = tpu.memref_slice %arg15[%add3A_49, %dma_start3A_119] : memref<10240x32xf32, #tpu.memory_space<vmem_shared>> -> memref<128x32xf32, #tpu.memory_space<vmem_shared>>
        tpu.enqueue_dma source(%arg13 : memref<128x32xf32, #tpu.memory_space<vmem>>) target(%dma_start3A_120 : memref<128x32xf32, #tpu.memory_space<vmem_shared>>) target_semaphore(%run_scoped3A_116 : memref<!tpu.dma_semaphore, #tpu.memory_space<semaphore_mem>>)
        %dma_wait3A_121 = arith.constant 0 : i32
        %dma_wait3A_122 = tpu.memref_slice %arg15[%add3A_49, %dma_wait3A_121] : memref<10240x32xf32, #tpu.memory_space<vmem_shared>> -> memref<128x32xf32, #tpu.memory_space<vmem_shared>>
        %dma_wait3A_123 = arith.constant 0 : i32
        %dma_wait3A_124 = tpu.memref_slice %arg15[%add3A_49, %dma_wait3A_123] : memref<10240x32xf32, #tpu.memory_space<vmem_shared>> -> memref<128x32xf32, #tpu.memory_space<vmem_shared>>
        tpu.wait_dma2 semaphore(%run_scoped3A_116 : memref<!tpu.dma_semaphore, #tpu.memory_space<semaphore_mem>>) src(%arg13 : memref<128x32xf32, #tpu.memory_space<vmem>>) dst(%dma_wait3A_124 : memref<128x32xf32, #tpu.memory_space<vmem_shared>>)
        tpu.yield
      }) : () -> ()
      %add3A_50 = arith.constant 384 : i32
      %add3A_51 = arith.addi %mul3A_0, %add3A_50 : i32
      "tpu.region"() ({
        %run_scoped3A_116 = tpu.sem_alloc : memref<!tpu.dma_semaphore, #tpu.memory_space<semaphore_mem>>
        %dma_start3A_117 = arith.constant 0 : i32
        %dma_start3A_118 = tpu.memref_slice %arg15[%add3A_51, %dma_start3A_117] : memref<10240x32xf32, #tpu.memory_space<vmem_shared>> -> memref<128x32xf32, #tpu.memory_space<vmem_shared>>
        %dma_start3A_119 = arith.constant 0 : i32
        %dma_start3A_120 = tpu.memref_slice %arg15[%add3A_51, %dma_start3A_119] : memref<10240x32xf32, #tpu.memory_space<vmem_shared>> -> memref<128x32xf32, #tpu.memory_space<vmem_shared>>
        tpu.enqueue_dma source(%arg13 : memref<128x32xf32, #tpu.memory_space<vmem>>) target(%dma_start3A_120 : memref<128x32xf32, #tpu.memory_space<vmem_shared>>) target_semaphore(%run_scoped3A_116 : memref<!tpu.dma_semaphore, #tpu.memory_space<semaphore_mem>>)
        %dma_wait3A_121 = arith.constant 0 : i32
        %dma_wait3A_122 = tpu.memref_slice %arg15[%add3A_51, %dma_wait3A_121] : memref<10240x32xf32, #tpu.memory_space<vmem_shared>> -> memref<128x32xf32, #tpu.memory_space<vmem_shared>>
        %dma_wait3A_123 = arith.constant 0 : i32
        %dma_wait3A_124 = tpu.memref_slice %arg15[%add3A_51, %dma_wait3A_123] : memref<10240x32xf32, #tpu.memory_space<vmem_shared>> -> memref<128x32xf32, #tpu.memory_space<vmem_shared>>
        tpu.wait_dma2 semaphore(%run_scoped3A_116 : memref<!tpu.dma_semaphore, #tpu.memory_space<semaphore_mem>>) src(%arg13 : memref<128x32xf32, #tpu.memory_space<vmem>>) dst(%dma_wait3A_124 : memref<128x32xf32, #tpu.memory_space<vmem_shared>>)
        tpu.yield
      }) : () -> ()
      %add3A_52 = arith.constant 512 : i32
      %add3A_53 = arith.addi %mul3A_0, %add3A_52 : i32
      "tpu.region"() ({
        %run_scoped3A_116 = tpu.sem_alloc : memref<!tpu.dma_semaphore, #tpu.memory_space<semaphore_mem>>
        %dma_start3A_117 = arith.constant 0 : i32
        %dma_start3A_118 = tpu.memref_slice %arg15[%add3A_53, %dma_start3A_117] : memref<10240x32xf32, #tpu.memory_space<vmem_shared>> -> memref<128x32xf32, #tpu.memory_space<vmem_shared>>
        %dma_start3A_119 = arith.constant 0 : i32
        %dma_start3A_120 = tpu.memref_slice %arg15[%add3A_53, %dma_start3A_119] : memref<10240x32xf32, #tpu.memory_space<vmem_shared>> -> memref<128x32xf32, #tpu.memory_space<vmem_shared>>
        tpu.enqueue_dma source(%arg13 : memref<128x32xf32, #tpu.memory_space<vmem>>) target(%dma_start3A_120 : memref<128x32xf32, #tpu.memory_space<vmem_shared>>) target_semaphore(%run_scoped3A_116 : memref<!tpu.dma_semaphore, #tpu.memory_space<semaphore_mem>>)
        %dma_wait3A_121 = arith.constant 0 : i32
        %dma_wait3A_122 = tpu.memref_slice %arg15[%add3A_53, %dma_wait3A_121] : memref<10240x32xf32, #tpu.memory_space<vmem_shared>> -> memref<128x32xf32, #tpu.memory_space<vmem_shared>>
        %dma_wait3A_123 = arith.constant 0 : i32
        %dma_wait3A_124 = tpu.memref_slice %arg15[%add3A_53, %dma_wait3A_123] : memref<10240x32xf32, #tpu.memory_space<vmem_shared>> -> memref<128x32xf32, #tpu.memory_space<vmem_shared>>
        tpu.wait_dma2 semaphore(%run_scoped3A_116 : memref<!tpu.dma_semaphore, #tpu.memory_space<semaphore_mem>>) src(%arg13 : memref<128x32xf32, #tpu.memory_space<vmem>>) dst(%dma_wait3A_124 : memref<128x32xf32, #tpu.memory_space<vmem_shared>>)
        tpu.yield
      }) : () -> ()
      %barrier3A_54 = arith.constant 0 : index
      tpu.barrier barrier_id(%barrier3A_54)
      %dma_start3A = arith.constant 0 : i32
      %dma_start3A_55 = arith.constant 0 : i32
      %dma_start3A_56 = arith.constant 0 : i32
      %dma_start3A_57 = arith.constant 0 : i32
      %dma_start3A_58 = tpu.memref_slice %arg10[%dma_start3A_55, %dma_start3A_56, %dma_start3A_57] : memref<2x256x32xf32, #tpu.memory_space<vmem>> -> memref<1x256x32xf32, #tpu.memory_space<vmem>>
      %dma_start3A_59 = tpu.memref_squeeze %dma_start3A_58 : memref<1x256x32xf32, #tpu.memory_space<vmem>> -> memref<256x32xf32, #tpu.memory_space<vmem>>
      %dma_start3A_60 = arith.constant 0 : i32
      %dma_start3A_61 = tpu.memref_slice %arg8[%dma_start3A, %dma_start3A_60] : memref<42x256xi32, #tpu.memory_space<vmem>> -> memref<1x256xi32, #tpu.memory_space<vmem>>
      %dma_start3A_62 = tpu.memref_squeeze %dma_start3A_61 : memref<1x256xi32, #tpu.memory_space<vmem>> -> memref<256xi32, #tpu.memory_space<vmem>>
      %dma_start3A_63 = arith.constant 0 : i32
      %dma_start3A_64 = arith.constant 0 : i32
      %dma_start3A_65 = tpu.memref_slice %arg7[%dma_start3A_63, %dma_start3A_64] : memref<20480x32xf32, #tpu.memory_space<hbm>> -> memref<20480x32xf32, #tpu.memory_space<hbm>>
      tpu.enqueue_indirect_dma source(%dma_start3A_65 : memref<20480x32xf32, #tpu.memory_space<hbm>>) target(%dma_start3A_59 : memref<256x32xf32, #tpu.memory_space<vmem>>) offsets(%dma_start3A_62 : memref<256xi32, #tpu.memory_space<vmem>>) semaphore(%arg16 : memref<!tpu.dma_semaphore, #tpu.memory_space<semaphore_mem>>)
      %scan3A_66 = arith.constant 0 : i32
      %scan3A_67 = arith.constant 20 : i32
      %scan3A_68 = arith.addi %scan3A_66, %scan3A_67 : i32
      %scan3A_69 = arith.constant 1 : i32
      scf.for %scan3A_116 = %scan3A_66 to %scan3A_68 step %scan3A_69  : i32 {
        %mul3A_117 = arith.constant 1 : i32
        %mul3A_118 = arith.muli %scan3A_116, %mul3A_117 : i32
        %add3A_119 = arith.constant 0 : i32
        %add3A_120 = arith.addi %add3A_119, %mul3A_118 : i32
        %mul3A_121 = arith.constant 2 : i32
        %mul3A_122 = arith.muli %mul3A_121, %add3A_120 : i32
        %dma_wait3A_123 = arith.constant 0 : i32
        %dma_wait3A_124 = arith.constant 0 : i32
        %dma_wait3A_125 = arith.constant 0 : i32
        %dma_wait3A_126 = tpu.memref_slice %arg10[%dma_wait3A_123, %dma_wait3A_124, %dma_wait3A_125] : memref<2x256x32xf32, #tpu.memory_space<vmem>> -> memref<1x256x32xf32, #tpu.memory_space<vmem>>
        %dma_wait3A_127 = tpu.memref_squeeze %dma_wait3A_126 : memref<1x256x32xf32, #tpu.memory_space<vmem>> -> memref<256x32xf32, #tpu.memory_space<vmem>>
        %dma_wait3A_128 = arith.constant 0 : i32
        %dma_wait3A_129 = tpu.memref_slice %arg8[%mul3A_122, %dma_wait3A_128] : memref<42x256xi32, #tpu.memory_space<vmem>> -> memref<1x256xi32, #tpu.memory_space<vmem>>
        %dma_wait3A_130 = tpu.memref_squeeze %dma_wait3A_129 : memref<1x256xi32, #tpu.memory_space<vmem>> -> memref<256xi32, #tpu.memory_space<vmem>>
        %dma_wait3A_131 = arith.constant 0 : i32
        %dma_wait3A_132 = arith.constant 0 : i32
        %dma_wait3A_133 = tpu.memref_slice %arg7[%dma_wait3A_131, %dma_wait3A_132] : memref<20480x32xf32, #tpu.memory_space<hbm>> -> memref<20480x32xf32, #tpu.memory_space<hbm>>
        tpu.wait_indirect_dma semaphore(%arg16 : memref<!tpu.dma_semaphore, #tpu.memory_space<semaphore_mem>>) src(%dma_wait3A_133 : memref<20480x32xf32, #tpu.memory_space<hbm>>) dst(%dma_wait3A_127 : memref<256x32xf32, #tpu.memory_space<vmem>>)
        %add3A_134 = arith.constant 1 : i32
        %add3A_135 = arith.addi %mul3A_122, %add3A_134 : i32
        %dma_start3A_136 = arith.constant 1 : i32
        %dma_start3A_137 = arith.constant 0 : i32
        %dma_start3A_138 = arith.constant 0 : i32
        %dma_start3A_139 = tpu.memref_slice %arg10[%dma_start3A_136, %dma_start3A_137, %dma_start3A_138] : memref<2x256x32xf32, #tpu.memory_space<vmem>> -> memref<1x256x32xf32, #tpu.memory_space<vmem>>
        %dma_start3A_140 = tpu.memref_squeeze %dma_start3A_139 : memref<1x256x32xf32, #tpu.memory_space<vmem>> -> memref<256x32xf32, #tpu.memory_space<vmem>>
        %dma_start3A_141 = arith.constant 0 : i32
        %dma_start3A_142 = tpu.memref_slice %arg8[%add3A_135, %dma_start3A_141] : memref<42x256xi32, #tpu.memory_space<vmem>> -> memref<1x256xi32, #tpu.memory_space<vmem>>
        %dma_start3A_143 = tpu.memref_squeeze %dma_start3A_142 : memref<1x256xi32, #tpu.memory_space<vmem>> -> memref<256xi32, #tpu.memory_space<vmem>>
        %dma_start3A_144 = arith.constant 0 : i32
        %dma_start3A_145 = arith.constant 0 : i32
        %dma_start3A_146 = tpu.memref_slice %arg7[%dma_start3A_144, %dma_start3A_145] : memref<20480x32xf32, #tpu.memory_space<hbm>> -> memref<20480x32xf32, #tpu.memory_space<hbm>>
        tpu.enqueue_indirect_dma source(%dma_start3A_146 : memref<20480x32xf32, #tpu.memory_space<hbm>>) target(%dma_start3A_140 : memref<256x32xf32, #tpu.memory_space<vmem>>) offsets(%dma_start3A_143 : memref<256xi32, #tpu.memory_space<vmem>>) semaphore(%arg17 : memref<!tpu.dma_semaphore, #tpu.memory_space<semaphore_mem>>)
        %run_scoped3A_147 = arith.constant 0 : i32
        "tpu.region"() ({
          %run_scoped3A_177 = tpu.sem_alloc : memref<!tpu.dma_semaphore, #tpu.memory_space<semaphore_mem>>
          %dma_start3A_178 = arith.constant 0 : i32
          %dma_start3A_179 = arith.constant 0 : i32
          %dma_start3A_180 = tpu.memref_slice %arg10[%run_scoped3A_147, %dma_start3A_178, %dma_start3A_179] : memref<2x256x32xf32, #tpu.memory_space<vmem>> -> memref<1x256x32xf32, #tpu.memory_space<vmem>>
          %dma_start3A_181 = tpu.memref_squeeze %dma_start3A_180 : memref<1x256x32xf32, #tpu.memory_space<vmem>> -> memref<256x32xf32, #tpu.memory_space<vmem>>
          %dma_start3A_182 = arith.constant 0 : i32
          %dma_start3A_183 = tpu.memref_slice %arg9[%mul3A_122, %dma_start3A_182] : memref<42x256xi32, #tpu.memory_space<vmem>> -> memref<1x256xi32, #tpu.memory_space<vmem>>
          %dma_start3A_184 = tpu.memref_squeeze %dma_start3A_183 : memref<1x256xi32, #tpu.memory_space<vmem>> -> memref<256xi32, #tpu.memory_space<vmem>>
          %dma_start3A_185 = arith.constant 0 : i32
          %dma_start3A_186 = arith.constant 0 : i32
          %dma_start3A_187 = tpu.memref_slice %arg15[%dma_start3A_185, %dma_start3A_186] : memref<10240x32xf32, #tpu.memory_space<vmem_shared>> -> memref<10240x32xf32, #tpu.memory_space<vmem_shared>>
          tpu.enqueue_indirect_dma source(%dma_start3A_181 : memref<256x32xf32, #tpu.memory_space<vmem>>) target(%dma_start3A_187 : memref<10240x32xf32, #tpu.memory_space<vmem_shared>>) offsets(%dma_start3A_184 : memref<256xi32, #tpu.memory_space<vmem>>) semaphore(%run_scoped3A_177 : memref<!tpu.dma_semaphore, #tpu.memory_space<semaphore_mem>>) {add = true}
          %dma_wait3A_188 = arith.constant 0 : i32
          %dma_wait3A_189 = arith.constant 0 : i32
          %dma_wait3A_190 = tpu.memref_slice %arg10[%run_scoped3A_147, %dma_wait3A_188, %dma_wait3A_189] : memref<2x256x32xf32, #tpu.memory_space<vmem>> -> memref<1x256x32xf32, #tpu.memory_space<vmem>>
          %dma_wait3A_191 = tpu.memref_squeeze %dma_wait3A_190 : memref<1x256x32xf32, #tpu.memory_space<vmem>> -> memref<256x32xf32, #tpu.memory_space<vmem>>
          %dma_wait3A_192 = arith.constant 0 : i32
          %dma_wait3A_193 = tpu.memref_slice %arg9[%mul3A_122, %dma_wait3A_192] : memref<42x256xi32, #tpu.memory_space<vmem>> -> memref<1x256xi32, #tpu.memory_space<vmem>>
          %dma_wait3A_194 = tpu.memref_squeeze %dma_wait3A_193 : memref<1x256xi32, #tpu.memory_space<vmem>> -> memref<256xi32, #tpu.memory_space<vmem>>
          %dma_wait3A_195 = arith.constant 0 : i32
          %dma_wait3A_196 = arith.constant 0 : i32
          %dma_wait3A_197 = tpu.memref_slice %arg15[%dma_wait3A_195, %dma_wait3A_196] : memref<10240x32xf32, #tpu.memory_space<vmem_shared>> -> memref<10240x32xf32, #tpu.memory_space<vmem_shared>>
          tpu.wait_indirect_dma semaphore(%run_scoped3A_177 : memref<!tpu.dma_semaphore, #tpu.memory_space<semaphore_mem>>) src(%dma_wait3A_191 : memref<256x32xf32, #tpu.memory_space<vmem>>) dst(%dma_wait3A_197 : memref<10240x32xf32, #tpu.memory_space<vmem_shared>>)
          tpu.yield
        }) : () -> ()
        %add3A_148 = arith.constant 1 : i32
        %add3A_149 = arith.addi %mul3A_122, %add3A_148 : i32
        %dma_wait3A_150 = arith.constant 1 : i32
        %dma_wait3A_151 = arith.constant 0 : i32
        %dma_wait3A_152 = arith.constant 0 : i32
        %dma_wait3A_153 = tpu.memref_slice %arg10[%dma_wait3A_150, %dma_wait3A_151, %dma_wait3A_152] : memref<2x256x32xf32, #tpu.memory_space<vmem>> -> memref<1x256x32xf32, #tpu.memory_space<vmem>>
        %dma_wait3A_154 = tpu.memref_squeeze %dma_wait3A_153 : memref<1x256x32xf32, #tpu.memory_space<vmem>> -> memref<256x32xf32, #tpu.memory_space<vmem>>
        %dma_wait3A_155 = arith.constant 0 : i32
        %dma_wait3A_156 = tpu.memref_slice %arg8[%add3A_149, %dma_wait3A_155] : memref<42x256xi32, #tpu.memory_space<vmem>> -> memref<1x256xi32, #tpu.memory_space<vmem>>
        %dma_wait3A_157 = tpu.memref_squeeze %dma_wait3A_156 : memref<1x256xi32, #tpu.memory_space<vmem>> -> memref<256xi32, #tpu.memory_space<vmem>>
        %dma_wait3A_158 = arith.constant 0 : i32
        %dma_wait3A_159 = arith.constant 0 : i32
        %dma_wait3A_160 = tpu.memref_slice %arg7[%dma_wait3A_158, %dma_wait3A_159] : memref<20480x32xf32, #tpu.memory_space<hbm>> -> memref<20480x32xf32, #tpu.memory_space<hbm>>
        tpu.wait_indirect_dma semaphore(%arg17 : memref<!tpu.dma_semaphore, #tpu.memory_space<semaphore_mem>>) src(%dma_wait3A_160 : memref<20480x32xf32, #tpu.memory_space<hbm>>) dst(%dma_wait3A_154 : memref<256x32xf32, #tpu.memory_space<vmem>>)
        %add3A_161 = arith.constant 2 : i32
        %add3A_162 = arith.addi %mul3A_122, %add3A_161 : i32
        %dma_start3A_163 = arith.constant 0 : i32
        %dma_start3A_164 = arith.constant 0 : i32
        %dma_start3A_165 = arith.constant 0 : i32
        %dma_start3A_166 = tpu.memref_slice %arg10[%dma_start3A_163, %dma_start3A_164, %dma_start3A_165] : memref<2x256x32xf32, #tpu.memory_space<vmem>> -> memref<1x256x32xf32, #tpu.memory_space<vmem>>
        %dma_start3A_167 = tpu.memref_squeeze %dma_start3A_166 : memref<1x256x32xf32, #tpu.memory_space<vmem>> -> memref<256x32xf32, #tpu.memory_space<vmem>>
        %dma_start3A_168 = arith.constant 0 : i32
        %dma_start3A_169 = tpu.memref_slice %arg8[%add3A_162, %dma_start3A_168] : memref<42x256xi32, #tpu.memory_space<vmem>> -> memref<1x256xi32, #tpu.memory_space<vmem>>
        %dma_start3A_170 = tpu.memref_squeeze %dma_start3A_169 : memref<1x256xi32, #tpu.memory_space<vmem>> -> memref<256xi32, #tpu.memory_space<vmem>>
        %dma_start3A_171 = arith.constant 0 : i32
        %dma_start3A_172 = arith.constant 0 : i32
        %dma_start3A_173 = tpu.memref_slice %arg7[%dma_start3A_171, %dma_start3A_172] : memref<20480x32xf32, #tpu.memory_space<hbm>> -> memref<20480x32xf32, #tpu.memory_space<hbm>>
        tpu.enqueue_indirect_dma source(%dma_start3A_173 : memref<20480x32xf32, #tpu.memory_space<hbm>>) target(%dma_start3A_167 : memref<256x32xf32, #tpu.memory_space<vmem>>) offsets(%dma_start3A_170 : memref<256xi32, #tpu.memory_space<vmem>>) semaphore(%arg16 : memref<!tpu.dma_semaphore, #tpu.memory_space<semaphore_mem>>)
        %add3A_174 = arith.constant 1 : i32
        %add3A_175 = arith.addi %mul3A_122, %add3A_174 : i32
        %run_scoped3A_176 = arith.constant 1 : i32
        "tpu.region"() ({
          %run_scoped3A_177 = tpu.sem_alloc : memref<!tpu.dma_semaphore, #tpu.memory_space<semaphore_mem>>
          %dma_start3A_178 = arith.constant 0 : i32
          %dma_start3A_179 = arith.constant 0 : i32
          %dma_start3A_180 = tpu.memref_slice %arg10[%run_scoped3A_176, %dma_start3A_178, %dma_start3A_179] : memref<2x256x32xf32, #tpu.memory_space<vmem>> -> memref<1x256x32xf32, #tpu.memory_space<vmem>>
          %dma_start3A_181 = tpu.memref_squeeze %dma_start3A_180 : memref<1x256x32xf32, #tpu.memory_space<vmem>> -> memref<256x32xf32, #tpu.memory_space<vmem>>
          %dma_start3A_182 = arith.constant 0 : i32
          %dma_start3A_183 = tpu.memref_slice %arg9[%add3A_175, %dma_start3A_182] : memref<42x256xi32, #tpu.memory_space<vmem>> -> memref<1x256xi32, #tpu.memory_space<vmem>>
          %dma_start3A_184 = tpu.memref_squeeze %dma_start3A_183 : memref<1x256xi32, #tpu.memory_space<vmem>> -> memref<256xi32, #tpu.memory_space<vmem>>
          %dma_start3A_185 = arith.constant 0 : i32
          %dma_start3A_186 = arith.constant 0 : i32
          %dma_start3A_187 = tpu.memref_slice %arg15[%dma_start3A_185, %dma_start3A_186] : memref<10240x32xf32, #tpu.memory_space<vmem_shared>> -> memref<10240x32xf32, #tpu.memory_space<vmem_shared>>
          tpu.enqueue_indirect_dma source(%dma_start3A_181 : memref<256x32xf32, #tpu.memory_space<vmem>>) target(%dma_start3A_187 : memref<10240x32xf32, #tpu.memory_space<vmem_shared>>) offsets(%dma_start3A_184 : memref<256xi32, #tpu.memory_space<vmem>>) semaphore(%run_scoped3A_177 : memref<!tpu.dma_semaphore, #tpu.memory_space<semaphore_mem>>) {add = true}
          %dma_wait3A_188 = arith.constant 0 : i32
          %dma_wait3A_189 = arith.constant 0 : i32
          %dma_wait3A_190 = tpu.memref_slice %arg10[%run_scoped3A_176, %dma_wait3A_188, %dma_wait3A_189] : memref<2x256x32xf32, #tpu.memory_space<vmem>> -> memref<1x256x32xf32, #tpu.memory_space<vmem>>
          %dma_wait3A_191 = tpu.memref_squeeze %dma_wait3A_190 : memref<1x256x32xf32, #tpu.memory_space<vmem>> -> memref<256x32xf32, #tpu.memory_space<vmem>>
          %dma_wait3A_192 = arith.constant 0 : i32
          %dma_wait3A_193 = tpu.memref_slice %arg9[%add3A_175, %dma_wait3A_192] : memref<42x256xi32, #tpu.memory_space<vmem>> -> memref<1x256xi32, #tpu.memory_space<vmem>>
          %dma_wait3A_194 = tpu.memref_squeeze %dma_wait3A_193 : memref<1x256xi32, #tpu.memory_space<vmem>> -> memref<256xi32, #tpu.memory_space<vmem>>
          %dma_wait3A_195 = arith.constant 0 : i32
          %dma_wait3A_196 = arith.constant 0 : i32
          %dma_wait3A_197 = tpu.memref_slice %arg15[%dma_wait3A_195, %dma_wait3A_196] : memref<10240x32xf32, #tpu.memory_space<vmem_shared>> -> memref<10240x32xf32, #tpu.memory_space<vmem_shared>>
          tpu.wait_indirect_dma semaphore(%run_scoped3A_177 : memref<!tpu.dma_semaphore, #tpu.memory_space<semaphore_mem>>) src(%dma_wait3A_191 : memref<256x32xf32, #tpu.memory_space<vmem>>) dst(%dma_wait3A_197 : memref<10240x32xf32, #tpu.memory_space<vmem_shared>>)
          tpu.yield
        }) : () -> ()
      }
      %scan3A_70 = arith.constant 20 : i32
      %dma_wait3A = arith.constant 40 : i32
      %dma_wait3A_71 = arith.constant 0 : i32
      %dma_wait3A_72 = arith.constant 0 : i32
      %dma_wait3A_73 = arith.constant 0 : i32
      %dma_wait3A_74 = tpu.memref_slice %arg10[%dma_wait3A_71, %dma_wait3A_72, %dma_wait3A_73] : memref<2x256x32xf32, #tpu.memory_space<vmem>> -> memref<1x256x32xf32, #tpu.memory_space<vmem>>
      %dma_wait3A_75 = tpu.memref_squeeze %dma_wait3A_74 : memref<1x256x32xf32, #tpu.memory_space<vmem>> -> memref<256x32xf32, #tpu.memory_space<vmem>>
      %dma_wait3A_76 = arith.constant 0 : i32
      %dma_wait3A_77 = tpu.memref_slice %arg8[%dma_wait3A, %dma_wait3A_76] : memref<42x256xi32, #tpu.memory_space<vmem>> -> memref<1x256xi32, #tpu.memory_space<vmem>>
      %dma_wait3A_78 = tpu.memref_squeeze %dma_wait3A_77 : memref<1x256xi32, #tpu.memory_space<vmem>> -> memref<256xi32, #tpu.memory_space<vmem>>
      %dma_wait3A_79 = arith.constant 0 : i32
      %dma_wait3A_80 = arith.constant 0 : i32
      %dma_wait3A_81 = tpu.memref_slice %arg7[%dma_wait3A_79, %dma_wait3A_80] : memref<20480x32xf32, #tpu.memory_space<hbm>> -> memref<20480x32xf32, #tpu.memory_space<hbm>>
      tpu.wait_indirect_dma semaphore(%arg16 : memref<!tpu.dma_semaphore, #tpu.memory_space<semaphore_mem>>) src(%dma_wait3A_81 : memref<20480x32xf32, #tpu.memory_space<hbm>>) dst(%dma_wait3A_75 : memref<256x32xf32, #tpu.memory_space<vmem>>)
      %dma_start3A_82 = arith.constant 41 : i32
      %dma_start3A_83 = arith.constant 1 : i32
      %dma_start3A_84 = arith.constant 0 : i32
      %dma_start3A_85 = arith.constant 0 : i32
      %dma_start3A_86 = tpu.memref_slice %arg10[%dma_start3A_83, %dma_start3A_84, %dma_start3A_85] : memref<2x256x32xf32, #tpu.memory_space<vmem>> -> memref<1x256x32xf32, #tpu.memory_space<vmem>>
      %dma_start3A_87 = tpu.memref_squeeze %dma_start3A_86 : memref<1x256x32xf32, #tpu.memory_space<vmem>> -> memref<256x32xf32, #tpu.memory_space<vmem>>
      %dma_start3A_88 = arith.constant 0 : i32
      %dma_start3A_89 = tpu.memref_slice %arg8[%dma_start3A_82, %dma_start3A_88] : memref<42x256xi32, #tpu.memory_space<vmem>> -> memref<1x256xi32, #tpu.memory_space<vmem>>
      %dma_start3A_90 = tpu.memref_squeeze %dma_start3A_89 : memref<1x256xi32, #tpu.memory_space<vmem>> -> memref<256xi32, #tpu.memory_space<vmem>>
      %dma_start3A_91 = arith.constant 0 : i32
      %dma_start3A_92 = arith.constant 0 : i32
      %dma_start3A_93 = tpu.memref_slice %arg7[%dma_start3A_91, %dma_start3A_92] : memref<20480x32xf32, #tpu.memory_space<hbm>> -> memref<20480x32xf32, #tpu.memory_space<hbm>>
      tpu.enqueue_indirect_dma source(%dma_start3A_93 : memref<20480x32xf32, #tpu.memory_space<hbm>>) target(%dma_start3A_87 : memref<256x32xf32, #tpu.memory_space<vmem>>) offsets(%dma_start3A_90 : memref<256xi32, #tpu.memory_space<vmem>>) semaphore(%arg17 : memref<!tpu.dma_semaphore, #tpu.memory_space<semaphore_mem>>)
      %run_scoped3A = arith.constant 0 : i32
      %run_scoped3A_94 = arith.constant 40 : i32
      "tpu.region"() ({
        %run_scoped3A_116 = tpu.sem_alloc : memref<!tpu.dma_semaphore, #tpu.memory_space<semaphore_mem>>
        %dma_start3A_117 = arith.constant 0 : i32
        %dma_start3A_118 = arith.constant 0 : i32
        %dma_start3A_119 = tpu.memref_slice %arg10[%run_scoped3A, %dma_start3A_117, %dma_start3A_118] : memref<2x256x32xf32, #tpu.memory_space<vmem>> -> memref<1x256x32xf32, #tpu.memory_space<vmem>>
        %dma_start3A_120 = tpu.memref_squeeze %dma_start3A_119 : memref<1x256x32xf32, #tpu.memory_space<vmem>> -> memref<256x32xf32, #tpu.memory_space<vmem>>
        %dma_start3A_121 = arith.constant 0 : i32
        %dma_start3A_122 = tpu.memref_slice %arg9[%run_scoped3A_94, %dma_start3A_121] : memref<42x256xi32, #tpu.memory_space<vmem>> -> memref<1x256xi32, #tpu.memory_space<vmem>>
        %dma_start3A_123 = tpu.memref_squeeze %dma_start3A_122 : memref<1x256xi32, #tpu.memory_space<vmem>> -> memref<256xi32, #tpu.memory_space<vmem>>
        %dma_start3A_124 = arith.constant 0 : i32
        %dma_start3A_125 = arith.constant 0 : i32
        %dma_start3A_126 = tpu.memref_slice %arg15[%dma_start3A_124, %dma_start3A_125] : memref<10240x32xf32, #tpu.memory_space<vmem_shared>> -> memref<10240x32xf32, #tpu.memory_space<vmem_shared>>
        tpu.enqueue_indirect_dma source(%dma_start3A_120 : memref<256x32xf32, #tpu.memory_space<vmem>>) target(%dma_start3A_126 : memref<10240x32xf32, #tpu.memory_space<vmem_shared>>) offsets(%dma_start3A_123 : memref<256xi32, #tpu.memory_space<vmem>>) semaphore(%run_scoped3A_116 : memref<!tpu.dma_semaphore, #tpu.memory_space<semaphore_mem>>) {add = true}
        %dma_wait3A_127 = arith.constant 0 : i32
        %dma_wait3A_128 = arith.constant 0 : i32
        %dma_wait3A_129 = tpu.memref_slice %arg10[%run_scoped3A, %dma_wait3A_127, %dma_wait3A_128] : memref<2x256x32xf32, #tpu.memory_space<vmem>> -> memref<1x256x32xf32, #tpu.memory_space<vmem>>
        %dma_wait3A_130 = tpu.memref_squeeze %dma_wait3A_129 : memref<1x256x32xf32, #tpu.memory_space<vmem>> -> memref<256x32xf32, #tpu.memory_space<vmem>>
        %dma_wait3A_131 = arith.constant 0 : i32
        %dma_wait3A_132 = tpu.memref_slice %arg9[%run_scoped3A_94, %dma_wait3A_131] : memref<42x256xi32, #tpu.memory_space<vmem>> -> memref<1x256xi32, #tpu.memory_space<vmem>>
        %dma_wait3A_133 = tpu.memref_squeeze %dma_wait3A_132 : memref<1x256xi32, #tpu.memory_space<vmem>> -> memref<256xi32, #tpu.memory_space<vmem>>
        %dma_wait3A_134 = arith.constant 0 : i32
        %dma_wait3A_135 = arith.constant 0 : i32
        %dma_wait3A_136 = tpu.memref_slice %arg15[%dma_wait3A_134, %dma_wait3A_135] : memref<10240x32xf32, #tpu.memory_space<vmem_shared>> -> memref<10240x32xf32, #tpu.memory_space<vmem_shared>>
        tpu.wait_indirect_dma semaphore(%run_scoped3A_116 : memref<!tpu.dma_semaphore, #tpu.memory_space<semaphore_mem>>) src(%dma_wait3A_130 : memref<256x32xf32, #tpu.memory_space<vmem>>) dst(%dma_wait3A_136 : memref<10240x32xf32, #tpu.memory_space<vmem_shared>>)
        tpu.yield
      }) : () -> ()
      %dma_wait3A_95 = arith.constant 41 : i32
      %dma_wait3A_96 = arith.constant 1 : i32
      %dma_wait3A_97 = arith.constant 0 : i32
      %dma_wait3A_98 = arith.constant 0 : i32
      %dma_wait3A_99 = tpu.memref_slice %arg10[%dma_wait3A_96, %dma_wait3A_97, %dma_wait3A_98] : memref<2x256x32xf32, #tpu.memory_space<vmem>> -> memref<1x256x32xf32, #tpu.memory_space<vmem>>
      %dma_wait3A_100 = tpu.memref_squeeze %dma_wait3A_99 : memref<1x256x32xf32, #tpu.memory_space<vmem>> -> memref<256x32xf32, #tpu.memory_space<vmem>>
      %dma_wait3A_101 = arith.constant 0 : i32
      %dma_wait3A_102 = tpu.memref_slice %arg8[%dma_wait3A_95, %dma_wait3A_101] : memref<42x256xi32, #tpu.memory_space<vmem>> -> memref<1x256xi32, #tpu.memory_space<vmem>>
      %dma_wait3A_103 = tpu.memref_squeeze %dma_wait3A_102 : memref<1x256xi32, #tpu.memory_space<vmem>> -> memref<256xi32, #tpu.memory_space<vmem>>
      %dma_wait3A_104 = arith.constant 0 : i32
      %dma_wait3A_105 = arith.constant 0 : i32
      %dma_wait3A_106 = tpu.memref_slice %arg7[%dma_wait3A_104, %dma_wait3A_105] : memref<20480x32xf32, #tpu.memory_space<hbm>> -> memref<20480x32xf32, #tpu.memory_space<hbm>>
      tpu.wait_indirect_dma semaphore(%arg17 : memref<!tpu.dma_semaphore, #tpu.memory_space<semaphore_mem>>) src(%dma_wait3A_106 : memref<20480x32xf32, #tpu.memory_space<hbm>>) dst(%dma_wait3A_100 : memref<256x32xf32, #tpu.memory_space<vmem>>)
      %run_scoped3A_107 = arith.constant 1 : i32
      %run_scoped3A_108 = arith.constant 41 : i32
      "tpu.region"() ({
        %run_scoped3A_116 = tpu.sem_alloc : memref<!tpu.dma_semaphore, #tpu.memory_space<semaphore_mem>>
        %dma_start3A_117 = arith.constant 0 : i32
        %dma_start3A_118 = arith.constant 0 : i32
        %dma_start3A_119 = tpu.memref_slice %arg10[%run_scoped3A_107, %dma_start3A_117, %dma_start3A_118] : memref<2x256x32xf32, #tpu.memory_space<vmem>> -> memref<1x256x32xf32, #tpu.memory_space<vmem>>
        %dma_start3A_120 = tpu.memref_squeeze %dma_start3A_119 : memref<1x256x32xf32, #tpu.memory_space<vmem>> -> memref<256x32xf32, #tpu.memory_space<vmem>>
        %dma_start3A_121 = arith.constant 0 : i32
        %dma_start3A_122 = tpu.memref_slice %arg9[%run_scoped3A_108, %dma_start3A_121] : memref<42x256xi32, #tpu.memory_space<vmem>> -> memref<1x256xi32, #tpu.memory_space<vmem>>
        %dma_start3A_123 = tpu.memref_squeeze %dma_start3A_122 : memref<1x256xi32, #tpu.memory_space<vmem>> -> memref<256xi32, #tpu.memory_space<vmem>>
        %dma_start3A_124 = arith.constant 0 : i32
        %dma_start3A_125 = arith.constant 0 : i32
        %dma_start3A_126 = tpu.memref_slice %arg15[%dma_start3A_124, %dma_start3A_125] : memref<10240x32xf32, #tpu.memory_space<vmem_shared>> -> memref<10240x32xf32, #tpu.memory_space<vmem_shared>>
        tpu.enqueue_indirect_dma source(%dma_start3A_120 : memref<256x32xf32, #tpu.memory_space<vmem>>) target(%dma_start3A_126 : memref<10240x32xf32, #tpu.memory_space<vmem_shared>>) offsets(%dma_start3A_123 : memref<256xi32, #tpu.memory_space<vmem>>) semaphore(%run_scoped3A_116 : memref<!tpu.dma_semaphore, #tpu.memory_space<semaphore_mem>>) {add = true}
        %dma_wait3A_127 = arith.constant 0 : i32
        %dma_wait3A_128 = arith.constant 0 : i32
        %dma_wait3A_129 = tpu.memref_slice %arg10[%run_scoped3A_107, %dma_wait3A_127, %dma_wait3A_128] : memref<2x256x32xf32, #tpu.memory_space<vmem>> -> memref<1x256x32xf32, #tpu.memory_space<vmem>>
        %dma_wait3A_130 = tpu.memref_squeeze %dma_wait3A_129 : memref<1x256x32xf32, #tpu.memory_space<vmem>> -> memref<256x32xf32, #tpu.memory_space<vmem>>
        %dma_wait3A_131 = arith.constant 0 : i32
        %dma_wait3A_132 = tpu.memref_slice %arg9[%run_scoped3A_108, %dma_wait3A_131] : memref<42x256xi32, #tpu.memory_space<vmem>> -> memref<1x256xi32, #tpu.memory_space<vmem>>
        %dma_wait3A_133 = tpu.memref_squeeze %dma_wait3A_132 : memref<1x256xi32, #tpu.memory_space<vmem>> -> memref<256xi32, #tpu.memory_space<vmem>>
        %dma_wait3A_134 = arith.constant 0 : i32
        %dma_wait3A_135 = arith.constant 0 : i32
        %dma_wait3A_136 = tpu.memref_slice %arg15[%dma_wait3A_134, %dma_wait3A_135] : memref<10240x32xf32, #tpu.memory_space<vmem_shared>> -> memref<10240x32xf32, #tpu.memory_space<vmem_shared>>
        tpu.wait_indirect_dma semaphore(%run_scoped3A_116 : memref<!tpu.dma_semaphore, #tpu.memory_space<semaphore_mem>>) src(%dma_wait3A_130 : memref<256x32xf32, #tpu.memory_space<vmem>>) dst(%dma_wait3A_136 : memref<10240x32xf32, #tpu.memory_space<vmem_shared>>)
        tpu.yield
      }) : () -> ()
      %barrier3A_109 = arith.constant 0 : index
      tpu.barrier barrier_id(%barrier3A_109)
      %scan3A_110 = arith.constant 0 : i32
      %scan3A_111 = arith.constant 5 : i32
      %scan3A_112 = arith.addi %scan3A_110, %scan3A_111 : i32
      %scan3A_113 = arith.constant 1 : i32
      scf.for %scan3A_116 = %scan3A_110 to %scan3A_112 step %scan3A_113  : i32 {
        %mul3A_117 = arith.constant 1 : i32
        %mul3A_118 = arith.muli %scan3A_116, %mul3A_117 : i32
        %add3A_119 = arith.constant 0 : i32
        %add3A_120 = arith.addi %add3A_119, %mul3A_118 : i32
        %mul3A_121 = arith.constant 128 : i32
        %mul3A_122 = arith.muli %add3A_120, %mul3A_121 : i32
        %add3A_123 = arith.addi %mul3A_0, %mul3A_122 : i32
        "tpu.region"() ({
          %run_scoped3A_135 = tpu.sem_alloc : memref<!tpu.dma_semaphore, #tpu.memory_space<semaphore_mem>>
          %dma_start3A_136 = arith.constant 0 : i32
          %dma_start3A_137 = tpu.memref_slice %arg15[%add3A_123, %dma_start3A_136] : memref<10240x32xf32, #tpu.memory_space<vmem_shared>> -> memref<128x32xf32, #tpu.memory_space<vmem_shared>>
          %dma_start3A_138 = arith.constant 0 : i32
          %dma_start3A_139 = tpu.memref_slice %arg15[%add3A_123, %dma_start3A_138] : memref<10240x32xf32, #tpu.memory_space<vmem_shared>> -> memref<128x32xf32, #tpu.memory_space<vmem_shared>>
          tpu.enqueue_dma source(%dma_start3A_139 : memref<128x32xf32, #tpu.memory_space<vmem_shared>>) target(%arg11 : memref<128x32xf32, #tpu.memory_space<vmem>>) target_semaphore(%run_scoped3A_135 : memref<!tpu.dma_semaphore, #tpu.memory_space<semaphore_mem>>)
          %dma_wait3A_140 = arith.constant 0 : i32
          %dma_wait3A_141 = tpu.memref_slice %arg15[%add3A_123, %dma_wait3A_140] : memref<10240x32xf32, #tpu.memory_space<vmem_shared>> -> memref<128x32xf32, #tpu.memory_space<vmem_shared>>
          %dma_wait3A_142 = arith.constant 0 : i32
          %dma_wait3A_143 = tpu.memref_slice %arg15[%add3A_123, %dma_wait3A_142] : memref<10240x32xf32, #tpu.memory_space<vmem_shared>> -> memref<128x32xf32, #tpu.memory_space<vmem_shared>>
          tpu.wait_dma2 semaphore(%run_scoped3A_135 : memref<!tpu.dma_semaphore, #tpu.memory_space<semaphore_mem>>) src(%dma_wait3A_143 : memref<128x32xf32, #tpu.memory_space<vmem_shared>>) dst(%arg11 : memref<128x32xf32, #tpu.memory_space<vmem>>)
          tpu.yield
        }) : () -> ()
        %mul3A_124 = arith.constant 128 : i32
        %mul3A_125 = arith.muli %add3A_120, %mul3A_124 : i32
        %add3A_126 = arith.addi %add3A, %mul3A_125 : i32
        "tpu.region"() ({
          %run_scoped3A_135 = tpu.sem_alloc : memref<!tpu.dma_semaphore, #tpu.memory_space<semaphore_mem>>
          %dma_start3A_136 = arith.constant 0 : i32
          %dma_start3A_137 = tpu.memref_slice %arg3[%add3A_126, %dma_start3A_136] : memref<20480x32xf32, #tpu.memory_space<hbm>> -> memref<128x32xf32, #tpu.memory_space<hbm>>
          %dma_start3A_138 = arith.constant 0 : i32
          %dma_start3A_139 = tpu.memref_slice %arg3[%add3A_126, %dma_start3A_138] : memref<20480x32xf32, #tpu.memory_space<hbm>> -> memref<128x32xf32, #tpu.memory_space<hbm>>
          tpu.enqueue_dma source(%dma_start3A_139 : memref<128x32xf32, #tpu.memory_space<hbm>>) target(%arg12 : memref<128x32xf32, #tpu.memory_space<vmem>>) target_semaphore(%run_scoped3A_135 : memref<!tpu.dma_semaphore, #tpu.memory_space<semaphore_mem>>)
          %dma_wait3A_140 = arith.constant 0 : i32
          %dma_wait3A_141 = tpu.memref_slice %arg3[%add3A_126, %dma_wait3A_140] : memref<20480x32xf32, #tpu.memory_space<hbm>> -> memref<128x32xf32, #tpu.memory_space<hbm>>
          %dma_wait3A_142 = arith.constant 0 : i32
          %dma_wait3A_143 = tpu.memref_slice %arg3[%add3A_126, %dma_wait3A_142] : memref<20480x32xf32, #tpu.memory_space<hbm>> -> memref<128x32xf32, #tpu.memory_space<hbm>>
          tpu.wait_dma2 semaphore(%run_scoped3A_135 : memref<!tpu.dma_semaphore, #tpu.memory_space<semaphore_mem>>) src(%dma_wait3A_143 : memref<128x32xf32, #tpu.memory_space<hbm>>) dst(%arg12 : memref<128x32xf32, #tpu.memory_space<vmem>>)
          tpu.yield
        }) : () -> ()
        %scan3A_127 = arith.constant 0 : i32
        %scan3A_128 = arith.constant 8 : i32
        %scan3A_129 = arith.addi %scan3A_127, %scan3A_128 : i32
        %scan3A_130 = arith.constant 1 : i32
        scf.for %scan3A_135 = %scan3A_127 to %scan3A_129 step %scan3A_130  : i32 {
          %mul3A_136 = arith.constant 1 : i32
          %mul3A_137 = arith.muli %scan3A_135, %mul3A_136 : i32
          %add3A_138 = arith.constant 0 : i32
          %add3A_139 = arith.addi %add3A_138, %mul3A_137 : i32
          %mul3A_140 = arith.constant 128 : i32
          %mul3A_141 = arith.muli %add3A_120, %mul3A_140 : i32
          %mul3A_142 = arith.constant 16 : i32
          %mul3A_143 = arith.muli %add3A_139, %mul3A_142 : i32
          %add3A_144 = arith.addi %mul3A_141, %mul3A_143 : i32
          %get3A = arith.index_cast %add3A_144 : i32 to index
          %get3A_145 = tpu.vector_load %arg14[%get3A] {strides = array<i32>} : memref<640xf32, #tpu.memory_space<vmem>>, vector<16xf32>,
          %get3A_146 = vector.shape_cast %get3A_145 : vector<16xf32> to vector<16xf32>
          %mul3A_147 = arith.constant 16 : i32
          %mul3A_148 = arith.muli %add3A_139, %mul3A_147 : i32
          %add3A_149 = arith.constant 0 : i32
          %add3A_150 = arith.addi %mul3A_148, %add3A_149 : i32
          %slice3A = vector.extract_strided_slice %get3A_146 {offsets = [0], sizes = [1], strides = [1]} : vector<16xf32> to vector<1xf32>
          %squeeze3A = vector.extract %slice3A[0] : f32 from vector<1xf32>
          %get3A_151 = arith.index_cast %add3A_150 : i32 to index
          %get3A_152 = arith.constant 0 : index
          %get3A_153 = tpu.vector_load %arg11[%get3A_151, %get3A_152] {strides = array<i32>} : memref<128x32xf32, #tpu.memory_space<vmem>>, vector<1x16xf32>,
          %get3A_154 = vector.shape_cast %get3A_153 : vector<1x16xf32> to vector<16xf32>
          %mul3A_155 = vector.broadcast %squeeze3A : f32 to vector<16xf32>
          %mul3A_156 = arith.mulf %get3A_154, %mul3A_155 : vector<16xf32>
          %get3A_157 = arith.index_cast %add3A_150 : i32 to index
          %get3A_158 = arith.constant 0 : index
          %get3A_159 = tpu.vector_load %arg12[%get3A_157, %get3A_158] {strides = array<i32>} : memref<128x32xf32, #tpu.memory_space<vmem>>, vector<1x16xf32>,
          %get3A_160 = vector.shape_cast %get3A_159 : vector<1x16xf32> to vector<16xf32>
          %add3A_161 = arith.addf %mul3A_156, %get3A_160 : vector<16xf32>
          %swap3A = arith.index_cast %add3A_150 : i32 to index
          %swap3A_162 = arith.constant 0 : index
          %swap3A_163 = tpu.vector_load %arg11[%swap3A, %swap3A_162] {strides = array<i32>} : memref<128x32xf32, #tpu.memory_space<vmem>>, vector<1x16xf32>,
          %swap3A_164 = vector.shape_cast %swap3A_163 : vector<1x16xf32> to vector<16xf32>
          %swap3A_165 = vector.shape_cast %add3A_161 : vector<16xf32> to vector<1x16xf32>
          tpu.vector_store %arg11[%swap3A, %swap3A_162], %swap3A_165 {strides = array<i32>} : memref<128x32xf32, #tpu.memory_space<vmem>>, vector<1x16xf32>,
          %get3A_166 = arith.index_cast %add3A_150 : i32 to index
          %get3A_167 = arith.constant 16 : index
          %get3A_168 = tpu.vector_load %arg11[%get3A_166, %get3A_167] {strides = array<i32>} : memref<128x32xf32, #tpu.memory_space<vmem>>, vector<1x16xf32>,
          %get3A_169 = vector.shape_cast %get3A_168 : vector<1x16xf32> to vector<16xf32>
          %mul3A_170 = vector.broadcast %squeeze3A : f32 to vector<16xf32>
          %mul3A_171 = arith.mulf %get3A_169, %mul3A_170 : vector<16xf32>
          %get3A_172 = arith.index_cast %add3A_150 : i32 to index
          %get3A_173 = arith.constant 16 : index
          %get3A_174 = tpu.vector_load %arg12[%get3A_172, %get3A_173] {strides = array<i32>} : memref<128x32xf32, #tpu.memory_space<vmem>>, vector<1x16xf32>,
          %get3A_175 = vector.shape_cast %get3A_174 : vector<1x16xf32> to vector<16xf32>
          %add3A_176 = arith.addf %mul3A_171, %get3A_175 : vector<16xf32>
          %swap3A_177 = arith.index_cast %add3A_150 : i32 to index
          %swap3A_178 = arith.constant 16 : index
          %swap3A_179 = tpu.vector_load %arg11[%swap3A_177, %swap3A_178] {strides = array<i32>} : memref<128x32xf32, #tpu.memory_space<vmem>>, vector<1x16xf32>,
          %swap3A_180 = vector.shape_cast %swap3A_179 : vector<1x16xf32> to vector<16xf32>
          %swap3A_181 = vector.shape_cast %add3A_176 : vector<16xf32> to vector<1x16xf32>
          tpu.vector_store %arg11[%swap3A_177, %swap3A_178], %swap3A_181 {strides = array<i32>} : memref<128x32xf32, #tpu.memory_space<vmem>>, vector<1x16xf32>,
          %mul3A_182 = arith.constant 16 : i32
          %mul3A_183 = arith.muli %add3A_139, %mul3A_182 : i32
          %add3A_184 = arith.constant 1 : i32
          %add3A_185 = arith.addi %mul3A_183, %add3A_184 : i32
          %slice3A_186 = vector.extract_strided_slice %get3A_146 {offsets = [1], sizes = [1], strides = [1]} : vector<16xf32> to vector<1xf32>
          %squeeze3A_187 = vector.extract %slice3A_186[0] : f32 from vector<1xf32>
          %get3A_188 = arith.index_cast %add3A_185 : i32 to index
          %get3A_189 = arith.constant 0 : index
          %get3A_190 = tpu.vector_load %arg11[%get3A_188, %get3A_189] {strides = array<i32>} : memref<128x32xf32, #tpu.memory_space<vmem>>, vector<1x16xf32>,
          %get3A_191 = vector.shape_cast %get3A_190 : vector<1x16xf32> to vector<16xf32>
          %mul3A_192 = vector.broadcast %squeeze3A_187 : f32 to vector<16xf32>
          %mul3A_193 = arith.mulf %get3A_191, %mul3A_192 : vector<16xf32>
          %get3A_194 = arith.index_cast %add3A_185 : i32 to index
          %get3A_195 = arith.constant 0 : index
          %get3A_196 = tpu.vector_load %arg12[%get3A_194, %get3A_195] {strides = array<i32>} : memref<128x32xf32, #tpu.memory_space<vmem>>, vector<1x16xf32>,
          %get3A_197 = vector.shape_cast %get3A_196 : vector<1x16xf32> to vector<16xf32>
          %add3A_198 = arith.addf %mul3A_193, %get3A_197 : vector<16xf32>
          %swap3A_199 = arith.index_cast %add3A_185 : i32 to index
          %swap3A_200 = arith.constant 0 : index
          %swap3A_201 = tpu.vector_load %arg11[%swap3A_199, %swap3A_200] {strides = array<i32>} : memref<128x32xf32, #tpu.memory_space<vmem>>, vector<1x16xf32>,
          %swap3A_202 = vector.shape_cast %swap3A_201 : vector<1x16xf32> to vector<16xf32>
          %swap3A_203 = vector.shape_cast %add3A_198 : vector<16xf32> to vector<1x16xf32>
          tpu.vector_store %arg11[%swap3A_199, %swap3A_200], %swap3A_203 {strides = array<i32>} : memref<128x32xf32, #tpu.memory_space<vmem>>, vector<1x16xf32>,
          %get3A_204 = arith.index_cast %add3A_185 : i32 to index
          %get3A_205 = arith.constant 16 : index
          %get3A_206 = tpu.vector_load %arg11[%get3A_204, %get3A_205] {strides = array<i32>} : memref<128x32xf32, #tpu.memory_space<vmem>>, vector<1x16xf32>,
          %get3A_207 = vector.shape_cast %get3A_206 : vector<1x16xf32> to vector<16xf32>
          %mul3A_208 = vector.broadcast %squeeze3A_187 : f32 to vector<16xf32>
          %mul3A_209 = arith.mulf %get3A_207, %mul3A_208 : vector<16xf32>
          %get3A_210 = arith.index_cast %add3A_185 : i32 to index
          %get3A_211 = arith.constant 16 : index
          %get3A_212 = tpu.vector_load %arg12[%get3A_210, %get3A_211] {strides = array<i32>} : memref<128x32xf32, #tpu.memory_space<vmem>>, vector<1x16xf32>,
          %get3A_213 = vector.shape_cast %get3A_212 : vector<1x16xf32> to vector<16xf32>
          %add3A_214 = arith.addf %mul3A_209, %get3A_213 : vector<16xf32>
          %swap3A_215 = arith.index_cast %add3A_185 : i32 to index
          %swap3A_216 = arith.constant 16 : index
          %swap3A_217 = tpu.vector_load %arg11[%swap3A_215, %swap3A_216] {strides = array<i32>} : memref<128x32xf32, #tpu.memory_space<vmem>>, vector<1x16xf32>,
          %swap3A_218 = vector.shape_cast %swap3A_217 : vector<1x16xf32> to vector<16xf32>
          %swap3A_219 = vector.shape_cast %add3A_214 : vector<16xf32> to vector<1x16xf32>
          tpu.vector_store %arg11[%swap3A_215, %swap3A_216], %swap3A_219 {strides = array<i32>} : memref<128x32xf32, #tpu.memory_space<vmem>>, vector<1x16xf32>,
          %mul3A_220 = arith.constant 16 : i32
          %mul3A_221 = arith.muli %add3A_139, %mul3A_220 : i32
          %add3A_222 = arith.constant 2 : i32
          %add3A_223 = arith.addi %mul3A_221, %add3A_222 : i32
          %slice3A_224 = vector.extract_strided_slice %get3A_146 {offsets = [2], sizes = [1], strides = [1]} : vector<16xf32> to vector<1xf32>
          %squeeze3A_225 = vector.extract %slice3A_224[0] : f32 from vector<1xf32>
          %get3A_226 = arith.index_cast %add3A_223 : i32 to index
          %get3A_227 = arith.constant 0 : index
          %get3A_228 = tpu.vector_load %arg11[%get3A_226, %get3A_227] {strides = array<i32>} : memref<128x32xf32, #tpu.memory_space<vmem>>, vector<1x16xf32>,
          %get3A_229 = vector.shape_cast %get3A_228 : vector<1x16xf32> to vector<16xf32>
          %mul3A_230 = vector.broadcast %squeeze3A_225 : f32 to vector<16xf32>
          %mul3A_231 = arith.mulf %get3A_229, %mul3A_230 : vector<16xf32>
          %get3A_232 = arith.index_cast %add3A_223 : i32 to index
          %get3A_233 = arith.constant 0 : index
          %get3A_234 = tpu.vector_load %arg12[%get3A_232, %get3A_233] {strides = array<i32>} : memref<128x32xf32, #tpu.memory_space<vmem>>, vector<1x16xf32>,
          %get3A_235 = vector.shape_cast %get3A_234 : vector<1x16xf32> to vector<16xf32>
          %add3A_236 = arith.addf %mul3A_231, %get3A_235 : vector<16xf32>
          %swap3A_237 = arith.index_cast %add3A_223 : i32 to index
          %swap3A_238 = arith.constant 0 : index
          %swap3A_239 = tpu.vector_load %arg11[%swap3A_237, %swap3A_238] {strides = array<i32>} : memref<128x32xf32, #tpu.memory_space<vmem>>, vector<1x16xf32>,
          %swap3A_240 = vector.shape_cast %swap3A_239 : vector<1x16xf32> to vector<16xf32>
          %swap3A_241 = vector.shape_cast %add3A_236 : vector<16xf32> to vector<1x16xf32>
          tpu.vector_store %arg11[%swap3A_237, %swap3A_238], %swap3A_241 {strides = array<i32>} : memref<128x32xf32, #tpu.memory_space<vmem>>, vector<1x16xf32>,
          %get3A_242 = arith.index_cast %add3A_223 : i32 to index
          %get3A_243 = arith.constant 16 : index
          %get3A_244 = tpu.vector_load %arg11[%get3A_242, %get3A_243] {strides = array<i32>} : memref<128x32xf32, #tpu.memory_space<vmem>>, vector<1x16xf32>,
          %get3A_245 = vector.shape_cast %get3A_244 : vector<1x16xf32> to vector<16xf32>
          %mul3A_246 = vector.broadcast %squeeze3A_225 : f32 to vector<16xf32>
          %mul3A_247 = arith.mulf %get3A_245, %mul3A_246 : vector<16xf32>
          %get3A_248 = arith.index_cast %add3A_223 : i32 to index
          %get3A_249 = arith.constant 16 : index
          %get3A_250 = tpu.vector_load %arg12[%get3A_248, %get3A_249] {strides = array<i32>} : memref<128x32xf32, #tpu.memory_space<vmem>>, vector<1x16xf32>,
          %get3A_251 = vector.shape_cast %get3A_250 : vector<1x16xf32> to vector<16xf32>
          %add3A_252 = arith.addf %mul3A_247, %get3A_251 : vector<16xf32>
          %swap3A_253 = arith.index_cast %add3A_223 : i32 to index
          %swap3A_254 = arith.constant 16 : index
          %swap3A_255 = tpu.vector_load %arg11[%swap3A_253, %swap3A_254] {strides = array<i32>} : memref<128x32xf32, #tpu.memory_space<vmem>>, vector<1x16xf32>,
          %swap3A_256 = vector.shape_cast %swap3A_255 : vector<1x16xf32> to vector<16xf32>
          %swap3A_257 = vector.shape_cast %add3A_252 : vector<16xf32> to vector<1x16xf32>
          tpu.vector_store %arg11[%swap3A_253, %swap3A_254], %swap3A_257 {strides = array<i32>} : memref<128x32xf32, #tpu.memory_space<vmem>>, vector<1x16xf32>,
          %mul3A_258 = arith.constant 16 : i32
          %mul3A_259 = arith.muli %add3A_139, %mul3A_258 : i32
          %add3A_260 = arith.constant 3 : i32
          %add3A_261 = arith.addi %mul3A_259, %add3A_260 : i32
          %slice3A_262 = vector.extract_strided_slice %get3A_146 {offsets = [3], sizes = [1], strides = [1]} : vector<16xf32> to vector<1xf32>
          %squeeze3A_263 = vector.extract %slice3A_262[0] : f32 from vector<1xf32>
          %get3A_264 = arith.index_cast %add3A_261 : i32 to index
          %get3A_265 = arith.constant 0 : index
          %get3A_266 = tpu.vector_load %arg11[%get3A_264, %get3A_265] {strides = array<i32>} : memref<128x32xf32, #tpu.memory_space<vmem>>, vector<1x16xf32>,
          %get3A_267 = vector.shape_cast %get3A_266 : vector<1x16xf32> to vector<16xf32>
          %mul3A_268 = vector.broadcast %squeeze3A_263 : f32 to vector<16xf32>
          %mul3A_269 = arith.mulf %get3A_267, %mul3A_268 : vector<16xf32>
          %get3A_270 = arith.index_cast %add3A_261 : i32 to index
          %get3A_271 = arith.constant 0 : index
          %get3A_272 = tpu.vector_load %arg12[%get3A_270, %get3A_271] {strides = array<i32>} : memref<128x32xf32, #tpu.memory_space<vmem>>, vector<1x16xf32>,
          %get3A_273 = vector.shape_cast %get3A_272 : vector<1x16xf32> to vector<16xf32>
          %add3A_274 = arith.addf %mul3A_269, %get3A_273 : vector<16xf32>
          %swap3A_275 = arith.index_cast %add3A_261 : i32 to index
          %swap3A_276 = arith.constant 0 : index
          %swap3A_277 = tpu.vector_load %arg11[%swap3A_275, %swap3A_276] {strides = array<i32>} : memref<128x32xf32, #tpu.memory_space<vmem>>, vector<1x16xf32>,
          %swap3A_278 = vector.shape_cast %swap3A_277 : vector<1x16xf32> to vector<16xf32>
          %swap3A_279 = vector.shape_cast %add3A_274 : vector<16xf32> to vector<1x16xf32>
          tpu.vector_store %arg11[%swap3A_275, %swap3A_276], %swap3A_279 {strides = array<i32>} : memref<128x32xf32, #tpu.memory_space<vmem>>, vector<1x16xf32>,
          %get3A_280 = arith.index_cast %add3A_261 : i32 to index
          %get3A_281 = arith.constant 16 : index
          %get3A_282 = tpu.vector_load %arg11[%get3A_280, %get3A_281] {strides = array<i32>} : memref<128x32xf32, #tpu.memory_space<vmem>>, vector<1x16xf32>,
          %get3A_283 = vector.shape_cast %get3A_282 : vector<1x16xf32> to vector<16xf32>
          %mul3A_284 = vector.broadcast %squeeze3A_263 : f32 to vector<16xf32>
          %mul3A_285 = arith.mulf %get3A_283, %mul3A_284 : vector<16xf32>
          %get3A_286 = arith.index_cast %add3A_261 : i32 to index
          %get3A_287 = arith.constant 16 : index
          %get3A_288 = tpu.vector_load %arg12[%get3A_286, %get3A_287] {strides = array<i32>} : memref<128x32xf32, #tpu.memory_space<vmem>>, vector<1x16xf32>,
          %get3A_289 = vector.shape_cast %get3A_288 : vector<1x16xf32> to vector<16xf32>
          %add3A_290 = arith.addf %mul3A_285, %get3A_289 : vector<16xf32>
          %swap3A_291 = arith.index_cast %add3A_261 : i32 to index
          %swap3A_292 = arith.constant 16 : index
          %swap3A_293 = tpu.vector_load %arg11[%swap3A_291, %swap3A_292] {strides = array<i32>} : memref<128x32xf32, #tpu.memory_space<vmem>>, vector<1x16xf32>,
          %swap3A_294 = vector.shape_cast %swap3A_293 : vector<1x16xf32> to vector<16xf32>
          %swap3A_295 = vector.shape_cast %add3A_290 : vector<16xf32> to vector<1x16xf32>
          tpu.vector_store %arg11[%swap3A_291, %swap3A_292], %swap3A_295 {strides = array<i32>} : memref<128x32xf32, #tpu.memory_space<vmem>>, vector<1x16xf32>,
          %mul3A_296 = arith.constant 16 : i32
          %mul3A_297 = arith.muli %add3A_139, %mul3A_296 : i32
          %add3A_298 = arith.constant 4 : i32
          %add3A_299 = arith.addi %mul3A_297, %add3A_298 : i32
          %slice3A_300 = vector.extract_strided_slice %get3A_146 {offsets = [4], sizes = [1], strides = [1]} : vector<16xf32> to vector<1xf32>
          %squeeze3A_301 = vector.extract %slice3A_300[0] : f32 from vector<1xf32>
          %get3A_302 = arith.index_cast %add3A_299 : i32 to index
          %get3A_303 = arith.constant 0 : index
          %get3A_304 = tpu.vector_load %arg11[%get3A_302, %get3A_303] {strides = array<i32>} : memref<128x32xf32, #tpu.memory_space<vmem>>, vector<1x16xf32>,
          %get3A_305 = vector.shape_cast %get3A_304 : vector<1x16xf32> to vector<16xf32>
          %mul3A_306 = vector.broadcast %squeeze3A_301 : f32 to vector<16xf32>
          %mul3A_307 = arith.mulf %get3A_305, %mul3A_306 : vector<16xf32>
          %get3A_308 = arith.index_cast %add3A_299 : i32 to index
          %get3A_309 = arith.constant 0 : index
          %get3A_310 = tpu.vector_load %arg12[%get3A_308, %get3A_309] {strides = array<i32>} : memref<128x32xf32, #tpu.memory_space<vmem>>, vector<1x16xf32>,
          %get3A_311 = vector.shape_cast %get3A_310 : vector<1x16xf32> to vector<16xf32>
          %add3A_312 = arith.addf %mul3A_307, %get3A_311 : vector<16xf32>
          %swap3A_313 = arith.index_cast %add3A_299 : i32 to index
          %swap3A_314 = arith.constant 0 : index
          %swap3A_315 = tpu.vector_load %arg11[%swap3A_313, %swap3A_314] {strides = array<i32>} : memref<128x32xf32, #tpu.memory_space<vmem>>, vector<1x16xf32>,
          %swap3A_316 = vector.shape_cast %swap3A_315 : vector<1x16xf32> to vector<16xf32>
          %swap3A_317 = vector.shape_cast %add3A_312 : vector<16xf32> to vector<1x16xf32>
          tpu.vector_store %arg11[%swap3A_313, %swap3A_314], %swap3A_317 {strides = array<i32>} : memref<128x32xf32, #tpu.memory_space<vmem>>, vector<1x16xf32>,
          %get3A_318 = arith.index_cast %add3A_299 : i32 to index
          %get3A_319 = arith.constant 16 : index
          %get3A_320 = tpu.vector_load %arg11[%get3A_318, %get3A_319] {strides = array<i32>} : memref<128x32xf32, #tpu.memory_space<vmem>>, vector<1x16xf32>,
          %get3A_321 = vector.shape_cast %get3A_320 : vector<1x16xf32> to vector<16xf32>
          %mul3A_322 = vector.broadcast %squeeze3A_301 : f32 to vector<16xf32>
          %mul3A_323 = arith.mulf %get3A_321, %mul3A_322 : vector<16xf32>
          %get3A_324 = arith.index_cast %add3A_299 : i32 to index
          %get3A_325 = arith.constant 16 : index
          %get3A_326 = tpu.vector_load %arg12[%get3A_324, %get3A_325] {strides = array<i32>} : memref<128x32xf32, #tpu.memory_space<vmem>>, vector<1x16xf32>,
          %get3A_327 = vector.shape_cast %get3A_326 : vector<1x16xf32> to vector<16xf32>
          %add3A_328 = arith.addf %mul3A_323, %get3A_327 : vector<16xf32>
          %swap3A_329 = arith.index_cast %add3A_299 : i32 to index
          %swap3A_330 = arith.constant 16 : index
          %swap3A_331 = tpu.vector_load %arg11[%swap3A_329, %swap3A_330] {strides = array<i32>} : memref<128x32xf32, #tpu.memory_space<vmem>>, vector<1x16xf32>,
          %swap3A_332 = vector.shape_cast %swap3A_331 : vector<1x16xf32> to vector<16xf32>
          %swap3A_333 = vector.shape_cast %add3A_328 : vector<16xf32> to vector<1x16xf32>
          tpu.vector_store %arg11[%swap3A_329, %swap3A_330], %swap3A_333 {strides = array<i32>} : memref<128x32xf32, #tpu.memory_space<vmem>>, vector<1x16xf32>,
          %mul3A_334 = arith.constant 16 : i32
          %mul3A_335 = arith.muli %add3A_139, %mul3A_334 : i32
          %add3A_336 = arith.constant 5 : i32
          %add3A_337 = arith.addi %mul3A_335, %add3A_336 : i32
          %slice3A_338 = vector.extract_strided_slice %get3A_146 {offsets = [5], sizes = [1], strides = [1]} : vector<16xf32> to vector<1xf32>
          %squeeze3A_339 = vector.extract %slice3A_338[0] : f32 from vector<1xf32>
          %get3A_340 = arith.index_cast %add3A_337 : i32 to index
          %get3A_341 = arith.constant 0 : index
          %get3A_342 = tpu.vector_load %arg11[%get3A_340, %get3A_341] {strides = array<i32>} : memref<128x32xf32, #tpu.memory_space<vmem>>, vector<1x16xf32>,
          %get3A_343 = vector.shape_cast %get3A_342 : vector<1x16xf32> to vector<16xf32>
          %mul3A_344 = vector.broadcast %squeeze3A_339 : f32 to vector<16xf32>
          %mul3A_345 = arith.mulf %get3A_343, %mul3A_344 : vector<16xf32>
          %get3A_346 = arith.index_cast %add3A_337 : i32 to index
          %get3A_347 = arith.constant 0 : index
          %get3A_348 = tpu.vector_load %arg12[%get3A_346, %get3A_347] {strides = array<i32>} : memref<128x32xf32, #tpu.memory_space<vmem>>, vector<1x16xf32>,
          %get3A_349 = vector.shape_cast %get3A_348 : vector<1x16xf32> to vector<16xf32>
          %add3A_350 = arith.addf %mul3A_345, %get3A_349 : vector<16xf32>
          %swap3A_351 = arith.index_cast %add3A_337 : i32 to index
          %swap3A_352 = arith.constant 0 : index
          %swap3A_353 = tpu.vector_load %arg11[%swap3A_351, %swap3A_352] {strides = array<i32>} : memref<128x32xf32, #tpu.memory_space<vmem>>, vector<1x16xf32>,
          %swap3A_354 = vector.shape_cast %swap3A_353 : vector<1x16xf32> to vector<16xf32>
          %swap3A_355 = vector.shape_cast %add3A_350 : vector<16xf32> to vector<1x16xf32>
          tpu.vector_store %arg11[%swap3A_351, %swap3A_352], %swap3A_355 {strides = array<i32>} : memref<128x32xf32, #tpu.memory_space<vmem>>, vector<1x16xf32>,
          %get3A_356 = arith.index_cast %add3A_337 : i32 to index
          %get3A_357 = arith.constant 16 : index
          %get3A_358 = tpu.vector_load %arg11[%get3A_356, %get3A_357] {strides = array<i32>} : memref<128x32xf32, #tpu.memory_space<vmem>>, vector<1x16xf32>,
          %get3A_359 = vector.shape_cast %get3A_358 : vector<1x16xf32> to vector<16xf32>
          %mul3A_360 = vector.broadcast %squeeze3A_339 : f32 to vector<16xf32>
          %mul3A_361 = arith.mulf %get3A_359, %mul3A_360 : vector<16xf32>
          %get3A_362 = arith.index_cast %add3A_337 : i32 to index
          %get3A_363 = arith.constant 16 : index
          %get3A_364 = tpu.vector_load %arg12[%get3A_362, %get3A_363] {strides = array<i32>} : memref<128x32xf32, #tpu.memory_space<vmem>>, vector<1x16xf32>,
          %get3A_365 = vector.shape_cast %get3A_364 : vector<1x16xf32> to vector<16xf32>
          %add3A_366 = arith.addf %mul3A_361, %get3A_365 : vector<16xf32>
          %swap3A_367 = arith.index_cast %add3A_337 : i32 to index
          %swap3A_368 = arith.constant 16 : index
          %swap3A_369 = tpu.vector_load %arg11[%swap3A_367, %swap3A_368] {strides = array<i32>} : memref<128x32xf32, #tpu.memory_space<vmem>>, vector<1x16xf32>,
          %swap3A_370 = vector.shape_cast %swap3A_369 : vector<1x16xf32> to vector<16xf32>
          %swap3A_371 = vector.shape_cast %add3A_366 : vector<16xf32> to vector<1x16xf32>
          tpu.vector_store %arg11[%swap3A_367, %swap3A_368], %swap3A_371 {strides = array<i32>} : memref<128x32xf32, #tpu.memory_space<vmem>>, vector<1x16xf32>,
          %mul3A_372 = arith.constant 16 : i32
          %mul3A_373 = arith.muli %add3A_139, %mul3A_372 : i32
          %add3A_374 = arith.constant 6 : i32
          %add3A_375 = arith.addi %mul3A_373, %add3A_374 : i32
          %slice3A_376 = vector.extract_strided_slice %get3A_146 {offsets = [6], sizes = [1], strides = [1]} : vector<16xf32> to vector<1xf32>
          %squeeze3A_377 = vector.extract %slice3A_376[0] : f32 from vector<1xf32>
          %get3A_378 = arith.index_cast %add3A_375 : i32 to index
          %get3A_379 = arith.constant 0 : index
          %get3A_380 = tpu.vector_load %arg11[%get3A_378, %get3A_379] {strides = array<i32>} : memref<128x32xf32, #tpu.memory_space<vmem>>, vector<1x16xf32>,
          %get3A_381 = vector.shape_cast %get3A_380 : vector<1x16xf32> to vector<16xf32>
          %mul3A_382 = vector.broadcast %squeeze3A_377 : f32 to vector<16xf32>
          %mul3A_383 = arith.mulf %get3A_381, %mul3A_382 : vector<16xf32>
          %get3A_384 = arith.index_cast %add3A_375 : i32 to index
          %get3A_385 = arith.constant 0 : index
          %get3A_386 = tpu.vector_load %arg12[%get3A_384, %get3A_385] {strides = array<i32>} : memref<128x32xf32, #tpu.memory_space<vmem>>, vector<1x16xf32>,
          %get3A_387 = vector.shape_cast %get3A_386 : vector<1x16xf32> to vector<16xf32>
          %add3A_388 = arith.addf %mul3A_383, %get3A_387 : vector<16xf32>
          %swap3A_389 = arith.index_cast %add3A_375 : i32 to index
          %swap3A_390 = arith.constant 0 : index
          %swap3A_391 = tpu.vector_load %arg11[%swap3A_389, %swap3A_390] {strides = array<i32>} : memref<128x32xf32, #tpu.memory_space<vmem>>, vector<1x16xf32>,
          %swap3A_392 = vector.shape_cast %swap3A_391 : vector<1x16xf32> to vector<16xf32>
          %swap3A_393 = vector.shape_cast %add3A_388 : vector<16xf32> to vector<1x16xf32>
          tpu.vector_store %arg11[%swap3A_389, %swap3A_390], %swap3A_393 {strides = array<i32>} : memref<128x32xf32, #tpu.memory_space<vmem>>, vector<1x16xf32>,
          %get3A_394 = arith.index_cast %add3A_375 : i32 to index
          %get3A_395 = arith.constant 16 : index
          %get3A_396 = tpu.vector_load %arg11[%get3A_394, %get3A_395] {strides = array<i32>} : memref<128x32xf32, #tpu.memory_space<vmem>>, vector<1x16xf32>,
          %get3A_397 = vector.shape_cast %get3A_396 : vector<1x16xf32> to vector<16xf32>
          %mul3A_398 = vector.broadcast %squeeze3A_377 : f32 to vector<16xf32>
          %mul3A_399 = arith.mulf %get3A_397, %mul3A_398 : vector<16xf32>
          %get3A_400 = arith.index_cast %add3A_375 : i32 to index
          %get3A_401 = arith.constant 16 : index
          %get3A_402 = tpu.vector_load %arg12[%get3A_400, %get3A_401] {strides = array<i32>} : memref<128x32xf32, #tpu.memory_space<vmem>>, vector<1x16xf32>,
          %get3A_403 = vector.shape_cast %get3A_402 : vector<1x16xf32> to vector<16xf32>
          %add3A_404 = arith.addf %mul3A_399, %get3A_403 : vector<16xf32>
          %swap3A_405 = arith.index_cast %add3A_375 : i32 to index
          %swap3A_406 = arith.constant 16 : index
          %swap3A_407 = tpu.vector_load %arg11[%swap3A_405, %swap3A_406] {strides = array<i32>} : memref<128x32xf32, #tpu.memory_space<vmem>>, vector<1x16xf32>,
          %swap3A_408 = vector.shape_cast %swap3A_407 : vector<1x16xf32> to vector<16xf32>
          %swap3A_409 = vector.shape_cast %add3A_404 : vector<16xf32> to vector<1x16xf32>
          tpu.vector_store %arg11[%swap3A_405, %swap3A_406], %swap3A_409 {strides = array<i32>} : memref<128x32xf32, #tpu.memory_space<vmem>>, vector<1x16xf32>,
          %mul3A_410 = arith.constant 16 : i32
          %mul3A_411 = arith.muli %add3A_139, %mul3A_410 : i32
          %add3A_412 = arith.constant 7 : i32
          %add3A_413 = arith.addi %mul3A_411, %add3A_412 : i32
          %slice3A_414 = vector.extract_strided_slice %get3A_146 {offsets = [7], sizes = [1], strides = [1]} : vector<16xf32> to vector<1xf32>
          %squeeze3A_415 = vector.extract %slice3A_414[0] : f32 from vector<1xf32>
          %get3A_416 = arith.index_cast %add3A_413 : i32 to index
          %get3A_417 = arith.constant 0 : index
          %get3A_418 = tpu.vector_load %arg11[%get3A_416, %get3A_417] {strides = array<i32>} : memref<128x32xf32, #tpu.memory_space<vmem>>, vector<1x16xf32>,
          %get3A_419 = vector.shape_cast %get3A_418 : vector<1x16xf32> to vector<16xf32>
          %mul3A_420 = vector.broadcast %squeeze3A_415 : f32 to vector<16xf32>
          %mul3A_421 = arith.mulf %get3A_419, %mul3A_420 : vector<16xf32>
          %get3A_422 = arith.index_cast %add3A_413 : i32 to index
          %get3A_423 = arith.constant 0 : index
          %get3A_424 = tpu.vector_load %arg12[%get3A_422, %get3A_423] {strides = array<i32>} : memref<128x32xf32, #tpu.memory_space<vmem>>, vector<1x16xf32>,
          %get3A_425 = vector.shape_cast %get3A_424 : vector<1x16xf32> to vector<16xf32>
          %add3A_426 = arith.addf %mul3A_421, %get3A_425 : vector<16xf32>
          %swap3A_427 = arith.index_cast %add3A_413 : i32 to index
          %swap3A_428 = arith.constant 0 : index
          %swap3A_429 = tpu.vector_load %arg11[%swap3A_427, %swap3A_428] {strides = array<i32>} : memref<128x32xf32, #tpu.memory_space<vmem>>, vector<1x16xf32>,
          %swap3A_430 = vector.shape_cast %swap3A_429 : vector<1x16xf32> to vector<16xf32>
          %swap3A_431 = vector.shape_cast %add3A_426 : vector<16xf32> to vector<1x16xf32>
          tpu.vector_store %arg11[%swap3A_427, %swap3A_428], %swap3A_431 {strides = array<i32>} : memref<128x32xf32, #tpu.memory_space<vmem>>, vector<1x16xf32>,
          %get3A_432 = arith.index_cast %add3A_413 : i32 to index
          %get3A_433 = arith.constant 16 : index
          %get3A_434 = tpu.vector_load %arg11[%get3A_432, %get3A_433] {strides = array<i32>} : memref<128x32xf32, #tpu.memory_space<vmem>>, vector<1x16xf32>,
          %get3A_435 = vector.shape_cast %get3A_434 : vector<1x16xf32> to vector<16xf32>
          %mul3A_436 = vector.broadcast %squeeze3A_415 : f32 to vector<16xf32>
          %mul3A_437 = arith.mulf %get3A_435, %mul3A_436 : vector<16xf32>
          %get3A_438 = arith.index_cast %add3A_413 : i32 to index
          %get3A_439 = arith.constant 16 : index
          %get3A_440 = tpu.vector_load %arg12[%get3A_438, %get3A_439] {strides = array<i32>} : memref<128x32xf32, #tpu.memory_space<vmem>>, vector<1x16xf32>,
          %get3A_441 = vector.shape_cast %get3A_440 : vector<1x16xf32> to vector<16xf32>
          %add3A_442 = arith.addf %mul3A_437, %get3A_441 : vector<16xf32>
          %swap3A_443 = arith.index_cast %add3A_413 : i32 to index
          %swap3A_444 = arith.constant 16 : index
          %swap3A_445 = tpu.vector_load %arg11[%swap3A_443, %swap3A_444] {strides = array<i32>} : memref<128x32xf32, #tpu.memory_space<vmem>>, vector<1x16xf32>,
          %swap3A_446 = vector.shape_cast %swap3A_445 : vector<1x16xf32> to vector<16xf32>
          %swap3A_447 = vector.shape_cast %add3A_442 : vector<16xf32> to vector<1x16xf32>
          tpu.vector_store %arg11[%swap3A_443, %swap3A_444], %swap3A_447 {strides = array<i32>} : memref<128x32xf32, #tpu.memory_space<vmem>>, vector<1x16xf32>,
          %mul3A_448 = arith.constant 16 : i32
          %mul3A_449 = arith.muli %add3A_139, %mul3A_448 : i32
          %add3A_450 = arith.constant 8 : i32
          %add3A_451 = arith.addi %mul3A_449, %add3A_450 : i32
          %slice3A_452 = vector.extract_strided_slice %get3A_146 {offsets = [8], sizes = [1], strides = [1]} : vector<16xf32> to vector<1xf32>
          %squeeze3A_453 = vector.extract %slice3A_452[0] : f32 from vector<1xf32>
          %get3A_454 = arith.index_cast %add3A_451 : i32 to index
          %get3A_455 = arith.constant 0 : index
          %get3A_456 = tpu.vector_load %arg11[%get3A_454, %get3A_455] {strides = array<i32>} : memref<128x32xf32, #tpu.memory_space<vmem>>, vector<1x16xf32>,
          %get3A_457 = vector.shape_cast %get3A_456 : vector<1x16xf32> to vector<16xf32>
          %mul3A_458 = vector.broadcast %squeeze3A_453 : f32 to vector<16xf32>
          %mul3A_459 = arith.mulf %get3A_457, %mul3A_458 : vector<16xf32>
          %get3A_460 = arith.index_cast %add3A_451 : i32 to index
          %get3A_461 = arith.constant 0 : index
          %get3A_462 = tpu.vector_load %arg12[%get3A_460, %get3A_461] {strides = array<i32>} : memref<128x32xf32, #tpu.memory_space<vmem>>, vector<1x16xf32>,
          %get3A_463 = vector.shape_cast %get3A_462 : vector<1x16xf32> to vector<16xf32>
          %add3A_464 = arith.addf %mul3A_459, %get3A_463 : vector<16xf32>
          %swap3A_465 = arith.index_cast %add3A_451 : i32 to index
          %swap3A_466 = arith.constant 0 : index
          %swap3A_467 = tpu.vector_load %arg11[%swap3A_465, %swap3A_466] {strides = array<i32>} : memref<128x32xf32, #tpu.memory_space<vmem>>, vector<1x16xf32>,
          %swap3A_468 = vector.shape_cast %swap3A_467 : vector<1x16xf32> to vector<16xf32>
          %swap3A_469 = vector.shape_cast %add3A_464 : vector<16xf32> to vector<1x16xf32>
          tpu.vector_store %arg11[%swap3A_465, %swap3A_466], %swap3A_469 {strides = array<i32>} : memref<128x32xf32, #tpu.memory_space<vmem>>, vector<1x16xf32>,
          %get3A_470 = arith.index_cast %add3A_451 : i32 to index
          %get3A_471 = arith.constant 16 : index
          %get3A_472 = tpu.vector_load %arg11[%get3A_470, %get3A_471] {strides = array<i32>} : memref<128x32xf32, #tpu.memory_space<vmem>>, vector<1x16xf32>,
          %get3A_473 = vector.shape_cast %get3A_472 : vector<1x16xf32> to vector<16xf32>
          %mul3A_474 = vector.broadcast %squeeze3A_453 : f32 to vector<16xf32>
          %mul3A_475 = arith.mulf %get3A_473, %mul3A_474 : vector<16xf32>
          %get3A_476 = arith.index_cast %add3A_451 : i32 to index
          %get3A_477 = arith.constant 16 : index
          %get3A_478 = tpu.vector_load %arg12[%get3A_476, %get3A_477] {strides = array<i32>} : memref<128x32xf32, #tpu.memory_space<vmem>>, vector<1x16xf32>,
          %get3A_479 = vector.shape_cast %get3A_478 : vector<1x16xf32> to vector<16xf32>
          %add3A_480 = arith.addf %mul3A_475, %get3A_479 : vector<16xf32>
          %swap3A_481 = arith.index_cast %add3A_451 : i32 to index
          %swap3A_482 = arith.constant 16 : index
          %swap3A_483 = tpu.vector_load %arg11[%swap3A_481, %swap3A_482] {strides = array<i32>} : memref<128x32xf32, #tpu.memory_space<vmem>>, vector<1x16xf32>,
          %swap3A_484 = vector.shape_cast %swap3A_483 : vector<1x16xf32> to vector<16xf32>
          %swap3A_485 = vector.shape_cast %add3A_480 : vector<16xf32> to vector<1x16xf32>
          tpu.vector_store %arg11[%swap3A_481, %swap3A_482], %swap3A_485 {strides = array<i32>} : memref<128x32xf32, #tpu.memory_space<vmem>>, vector<1x16xf32>,
          %mul3A_486 = arith.constant 16 : i32
          %mul3A_487 = arith.muli %add3A_139, %mul3A_486 : i32
          %add3A_488 = arith.constant 9 : i32
          %add3A_489 = arith.addi %mul3A_487, %add3A_488 : i32
          %slice3A_490 = vector.extract_strided_slice %get3A_146 {offsets = [9], sizes = [1], strides = [1]} : vector<16xf32> to vector<1xf32>
          %squeeze3A_491 = vector.extract %slice3A_490[0] : f32 from vector<1xf32>
          %get3A_492 = arith.index_cast %add3A_489 : i32 to index
          %get3A_493 = arith.constant 0 : index
          %get3A_494 = tpu.vector_load %arg11[%get3A_492, %get3A_493] {strides = array<i32>} : memref<128x32xf32, #tpu.memory_space<vmem>>, vector<1x16xf32>,
          %get3A_495 = vector.shape_cast %get3A_494 : vector<1x16xf32> to vector<16xf32>
          %mul3A_496 = vector.broadcast %squeeze3A_491 : f32 to vector<16xf32>
          %mul3A_497 = arith.mulf %get3A_495, %mul3A_496 : vector<16xf32>
          %get3A_498 = arith.index_cast %add3A_489 : i32 to index
          %get3A_499 = arith.constant 0 : index
          %get3A_500 = tpu.vector_load %arg12[%get3A_498, %get3A_499] {strides = array<i32>} : memref<128x32xf32, #tpu.memory_space<vmem>>, vector<1x16xf32>,
          %get3A_501 = vector.shape_cast %get3A_500 : vector<1x16xf32> to vector<16xf32>
          %add3A_502 = arith.addf %mul3A_497, %get3A_501 : vector<16xf32>
          %swap3A_503 = arith.index_cast %add3A_489 : i32 to index
          %swap3A_504 = arith.constant 0 : index
          %swap3A_505 = tpu.vector_load %arg11[%swap3A_503, %swap3A_504] {strides = array<i32>} : memref<128x32xf32, #tpu.memory_space<vmem>>, vector<1x16xf32>,
          %swap3A_506 = vector.shape_cast %swap3A_505 : vector<1x16xf32> to vector<16xf32>
          %swap3A_507 = vector.shape_cast %add3A_502 : vector<16xf32> to vector<1x16xf32>
          tpu.vector_store %arg11[%swap3A_503, %swap3A_504], %swap3A_507 {strides = array<i32>} : memref<128x32xf32, #tpu.memory_space<vmem>>, vector<1x16xf32>,
          %get3A_508 = arith.index_cast %add3A_489 : i32 to index
          %get3A_509 = arith.constant 16 : index
          %get3A_510 = tpu.vector_load %arg11[%get3A_508, %get3A_509] {strides = array<i32>} : memref<128x32xf32, #tpu.memory_space<vmem>>, vector<1x16xf32>,
          %get3A_511 = vector.shape_cast %get3A_510 : vector<1x16xf32> to vector<16xf32>
          %mul3A_512 = vector.broadcast %squeeze3A_491 : f32 to vector<16xf32>
          %mul3A_513 = arith.mulf %get3A_511, %mul3A_512 : vector<16xf32>
          %get3A_514 = arith.index_cast %add3A_489 : i32 to index
          %get3A_515 = arith.constant 16 : index
          %get3A_516 = tpu.vector_load %arg12[%get3A_514, %get3A_515] {strides = array<i32>} : memref<128x32xf32, #tpu.memory_space<vmem>>, vector<1x16xf32>,
          %get3A_517 = vector.shape_cast %get3A_516 : vector<1x16xf32> to vector<16xf32>
          %add3A_518 = arith.addf %mul3A_513, %get3A_517 : vector<16xf32>
          %swap3A_519 = arith.index_cast %add3A_489 : i32 to index
          %swap3A_520 = arith.constant 16 : index
          %swap3A_521 = tpu.vector_load %arg11[%swap3A_519, %swap3A_520] {strides = array<i32>} : memref<128x32xf32, #tpu.memory_space<vmem>>, vector<1x16xf32>,
          %swap3A_522 = vector.shape_cast %swap3A_521 : vector<1x16xf32> to vector<16xf32>
          %swap3A_523 = vector.shape_cast %add3A_518 : vector<16xf32> to vector<1x16xf32>
          tpu.vector_store %arg11[%swap3A_519, %swap3A_520], %swap3A_523 {strides = array<i32>} : memref<128x32xf32, #tpu.memory_space<vmem>>, vector<1x16xf32>,
          %mul3A_524 = arith.constant 16 : i32
          %mul3A_525 = arith.muli %add3A_139, %mul3A_524 : i32
          %add3A_526 = arith.constant 10 : i32
          %add3A_527 = arith.addi %mul3A_525, %add3A_526 : i32
          %slice3A_528 = vector.extract_strided_slice %get3A_146 {offsets = [10], sizes = [1], strides = [1]} : vector<16xf32> to vector<1xf32>
          %squeeze3A_529 = vector.extract %slice3A_528[0] : f32 from vector<1xf32>
          %get3A_530 = arith.index_cast %add3A_527 : i32 to index
          %get3A_531 = arith.constant 0 : index
          %get3A_532 = tpu.vector_load %arg11[%get3A_530, %get3A_531] {strides = array<i32>} : memref<128x32xf32, #tpu.memory_space<vmem>>, vector<1x16xf32>,
          %get3A_533 = vector.shape_cast %get3A_532 : vector<1x16xf32> to vector<16xf32>
          %mul3A_534 = vector.broadcast %squeeze3A_529 : f32 to vector<16xf32>
          %mul3A_535 = arith.mulf %get3A_533, %mul3A_534 : vector<16xf32>
          %get3A_536 = arith.index_cast %add3A_527 : i32 to index
          %get3A_537 = arith.constant 0 : index
          %get3A_538 = tpu.vector_load %arg12[%get3A_536, %get3A_537] {strides = array<i32>} : memref<128x32xf32, #tpu.memory_space<vmem>>, vector<1x16xf32>,
          %get3A_539 = vector.shape_cast %get3A_538 : vector<1x16xf32> to vector<16xf32>
          %add3A_540 = arith.addf %mul3A_535, %get3A_539 : vector<16xf32>
          %swap3A_541 = arith.index_cast %add3A_527 : i32 to index
          %swap3A_542 = arith.constant 0 : index
          %swap3A_543 = tpu.vector_load %arg11[%swap3A_541, %swap3A_542] {strides = array<i32>} : memref<128x32xf32, #tpu.memory_space<vmem>>, vector<1x16xf32>,
          %swap3A_544 = vector.shape_cast %swap3A_543 : vector<1x16xf32> to vector<16xf32>
          %swap3A_545 = vector.shape_cast %add3A_540 : vector<16xf32> to vector<1x16xf32>
          tpu.vector_store %arg11[%swap3A_541, %swap3A_542], %swap3A_545 {strides = array<i32>} : memref<128x32xf32, #tpu.memory_space<vmem>>, vector<1x16xf32>,
          %get3A_546 = arith.index_cast %add3A_527 : i32 to index
          %get3A_547 = arith.constant 16 : index
          %get3A_548 = tpu.vector_load %arg11[%get3A_546, %get3A_547] {strides = array<i32>} : memref<128x32xf32, #tpu.memory_space<vmem>>, vector<1x16xf32>,
          %get3A_549 = vector.shape_cast %get3A_548 : vector<1x16xf32> to vector<16xf32>
          %mul3A_550 = vector.broadcast %squeeze3A_529 : f32 to vector<16xf32>
          %mul3A_551 = arith.mulf %get3A_549, %mul3A_550 : vector<16xf32>
          %get3A_552 = arith.index_cast %add3A_527 : i32 to index
          %get3A_553 = arith.constant 16 : index
          %get3A_554 = tpu.vector_load %arg12[%get3A_552, %get3A_553] {strides = array<i32>} : memref<128x32xf32, #tpu.memory_space<vmem>>, vector<1x16xf32>,
          %get3A_555 = vector.shape_cast %get3A_554 : vector<1x16xf32> to vector<16xf32>
          %add3A_556 = arith.addf %mul3A_551, %get3A_555 : vector<16xf32>
          %swap3A_557 = arith.index_cast %add3A_527 : i32 to index
          %swap3A_558 = arith.constant 16 : index
          %swap3A_559 = tpu.vector_load %arg11[%swap3A_557, %swap3A_558] {strides = array<i32>} : memref<128x32xf32, #tpu.memory_space<vmem>>, vector<1x16xf32>,
          %swap3A_560 = vector.shape_cast %swap3A_559 : vector<1x16xf32> to vector<16xf32>
          %swap3A_561 = vector.shape_cast %add3A_556 : vector<16xf32> to vector<1x16xf32>
          tpu.vector_store %arg11[%swap3A_557, %swap3A_558], %swap3A_561 {strides = array<i32>} : memref<128x32xf32, #tpu.memory_space<vmem>>, vector<1x16xf32>,
          %mul3A_562 = arith.constant 16 : i32
          %mul3A_563 = arith.muli %add3A_139, %mul3A_562 : i32
          %add3A_564 = arith.constant 11 : i32
          %add3A_565 = arith.addi %mul3A_563, %add3A_564 : i32
          %slice3A_566 = vector.extract_strided_slice %get3A_146 {offsets = [11], sizes = [1], strides = [1]} : vector<16xf32> to vector<1xf32>
          %squeeze3A_567 = vector.extract %slice3A_566[0] : f32 from vector<1xf32>
          %get3A_568 = arith.index_cast %add3A_565 : i32 to index
          %get3A_569 = arith.constant 0 : index
          %get3A_570 = tpu.vector_load %arg11[%get3A_568, %get3A_569] {strides = array<i32>} : memref<128x32xf32, #tpu.memory_space<vmem>>, vector<1x16xf32>,
          %get3A_571 = vector.shape_cast %get3A_570 : vector<1x16xf32> to vector<16xf32>
          %mul3A_572 = vector.broadcast %squeeze3A_567 : f32 to vector<16xf32>
          %mul3A_573 = arith.mulf %get3A_571, %mul3A_572 : vector<16xf32>
          %get3A_574 = arith.index_cast %add3A_565 : i32 to index
          %get3A_575 = arith.constant 0 : index
          %get3A_576 = tpu.vector_load %arg12[%get3A_574, %get3A_575] {strides = array<i32>} : memref<128x32xf32, #tpu.memory_space<vmem>>, vector<1x16xf32>,
          %get3A_577 = vector.shape_cast %get3A_576 : vector<1x16xf32> to vector<16xf32>
          %add3A_578 = arith.addf %mul3A_573, %get3A_577 : vector<16xf32>
          %swap3A_579 = arith.index_cast %add3A_565 : i32 to index
          %swap3A_580 = arith.constant 0 : index
          %swap3A_581 = tpu.vector_load %arg11[%swap3A_579, %swap3A_580] {strides = array<i32>} : memref<128x32xf32, #tpu.memory_space<vmem>>, vector<1x16xf32>,
          %swap3A_582 = vector.shape_cast %swap3A_581 : vector<1x16xf32> to vector<16xf32>
          %swap3A_583 = vector.shape_cast %add3A_578 : vector<16xf32> to vector<1x16xf32>
          tpu.vector_store %arg11[%swap3A_579, %swap3A_580], %swap3A_583 {strides = array<i32>} : memref<128x32xf32, #tpu.memory_space<vmem>>, vector<1x16xf32>,
          %get3A_584 = arith.index_cast %add3A_565 : i32 to index
          %get3A_585 = arith.constant 16 : index
          %get3A_586 = tpu.vector_load %arg11[%get3A_584, %get3A_585] {strides = array<i32>} : memref<128x32xf32, #tpu.memory_space<vmem>>, vector<1x16xf32>,
          %get3A_587 = vector.shape_cast %get3A_586 : vector<1x16xf32> to vector<16xf32>
          %mul3A_588 = vector.broadcast %squeeze3A_567 : f32 to vector<16xf32>
          %mul3A_589 = arith.mulf %get3A_587, %mul3A_588 : vector<16xf32>
          %get3A_590 = arith.index_cast %add3A_565 : i32 to index
          %get3A_591 = arith.constant 16 : index
          %get3A_592 = tpu.vector_load %arg12[%get3A_590, %get3A_591] {strides = array<i32>} : memref<128x32xf32, #tpu.memory_space<vmem>>, vector<1x16xf32>,
          %get3A_593 = vector.shape_cast %get3A_592 : vector<1x16xf32> to vector<16xf32>
          %add3A_594 = arith.addf %mul3A_589, %get3A_593 : vector<16xf32>
          %swap3A_595 = arith.index_cast %add3A_565 : i32 to index
          %swap3A_596 = arith.constant 16 : index
          %swap3A_597 = tpu.vector_load %arg11[%swap3A_595, %swap3A_596] {strides = array<i32>} : memref<128x32xf32, #tpu.memory_space<vmem>>, vector<1x16xf32>,
          %swap3A_598 = vector.shape_cast %swap3A_597 : vector<1x16xf32> to vector<16xf32>
          %swap3A_599 = vector.shape_cast %add3A_594 : vector<16xf32> to vector<1x16xf32>
          tpu.vector_store %arg11[%swap3A_595, %swap3A_596], %swap3A_599 {strides = array<i32>} : memref<128x32xf32, #tpu.memory_space<vmem>>, vector<1x16xf32>,
          %mul3A_600 = arith.constant 16 : i32
          %mul3A_601 = arith.muli %add3A_139, %mul3A_600 : i32
          %add3A_602 = arith.constant 12 : i32
          %add3A_603 = arith.addi %mul3A_601, %add3A_602 : i32
          %slice3A_604 = vector.extract_strided_slice %get3A_146 {offsets = [12], sizes = [1], strides = [1]} : vector<16xf32> to vector<1xf32>
          %squeeze3A_605 = vector.extract %slice3A_604[0] : f32 from vector<1xf32>
          %get3A_606 = arith.index_cast %add3A_603 : i32 to index
          %get3A_607 = arith.constant 0 : index
          %get3A_608 = tpu.vector_load %arg11[%get3A_606, %get3A_607] {strides = array<i32>} : memref<128x32xf32, #tpu.memory_space<vmem>>, vector<1x16xf32>,
          %get3A_609 = vector.shape_cast %get3A_608 : vector<1x16xf32> to vector<16xf32>
          %mul3A_610 = vector.broadcast %squeeze3A_605 : f32 to vector<16xf32>
          %mul3A_611 = arith.mulf %get3A_609, %mul3A_610 : vector<16xf32>
          %get3A_612 = arith.index_cast %add3A_603 : i32 to index
          %get3A_613 = arith.constant 0 : index
          %get3A_614 = tpu.vector_load %arg12[%get3A_612, %get3A_613] {strides = array<i32>} : memref<128x32xf32, #tpu.memory_space<vmem>>, vector<1x16xf32>,
          %get3A_615 = vector.shape_cast %get3A_614 : vector<1x16xf32> to vector<16xf32>
          %add3A_616 = arith.addf %mul3A_611, %get3A_615 : vector<16xf32>
          %swap3A_617 = arith.index_cast %add3A_603 : i32 to index
          %swap3A_618 = arith.constant 0 : index
          %swap3A_619 = tpu.vector_load %arg11[%swap3A_617, %swap3A_618] {strides = array<i32>} : memref<128x32xf32, #tpu.memory_space<vmem>>, vector<1x16xf32>,
          %swap3A_620 = vector.shape_cast %swap3A_619 : vector<1x16xf32> to vector<16xf32>
          %swap3A_621 = vector.shape_cast %add3A_616 : vector<16xf32> to vector<1x16xf32>
          tpu.vector_store %arg11[%swap3A_617, %swap3A_618], %swap3A_621 {strides = array<i32>} : memref<128x32xf32, #tpu.memory_space<vmem>>, vector<1x16xf32>,
          %get3A_622 = arith.index_cast %add3A_603 : i32 to index
          %get3A_623 = arith.constant 16 : index
          %get3A_624 = tpu.vector_load %arg11[%get3A_622, %get3A_623] {strides = array<i32>} : memref<128x32xf32, #tpu.memory_space<vmem>>, vector<1x16xf32>,
          %get3A_625 = vector.shape_cast %get3A_624 : vector<1x16xf32> to vector<16xf32>
          %mul3A_626 = vector.broadcast %squeeze3A_605 : f32 to vector<16xf32>
          %mul3A_627 = arith.mulf %get3A_625, %mul3A_626 : vector<16xf32>
          %get3A_628 = arith.index_cast %add3A_603 : i32 to index
          %get3A_629 = arith.constant 16 : index
          %get3A_630 = tpu.vector_load %arg12[%get3A_628, %get3A_629] {strides = array<i32>} : memref<128x32xf32, #tpu.memory_space<vmem>>, vector<1x16xf32>,
          %get3A_631 = vector.shape_cast %get3A_630 : vector<1x16xf32> to vector<16xf32>
          %add3A_632 = arith.addf %mul3A_627, %get3A_631 : vector<16xf32>
          %swap3A_633 = arith.index_cast %add3A_603 : i32 to index
          %swap3A_634 = arith.constant 16 : index
          %swap3A_635 = tpu.vector_load %arg11[%swap3A_633, %swap3A_634] {strides = array<i32>} : memref<128x32xf32, #tpu.memory_space<vmem>>, vector<1x16xf32>,
          %swap3A_636 = vector.shape_cast %swap3A_635 : vector<1x16xf32> to vector<16xf32>
          %swap3A_637 = vector.shape_cast %add3A_632 : vector<16xf32> to vector<1x16xf32>
          tpu.vector_store %arg11[%swap3A_633, %swap3A_634], %swap3A_637 {strides = array<i32>} : memref<128x32xf32, #tpu.memory_space<vmem>>, vector<1x16xf32>,
          %mul3A_638 = arith.constant 16 : i32
          %mul3A_639 = arith.muli %add3A_139, %mul3A_638 : i32
          %add3A_640 = arith.constant 13 : i32
          %add3A_641 = arith.addi %mul3A_639, %add3A_640 : i32
          %slice3A_642 = vector.extract_strided_slice %get3A_146 {offsets = [13], sizes = [1], strides = [1]} : vector<16xf32> to vector<1xf32>
          %squeeze3A_643 = vector.extract %slice3A_642[0] : f32 from vector<1xf32>
          %get3A_644 = arith.index_cast %add3A_641 : i32 to index
          %get3A_645 = arith.constant 0 : index
          %get3A_646 = tpu.vector_load %arg11[%get3A_644, %get3A_645] {strides = array<i32>} : memref<128x32xf32, #tpu.memory_space<vmem>>, vector<1x16xf32>,
          %get3A_647 = vector.shape_cast %get3A_646 : vector<1x16xf32> to vector<16xf32>
          %mul3A_648 = vector.broadcast %squeeze3A_643 : f32 to vector<16xf32>
          %mul3A_649 = arith.mulf %get3A_647, %mul3A_648 : vector<16xf32>
          %get3A_650 = arith.index_cast %add3A_641 : i32 to index
          %get3A_651 = arith.constant 0 : index
          %get3A_652 = tpu.vector_load %arg12[%get3A_650, %get3A_651] {strides = array<i32>} : memref<128x32xf32, #tpu.memory_space<vmem>>, vector<1x16xf32>,
          %get3A_653 = vector.shape_cast %get3A_652 : vector<1x16xf32> to vector<16xf32>
          %add3A_654 = arith.addf %mul3A_649, %get3A_653 : vector<16xf32>
          %swap3A_655 = arith.index_cast %add3A_641 : i32 to index
          %swap3A_656 = arith.constant 0 : index
          %swap3A_657 = tpu.vector_load %arg11[%swap3A_655, %swap3A_656] {strides = array<i32>} : memref<128x32xf32, #tpu.memory_space<vmem>>, vector<1x16xf32>,
          %swap3A_658 = vector.shape_cast %swap3A_657 : vector<1x16xf32> to vector<16xf32>
          %swap3A_659 = vector.shape_cast %add3A_654 : vector<16xf32> to vector<1x16xf32>
          tpu.vector_store %arg11[%swap3A_655, %swap3A_656], %swap3A_659 {strides = array<i32>} : memref<128x32xf32, #tpu.memory_space<vmem>>, vector<1x16xf32>,
          %get3A_660 = arith.index_cast %add3A_641 : i32 to index
          %get3A_661 = arith.constant 16 : index
          %get3A_662 = tpu.vector_load %arg11[%get3A_660, %get3A_661] {strides = array<i32>} : memref<128x32xf32, #tpu.memory_space<vmem>>, vector<1x16xf32>,
          %get3A_663 = vector.shape_cast %get3A_662 : vector<1x16xf32> to vector<16xf32>
          %mul3A_664 = vector.broadcast %squeeze3A_643 : f32 to vector<16xf32>
          %mul3A_665 = arith.mulf %get3A_663, %mul3A_664 : vector<16xf32>
          %get3A_666 = arith.index_cast %add3A_641 : i32 to index
          %get3A_667 = arith.constant 16 : index
          %get3A_668 = tpu.vector_load %arg12[%get3A_666, %get3A_667] {strides = array<i32>} : memref<128x32xf32, #tpu.memory_space<vmem>>, vector<1x16xf32>,
          %get3A_669 = vector.shape_cast %get3A_668 : vector<1x16xf32> to vector<16xf32>
          %add3A_670 = arith.addf %mul3A_665, %get3A_669 : vector<16xf32>
          %swap3A_671 = arith.index_cast %add3A_641 : i32 to index
          %swap3A_672 = arith.constant 16 : index
          %swap3A_673 = tpu.vector_load %arg11[%swap3A_671, %swap3A_672] {strides = array<i32>} : memref<128x32xf32, #tpu.memory_space<vmem>>, vector<1x16xf32>,
          %swap3A_674 = vector.shape_cast %swap3A_673 : vector<1x16xf32> to vector<16xf32>
          %swap3A_675 = vector.shape_cast %add3A_670 : vector<16xf32> to vector<1x16xf32>
          tpu.vector_store %arg11[%swap3A_671, %swap3A_672], %swap3A_675 {strides = array<i32>} : memref<128x32xf32, #tpu.memory_space<vmem>>, vector<1x16xf32>,
          %mul3A_676 = arith.constant 16 : i32
          %mul3A_677 = arith.muli %add3A_139, %mul3A_676 : i32
          %add3A_678 = arith.constant 14 : i32
          %add3A_679 = arith.addi %mul3A_677, %add3A_678 : i32
          %slice3A_680 = vector.extract_strided_slice %get3A_146 {offsets = [14], sizes = [1], strides = [1]} : vector<16xf32> to vector<1xf32>
          %squeeze3A_681 = vector.extract %slice3A_680[0] : f32 from vector<1xf32>
          %get3A_682 = arith.index_cast %add3A_679 : i32 to index
          %get3A_683 = arith.constant 0 : index
          %get3A_684 = tpu.vector_load %arg11[%get3A_682, %get3A_683] {strides = array<i32>} : memref<128x32xf32, #tpu.memory_space<vmem>>, vector<1x16xf32>,
          %get3A_685 = vector.shape_cast %get3A_684 : vector<1x16xf32> to vector<16xf32>
          %mul3A_686 = vector.broadcast %squeeze3A_681 : f32 to vector<16xf32>
          %mul3A_687 = arith.mulf %get3A_685, %mul3A_686 : vector<16xf32>
          %get3A_688 = arith.index_cast %add3A_679 : i32 to index
          %get3A_689 = arith.constant 0 : index
          %get3A_690 = tpu.vector_load %arg12[%get3A_688, %get3A_689] {strides = array<i32>} : memref<128x32xf32, #tpu.memory_space<vmem>>, vector<1x16xf32>,
          %get3A_691 = vector.shape_cast %get3A_690 : vector<1x16xf32> to vector<16xf32>
          %add3A_692 = arith.addf %mul3A_687, %get3A_691 : vector<16xf32>
          %swap3A_693 = arith.index_cast %add3A_679 : i32 to index
          %swap3A_694 = arith.constant 0 : index
          %swap3A_695 = tpu.vector_load %arg11[%swap3A_693, %swap3A_694] {strides = array<i32>} : memref<128x32xf32, #tpu.memory_space<vmem>>, vector<1x16xf32>,
          %swap3A_696 = vector.shape_cast %swap3A_695 : vector<1x16xf32> to vector<16xf32>
          %swap3A_697 = vector.shape_cast %add3A_692 : vector<16xf32> to vector<1x16xf32>
          tpu.vector_store %arg11[%swap3A_693, %swap3A_694], %swap3A_697 {strides = array<i32>} : memref<128x32xf32, #tpu.memory_space<vmem>>, vector<1x16xf32>,
          %get3A_698 = arith.index_cast %add3A_679 : i32 to index
          %get3A_699 = arith.constant 16 : index
          %get3A_700 = tpu.vector_load %arg11[%get3A_698, %get3A_699] {strides = array<i32>} : memref<128x32xf32, #tpu.memory_space<vmem>>, vector<1x16xf32>,
          %get3A_701 = vector.shape_cast %get3A_700 : vector<1x16xf32> to vector<16xf32>
          %mul3A_702 = vector.broadcast %squeeze3A_681 : f32 to vector<16xf32>
          %mul3A_703 = arith.mulf %get3A_701, %mul3A_702 : vector<16xf32>
          %get3A_704 = arith.index_cast %add3A_679 : i32 to index
          %get3A_705 = arith.constant 16 : index
          %get3A_706 = tpu.vector_load %arg12[%get3A_704, %get3A_705] {strides = array<i32>} : memref<128x32xf32, #tpu.memory_space<vmem>>, vector<1x16xf32>,
          %get3A_707 = vector.shape_cast %get3A_706 : vector<1x16xf32> to vector<16xf32>
          %add3A_708 = arith.addf %mul3A_703, %get3A_707 : vector<16xf32>
          %swap3A_709 = arith.index_cast %add3A_679 : i32 to index
          %swap3A_710 = arith.constant 16 : index
          %swap3A_711 = tpu.vector_load %arg11[%swap3A_709, %swap3A_710] {strides = array<i32>} : memref<128x32xf32, #tpu.memory_space<vmem>>, vector<1x16xf32>,
          %swap3A_712 = vector.shape_cast %swap3A_711 : vector<1x16xf32> to vector<16xf32>
          %swap3A_713 = vector.shape_cast %add3A_708 : vector<16xf32> to vector<1x16xf32>
          tpu.vector_store %arg11[%swap3A_709, %swap3A_710], %swap3A_713 {strides = array<i32>} : memref<128x32xf32, #tpu.memory_space<vmem>>, vector<1x16xf32>,
          %mul3A_714 = arith.constant 16 : i32
          %mul3A_715 = arith.muli %add3A_139, %mul3A_714 : i32
          %add3A_716 = arith.constant 15 : i32
          %add3A_717 = arith.addi %mul3A_715, %add3A_716 : i32
          %slice3A_718 = vector.extract_strided_slice %get3A_146 {offsets = [15], sizes = [1], strides = [1]} : vector<16xf32> to vector<1xf32>
          %squeeze3A_719 = vector.extract %slice3A_718[0] : f32 from vector<1xf32>
          %get3A_720 = arith.index_cast %add3A_717 : i32 to index
          %get3A_721 = arith.constant 0 : index
          %get3A_722 = tpu.vector_load %arg11[%get3A_720, %get3A_721] {strides = array<i32>} : memref<128x32xf32, #tpu.memory_space<vmem>>, vector<1x16xf32>,
          %get3A_723 = vector.shape_cast %get3A_722 : vector<1x16xf32> to vector<16xf32>
          %mul3A_724 = vector.broadcast %squeeze3A_719 : f32 to vector<16xf32>
          %mul3A_725 = arith.mulf %get3A_723, %mul3A_724 : vector<16xf32>
          %get3A_726 = arith.index_cast %add3A_717 : i32 to index
          %get3A_727 = arith.constant 0 : index
          %get3A_728 = tpu.vector_load %arg12[%get3A_726, %get3A_727] {strides = array<i32>} : memref<128x32xf32, #tpu.memory_space<vmem>>, vector<1x16xf32>,
          %get3A_729 = vector.shape_cast %get3A_728 : vector<1x16xf32> to vector<16xf32>
          %add3A_730 = arith.addf %mul3A_725, %get3A_729 : vector<16xf32>
          %swap3A_731 = arith.index_cast %add3A_717 : i32 to index
          %swap3A_732 = arith.constant 0 : index
          %swap3A_733 = tpu.vector_load %arg11[%swap3A_731, %swap3A_732] {strides = array<i32>} : memref<128x32xf32, #tpu.memory_space<vmem>>, vector<1x16xf32>,
          %swap3A_734 = vector.shape_cast %swap3A_733 : vector<1x16xf32> to vector<16xf32>
          %swap3A_735 = vector.shape_cast %add3A_730 : vector<16xf32> to vector<1x16xf32>
          tpu.vector_store %arg11[%swap3A_731, %swap3A_732], %swap3A_735 {strides = array<i32>} : memref<128x32xf32, #tpu.memory_space<vmem>>, vector<1x16xf32>,
          %get3A_736 = arith.index_cast %add3A_717 : i32 to index
          %get3A_737 = arith.constant 16 : index
          %get3A_738 = tpu.vector_load %arg11[%get3A_736, %get3A_737] {strides = array<i32>} : memref<128x32xf32, #tpu.memory_space<vmem>>, vector<1x16xf32>,
          %get3A_739 = vector.shape_cast %get3A_738 : vector<1x16xf32> to vector<16xf32>
          %mul3A_740 = vector.broadcast %squeeze3A_719 : f32 to vector<16xf32>
          %mul3A_741 = arith.mulf %get3A_739, %mul3A_740 : vector<16xf32>
          %get3A_742 = arith.index_cast %add3A_717 : i32 to index
          %get3A_743 = arith.constant 16 : index
          %get3A_744 = tpu.vector_load %arg12[%get3A_742, %get3A_743] {strides = array<i32>} : memref<128x32xf32, #tpu.memory_space<vmem>>, vector<1x16xf32>,
          %get3A_745 = vector.shape_cast %get3A_744 : vector<1x16xf32> to vector<16xf32>
          %add3A_746 = arith.addf %mul3A_741, %get3A_745 : vector<16xf32>
          %swap3A_747 = arith.index_cast %add3A_717 : i32 to index
          %swap3A_748 = arith.constant 16 : index
          %swap3A_749 = tpu.vector_load %arg11[%swap3A_747, %swap3A_748] {strides = array<i32>} : memref<128x32xf32, #tpu.memory_space<vmem>>, vector<1x16xf32>,
          %swap3A_750 = vector.shape_cast %swap3A_749 : vector<1x16xf32> to vector<16xf32>
          %swap3A_751 = vector.shape_cast %add3A_746 : vector<16xf32> to vector<1x16xf32>
          tpu.vector_store %arg11[%swap3A_747, %swap3A_748], %swap3A_751 {strides = array<i32>} : memref<128x32xf32, #tpu.memory_space<vmem>>, vector<1x16xf32>,
        }
        %scan3A_131 = arith.constant 8 : i32
        %mul3A_132 = arith.constant 128 : i32
        %mul3A_133 = arith.muli %add3A_120, %mul3A_132 : i32
        %add3A_134 = arith.addi %add3A, %mul3A_133 : i32
        "tpu.region"() ({
          %run_scoped3A_135 = tpu.sem_alloc : memref<!tpu.dma_semaphore, #tpu.memory_space<semaphore_mem>>
          %dma_start3A_136 = arith.constant 0 : i32
          %dma_start3A_137 = tpu.memref_slice %arg7[%add3A_134, %dma_start3A_136] : memref<20480x32xf32, #tpu.memory_space<hbm>> -> memref<128x32xf32, #tpu.memory_space<hbm>>
          %dma_start3A_138 = arith.constant 0 : i32
          %dma_start3A_139 = tpu.memref_slice %arg7[%add3A_134, %dma_start3A_138] : memref<20480x32xf32, #tpu.memory_space<hbm>> -> memref<128x32xf32, #tpu.memory_space<hbm>>
          tpu.enqueue_dma source(%arg11 : memref<128x32xf32, #tpu.memory_space<vmem>>) target(%dma_start3A_139 : memref<128x32xf32, #tpu.memory_space<hbm>>) target_semaphore(%run_scoped3A_135 : memref<!tpu.dma_semaphore, #tpu.memory_space<semaphore_mem>>)
          %dma_wait3A_140 = arith.constant 0 : i32
          %dma_wait3A_141 = tpu.memref_slice %arg7[%add3A_134, %dma_wait3A_140] : memref<20480x32xf32, #tpu.memory_space<hbm>> -> memref<128x32xf32, #tpu.memory_space<hbm>>
          %dma_wait3A_142 = arith.constant 0 : i32
          %dma_wait3A_143 = tpu.memref_slice %arg7[%add3A_134, %dma_wait3A_142] : memref<20480x32xf32, #tpu.memory_space<hbm>> -> memref<128x32xf32, #tpu.memory_space<hbm>>
          tpu.wait_dma2 semaphore(%run_scoped3A_135 : memref<!tpu.dma_semaphore, #tpu.memory_space<semaphore_mem>>) src(%arg11 : memref<128x32xf32, #tpu.memory_space<vmem>>) dst(%dma_wait3A_143 : memref<128x32xf32, #tpu.memory_space<hbm>>)
          tpu.yield
        }) : () -> ()
      }
      %scan3A_114 = arith.constant 5 : i32
      %barrier3A_115 = arith.constant 0 : index
      tpu.barrier barrier_id(%barrier3A_115)
    }
    %scan3A_38 = arith.constant 10 : i32
    return
  }
}

module attributes {stable_mosaic.version = 14 : i64} {
  func.func @_tc1_body(%arg0: i32, %arg1: memref<512x2xf32, #tpu.memory_space<vmem>>, %arg2: memref<512x256xf32, #tpu.memory_space<vmem>>, %arg3: memref<256x64xf32, #tpu.memory_space<vmem>>, %arg4: memref<1x64xf32, #tpu.memory_space<vmem>>, %arg5: memref<512x64xf32, #tpu.memory_space<vmem>>, %arg6: memref<512x64xf32, #tpu.memory_space<vmem>>, %arg7: memref<512x1xf32, #tpu.memory_space<vmem>>, %arg8: memref<512x1xf32, #tpu.memory_space<vmem>>, %arg9: memref<512x1xf32, #tpu.memory_space<vmem>>) attributes {dimension_semantics = [#tpu.dimension_semantics<arbitrary>], iteration_bounds = array<i64: 20>, scalar_prefetch = 0 : i64, scratch_operands = 0 : i64, tpu.core_type = #tpu.core_type<tc>, window_params = [{transform_indices = @transform_0, window_bounds = array<i64: 512, 2>}, {transform_indices = @transform_1, window_bounds = array<i64: 512, 256>}, {pipeline_mode = #tpu.pipeline_mode<synchronous>, transform_indices = @transform_2, window_bounds = array<i64: 256, 64>}, {pipeline_mode = #tpu.pipeline_mode<synchronous>, transform_indices = @transform_3, window_bounds = array<i64: 1, 64>}, {transform_indices = @transform_4, window_bounds = array<i64: 512, 64>}, {transform_indices = @transform_5, window_bounds = array<i64: 512, 64>}, {transform_indices = @transform_6, window_bounds = array<i64: 512, 1>}, {transform_indices = @transform_7, window_bounds = array<i64: 512, 1>}, {transform_indices = @transform_8, window_bounds = array<i64: 512, 1>}]} {
    %get3A = arith.constant 0 : index
    %get3A_0 = arith.constant 0 : index
    %get3A_1 = vector.load %arg1[%get3A, %get3A_0] : memref<512x2xf32, #tpu.memory_space<vmem>>, vector<512x1xf32>
    %get3A_2 = arith.constant 0 : index
    %get3A_3 = arith.constant 1 : index
    %get3A_4 = vector.load %arg1[%get3A_2, %get3A_3] : memref<512x2xf32, #tpu.memory_space<vmem>>, vector<512x1xf32>
    %add3A = arith.addf %get3A_1, %get3A_4 : vector<512x1xf32>
    %gt3A = arith.constant 0.000000e+00 : f32
    %gt3A_5 = vector.broadcast %gt3A : f32 to vector<512x1xf32>
    %gt3A_6 = arith.cmpf ogt, %add3A, %gt3A_5 : vector<512x1xf32>
    %rsqrt3A = math.rsqrt %add3A : vector<512x1xf32>
    %jit3A = arith.constant 0.000000e+00 : f32
    %broadcast_in_dim3A = vector.broadcast %jit3A : f32 to vector<512x1xf32>
    %select_n3A = arith.select %gt3A_6, %rsqrt3A, %broadcast_in_dim3A : vector<512x1xi1>, vector<512x1xf32>
    %get3A_7 = arith.constant 0 : index
    %get3A_8 = arith.constant 0 : index
    %get3A_9 = vector.load %arg2[%get3A_7, %get3A_8] : memref<512x256xf32, #tpu.memory_space<vmem>>, vector<512x256xf32>
    %get3A_10 = arith.constant 0 : index
    %get3A_11 = arith.constant 0 : index
    %get3A_12 = vector.load %arg3[%get3A_10, %get3A_11] : memref<256x64xf32, #tpu.memory_space<vmem>>, vector<256x64xf32>
    %dot_general3A = arith.constant dense<0.000000e+00> : vector<512x64xf32>
    %dot_general3A_13 = tpu.matmul %get3A_9, %get3A_12, %dot_general3A {dimension_numbers = #tpu.dot_dimension_numbers<[1], [0], [0], [1], [0, 0, 1, 1], [], []>, transpose_lhs_hint = false} : vector<512x256xf32>, vector<256x64xf32>, vector<512x64xf32> -> vector<512x64xf32>
    %get3A_14 = arith.constant 0 : index
    %get3A_15 = arith.constant 0 : index
    %get3A_16 = vector.load %arg4[%get3A_14, %get3A_15] : memref<1x64xf32, #tpu.memory_space<vmem>>, vector<1x64xf32>
    %add3A_17 = vector.broadcast %get3A_16 : vector<1x64xf32> to vector<512x64xf32>
    %add3A_18 = arith.addf %dot_general3A_13, %add3A_17 : vector<512x64xf32>
    %mul3A = vector.broadcast %select_n3A : vector<512x1xf32> to vector<512x64xf32>
    %mul3A_19 = arith.mulf %add3A_18, %mul3A : vector<512x64xf32>
    %swap3A = arith.constant 0 : index
    %swap3A_20 = arith.constant 0 : index
    %swap3A_21 = vector.load %arg5[%swap3A, %swap3A_20] : memref<512x64xf32, #tpu.memory_space<vmem>>, vector<512x64xf32>
    tpu.vector_store %arg5[%swap3A, %swap3A_20], %mul3A_19 {strides = array<i32>} : memref<512x64xf32, #tpu.memory_space<vmem>>, vector<512x64xf32>,
    %mul3A_22 = arith.constant 1.000000e-01 : f32
    %mul3A_23 = vector.broadcast %mul3A_22 : f32 to vector<512x64xf32>
    %mul3A_24 = arith.mulf %mul3A_23, %mul3A_19 : vector<512x64xf32>
    %swap3A_25 = arith.constant 0 : index
    %swap3A_26 = arith.constant 0 : index
    %swap3A_27 = vector.load %arg6[%swap3A_25, %swap3A_26] : memref<512x64xf32, #tpu.memory_space<vmem>>, vector<512x64xf32>
    tpu.vector_store %arg6[%swap3A_25, %swap3A_26], %mul3A_24 {strides = array<i32>} : memref<512x64xf32, #tpu.memory_space<vmem>>, vector<512x64xf32>,
    %mul3A_28 = arith.constant 0.899999976 : f32
    %mul3A_29 = vector.broadcast %mul3A_28 : f32 to vector<512x1xf32>
    %mul3A_30 = arith.mulf %mul3A_29, %select_n3A : vector<512x1xf32>
    %mul3A_31 = arith.mulf %mul3A_30, %select_n3A : vector<512x1xf32>
    %swap3A_32 = arith.constant 0 : index
    %swap3A_33 = arith.constant 0 : index
    %swap3A_34 = vector.load %arg7[%swap3A_32, %swap3A_33] : memref<512x1xf32, #tpu.memory_space<vmem>>, vector<512x1xf32>
    tpu.vector_store %arg7[%swap3A_32, %swap3A_33], %mul3A_31 {strides = array<i32>} : memref<512x1xf32, #tpu.memory_space<vmem>>, vector<512x1xf32>,
    %sqrt3A = math.sqrt %add3A : vector<512x1xf32>
    %swap3A_35 = arith.constant 0 : index
    %swap3A_36 = arith.constant 0 : index
    %swap3A_37 = vector.load %arg8[%swap3A_35, %swap3A_36] : memref<512x1xf32, #tpu.memory_space<vmem>>, vector<512x1xf32>
    tpu.vector_store %arg8[%swap3A_35, %swap3A_36], %sqrt3A {strides = array<i32>} : memref<512x1xf32, #tpu.memory_space<vmem>>, vector<512x1xf32>,
    %swap3A_38 = arith.constant 0 : index
    %swap3A_39 = arith.constant 0 : index
    %swap3A_40 = vector.load %arg9[%swap3A_38, %swap3A_39] : memref<512x1xf32, #tpu.memory_space<vmem>>, vector<512x1xf32>
    tpu.vector_store %arg9[%swap3A_38, %swap3A_39], %select_n3A {strides = array<i32>} : memref<512x1xf32, #tpu.memory_space<vmem>>, vector<512x1xf32>,
    return
  }
  func.func @transform_0(%arg0: i32) -> (i32, i32) {
    %c0_i32 = arith.constant 0 : i32
    %c0_i32_0 = arith.constant 0 : i32
    return %arg0, %c0_i32 : i32, i32
  }
  func.func @transform_1(%arg0: i32) -> (i32, i32) {
    %c0_i32 = arith.constant 0 : i32
    %c0_i32_0 = arith.constant 0 : i32
    return %arg0, %c0_i32 : i32, i32
  }
  func.func @transform_2(%arg0: i32) -> (i32, i32) {
    %c0_i32 = arith.constant 0 : i32
    %c0_i32_0 = arith.constant 0 : i32
    %c0_i32_1 = arith.constant 0 : i32
    return %c0_i32, %c0_i32_0 : i32, i32
  }
  func.func @transform_3(%arg0: i32) -> (i32, i32) {
    %c0_i32 = arith.constant 0 : i32
    %c0_i32_0 = arith.constant 0 : i32
    %c0_i32_1 = arith.constant 0 : i32
    return %c0_i32, %c0_i32_0 : i32, i32
  }
  func.func @transform_4(%arg0: i32) -> (i32, i32) {
    %c0_i32 = arith.constant 0 : i32
    %c0_i32_0 = arith.constant 0 : i32
    return %arg0, %c0_i32 : i32, i32
  }
  func.func @transform_5(%arg0: i32) -> (i32, i32) {
    %c0_i32 = arith.constant 0 : i32
    %c0_i32_0 = arith.constant 0 : i32
    return %arg0, %c0_i32 : i32, i32
  }
  func.func @transform_6(%arg0: i32) -> (i32, i32) {
    %c0_i32 = arith.constant 0 : i32
    %c0_i32_0 = arith.constant 0 : i32
    return %arg0, %c0_i32 : i32, i32
  }
  func.func @transform_7(%arg0: i32) -> (i32, i32) {
    %c0_i32 = arith.constant 0 : i32
    %c0_i32_0 = arith.constant 0 : i32
    return %arg0, %c0_i32 : i32, i32
  }
  func.func @transform_8(%arg0: i32) -> (i32, i32) {
    %c0_i32 = arith.constant 0 : i32
    %c0_i32_0 = arith.constant 0 : i32
    return %arg0, %c0_i32 : i32, i32
  }
}

module attributes {stable_mosaic.version = 14 : i64} {
  func.func @_tc2_body(%arg0: i32, %arg1: memref<512x64xf32, #tpu.memory_space<vmem>>, %arg2: memref<512x1xf32, #tpu.memory_space<vmem>>, %arg3: memref<512x1xf32, #tpu.memory_space<vmem>>, %arg4: memref<64x128xf32, #tpu.memory_space<vmem>>, %arg5: memref<1x128xf32, #tpu.memory_space<vmem>>, %arg6: memref<512x128xf32, #tpu.memory_space<vmem>>, %arg7: memref<512x128xf32, #tpu.memory_space<vmem>>) attributes {dimension_semantics = [#tpu.dimension_semantics<arbitrary>], iteration_bounds = array<i64: 20>, scalar_prefetch = 0 : i64, scratch_operands = 0 : i64, tpu.core_type = #tpu.core_type<tc>, window_params = [{transform_indices = @transform_0, window_bounds = array<i64: 512, 64>}, {transform_indices = @transform_1, window_bounds = array<i64: 512, 1>}, {transform_indices = @transform_2, window_bounds = array<i64: 512, 1>}, {pipeline_mode = #tpu.pipeline_mode<synchronous>, transform_indices = @transform_3, window_bounds = array<i64: 64, 128>}, {pipeline_mode = #tpu.pipeline_mode<synchronous>, transform_indices = @transform_4, window_bounds = array<i64: 1, 128>}, {transform_indices = @transform_5, window_bounds = array<i64: 512, 128>}, {transform_indices = @transform_6, window_bounds = array<i64: 512, 128>}]} {
    %get3A = arith.constant 0 : index
    %get3A_0 = arith.constant 0 : index
    %get3A_1 = vector.load %arg1[%get3A, %get3A_0] : memref<512x64xf32, #tpu.memory_space<vmem>>, vector<512x64xf32>
    %get3A_2 = arith.constant 0 : index
    %get3A_3 = arith.constant 0 : index
    %get3A_4 = vector.load %arg2[%get3A_2, %get3A_3] : memref<512x1xf32, #tpu.memory_space<vmem>>, vector<512x1xf32>
    %mul3A = vector.broadcast %get3A_4 : vector<512x1xf32> to vector<512x64xf32>
    %mul3A_5 = arith.mulf %get3A_1, %mul3A : vector<512x64xf32>
    %max3A = arith.constant 0.000000e+00 : f32
    %max3A_6 = vector.broadcast %max3A : f32 to vector<512x64xf32>
    %max3A_7 = arith.maximumf %mul3A_5, %max3A_6 : vector<512x64xf32>
    %get3A_8 = arith.constant 0 : index
    %get3A_9 = arith.constant 0 : index
    %get3A_10 = vector.load %arg4[%get3A_8, %get3A_9] : memref<64x128xf32, #tpu.memory_space<vmem>>, vector<64x128xf32>
    %dot_general3A = arith.constant dense<0.000000e+00> : vector<512x128xf32>
    %dot_general3A_11 = tpu.matmul %max3A_7, %get3A_10, %dot_general3A {dimension_numbers = #tpu.dot_dimension_numbers<[1], [0], [0], [1], [0, 0, 1, 1], [], []>, transpose_lhs_hint = false} : vector<512x64xf32>, vector<64x128xf32>, vector<512x128xf32> -> vector<512x128xf32>
    %get3A_12 = arith.constant 0 : index
    %get3A_13 = arith.constant 0 : index
    %get3A_14 = vector.load %arg5[%get3A_12, %get3A_13] : memref<1x128xf32, #tpu.memory_space<vmem>>, vector<1x128xf32>
    %add3A = vector.broadcast %get3A_14 : vector<1x128xf32> to vector<512x128xf32>
    %add3A_15 = arith.addf %dot_general3A_11, %add3A : vector<512x128xf32>
    %get3A_16 = arith.constant 0 : index
    %get3A_17 = arith.constant 0 : index
    %get3A_18 = vector.load %arg3[%get3A_16, %get3A_17] : memref<512x1xf32, #tpu.memory_space<vmem>>, vector<512x1xf32>
    %mul3A_19 = vector.broadcast %get3A_18 : vector<512x1xf32> to vector<512x128xf32>
    %mul3A_20 = arith.mulf %add3A_15, %mul3A_19 : vector<512x128xf32>
    %swap3A = arith.constant 0 : index
    %swap3A_21 = arith.constant 0 : index
    %swap3A_22 = vector.load %arg6[%swap3A, %swap3A_21] : memref<512x128xf32, #tpu.memory_space<vmem>>, vector<512x128xf32>
    tpu.vector_store %arg6[%swap3A, %swap3A_21], %mul3A_20 {strides = array<i32>} : memref<512x128xf32, #tpu.memory_space<vmem>>, vector<512x128xf32>,
    %mul3A_23 = arith.constant 1.000000e-01 : f32
    %mul3A_24 = vector.broadcast %mul3A_23 : f32 to vector<512x128xf32>
    %mul3A_25 = arith.mulf %mul3A_24, %mul3A_20 : vector<512x128xf32>
    %swap3A_26 = arith.constant 0 : index
    %swap3A_27 = arith.constant 0 : index
    %swap3A_28 = vector.load %arg7[%swap3A_26, %swap3A_27] : memref<512x128xf32, #tpu.memory_space<vmem>>, vector<512x128xf32>
    tpu.vector_store %arg7[%swap3A_26, %swap3A_27], %mul3A_25 {strides = array<i32>} : memref<512x128xf32, #tpu.memory_space<vmem>>, vector<512x128xf32>,
    return
  }
  func.func @transform_0(%arg0: i32) -> (i32, i32) {
    %c0_i32 = arith.constant 0 : i32
    %c0_i32_0 = arith.constant 0 : i32
    return %arg0, %c0_i32 : i32, i32
  }
  func.func @transform_1(%arg0: i32) -> (i32, i32) {
    %c0_i32 = arith.constant 0 : i32
    %c0_i32_0 = arith.constant 0 : i32
    return %arg0, %c0_i32 : i32, i32
  }
  func.func @transform_2(%arg0: i32) -> (i32, i32) {
    %c0_i32 = arith.constant 0 : i32
    %c0_i32_0 = arith.constant 0 : i32
    return %arg0, %c0_i32 : i32, i32
  }
  func.func @transform_3(%arg0: i32) -> (i32, i32) {
    %c0_i32 = arith.constant 0 : i32
    %c0_i32_0 = arith.constant 0 : i32
    %c0_i32_1 = arith.constant 0 : i32
    return %c0_i32, %c0_i32_0 : i32, i32
  }
  func.func @transform_4(%arg0: i32) -> (i32, i32) {
    %c0_i32 = arith.constant 0 : i32
    %c0_i32_0 = arith.constant 0 : i32
    %c0_i32_1 = arith.constant 0 : i32
    return %c0_i32, %c0_i32_0 : i32, i32
  }
  func.func @transform_5(%arg0: i32) -> (i32, i32) {
    %c0_i32 = arith.constant 0 : i32
    %c0_i32_0 = arith.constant 0 : i32
    return %arg0, %c0_i32 : i32, i32
  }
  func.func @transform_6(%arg0: i32) -> (i32, i32) {
    %c0_i32 = arith.constant 0 : i32
    %c0_i32_0 = arith.constant 0 : i32
    return %arg0, %c0_i32 : i32, i32
  }
}

module attributes {stable_mosaic.version = 14 : i64} {
  func.func @_tc3_body(%arg0: i32, %arg1: memref<512x128xf32, #tpu.memory_space<vmem>>, %arg2: memref<512x1xf32, #tpu.memory_space<vmem>>, %arg3: memref<512x128xf32, #tpu.memory_space<vmem>>) attributes {dimension_semantics = [#tpu.dimension_semantics<arbitrary>], iteration_bounds = array<i64: 20>, scalar_prefetch = 0 : i64, scratch_operands = 0 : i64, tpu.core_type = #tpu.core_type<tc>, window_params = [{transform_indices = @transform_0, window_bounds = array<i64: 512, 128>}, {transform_indices = @transform_1, window_bounds = array<i64: 512, 1>}, {transform_indices = @transform_2, window_bounds = array<i64: 512, 128>}]} {
    %get3A = arith.constant 0 : index
    %get3A_0 = arith.constant 0 : index
    %get3A_1 = vector.load %arg1[%get3A, %get3A_0] : memref<512x128xf32, #tpu.memory_space<vmem>>, vector<512x128xf32>
    %get3A_2 = arith.constant 0 : index
    %get3A_3 = arith.constant 0 : index
    %get3A_4 = vector.load %arg2[%get3A_2, %get3A_3] : memref<512x1xf32, #tpu.memory_space<vmem>>, vector<512x1xf32>
    %mul3A = vector.broadcast %get3A_4 : vector<512x1xf32> to vector<512x128xf32>
    %mul3A_5 = arith.mulf %get3A_1, %mul3A : vector<512x128xf32>
    %swap3A = arith.constant 0 : index
    %swap3A_6 = arith.constant 0 : index
    %swap3A_7 = vector.load %arg3[%swap3A, %swap3A_6] : memref<512x128xf32, #tpu.memory_space<vmem>>, vector<512x128xf32>
    tpu.vector_store %arg3[%swap3A, %swap3A_6], %mul3A_5 {strides = array<i32>} : memref<512x128xf32, #tpu.memory_space<vmem>>, vector<512x128xf32>,
    return
  }
  func.func @transform_0(%arg0: i32) -> (i32, i32) {
    %c0_i32 = arith.constant 0 : i32
    %c0_i32_0 = arith.constant 0 : i32
    return %arg0, %c0_i32 : i32, i32
  }
  func.func @transform_1(%arg0: i32) -> (i32, i32) {
    %c0_i32 = arith.constant 0 : i32
    %c0_i32_0 = arith.constant 0 : i32
    return %arg0, %c0_i32 : i32, i32
  }
  func.func @transform_2(%arg0: i32) -> (i32, i32) {
    %c0_i32 = arith.constant 0 : i32
    %c0_i32_0 = arith.constant 0 : i32
    return %arg0, %c0_i32 : i32, i32
  }
}

</mosaic_0001>

<sc_bundles>
// kernel: kernel.11.cloned.1.call-start
scs
__scs_entry_jumppad:
0x0: {  	(pc) =	sbr.rel $0x88, $3  }
0x1: {  	(tag) =	ssettag $0x0;
	lr =	simm.s32 $0x1  }
0x2: {  	[smem:$0x3F9B] =	sst lr;
	_ =	strace $0xD0000000  }
0x3: {  	_ = 	snop  }
0x4: {  	_ = 	snop  }
0x5: {  	_ = 	snop  }
0x6: {  	_ = 	snop  }
0x7: {  	_ = 	snop  }
__scs_overlays_trampoline_lowered:
0x8: {  	[smem:$0x3FAA] =	sst s0  }
0x9: {  	[smem:$0x3FAB] =	sst s1  }
0xa: {  	[smem:$0x3FAC] =	sst s2  }
0xb: {  	[smem:$0x3FAD] =	sst s3  }
0xc: {  	[smem:$0x3FAE] =	sst s4  }
0xd: {  	[smem:$0x3FAF] =	sst s5  }
0xe: {  	[smem:$0x3FB0] =	sst s6  }
0xf: {  	[smem:$0x3FB1] =	sst s7  }
0x10: {  	[smem:$0x3FB2] =	sst s8  }
0x11: {  	[smem:$0x3FB3] =	sst s9;
	s0 =	simm.s32 @!p0 $0x0  }
0x12: {  	s1 =	sld [smem:$0x3F99];
	s0 =	simm.s32 @p0 $0x1  }
0x13: {  	[smem:$0x3FB4] =	sst s0;
	s0 =	simm.s32 @!p1 $0x0  }
0x14: {  	s2 =	sld [smem:$0x3F98];
	s0 =	simm.s32 @p1 $0x1  }
0x15: {  	[smem:$0x3FB5] =	sst s0;
	s0 =	simm.s32 @!p2 $0x0  }
0x16: {  	s3 =	sld [smem:$0x3FDB];
	s0 =	simm.s32 @p2 $0x1  }
0x17: {  	s4 =	simm.s32 $0x1BF5;
	[smem:$0x3FB7] =	sst s0  }
0x18: {  	s0 =	sld [smem:$0x3F9A];
	_ =	swait.ge [sflag:s4], $0x0  }
0x19: {  	s7 =	sld [smem:$0x3F9B]  }
0x1a: {  	s8 =	sadd.s32 $0xFFFFE003, lr  }
0x1b: {  	s9 =	sadd.s32 $0xFFFFFEF7, lr;
	s5 =	simm.s32 $0xFFFFFFFF;
	p2 =	slt.u32 s8, $0xFFFFF086  }
0x1c: {  	p1 =	slt.u32 s9, $0xF7A;
	s5 =	simm.s32 @!p2 $0x0  }
0x1d: {  	s5 =	simm.s32 @p1 $0x1;
	p0 =	seq.s32 s7, s2  }
0x1e: {  	s7 =	smul.u32 @!p0 $0xF7A, s2;
	p2 =	seq.s32 @!p0 s5, $0x0  }
0x1f: {  	s9 =	smul.u32 $0xF7A, s1;
	s8 =	simm.s32 @!p0 $0x1BF5;
	p2 =	por !p2, p0  }
0x20: {  	[sflag:s8] =	ssyncset.s32 @!p0 $0xFFFFF086;
	s6 =	sadd.s32 @!p0 s3, s7;
	s7 =	simm.s32 @!p0 $0x108  }
0x21: {  	s3 =	sadd.s32 s3, s9;
	s6 =	sadd.s32 @!p0 $0x88, s6;
	s7 =	simm.s32 @p2 $0x1082  }
0x22: {  	[simem:s7], [sflag:s8] =	dma.local @!p0 [hbm:s6], $0xF7A  }
0x23: {  	s9 =	sor.u32 $0xD0000000, s2;
	s6 =	simm.s32 $0x108;
	_ =	swait.ge @!p0 [sflag:s8], $0x0  }
0x24: {  	s3 =	sadd.s32 $0x88, s3;
	s6 =	simm.s32 @!p1 $0x1082;
	[sflag:s4] =	ssyncset.s32 $0xFFFFF086  }
0x25: {  	[simem:s6], [sflag:s4] =	dma.local [hbm:s3], $0xF7A  }
0x26: {  	[smem:$0x3F9B] =	sst s1;
	(tag) =	ssettag s2;
	_ =	strace s9  }
0x27: {  	s1 =	sld [smem:$0x3FAB]  }
0x28: {  	s2 =	sld [smem:$0x3FAC]  }
0x29: {  	s4 =	sld [smem:$0x3FAE]  }
0x2a: {  	p0 =	seq.s32 s5, $0x0;
	s5 =	sld [smem:$0x3FAF]  }
0x2b: {  	s6 =	sld [smem:$0x3FB0]  }
0x2c: {  	s7 =	sld [smem:$0x3FB1]  }
0x2d: {  	s3 =	simm.s32 $0x108;
	s8 =	sld [smem:$0x3FB2]  }
0x2e: {  	s3 =	simm.s32 @!p0 $0x1082;
	s9 =	sld [smem:$0x3FB3]  }
0x2f: {  	lr =	sadd.s32 s0, s3;
	s0 =	sld [smem:$0x3FAA]  }
0x30: {  	s3 =	sld [smem:$0x3FAD]  }
0x31: {  	[smem:$0x3FB6] =	sst s10  }
0x32: {  	s10 =	sld [smem:$0x3FB4];
	_ =	sdelay $0x3  }
0x33: {  	p0 =	seq.s32 s10, $0x1;
	s10 =	sld [smem:$0x3FB6];
	_ =	sdelay $0x3  }
0x34: {  	[smem:$0x3FB6] =	sst s10  }
0x35: {  	s10 =	sld [smem:$0x3FB5];
	_ =	sdelay $0x3  }
0x36: {  	p1 =	seq.s32 s10, $0x1;
	s10 =	sld [smem:$0x3FB6];
	_ =	sdelay $0x3  }
0x37: {  	[smem:$0x3FB6] =	sst s10  }
0x38: {  	s10 =	sld [smem:$0x3FB7]  }
0x39: {  	_ = 	snop;
	(pc) =	sbr.ind lr, $3  }
0x3a: {  	_ = 	snop  }
0x3b: {  	_ = 	snop  }
0x3c: {  	p2 =	seq.s32 s10, $0x1;
	s10 =	sld [smem:$0x3FB6]  }
0x3d: {  	_ =	shalt  }
0x3e: {  	_ =	shalt  }
0x3f: {  	_ =	shalt  }
0x40: {  	_ =	shalt  }
0x41: {  	_ =	shalt  }
0x42: {  	_ =	shalt  }
0x43: {  	_ =	shalt  }
0x44: {  	_ =	shalt  }
0x45: {  	_ =	shalt  }
0x46: {  	_ =	shalt  }
0x47: {  	_ =	shalt  }
0x48: {  	_ =	shalt  }
0x49: {  	_ =	shalt  }
0x4a: {  	_ =	shalt  }
0x4b: {  	_ =	shalt  }
0x4c: {  	_ =	shalt  }
0x4d: {  	_ =	shalt  }
0x4e: {  	_ =	shalt  }
0x4f: {  	_ =	shalt  }
0x50: {  	_ =	shalt  }
0x51: {  	_ =	shalt  }
0x52: {  	_ =	shalt  }
0x53: {  	_ =	shalt  }
0x54: {  	_ =	shalt  }
0x55: {  	_ =	shalt  }
0x56: {  	_ =	shalt  }
0x57: {  	_ =	shalt  }
0x58: {  	_ =	shalt  }
0x59: {  	_ =	shalt  }
0x5a: {  	_ =	shalt  }
0x5b: {  	_ =	shalt  }
0x5c: {  	_ =	shalt  }
0x5d: {  	_ =	shalt  }
0x5e: {  	_ =	shalt  }
0x5f: {  	_ =	shalt  }
0x60: {  	_ =	shalt  }
0x61: {  	_ =	shalt  }
0x62: {  	_ =	shalt  }
0x63: {  	_ =	shalt  }
0x64: {  	_ =	shalt  }
0x65: {  	_ =	shalt  }
0x66: {  	_ =	shalt  }
0x67: {  	_ =	shalt  }
0x68: {  	_ =	shalt  }
0x69: {  	_ =	shalt  }
0x6a: {  	_ =	shalt  }
0x6b: {  	_ =	shalt  }
0x6c: {  	_ =	shalt  }
0x6d: {  	_ =	shalt  }
0x6e: {  	_ =	shalt  }
0x6f: {  	_ =	shalt  }
0x70: {  	_ =	shalt  }
0x71: {  	_ =	shalt  }
0x72: {  	_ =	shalt  }
0x73: {  	_ =	shalt  }
0x74: {  	_ =	shalt  }
0x75: {  	_ =	shalt  }
0x76: {  	_ =	shalt  }
0x77: {  	_ =	shalt  }
0x78: {  	_ =	shalt  }
0x79: {  	_ =	shalt  }
0x7a: {  	_ =	shalt  }
0x7b: {  	_ =	shalt  }
0x7c: {  	_ =	shalt  }
0x7d: {  	_ =	shalt  }
0x7e: {  	_ =	shalt  }
0x7f: {  	_ =	shalt  }
0x80: {  	_ =	shalt  }
0x81: {  	_ =	shalt  }
0x82: {  	_ =	shalt  }
0x83: {  	_ =	shalt  }
0x84: {  	_ =	shalt  }
0x85: {  	_ =	shalt  }
0x86: {  	_ =	shalt  }
0x87: {  	_ =	shalt  }
.Lfunc_end0:
.L_simem_size_0:
called_computation.1_lowered:
.L_overlay_start_0:
0x88: {  	s2 =	sld [smem:$0x3FD9]  }
0x89: {  	s3 =	sld [smem:$0x3FFE];
	_ =	sdelay $0x1  }
0x8a: {  	s1 =	srdreg.scid  }
0x8b: {  	s0 =	sand.u32 $0x1, s1  }
0x8c: {  	s17 =	sshll.u32 s0, $0xA;
	s2 =	sadd.s32 s3, s2  }
0x8d: {  	s2 =	sadd.s32 s2, s17  }
0x8e: {  	[smem:$0x3FC2] =	sst s2  }
0x8f: {  	_ = 	snop  }
0x90: {  	s2 =	sld [smem:$0x3FD0];
	(tm) =	ssettm $0x1  }
0x91: {  	s18 =	sld [smem:$0x3FFB];
	_ =	sdelay $0x3  }
0x92: {  	_ =	strace s18  }
0x93: {  	s3 =	sld [smem:$0x3FFC];
	_ =	sdelay $0x3  }
0x94: {  	_ =	strace s3  }
0x95: {  	s3 =	sld [smem:$0x3FFD];
	_ =	sdelay $0x3  }
0x96: {  	_ =	strace s3  }
0x97: {  	_ =	strace $0x8FFFFFFF  }
0x98: {  	s19 =	sld [smem:$0x3FDB];
	_ =	sdelay $0x1  }
0x99: {  	s4 =	simm.s32 $_scs_section_size  }
0x9a: {  	s5 =	simm.s32 $_size__tile_overlayer_lowered;
	s6 =	simm.s32 $_tile_overlayer_lowered  }
0x9b: {  	s22 =	simm.s32 $0x1BFF;
	s21 =	sshll.u32 s6, $0x1;
	s3 =	sadd.s32 s4, s19  }
0x9c: {  	s7 =	simm.s32 $0x0;
	s20 =	sshll.u32 s5, $0x1;
	s5 =	sadd.s32 s21, s3  }
0x9d: {  	[timem:s7], [sflag:s22] =	dma.local [hbm:s5], s20  }
0x9e: {  	_ =	swait.ge [sflag:s22], s20  }
0x9f: {  	s4 =	ssub.s32 $0x0, s20;
	[sflag:s22] =	ssyncset.done $0x0  }
0xa0: {  	[sflag:s22] =	ssyncadd.s32 s4;
	_ =	sdelay $0x1  }
0xa1: {  	s23 =	simm.s32 $0x1B8B  }
0xa2: {  	_ =	swait.ge [sflag:s23], $0x1  }
0xa3: {  	[sflag:s23] =	ssyncset.done $0x0  }
0xa4: {  	s25 =	simm.s32 $0x1B8E;
	s24 =	sld [smem:$0x3FFE];
	[sflag:s23] =	ssyncadd.s32 $0xFFFFFFFF  }
0xa5: {  	s26 =	simm.s32 $execute0_lowered;
	[smem:$0x3FD2] =	sst s25  }
0xa6: {  	s5 =	sshll.u32 s26, $0x1;
	_ =	strace $0x80000049;
	[dreg:$0x1] =	wrdreg $0xFFFFFFFF  }
0xa7: {  	s28 =	simm.s32 $_size_execute0_lowered;
	s3 =	sadd.s32 s3, s5;
	[dreg:$0x0] =	wrdreg $0x0  }
0xa8: {  	s5 =	sshll.u32 s28, $0x1;
	[dreg:$0x2] =	wrdreg s3  }
0xa9: {  	[dreg:$0x3] =	wrdreg s5  }
0xaa: {  	[dreg:$0x4] =	wrdreg $0xC0  }
0xab: {  	_ =	task [dreg:s7], $0x5FFFF  }
0xac: {  	[dreg:$0x1] =	wrdreg $0xFFFFFFFF  }
0xad: {  	[dreg:$0x0] =	wrdreg $0x60  }
0xae: {  	[dreg:$0x2] =	wrdreg s2  }
0xaf: {  	[dreg:$0x3] =	wrdreg s24  }
0xb0: {  	[dreg:$0x4] =	wrdreg $0xC6800  }
0xb1: {  	[dreg:$0x5] =	wrdreg $0x9  }
0xb2: {  	_ =	task.clear_ibuf [dreg:s7], $0x6FFFF;
	_ =	strace $0x90000049  }
0xb3: {  	s29 =	simm.s32 $0x9;
	_ =	strace $0x8000004B  }
0xb4: {  	_ =	swait.ge [sflag:s29], $0x1  }
0xb5: {  	[sflag:s29] =	ssyncadd.s32 $0xFFFFFFFF  }
0xb6: {  	_ =	strace $0x9000004B  }
0xb7: {  	_ =	sfence  }
0xb8: {  	s30 =	sld [smem:$0x0];
	_ =	sdelay $0x2  }
0xb9: {  	s31 =	sshll.u32 s1, $0xD;
	s1 =	sshrl.u32 s1, $0x2  }
0xba: {  	s3 =	sand.u32 $0x4000, s31;
	s1 =	sadd.s32 s1, s30  }
0xbb: {  	s0 =	sor.u32 s3, s0;
	s1 =	sshll.u32 s1, $0x11  }
0xbc: {  	s0 =	sor.u32 s1, s0  }
0xbd: {  	s0 =	sadd.s32 $0x8F2B, s0  }
0xbe: {  	[sflag:s0] =	ssyncadd.remote.s32 $0x1  }
0xbf: {  	_ =	sfence.sel $0xFFFF  }
0xc0: {  	[dreg:$0x0] =	wrdreg $0xFFFFFFFF;
	(pc) =	sbr.abs _section_cstart, $3  }
0xc1: {  	[dreg:$0x1] =	wrdreg $0xFFFFFFFF  }
0xc2: {  	_ =	task.clear_ibuf [dreg:s7], $0x2FFFF;
	_ =	strace $0x9FFFFFFF  }
0xc3: {  	(tm) =	ssettm $0x7FFFFFFF  }
tec
execute0_lowered:
.L_overlay_start_1:
0x0: {  	(tag) =	ssettag $0x1  }
0x1: {  	s0 =	rddreg [dreg:$0x0]  }
0x2: {  	s1 =	rddreg [dreg:$0x1]  }
0x3: {  	s2 =	rddreg [dreg:$0x2]  }
0x4: {  	s3 =	simm.s32 $0x0;
	s12 =	stileid.u32;
	s5 =	srdreg.scid  }
0x5: {  	s28 =	simm.s32 $0x3;
	s31 =	simm.s32 $0x9400;
	s29 =	simm.s32 $0x5400  }
0x6: {  	s30 =	simm.s32 $0x1;
	[smem:$0x7FF] =	sst s3;
	s4 =	smul.u32 $0x280, s12  }
0x7: {  	s6 =	smul.u32 $0x540, s12;
	s7 =	sand.u32 $0x1, s5;
	s5 =	sadd.s32 $0xB200, s1  }
0x8: {  	s21 =	smul.u32 $0x14000, s12;
	s12 =	simm.s32 $0x5300;
	_ =	strace $0x8000004A  }
0x9: {  	s10 =	smul.u32 $0x2800, s7;
	s11 =	ssub.s32 $0x2, s7;
	s8 =	sshrl.u32 s4, $0x3  }
0xa: {  	s9 =	sadd.s32 s6, s1;
	s6 =	sadd.s32 $0x1F800, s1;
	s13 =	sshrl.u32 s11, $0x1  }
0xb: {  	s8 =	sadd.s32 s8, s1;
	s7 =	sadd.s32 s4, s10;
	s14 =	sadd.s32 $0x5E00, s9  }
0xc: {  	s1 =	ssub.s32 s11, s13;
	s9 =	sadd.s32 $0xA00, s9;
	[dreg:$0x4] =	wrdreg s14  }
0xd: {  	s13 =	simm.s32 $0xA400;
	[dreg:$0x5] =	wrdreg s9;
	s8 =	sadd.s32 $0x1F200, s8  }
0xe: {  	s15 =	sshll.u32 s7, $0x2;
	s26 =	smax.u32 s1, $0x1;
	[dreg:$0x6] =	wrdreg s8  }
0xf: {  	s9 =	sshrl.u32 s21, $0x2;
	s17 =	sadd.s32 s0, s15;
	[dreg:$0x11] =	wrdreg s26  }
0x10: {  	s16 =	sadd.s32 $0x200, s15;
	s18 =	sadd.s32 s6, s15;
	[dreg:$0x7] =	wrdreg s17  }
0x11: {  	s1 =	simm.s32 $0x100;
	[dreg:$0x8] =	wrdreg s18;
	s19 =	sadd.s32 s0, s16  }
0x12: {  	s20 =	sadd.s32 $0x400, s15;
	s8 =	sadd.s32 s6, s16;
	[dreg:$0x9] =	wrdreg s19  }
0x13: {  	s23 =	sadd.s32 $0x600, s15;
	s22 =	sadd.s32 s0, s20;
	[dreg:$0xa] =	wrdreg s8  }
0x14: {  	s11 =	sadd.s32 $0x800, s15;
	s24 =	sadd.s32 s0, s23;
	[dreg:$0xb] =	wrdreg s22  }
0x15: {  	s0 =	sadd.s32 s0, s11;
	s25 =	sadd.s32 s6, s11;
	[dreg:$0xd] =	wrdreg s24  }
0x16: {  	s11 =	simm.s32 $0x0;
	s8 =	sadd.s32 s6, s20;
	[dreg:$0xf] =	wrdreg s0  }
0x17: {  	s20 =	sadd.s32 s9, s2;
	[dreg:$0x10] =	wrdreg s25;
	s0 =	simm.s32 $0xB400  }
0x18: {  	s9 =	simm.s32 $0x2;
	[dreg:$0xc] =	wrdreg s8;
	s8 =	sadd.s32 s6, s23  }
0x19: {  	s22 =	sadd.s32 $0x1000, s20;
	s23 =	sadd.s32 $0x2000, s20;
	s25 =	sadd.s32 $0x3000, s20  }
0x1a: {  	v1 =	vimm.f32 $0.0e+00;
	v0 =	vmov s10;
	s26 =	sadd.s32 $0x4000, s20;
	[dreg:$0xe] =	wrdreg s8;
	s8 =	simm.s32 $0x7400  }
.LBB2_1:
0x1b: {  	[dreg:$0x12] =	wrdreg s11  }
0x1c: {  	s10 =	rddreg [dreg:$0x4]  }
0x1d: {  	[tilespmem:s3], [sflag:$0x3] =	stream.linear.gather [hbm4b:s10+s3], $0x2A00, $0x38;
	[tilespmem:$0x11680] =	vst v63  }
0x1e: {  	_ =	swait.ge [sflag:s28], $0x2A00  }
0x1f: {  	[sflag:s28] =	ssyncset.done $0x0  }
0x20: {  	s19 =	simm.s32 $0x2A00;
	s18 =	rddreg [dreg:$0x5];
	[sflag:s28] =	ssyncadd.s32 $0xFFFFD600  }
0x21: {  	[tilespmem:s19], [sflag:$0x3] =	stream.linear.gather [hbm4b:s18+s3], $0x2A00, $0x38;
	[tilespmem:$0x11680] =	vst v63  }
0x22: {  	_ =	swait.ge [sflag:s28], $0x2A00  }
0x23: {  	[sflag:s28] =	ssyncset.done $0x0  }
0x24: {  	s24 =	simm.s32 $0xC400;
	s21 =	rddreg [dreg:$0x6];
	[sflag:s28] =	ssyncadd.s32 $0xFFFFD600  }
0x25: {  	[tilespmem:s24], [sflag:$0x3] =	stream.linear.gather [hbm4b:s21+s3], $0x280, $0x38;
	[tilespmem:$0x11680] =	vst v63  }
0x26: {  	_ =	swait.ge [sflag:s28], $0x280  }
0x27: {  	[sflag:s28] =	ssyncset.done $0x0  }
0x28: {  	s10 =	simm.s32 $0x0;
	[sflag:s28] =	ssyncadd.s32 $0xFFFFFD80  }
0x29: {  	v2 =	vld [tilespmem:s10+$0x0]  }
0x2a: {  	v3 =	vld [tilespmem:s10+$0x10]  }
0x2b: {  	v4 =	vld [tilespmem:s10+$0x20]  }
0x2c: {  	v5 =	vld [tilespmem:s10+$0x30]  }
0x2d: {  	v6 =	vld [tilespmem:s10+$0x40]  }
0x2e: {  	v7 =	vld [tilespmem:s10+$0x50];
	v2 =	vadd.s32 v0, v2  }
0x2f: {  	v8 =	vld [tilespmem:s10+$0x60];
	[tilespmem:s10+$0x0] =	vst v2;
	v2 =	vadd.s32 v0, v3  }
0x30: {  	[tilespmem:s10+$0x10] =	vst v2;
	v2 =	vadd.s32 v0, v4;
	v4 =	vld [tilespmem:s10+$0x70]  }
0x31: {  	[tilespmem:s10+$0x20] =	vst v2;
	v2 =	vadd.s32 v0, v5;
	v5 =	vld [tilespmem:s10+$0x80]  }
0x32: {  	[tilespmem:s10+$0x30] =	vst v2;
	v2 =	vadd.s32 v0, v6;
	v6 =	vld [tilespmem:s10+$0x90]  }
0x33: {  	v3 =	vld [tilespmem:s10+$0xA0];
	[tilespmem:s10+$0x40] =	vst v2;
	v2 =	vadd.s32 v0, v7  }
0x34: {  	v7 =	vadd.s32 v0, v8;
	[tilespmem:s10+$0x50] =	vst v2;
	v2 =	vld [tilespmem:s10+$0xB0]  }
0x35: {  	[tilespmem:s10+$0x60] =	vst v7;
	v7 =	vadd.s32 v0, v4;
	v4 =	vld [tilespmem:s10+$0xC0]  }
0x36: {  	[tilespmem:s10+$0x70] =	vst v7;
	v7 =	vadd.s32 v0, v5;
	v5 =	vld [tilespmem:s10+$0xD0]  }
0x37: {  	s14 =	simm.s32 $0x400;
	[tilespmem:s10+$0x80] =	vst v7;
	v7 =	vadd.s32 v0, v6;
	v6 =	vld [tilespmem:s10+$0xE0]  }
.LBB2_2:
0x38: {  	s15 =	sshra.s32 s14, $0x2;
	p0 =	sne.s32 s14, $0xA400;
	[tilespmem:s10+$0x90] =	vst v7;
	v3 =	vadd.s32 v0, v3;
	v7 =	vld [tilespmem:s10+$0xF0]  }
0x39: {  	v8 =	vld [tilespmem:s15+$0x0];
	[tilespmem:s10+$0xA0] =	vst v3;
	v2 =	vadd.s32 v0, v2  }
0x3a: {  	v3 =	vld [tilespmem:s15+$0x10];
	[tilespmem:s10+$0xB0] =	vst v2;
	v2 =	vadd.s32 v0, v4  }
0x3b: {  	v4 =	vld [tilespmem:s15+$0x20];
	[tilespmem:s10+$0xC0] =	vst v2;
	v2 =	vadd.s32 v0, v5  }
0x3c: {  	v5 =	vld [tilespmem:s15+$0x30];
	[tilespmem:s10+$0xD0] =	vst v2;
	v2 =	vadd.s32 v0, v6  }
0x3d: {  	v6 =	vld [tilespmem:s15+$0x40];
	[tilespmem:s10+$0xE0] =	vst v2;
	v2 =	vadd.s32 v0, v7  }
0x3e: {  	v7 =	vadd.s32 v0, v8;
	v8 =	vld [tilespmem:s15+$0x50];
	[tilespmem:s10+$0xF0] =	vst v2;
	s10 =	smov.u32 s15  }
0x3f: {  	[tilespmem:s10+$0x0] =	vst v7;
	v2 =	vadd.s32 v0, v3;
	v7 =	vld [tilespmem:s10+$0x60]  }
0x40: {  	[tilespmem:s10+$0x10] =	vst v2;
	v2 =	vadd.s32 v0, v4;
	v4 =	vld [tilespmem:s10+$0x70]  }
0x41: {  	[tilespmem:s10+$0x20] =	vst v2;
	v2 =	vadd.s32 v0, v5;
	v5 =	vld [tilespmem:s10+$0x80]  }
0x42: {  	[tilespmem:s10+$0x30] =	vst v2;
	v2 =	vadd.s32 v0, v6;
	v6 =	vld [tilespmem:s10+$0x90]  }
.Ltmp0:
0x43: {  	[tilespmem:s10+$0x40] =	vst v2;
	v2 =	vadd.s32 v0, v8;
	v3 =	vld [tilespmem:s10+$0xA0];
	(pc) =	sbr.rel @p0 .LBB2_2-.Ltmp0, $4  }
0x44: {  	[tilespmem:s10+$0x50] =	vst v2;
	v7 =	vadd.s32 v0, v7;
	v2 =	vld [tilespmem:s10+$0xB0]  }
0x45: {  	[tilespmem:s10+$0x60] =	vst v7;
	v7 =	vadd.s32 v0, v4;
	v4 =	vld [tilespmem:s10+$0xC0]  }
0x46: {  	[tilespmem:s10+$0x70] =	vst v7;
	v7 =	vadd.s32 v0, v5;
	v5 =	vld [tilespmem:s10+$0xD0]  }
0x47: {  	s14 =	sadd.s32 $0x400, s14;
	[tilespmem:s10+$0x80] =	vst v7;
	v7 =	vadd.s32 v0, v6;
	v6 =	vld [tilespmem:s10+$0xE0]  }
0x48: {  	[tilespmem:s10+$0x90] =	vst v7;
	v3 =	vadd.s32 v0, v3;
	v63 =	vld [tilespmem:s10+$0xF0]  }
0x49: {  	[tilespmem:s10+$0xA0] =	vst v3;
	v2 =	vadd.s32 v0, v2  }
0x4a: {  	[tilespmem:s10+$0xB0] =	vst v2;
	v2 =	vadd.s32 v0, v4  }
0x4b: {  	[tilespmem:s10+$0xC0] =	vst v2;
	v2 =	vadd.s32 v0, v5  }
0x4c: {  	[tilespmem:s10+$0xD0] =	vst v2;
	v2 =	vadd.s32 v0, v6  }
0x4d: {  	[tilespmem:s10+$0xE0] =	vst v2;
	v2 =	vadd.s32 v0, v63  }
0x4e: {  	s14 =	simm.s32 $0x0;
	[tilespmem:s10+$0xF0] =	vst v2;
	s10 =	simm.s32 $0x80  }
.LBB2_4:
0x4f: {  	p0 =	sne.s32 s10, $0x3F80;
	[tilespmem:s14+$0xB400] =	vst v1;
	s15 =	smov.u32 s10;
	s10 =	sadd.s32 $0x80, s10  }
.Ltmp1:
0x50: {  	[tilespmem:s14+$0xB410] =	vst v1;
	(pc) =	sbr.rel @p0 .LBB2_4-.Ltmp1, $2  }
0x51: {  	_ =	sdelay $0x2  }
0x52: {  	s14 =	sshra.s32 s15, $0x2  }
0x53: {  	[tilespmem:s14+$0xB400] =	vst v1  }
0x54: {  	[tilespmem:s14+$0xB410] =	vst v1;
	s15 =	simm.s32 $0x0;
	s10 =	rddreg [dreg:$0x7]  }
0x55: {  	[tilespmem:s31], [sflag:$0x3] =	stream.linear.gather [hbm4b:s10+s15], $0x1000, $0x38;
	[tilespmem:$0x11680] =	vst v63  }
0x56: {  	_ =	swait.ge [sflag:s28], $0x1000  }
0x57: {  	[sflag:s28] =	ssyncset.done $0x0  }
0x58: {  	s24 =	rddreg [dreg:$0x8];
	[sflag:s28] =	ssyncadd.s32 $0xFFFFF000  }
0x59: {  	[hbm4b:s24+s15] =	stream.linear.scatter [tilespmem:s31], [sflag:$0x3], $0x1000, $0x38;
	[tilespmem:$0x11680] =	vst v63  }
0x5a: {  	_ =	swait.ge [sflag:s28], $0x1000  }
0x5b: {  	[sflag:s28] =	ssyncset.done $0x0  }
0x5c: {  	s11 =	rddreg [dreg:$0x9];
	[sflag:s28] =	ssyncadd.s32 $0xFFFFF000  }
0x5d: {  	[tilespmem:s31], [sflag:$0x3] =	stream.linear.gather [hbm4b:s11+s15], $0x1000, $0x38;
	[tilespmem:$0x11680] =	vst v63  }
0x5e: {  	_ =	swait.ge [sflag:s28], $0x1000  }
0x5f: {  	[sflag:s28] =	ssyncset.done $0x0  }
0x60: {  	s14 =	rddreg [dreg:$0xa];
	[sflag:s28] =	ssyncadd.s32 $0xFFFFF000  }
0x61: {  	[hbm4b:s14+s15] =	stream.linear.scatter [tilespmem:s31], [sflag:$0x3], $0x1000, $0x38;
	[tilespmem:$0x11680] =	vst v63  }
0x62: {  	_ =	swait.ge [sflag:s28], $0x1000  }
0x63: {  	[sflag:s28] =	ssyncset.done $0x0  }
0x64: {  	s16 =	rddreg [dreg:$0xb];
	[sflag:s28] =	ssyncadd.s32 $0xFFFFF000  }
0x65: {  	[tilespmem:s31], [sflag:$0x3] =	stream.linear.gather [hbm4b:s16+s15], $0x1000, $0x38;
	[tilespmem:$0x11680] =	vst v63  }
0x66: {  	_ =	swait.ge [sflag:s28], $0x1000  }
0x67: {  	[sflag:s28] =	ssyncset.done $0x0  }
0x68: {  	s17 =	rddreg [dreg:$0xc];
	[sflag:s28] =	ssyncadd.s32 $0xFFFFF000  }
0x69: {  	[hbm4b:s17+s15] =	stream.linear.scatter [tilespmem:s31], [sflag:$0x3], $0x1000, $0x38;
	[tilespmem:$0x11680] =	vst v63  }
0x6a: {  	_ =	swait.ge [sflag:s28], $0x1000  }
0x6b: {  	[sflag:s28] =	ssyncset.done $0x0  }
0x6c: {  	s18 =	rddreg [dreg:$0xd];
	[sflag:s28] =	ssyncadd.s32 $0xFFFFF000  }
0x6d: {  	[tilespmem:s31], [sflag:$0x3] =	stream.linear.gather [hbm4b:s18+s15], $0x1000, $0x38;
	[tilespmem:$0x11680] =	vst v63  }
0x6e: {  	_ =	swait.ge [sflag:s28], $0x1000  }
0x6f: {  	[sflag:s28] =	ssyncset.done $0x0  }
0x70: {  	s19 =	rddreg [dreg:$0xe];
	[sflag:s28] =	ssyncadd.s32 $0xFFFFF000  }
0x71: {  	[hbm4b:s19+s15] =	stream.linear.scatter [tilespmem:s31], [sflag:$0x3], $0x1000, $0x38;
	[tilespmem:$0x11680] =	vst v63  }
0x72: {  	_ =	swait.ge [sflag:s28], $0x1000  }
0x73: {  	[sflag:s28] =	ssyncset.done $0x0  }
0x74: {  	s21 =	rddreg [dreg:$0xf];
	[sflag:s28] =	ssyncadd.s32 $0xFFFFF000  }
0x75: {  	[tilespmem:s31], [sflag:$0x3] =	stream.linear.gather [hbm4b:s21+s15], $0x1000, $0x38;
	[tilespmem:$0x11680] =	vst v63  }
0x76: {  	_ =	swait.ge [sflag:s28], $0x1000  }
0x77: {  	[sflag:s28] =	ssyncset.done $0x0  }
0x78: {  	s24 =	rddreg [dreg:$0x10];
	[sflag:s28] =	ssyncadd.s32 $0xFFFFF000  }
0x79: {  	[hbm4b:s24+s15] =	stream.linear.scatter [tilespmem:s31], [sflag:$0x3], $0x1000, $0x38;
	[tilespmem:$0x11680] =	vst v63  }
0x7a: {  	_ =	swait.ge [sflag:s28], $0x1000  }
0x7b: {  	[sflag:s28] =	ssyncset.done $0x0  }
0x7c: {  	[sflag:s28] =	ssyncadd.s32 $0xFFFFF000  }
0x7d: {  	s16 =	simm.s32 $0x0;
	[bflag:$0x0] =	sbarrier.arrive $0xFFFF  }
.LBB2_6:
0x7e: {  	[spmem:s20] =	stream.linear.scatter [tilespmem:s0], [sflag:$0x3], $0x1000, $0x38;
	[tilespmem:$0x11680] =	vst v63  }
0x7f: {  	_ =	swait.ge [sflag:s28], $0x1000  }
0x80: {  	[sflag:s28] =	ssyncset.done $0x0  }
0x81: {  	[sflag:s28] =	ssyncadd.s32 $0xFFFFF000  }
0x82: {  	[spmem:s22] =	stream.linear.scatter [tilespmem:s0], [sflag:$0x3], $0x1000, $0x38;
	[tilespmem:$0x11680] =	vst v63  }
0x83: {  	_ =	swait.ge [sflag:s28], $0x1000  }
0x84: {  	[sflag:s28] =	ssyncset.done $0x0  }
0x85: {  	[sflag:s28] =	ssyncadd.s32 $0xFFFFF000  }
0x86: {  	[spmem:s23] =	stream.linear.scatter [tilespmem:s0], [sflag:$0x3], $0x1000, $0x38;
	[tilespmem:$0x11680] =	vst v63  }
0x87: {  	_ =	swait.ge [sflag:s28], $0x1000  }
0x88: {  	[sflag:s28] =	ssyncset.done $0x0  }
0x89: {  	[sflag:s28] =	ssyncadd.s32 $0xFFFFF000  }
0x8a: {  	[spmem:s25] =	stream.linear.scatter [tilespmem:s0], [sflag:$0x3], $0x1000, $0x38;
	[tilespmem:$0x11680] =	vst v63  }
0x8b: {  	_ =	swait.ge [sflag:s28], $0x1000  }
0x8c: {  	[sflag:s28] =	ssyncset.done $0x0  }
0x8d: {  	[sflag:s28] =	ssyncadd.s32 $0xFFFFF000  }
0x8e: {  	[spmem:s26] =	stream.linear.scatter [tilespmem:s0], [sflag:$0x3], $0x1000, $0x38;
	[tilespmem:$0x11680] =	vst v63  }
0x8f: {  	_ =	swait.ge [sflag:s28], $0x1000  }
0x90: {  	[sflag:s28] =	ssyncset.done $0x0  }
0x91: {  	[sflag:s28] =	ssyncadd.s32 $0xFFFFF000  }
0x92: {  	[bflag:$0x0] =	sbarrier.arrive $0xFFFF  }
0x93: {  	[tilespmem:s29], [sflag:$0x1] =	stream.indirect.gather [hbm4b:s6+s1], $0x20, s15, s1, $0xb8;
	[tilespmem:$0x11680] =	vst v63  }
0x94: {  	_ =	swait.ge [sflag:s30], $0x2000  }
0x95: {  	[sflag:s30] =	ssyncset.done $0x0  }
0x96: {  	s10 =	simm.s32 $0x100;
	[sflag:s30] =	ssyncadd.s32 $0xFFFFE000  }
0x97: {  	[tilespmem:s8], [sflag:$0x2] =	stream.indirect.gather [hbm4b:s6+s1], $0x20, s10, s1, $0xb8;
	[tilespmem:$0x11680] =	vst v63  }
0x98: {  	s19 =	simm.s32 $0x2A00  }
0x99: {  	[spmem:s2] =	stream.indirect.scatter.add.f32 [tilespmem:s29], [sflag:$0x3], $0x20, s19, s1, $0xb8;
	[tilespmem:$0x11680] =	vst v63  }
0x9a: {  	_ =	swait.ge [sflag:s28], $0x2000  }
0x9b: {  	[sflag:s28] =	ssyncset.done $0x0  }
0x9c: {  	[sflag:s28] =	ssyncadd.s32 $0xFFFFE000  }
0x9d: {  	_ =	swait.ge [sflag:s9], $0x2000  }
0x9e: {  	[sflag:s9] =	ssyncset.done $0x0  }
0x9f: {  	s21 =	simm.s32 $0x200;
	[sflag:s9] =	ssyncadd.s32 $0xFFFFE000  }
0xa0: {  	[tilespmem:s29], [sflag:$0x1] =	stream.indirect.gather [hbm4b:s6+s1], $0x20, s21, s1, $0xb8;
	[tilespmem:$0x11680] =	vst v63  }
0xa1: {  	s24 =	simm.s32 $0x2B00  }
0xa2: {  	[spmem:s2] =	stream.indirect.scatter.add.f32 [tilespmem:s8], [sflag:$0x3], $0x20, s24, s1, $0xb8;
	[tilespmem:$0x11680] =	vst v63  }
0xa3: {  	_ =	swait.ge [sflag:s28], $0x2000  }
0xa4: {  	s10 =	simm.s32 $0x800;
	[sflag:s28] =	ssyncset.done $0x0  }
.LBB2_7:
0xa5: {  	p0 =	sne.s32 s10, $0x9800  }
0xa6: {  	[sflag:s28] =	ssyncadd.s32 $0xFFFFE000;
	s14 =	smov.u32 s10;
	s10 =	sadd.s32 $0x800, s10  }
0xa7: {  	_ = 	snop  }
0xa8: {  	_ =	swait.ge [sflag:s30], $0x2000  }
0xa9: {  	s14 =	sshra.s32 s14, $0x2;
	[sflag:s30] =	ssyncset.done $0x0  }
0xaa: {  	s17 =	sadd.s32 $0x100, s14;
	[sflag:s30] =	ssyncadd.s32 $0xFFFFE000  }
0xab: {  	[tilespmem:s8], [sflag:$0x2] =	stream.indirect.gather [hbm4b:s6+s1], $0x20, s17, s1, $0xb8;
	[tilespmem:$0x11680] =	vst v63  }
0xac: {  	s17 =	sadd.s32 $0x2A00, s14  }
0xad: {  	[spmem:s2] =	stream.indirect.scatter.add.f32 [tilespmem:s29], [sflag:$0x3], $0x20, s17, s1, $0xb8;
	[tilespmem:$0x11680] =	vst v63  }
0xae: {  	_ =	swait.ge [sflag:s28], $0x2000  }
0xaf: {  	[sflag:s28] =	ssyncset.done $0x0  }
0xb0: {  	[sflag:s28] =	ssyncadd.s32 $0xFFFFE000  }
0xb1: {  	_ =	swait.ge [sflag:s9], $0x2000  }
0xb2: {  	[sflag:s9] =	ssyncset.done $0x0  }
0xb3: {  	s17 =	sadd.s32 $0x200, s14;
	[sflag:s9] =	ssyncadd.s32 $0xFFFFE000  }
0xb4: {  	[tilespmem:s29], [sflag:$0x1] =	stream.indirect.gather [hbm4b:s6+s1], $0x20, s17, s1, $0xb8;
	[tilespmem:$0x11680] =	vst v63  }
.Ltmp2:
0xb5: {  	_ = 	snop;
	(pc) =	sbr.rel @p0 .LBB2_7-.Ltmp2, $4  }
0xb6: {  	s14 =	sadd.s32 $0x2B00, s14  }
0xb7: {  	[spmem:s2] =	stream.indirect.scatter.add.f32 [tilespmem:s8], [sflag:$0x3], $0x20, s14, s1, $0xb8;
	[tilespmem:$0x11680] =	vst v63  }
0xb8: {  	_ =	swait.ge [sflag:s28], $0x2000  }
0xb9: {  	[sflag:s28] =	ssyncset.done $0x0  }
0xba: {  	[sflag:s28] =	ssyncadd.s32 $0xFFFFE000  }
0xbb: {  	_ =	swait.ge [sflag:s30], $0x2000  }
0xbc: {  	[sflag:s30] =	ssyncset.done $0x0  }
0xbd: {  	s10 =	simm.s32 $0x2900;
	[sflag:s30] =	ssyncadd.s32 $0xFFFFE000  }
0xbe: {  	[tilespmem:s8], [sflag:$0x2] =	stream.indirect.gather [hbm4b:s6+s1], $0x20, s10, s1, $0xb8;
	[tilespmem:$0x11680] =	vst v63  }
0xbf: {  	s24 =	simm.s32 $0x5200  }
0xc0: {  	[spmem:s2] =	stream.indirect.scatter.add.f32 [tilespmem:s29], [sflag:$0x3], $0x20, s24, s1, $0xb8;
	[tilespmem:$0x11680] =	vst v63  }
0xc1: {  	_ =	swait.ge [sflag:s28], $0x2000  }
0xc2: {  	[sflag:s28] =	ssyncset.done $0x0  }
0xc3: {  	[sflag:s28] =	ssyncadd.s32 $0xFFFFE000  }
0xc4: {  	_ =	swait.ge [sflag:s9], $0x2000  }
0xc5: {  	[sflag:s9] =	ssyncset.done $0x0  }
0xc6: {  	[sflag:s9] =	ssyncadd.s32 $0xFFFFE000  }
0xc7: {  	[spmem:s2] =	stream.indirect.scatter.add.f32 [tilespmem:s8], [sflag:$0x3], $0x20, s12, s1, $0xb8;
	[tilespmem:$0x11680] =	vst v63  }
0xc8: {  	_ =	swait.ge [sflag:s28], $0x2000  }
0xc9: {  	[sflag:s28] =	ssyncset.done $0x0  }
0xca: {  	s17 =	simm.s32 $0x0;
	[sflag:s28] =	ssyncadd.s32 $0xFFFFE000  }
0xcb: {  	s19 =	simm.s32 $0x0;
	s10 =	simm.s32 $0xC400;
	[bflag:$0x0] =	sbarrier.arrive $0xFFFF  }
.LBB2_9:
0xcc: {  	s14 =	sshll.u32 s19, $0x7  }
0xcd: {  	s18 =	sadd.s32 s4, s14  }
0xce: {  	s18 =	sshll.u32 s18, $0x5  }
0xcf: {  	s18 =	sand.u32 $0x3FFFFFE0, s18  }
0xd0: {  	s18 =	sadd.s32 s18, s2  }
0xd1: {  	[tilespmem:s31], [sflag:$0x3] =	stream.linear.gather [spmem:s18], $0x1000, $0x38;
	[tilespmem:$0x11680] =	vst v63  }
0xd2: {  	s14 =	sadd.s32 s7, s14;
	_ =	swait.ge [sflag:s28], $0x1000  }
0xd3: {  	s21 =	sshll.u32 s14, $0x2;
	[sflag:s28] =	ssyncset.done $0x0  }
0xd4: {  	s14 =	sadd.s32 s5, s21;
	[sflag:s28] =	ssyncadd.s32 $0xFFFFF000  }
0xd5: {  	[tilespmem:s13], [sflag:$0x3] =	stream.linear.gather [hbm4b:s14+s17], $0x1000, $0x38;
	[tilespmem:$0x11680] =	vst v63  }
0xd6: {  	_ =	swait.ge [sflag:s28], $0x1000  }
0xd7: {  	[sflag:s28] =	ssyncset.done $0x0  }
0xd8: {  	s24 =	simm.s32 $0x0;
	[sflag:s28] =	ssyncadd.s32 $0xFFFFF000  }
0xd9: {  	v32 =	vld [tilespmem:s24+$0xA400]  }
0xda: {  	v33 =	vld [tilespmem:s24+$0xA410]  }
0xdb: {  	v30 =	vld [tilespmem:s24+$0xA420]  }
0xdc: {  	v31 =	vld [tilespmem:s24+$0xA430]  }
0xdd: {  	v29 =	vld [tilespmem:s24+$0xA440]  }
0xde: {  	v28 =	vld [tilespmem:s24+$0xA450]  }
0xdf: {  	v26 =	vld [tilespmem:s24+$0xA460]  }
0xe0: {  	v27 =	vld [tilespmem:s24+$0xA470]  }
0xe1: {  	v25 =	vld [tilespmem:s24+$0xA480]  }
0xe2: {  	v24 =	vld [tilespmem:s24+$0xA490]  }
0xe3: {  	v22 =	vld [tilespmem:s24+$0xA4A0]  }
0xe4: {  	v23 =	vld [tilespmem:s24+$0xA4B0]  }
0xe5: {  	v21 =	vld [tilespmem:s24+$0xA4C0]  }
0xe6: {  	v20 =	vld [tilespmem:s24+$0xA4D0]  }
0xe7: {  	v18 =	vld [tilespmem:s24+$0xA4E0]  }
0xe8: {  	v17 =	vld [tilespmem:s24+$0xA4F0]  }
0xe9: {  	v16 =	vld [tilespmem:s24+$0xA500]  }
0xea: {  	v15 =	vld [tilespmem:s24+$0xA510]  }
0xeb: {  	v14 =	vld [tilespmem:s24+$0xA520]  }
0xec: {  	v13 =	vld [tilespmem:s24+$0xA530]  }
0xed: {  	v12 =	vld [tilespmem:s24+$0xA540]  }
0xee: {  	v11 =	vld [tilespmem:s24+$0xA550]  }
0xef: {  	v9 =	vld [tilespmem:s24+$0xA560]  }
0xf0: {  	v8 =	vld [tilespmem:s24+$0xA570]  }
0xf1: {  	v7 =	vld [tilespmem:s24+$0xA580]  }
0xf2: {  	v6 =	vld [tilespmem:s24+$0xA590]  }
0xf3: {  	v5 =	vld [tilespmem:s24+$0xA5A0]  }
0xf4: {  	v4 =	vld [tilespmem:s24+$0xA5B0]  }
0xf5: {  	v3 =	vld [tilespmem:s24+$0xA5C0]  }
0xf6: {  	v2 =	vld [tilespmem:s24+$0xA5D0]  }
0xf7: {  	v19 =	vld [tilespmem:s24+$0x9550]  }
0xf8: {  	v34 =	vld [tilespmem:s24+$0x9470]  }
0xf9: {  	v35 =	vld [tilespmem:s24+$0x9430]  }
0xfa: {  	s18 =	smov.u32 s10;
	s14 =	simm.s32 $0x800;
	v10 =	vld [tilespmem:s10+$0x0]  }
.LBB2_10:
0xfb: {  	p0 =	sne.s32 s14, $0x3800;
	v36 =	vld [tilespmem:s24+$0x9410]  }
0xfc: {  	v37 =	vld [tilespmem:s24+$0x9400]  }
0xfd: {  	v38 =	vld [tilespmem:s24+$0x9420]  }
0xfe: {  	v39 =	vld [tilespmem:s24+$0x9440]  }
0xff: {  	v40 =	vbroadcast v10, $0x0;
	v41 =	vbroadcast v10, $0x1;
	v42 =	vld [tilespmem:s24+$0x9450]  }
0x100: {  	v43 =	vbroadcast v10, $0x2;
	v45 =	vbroadcast v10, $0x3;
	v44 =	vld [tilespmem:s24+$0x9460]  }
0x101: {  	v37 =	vmul.f32 v40, v37;
	v36 =	vmul.f32 v36, v40;
	v40 =	vld [tilespmem:s24+$0x94B0]  }
0x102: {  	v35 =	vmul.f32 v35, v41;
	v38 =	vmul.f32 v38, v41;
	v41 =	vld [tilespmem:s24+$0x9490]  }
0x103: {  	v32 =	vadd.f32 v32, v37;
	v33 =	vadd.f32 v33, v36;
	v36 =	vmul.f32 v39, v43;
	v37 =	vld [tilespmem:s24+$0x9480]  }
0x104: {  	v31 =	vadd.f32 v31, v35;
	v30 =	vadd.f32 v30, v38;
	v35 =	vmul.f32 v42, v43;
	v38 =	vld [tilespmem:s24+$0x94A0]  }
0x105: {  	v34 =	vmul.f32 v34, v45;
	[tilespmem:s24+$0x9400] =	vst v32;
	v29 =	vadd.f32 v29, v36;
	v32 =	vmul.f32 v44, v45;
	v36 =	vld [tilespmem:s24+$0x94C0]  }
0x106: {  	[tilespmem:s24+$0x9410] =	vst v33;
	v28 =	vadd.f32 v28, v35;
	v33 =	vbroadcast v10, $0x4;
	v35 =	vbroadcast v10, $0x5;
	v39 =	vld [tilespmem:s24+$0x94D0]  }
0x107: {  	v27 =	vadd.f32 v27, v34;
	[tilespmem:s24+$0x9420] =	vst v30;
	v26 =	vadd.f32 v26, v32;
	v30 =	vbroadcast v10, $0x6;
	v32 =	vld [tilespmem:s24+$0x9510]  }
0x108: {  	[tilespmem:s24+$0x9430] =	vst v31;
	v31 =	vmul.f32 v37, v33;
	v33 =	vmul.f32 v41, v33;
	v34 =	vld [tilespmem:s24+$0x94F0]  }
0x109: {  	[tilespmem:s24+$0x9440] =	vst v29;
	v29 =	vmul.f32 v38, v35;
	v35 =	vmul.f32 v40, v35;
	v37 =	vld [tilespmem:s24+$0x94E0]  }
0x10a: {  	[tilespmem:s24+$0x9450] =	vst v28;
	v25 =	vadd.f32 v25, v31;
	v24 =	vadd.f32 v24, v33;
	v28 =	vmul.f32 v36, v30;
	v31 =	vld [tilespmem:s24+$0x9500]  }
0x10b: {  	[tilespmem:s24+$0x9460] =	vst v26;
	v22 =	vadd.f32 v22, v29;
	v23 =	vadd.f32 v23, v35;
	v26 =	vmul.f32 v39, v30;
	v29 =	vld [tilespmem:s24+$0x9520]  }
0x10c: {  	[tilespmem:s24+$0x9470] =	vst v27;
	v21 =	vadd.f32 v21, v28;
	v27 =	vbroadcast v10, $0x7;
	v28 =	vbroadcast v10, $0x8;
	v30 =	vld [tilespmem:s24+$0x9530]  }
0x10d: {  	v33 =	vbroadcast v10, $0xA;
	[tilespmem:s24+$0x9480] =	vst v25;
	v20 =	vadd.f32 v20, v26;
	v25 =	vbroadcast v10, $0x9;
	v26 =	vld [tilespmem:s24+$0x9540]  }
0x10e: {  	[tilespmem:s24+$0x9490] =	vst v24;
	v24 =	vmul.f32 v37, v27;
	v27 =	vmul.f32 v34, v27;
	v34 =	vld [tilespmem:s24+$0x9590]  }
0x10f: {  	[tilespmem:s24+$0x94A0] =	vst v22;
	v22 =	vmul.f32 v31, v28;
	v28 =	vmul.f32 v32, v28;
	v31 =	vld [tilespmem:s24+$0x9570]  }
0x110: {  	[tilespmem:s24+$0x94B0] =	vst v23;
	v18 =	vadd.f32 v18, v24;
	v17 =	vadd.f32 v17, v27;
	v23 =	vmul.f32 v29, v25;
	v24 =	vld [tilespmem:s24+$0x9560]  }
0x111: {  	[tilespmem:s24+$0x94C0] =	vst v21;
	v16 =	vadd.f32 v16, v22;
	v15 =	vadd.f32 v15, v28;
	v21 =	vmul.f32 v30, v25;
	v22 =	vld [tilespmem:s24+$0x9580]  }
0x112: {  	v19 =	vmul.f32 v19, v33;
	[tilespmem:s24+$0x94D0] =	vst v20;
	v14 =	vadd.f32 v14, v23;
	v20 =	vmul.f32 v26, v33;
	v23 =	vld [tilespmem:s24+$0x95A0]  }
0x113: {  	[tilespmem:s24+$0x94E0] =	vst v18;
	v13 =	vadd.f32 v13, v21;
	v18 =	vbroadcast v10, $0xB;
	v21 =	vbroadcast v10, $0xC;
	v25 =	vld [tilespmem:s24+$0x95B0]  }
0x114: {  	v11 =	vadd.f32 v11, v19;
	[tilespmem:s24+$0x94F0] =	vst v17;
	v12 =	vadd.f32 v12, v20;
	v17 =	vbroadcast v10, $0xD;
	v19 =	vld [tilespmem:s24+$0x95F0]  }
0x115: {  	[tilespmem:s24+$0x9500] =	vst v16;
	v16 =	vmul.f32 v24, v18;
	v18 =	vmul.f32 v31, v18;
	v20 =	vld [tilespmem:s24+$0x95D0]  }
0x116: {  	[tilespmem:s24+$0x9510] =	vst v15;
	v15 =	vmul.f32 v22, v21;
	v21 =	vmul.f32 v34, v21;
	v22 =	vld [tilespmem:s24+$0x95C0]  }
0x117: {  	[tilespmem:s24+$0x9520] =	vst v14;
	v9 =	vadd.f32 v9, v16;
	v8 =	vadd.f32 v8, v18;
	v14 =	vmul.f32 v23, v17;
	v16 =	vld [tilespmem:s24+$0x95E0]  }
0x118: {  	[tilespmem:s24+$0x9530] =	vst v13;
	v7 =	vadd.f32 v7, v15;
	v6 =	vadd.f32 v6, v21;
	v13 =	vmul.f32 v25, v17;
	v15 =	vld [tilespmem:s24+$0xA5E0]  }
0x119: {  	s11 =	sshra.s32 s14, $0x2;
	[tilespmem:s24+$0x9540] =	vst v12;
	v5 =	vadd.f32 v5, v14;
	v12 =	vbroadcast v10, $0xE;
	v10 =	vbroadcast v10, $0xF;
	v14 =	vld [tilespmem:s24+$0xA5F0]  }
0x11a: {  	v32 =	vld [tilespmem:s11+$0xA400];
	[tilespmem:s24+$0x9550] =	vst v11;
	v4 =	vadd.f32 v4, v13  }
0x11b: {  	v33 =	vld [tilespmem:s11+$0xA410];
	[tilespmem:s24+$0x9560] =	vst v9;
	v9 =	vmul.f32 v22, v12;
	v11 =	vmul.f32 v20, v12  }
0x11c: {  	v30 =	vld [tilespmem:s11+$0xA420];
	[tilespmem:s24+$0x9570] =	vst v8;
	v8 =	vmul.f32 v16, v10;
	v10 =	vmul.f32 v19, v10  }
0x11d: {  	v31 =	vld [tilespmem:s11+$0xA430];
	[tilespmem:s24+$0x9580] =	vst v7;
	v3 =	vadd.f32 v3, v9;
	v2 =	vadd.f32 v2, v11  }
0x11e: {  	v29 =	vld [tilespmem:s11+$0xA440];
	[tilespmem:s24+$0x9590] =	vst v6;
	v6 =	vadd.f32 v15, v8;
	v7 =	vadd.f32 v14, v10  }
0x11f: {  	v28 =	vld [tilespmem:s11+$0xA450];
	[tilespmem:s24+$0x95A0] =	vst v5  }
0x120: {  	v26 =	vld [tilespmem:s11+$0xA460];
	[tilespmem:s24+$0x95B0] =	vst v4  }
0x121: {  	v27 =	vld [tilespmem:s11+$0xA470];
	[tilespmem:s24+$0x95C0] =	vst v3  }
0x122: {  	v25 =	vld [tilespmem:s11+$0xA480];
	[tilespmem:s24+$0x95D0] =	vst v2  }
0x123: {  	v24 =	vld [tilespmem:s11+$0xA490];
	[tilespmem:s24+$0x95E0] =	vst v6  }
0x124: {  	v22 =	vld [tilespmem:s11+$0xA4A0];
	[tilespmem:s24+$0x95F0] =	vst v7;
	s24 =	smov.u32 s11  }
0x125: {  	v23 =	vld [tilespmem:s24+$0xA4B0]  }
0x126: {  	v21 =	vld [tilespmem:s24+$0xA4C0]  }
0x127: {  	v20 =	vld [tilespmem:s24+$0xA4D0]  }
0x128: {  	v18 =	vld [tilespmem:s24+$0xA4E0]  }
0x129: {  	v17 =	vld [tilespmem:s24+$0xA4F0]  }
0x12a: {  	v16 =	vld [tilespmem:s24+$0xA500]  }
0x12b: {  	v15 =	vld [tilespmem:s24+$0xA510]  }
0x12c: {  	v14 =	vld [tilespmem:s24+$0xA520]  }
0x12d: {  	v13 =	vld [tilespmem:s24+$0xA530]  }
0x12e: {  	v12 =	vld [tilespmem:s24+$0xA540]  }
0x12f: {  	v11 =	vld [tilespmem:s24+$0xA550]  }
0x130: {  	v9 =	vld [tilespmem:s24+$0xA560]  }
0x131: {  	v8 =	vld [tilespmem:s24+$0xA570]  }
0x132: {  	v7 =	vld [tilespmem:s24+$0xA580]  }
0x133: {  	v6 =	vld [tilespmem:s24+$0xA590]  }
0x134: {  	v5 =	vld [tilespmem:s24+$0xA5A0]  }
0x135: {  	v4 =	vld [tilespmem:s24+$0xA5B0]  }
0x136: {  	v3 =	vld [tilespmem:s24+$0xA5C0]  }
.Ltmp3:
0x137: {  	v2 =	vld [tilespmem:s24+$0xA5D0];
	(pc) =	sbr.rel @p0 .LBB2_10-.Ltmp3, $4  }
0x138: {  	v19 =	vld [tilespmem:s24+$0x9550]  }
0x139: {  	v34 =	vld [tilespmem:s24+$0x9470]  }
0x13a: {  	s18 =	sadd.s32 $0x10, s18;
	v35 =	vld [tilespmem:s24+$0x9430]  }
0x13b: {  	s14 =	sadd.s32 $0x800, s14;
	v10 =	vld [tilespmem:s18+$0x0]  }
0x13c: {  	_ = 	snop  }
0x13d: {  	v37 =	vld [tilespmem:s24+$0x9400]  }
0x13e: {  	v36 =	vld [tilespmem:s24+$0x9410]  }
0x13f: {  	v38 =	vld [tilespmem:s24+$0x9420]  }
0x140: {  	v40 =	vbroadcast v10, $0x0  }
0x141: {  	v39 =	vld [tilespmem:s24+$0x9440]  }
0x142: {  	v42 =	vld [tilespmem:s24+$0x9460];
	v45 =	vbroadcast v10, $0x1;
	v37 =	vmul.f32 v40, v37  }
0x143: {  	v36 =	vmul.f32 v36, v40  }
0x144: {  	v62 =	vld [tilespmem:s24+$0x9480];
	v46 =	vbroadcast v10, $0x2;
	v38 =	vmul.f32 v38, v45;
	v32 =	vadd.f32 v32, v37  }
0x145: {  	v63 =	vld [tilespmem:s24+$0x94A0];
	v50 =	vbroadcast v10, $0x3;
	v35 =	vmul.f32 v35, v45;
	v33 =	vadd.f32 v33, v36  }
0x146: {  	v41 =	vld [tilespmem:s24+$0x9450];
	v48 =	vmul.f32 v39, v46;
	v30 =	vadd.f32 v30, v38;
	[tilespmem:s24+$0x9400] =	vst v32  }
0x147: {  	v44 =	vld [tilespmem:s24+$0x9490];
	v54 =	vbroadcast v10, $0x4;
	v52 =	vmul.f32 v42, v50;
	v31 =	vadd.f32 v31, v35;
	[tilespmem:s24+$0x9410] =	vst v33  }
0x148: {  	v43 =	vld [tilespmem:s24+$0x94B0];
	v58 =	vbroadcast v10, $0x5;
	v34 =	vmul.f32 v34, v50;
	v29 =	vadd.f32 v29, v48;
	[tilespmem:s24+$0x9420] =	vst v30  }
0x149: {  	v47 =	vld [tilespmem:s24+$0x94D0];
	v56 =	vmul.f32 v62, v54;
	v26 =	vadd.f32 v26, v52;
	[tilespmem:s24+$0x9430] =	vst v31  }
0x14a: {  	v53 =	vld [tilespmem:s24+$0x94E0];
	v60 =	vmul.f32 v63, v58;
	v27 =	vadd.f32 v27, v34;
	[tilespmem:s24+$0x9440] =	vst v29  }
0x14b: {  	v51 =	vld [tilespmem:s24+$0x94F0];
	v36 =	vmul.f32 v41, v46;
	v25 =	vadd.f32 v25, v56;
	[tilespmem:s24+$0x9460] =	vst v26  }
0x14c: {  	v49 =	vld [tilespmem:s24+$0x9510];
	v62 =	vbroadcast v10, $0x6;
	v35 =	vmul.f32 v44, v54;
	v22 =	vadd.f32 v22, v60;
	[tilespmem:s24+$0x9470] =	vst v27  }
0x14d: {  	v61 =	vld [tilespmem:s24+$0x9540];
	v37 =	vbroadcast v10, $0x7;
	v28 =	vadd.f32 v28, v36;
	[tilespmem:s24+$0x9480] =	vst v25;
	v36 =	vmul.f32 v43, v58  }
0x14e: {  	v55 =	vld [tilespmem:s24+$0x9500];
	v24 =	vadd.f32 v24, v35;
	[tilespmem:s24+$0x94A0] =	vst v22;
	v33 =	vmul.f32 v47, v62  }
0x14f: {  	v39 =	vld [tilespmem:s24+$0x9580];
	v40 =	vbroadcast v10, $0x8;
	v29 =	vmul.f32 v53, v37;
	[tilespmem:s24+$0x9450] =	vst v28;
	v23 =	vadd.f32 v23, v36  }
0x150: {  	v45 =	vld [tilespmem:s24+$0x95D0];
	v46 =	vbroadcast v10, $0xA;
	v31 =	vmul.f32 v51, v37;
	[tilespmem:s24+$0x9490] =	vst v24;
	v20 =	vadd.f32 v20, v33  }
0x151: {  	v57 =	vld [tilespmem:s24+$0x9520];
	v30 =	vmul.f32 v49, v40;
	v18 =	vadd.f32 v18, v29;
	[tilespmem:s24+$0x94B0] =	vst v23  }
0x152: {  	v59 =	vld [tilespmem:s24+$0x9530];
	v50 =	vbroadcast v10, $0xC;
	v25 =	vmul.f32 v61, v46;
	v17 =	vadd.f32 v17, v31;
	[tilespmem:s24+$0x94D0] =	vst v20  }
0x153: {  	v63 =	vld [tilespmem:s24+$0x9590];
	v56 =	vbroadcast v10, $0xE;
	v19 =	vmul.f32 v19, v46;
	v15 =	vadd.f32 v15, v30;
	[tilespmem:s24+$0x94E0] =	vst v18  }
0x154: {  	v42 =	vld [tilespmem:s24+$0x95B0];
	v53 =	vmul.f32 v39, v50;
	v12 =	vadd.f32 v12, v25;
	[tilespmem:s24+$0x94F0] =	vst v17  }
0x155: {  	v41 =	vld [tilespmem:s24+$0x95A0];
	v43 =	vbroadcast v10, $0x9;
	v60 =	vmul.f32 v45, v56;
	v11 =	vadd.f32 v11, v19;
	[tilespmem:s24+$0x9510] =	vst v15  }
0x156: {  	v38 =	vld [tilespmem:s24+$0x9560];
	v28 =	vmul.f32 v55, v40;
	v7 =	vadd.f32 v7, v53;
	[tilespmem:s24+$0x9540] =	vst v12  }
0x157: {  	v52 =	vbroadcast v10, $0xD;
	v32 =	vld [tilespmem:s24+$0x94C0];
	v26 =	vmul.f32 v57, v43;
	v2 =	vadd.f32 v2, v60;
	[tilespmem:s24+$0x9550] =	vst v11  }
0x158: {  	v47 =	vld [tilespmem:s24+$0x95C0];
	v27 =	vmul.f32 v59, v43;
	v16 =	vadd.f32 v16, v28;
	[tilespmem:s24+$0x9580] =	vst v7  }
0x159: {  	v48 =	vbroadcast v10, $0xB;
	v49 =	vld [tilespmem:s24+$0x95E0];
	v57 =	vmul.f32 v42, v52;
	v14 =	vadd.f32 v14, v26;
	[tilespmem:s24+$0x95D0] =	vst v2  }
0x15a: {  	v51 =	vld [tilespmem:s24+$0xA5E0];
	v55 =	vmul.f32 v41, v52;
	v13 =	vadd.f32 v13, v27;
	[tilespmem:s24+$0x9500] =	vst v16  }
0x15b: {  	v36 =	vld [tilespmem:s24+$0x9570];
	v23 =	vmul.f32 v38, v48;
	v4 =	vadd.f32 v4, v57;
	[tilespmem:s24+$0x9520] =	vst v14  }
0x15c: {  	v44 =	vld [tilespmem:s24+$0x95F0];
	v58 =	vbroadcast v10, $0xF;
	v32 =	vmul.f32 v32, v62;
	v5 =	vadd.f32 v5, v55;
	[tilespmem:s24+$0x9530] =	vst v13  }
0x15d: {  	v59 =	vmul.f32 v47, v56;
	v9 =	vadd.f32 v9, v23;
	[tilespmem:s24+$0x95B0] =	vst v4  }
0x15e: {  	v54 =	vld [tilespmem:s24+$0xA5F0];
	v61 =	vmul.f32 v49, v58;
	v21 =	vadd.f32 v21, v32;
	[tilespmem:s24+$0x95A0] =	vst v5  }
0x15f: {  	v13 =	vmul.f32 v63, v50;
	v3 =	vadd.f32 v3, v59;
	[tilespmem:s24+$0x9560] =	vst v9  }
0x160: {  	v14 =	vmul.f32 v36, v48;
	v63 =	vadd.f32 v51, v61;
	[tilespmem:s24+$0x94C0] =	vst v21  }
0x161: {  	v62 =	vmul.f32 v44, v58;
	v6 =	vadd.f32 v6, v13;
	[tilespmem:s24+$0x95C0] =	vst v3  }
0x162: {  	v8 =	vadd.f32 v8, v14;
	[tilespmem:s24+$0x95E0] =	vst v63  }
0x163: {  	s19 =	sadd.s32 $0x1, s19;
	v3 =	vadd.f32 v54, v62;
	[tilespmem:s24+$0x9590] =	vst v6  }
0x164: {  	p0 =	sne.s32 s19, $0x5;
	[tilespmem:s24+$0x9570] =	vst v8  }
.Ltmp4:
0x165: {  	s11 =	sadd.s32 s6, s21;
	[tilespmem:s24+$0x95F0] =	vst v3;
	(pc) =	sbr.rel @p0 .LBB2_9-.Ltmp4, $4  }
0x166: {  	[hbm4b:s11+s3] =	stream.linear.scatter [tilespmem:s31], [sflag:$0x3], $0x1000, $0x38;
	[tilespmem:$0x11680] =	vst v63  }
0x167: {  	_ =	swait.ge [sflag:s28], $0x1000  }
0x168: {  	[sflag:s28] =	ssyncset.done $0x0  }
0x169: {  	s10 =	sadd.s32 $0x80, s10;
	[sflag:s28] =	ssyncadd.s32 $0xFFFFF000  }
0x16a: {  	s16 =	sadd.s32 $0x1, s16  }
0x16b: {  	p0 =	sne.s32 s16, $0xA  }
.Ltmp5:
0x16c: {  	_ = 	snop;
	(pc) =	sbr.rel @p0 .LBB2_6-.Ltmp5, $2  }
0x16d: {  	_ =	sdelay $0x1  }
0x16e: {  	[bflag:$0x0] =	sbarrier.arrive $0xFFFF;
	_ =	sdelay $0x1  }
0x16f: {  	s11 =	rddreg [dreg:$0x12]  }
0x170: {  	s10 =	rddreg [dreg:$0x11];
	s11 =	sadd.s32 $0x1, s11  }
0x171: {  	p0 =	sne.s32 s11, s10  }
.Ltmp6:
0x172: {  	_ = 	snop;
	(pc) =	sbr.rel @p0 .LBB2_1-.Ltmp6, $1  }
0x173: {  	_ =	sdelay $0x3  }
0x174: {  	_ =	sfence.sel $0x180000  }
0x175: {  	[bflag:$0x0] =	sbarrier.arrive $0xFFFF  }
0x176: {  	_ =	strace $0x9000004A  }
0x177: {  	s0 =	stileid.u32;
	[bflag:$0x2] =	sbarrier.arrive $0xFFFF  }
0x178: {  	p0 =	sne.s32 s0, $0x0;
	s0 =	rddreg [dreg:$0x3]  }
0x179: {  	s0 =	sadd.s32 @!p0 $0x100000, s0  }
0x17a: {  	[sflag:s0] =	ssyncadd.tile.s32 @!p0 $0x1;
	_ =	shalt  }
.Lfunc_end2:
_tile_overlayer_lowered:
.L_overlay_start_2:
0x17b: {  	(tag) =	ssettag $0x2  }
0x17c: {  	s0 =	rddreg [dreg:$0x0];
	s2 =	stileid.u32  }
0x17d: {  	s1 =	rddreg [dreg:$0x1];
	p0 =	sne.s32 s2, $0x0  }
0x17e: {  	s3 =	rddreg [dreg:$0x2];
	[bflag:$0x3] =	sbarrier.arrive $0xFFFF;
	s2 =	simm.s32 @!p0 $0x1C03  }
0x17f: {  	[timem:s3], [sflag:s2] =	dma.local @!p0 [hbm:s0], s1  }
0x180: {  	s0 =	simm.s32 @!p0 $0x3  }
0x181: {  	_ =	swait.ge @!p0 [sflag:s0], s1  }
0x182: {  	s1 =	ssub.s32 @!p0 $0x0, s1;
	[sflag:s0] =	ssyncset.done @!p0 $0x0  }
0x183: {  	[sflag:s0] =	ssyncadd.s32 @!p0 s1  }
0x184: {  	[bflag:$0x3] =	sbarrier.arrive $0xFFFF  }
0x185: {  	_ =	shalt  }

// kernel: kernel.14.cloned.1.call-start
scs
__scs_entry_jumppad:
0x0: {  	(pc) =	sbr.rel $0x88, $3  }
0x1: {  	(tag) =	ssettag $0x0;
	lr =	simm.s32 $0x1  }
0x2: {  	[smem:$0x3F9B] =	sst lr;
	_ =	strace $0xD0000000  }
0x3: {  	_ = 	snop  }
0x4: {  	_ = 	snop  }
0x5: {  	_ = 	snop  }
0x6: {  	_ = 	snop  }
0x7: {  	_ = 	snop  }
__scs_overlays_trampoline_lowered:
0x8: {  	[smem:$0x3FAA] =	sst s0  }
0x9: {  	[smem:$0x3FAB] =	sst s1  }
0xa: {  	[smem:$0x3FAC] =	sst s2  }
0xb: {  	[smem:$0x3FAD] =	sst s3  }
0xc: {  	[smem:$0x3FAE] =	sst s4  }
0xd: {  	[smem:$0x3FAF] =	sst s5  }
0xe: {  	[smem:$0x3FB0] =	sst s6  }
0xf: {  	[smem:$0x3FB1] =	sst s7  }
0x10: {  	[smem:$0x3FB2] =	sst s8  }
0x11: {  	[smem:$0x3FB3] =	sst s9;
	s0 =	simm.s32 @!p0 $0x0  }
0x12: {  	s1 =	sld [smem:$0x3F99];
	s0 =	simm.s32 @p0 $0x1  }
0x13: {  	[smem:$0x3FB4] =	sst s0;
	s0 =	simm.s32 @!p1 $0x0  }
0x14: {  	s2 =	sld [smem:$0x3F98];
	s0 =	simm.s32 @p1 $0x1  }
0x15: {  	[smem:$0x3FB5] =	sst s0;
	s0 =	simm.s32 @!p2 $0x0  }
0x16: {  	s3 =	sld [smem:$0x3FDB];
	s0 =	simm.s32 @p2 $0x1  }
0x17: {  	s4 =	simm.s32 $0x1BF5;
	[smem:$0x3FB7] =	sst s0  }
0x18: {  	s0 =	sld [smem:$0x3F9A];
	_ =	swait.ge [sflag:s4], $0x0  }
0x19: {  	s7 =	sld [smem:$0x3F9B]  }
0x1a: {  	s8 =	sadd.s32 $0xFFFFE003, lr  }
0x1b: {  	s9 =	sadd.s32 $0xFFFFFEF7, lr;
	s5 =	simm.s32 $0xFFFFFFFF;
	p2 =	slt.u32 s8, $0xFFFFF086  }
0x1c: {  	p1 =	slt.u32 s9, $0xF7A;
	s5 =	simm.s32 @!p2 $0x0  }
0x1d: {  	s5 =	simm.s32 @p1 $0x1;
	p0 =	seq.s32 s7, s2  }
0x1e: {  	s7 =	smul.u32 @!p0 $0xF7A, s2;
	p2 =	seq.s32 @!p0 s5, $0x0  }
0x1f: {  	s9 =	smul.u32 $0xF7A, s1;
	s8 =	simm.s32 @!p0 $0x1BF5;
	p2 =	por !p2, p0  }
0x20: {  	[sflag:s8] =	ssyncset.s32 @!p0 $0xFFFFF086;
	s6 =	sadd.s32 @!p0 s3, s7;
	s7 =	simm.s32 @!p0 $0x108  }
0x21: {  	s3 =	sadd.s32 s3, s9;
	s6 =	sadd.s32 @!p0 $0x88, s6;
	s7 =	simm.s32 @p2 $0x1082  }
0x22: {  	[simem:s7], [sflag:s8] =	dma.local @!p0 [hbm:s6], $0xF7A  }
0x23: {  	s9 =	sor.u32 $0xD0000000, s2;
	s6 =	simm.s32 $0x108;
	_ =	swait.ge @!p0 [sflag:s8], $0x0  }
0x24: {  	s3 =	sadd.s32 $0x88, s3;
	s6 =	simm.s32 @!p1 $0x1082;
	[sflag:s4] =	ssyncset.s32 $0xFFFFF086  }
0x25: {  	[simem:s6], [sflag:s4] =	dma.local [hbm:s3], $0xF7A  }
0x26: {  	[smem:$0x3F9B] =	sst s1;
	(tag) =	ssettag s2;
	_ =	strace s9  }
0x27: {  	s1 =	sld [smem:$0x3FAB]  }
0x28: {  	s2 =	sld [smem:$0x3FAC]  }
0x29: {  	s4 =	sld [smem:$0x3FAE]  }
0x2a: {  	p0 =	seq.s32 s5, $0x0;
	s5 =	sld [smem:$0x3FAF]  }
0x2b: {  	s6 =	sld [smem:$0x3FB0]  }
0x2c: {  	s7 =	sld [smem:$0x3FB1]  }
0x2d: {  	s3 =	simm.s32 $0x108;
	s8 =	sld [smem:$0x3FB2]  }
0x2e: {  	s3 =	simm.s32 @!p0 $0x1082;
	s9 =	sld [smem:$0x3FB3]  }
0x2f: {  	lr =	sadd.s32 s0, s3;
	s0 =	sld [smem:$0x3FAA]  }
0x30: {  	s3 =	sld [smem:$0x3FAD]  }
0x31: {  	[smem:$0x3FB6] =	sst s10  }
0x32: {  	s10 =	sld [smem:$0x3FB4];
	_ =	sdelay $0x3  }
0x33: {  	p0 =	seq.s32 s10, $0x1;
	s10 =	sld [smem:$0x3FB6];
	_ =	sdelay $0x3  }
0x34: {  	[smem:$0x3FB6] =	sst s10  }
0x35: {  	s10 =	sld [smem:$0x3FB5];
	_ =	sdelay $0x3  }
0x36: {  	p1 =	seq.s32 s10, $0x1;
	s10 =	sld [smem:$0x3FB6];
	_ =	sdelay $0x3  }
0x37: {  	[smem:$0x3FB6] =	sst s10  }
0x38: {  	s10 =	sld [smem:$0x3FB7]  }
0x39: {  	_ = 	snop;
	(pc) =	sbr.ind lr, $3  }
0x3a: {  	_ = 	snop  }
0x3b: {  	_ = 	snop  }
0x3c: {  	p2 =	seq.s32 s10, $0x1;
	s10 =	sld [smem:$0x3FB6]  }
0x3d: {  	_ =	shalt  }
0x3e: {  	_ =	shalt  }
0x3f: {  	_ =	shalt  }
0x40: {  	_ =	shalt  }
0x41: {  	_ =	shalt  }
0x42: {  	_ =	shalt  }
0x43: {  	_ =	shalt  }
0x44: {  	_ =	shalt  }
0x45: {  	_ =	shalt  }
0x46: {  	_ =	shalt  }
0x47: {  	_ =	shalt  }
0x48: {  	_ =	shalt  }
0x49: {  	_ =	shalt  }
0x4a: {  	_ =	shalt  }
0x4b: {  	_ =	shalt  }
0x4c: {  	_ =	shalt  }
0x4d: {  	_ =	shalt  }
0x4e: {  	_ =	shalt  }
0x4f: {  	_ =	shalt  }
0x50: {  	_ =	shalt  }
0x51: {  	_ =	shalt  }
0x52: {  	_ =	shalt  }
0x53: {  	_ =	shalt  }
0x54: {  	_ =	shalt  }
0x55: {  	_ =	shalt  }
0x56: {  	_ =	shalt  }
0x57: {  	_ =	shalt  }
0x58: {  	_ =	shalt  }
0x59: {  	_ =	shalt  }
0x5a: {  	_ =	shalt  }
0x5b: {  	_ =	shalt  }
0x5c: {  	_ =	shalt  }
0x5d: {  	_ =	shalt  }
0x5e: {  	_ =	shalt  }
0x5f: {  	_ =	shalt  }
0x60: {  	_ =	shalt  }
0x61: {  	_ =	shalt  }
0x62: {  	_ =	shalt  }
0x63: {  	_ =	shalt  }
0x64: {  	_ =	shalt  }
0x65: {  	_ =	shalt  }
0x66: {  	_ =	shalt  }
0x67: {  	_ =	shalt  }
0x68: {  	_ =	shalt  }
0x69: {  	_ =	shalt  }
0x6a: {  	_ =	shalt  }
0x6b: {  	_ =	shalt  }
0x6c: {  	_ =	shalt  }
0x6d: {  	_ =	shalt  }
0x6e: {  	_ =	shalt  }
0x6f: {  	_ =	shalt  }
0x70: {  	_ =	shalt  }
0x71: {  	_ =	shalt  }
0x72: {  	_ =	shalt  }
0x73: {  	_ =	shalt  }
0x74: {  	_ =	shalt  }
0x75: {  	_ =	shalt  }
0x76: {  	_ =	shalt  }
0x77: {  	_ =	shalt  }
0x78: {  	_ =	shalt  }
0x79: {  	_ =	shalt  }
0x7a: {  	_ =	shalt  }
0x7b: {  	_ =	shalt  }
0x7c: {  	_ =	shalt  }
0x7d: {  	_ =	shalt  }
0x7e: {  	_ =	shalt  }
0x7f: {  	_ =	shalt  }
0x80: {  	_ =	shalt  }
0x81: {  	_ =	shalt  }
0x82: {  	_ =	shalt  }
0x83: {  	_ =	shalt  }
0x84: {  	_ =	shalt  }
0x85: {  	_ =	shalt  }
0x86: {  	_ =	shalt  }
0x87: {  	_ =	shalt  }
.Lfunc_end0:
.L_simem_size_0:
called_computation.2_lowered:
.L_overlay_start_0:
0x88: {  	s2 =	sld [smem:$0x3FD9]  }
0x89: {  	s3 =	sld [smem:$0x3FFE];
	_ =	sdelay $0x1  }
0x8a: {  	s1 =	srdreg.scid  }
0x8b: {  	s0 =	sand.u32 $0x1, s1  }
0x8c: {  	s16 =	sshll.u32 s0, $0xA;
	s2 =	sadd.s32 s3, s2  }
0x8d: {  	s2 =	sadd.s32 s2, s16  }
0x8e: {  	[smem:$0x3FC2] =	sst s2  }
0x8f: {  	_ = 	snop  }
0x90: {  	(tm) =	ssettm $0x1  }
0x91: {  	s17 =	sld [smem:$0x3FFB];
	_ =	sdelay $0x3  }
0x92: {  	_ =	strace s17  }
0x93: {  	s2 =	sld [smem:$0x3FFC];
	_ =	sdelay $0x3  }
0x94: {  	_ =	strace s2  }
0x95: {  	s2 =	sld [smem:$0x3FFD];
	_ =	sdelay $0x3  }
0x96: {  	_ =	strace s2  }
0x97: {  	_ =	strace $0x8FFFFFFF  }
0x98: {  	s18 =	sld [smem:$0x3FDB];
	_ =	sdelay $0x1  }
0x99: {  	s19 =	simm.s32 $_scs_section_size  }
0x9a: {  	s4 =	simm.s32 $_size__tile_overlayer_lowered;
	s5 =	simm.s32 $_tile_overlayer_lowered  }
0x9b: {  	s22 =	simm.s32 $0x1BFF;
	s21 =	sshll.u32 s5, $0x1;
	s2 =	sadd.s32 s19, s18  }
0x9c: {  	s6 =	simm.s32 $0x0;
	s20 =	sshll.u32 s4, $0x1;
	s4 =	sadd.s32 s21, s2  }
0x9d: {  	[timem:s6], [sflag:s22] =	dma.local [hbm:s4], s20  }
0x9e: {  	_ =	swait.ge [sflag:s22], s20  }
0x9f: {  	s3 =	ssub.s32 $0x0, s20;
	[sflag:s22] =	ssyncset.done $0x0  }
0xa0: {  	[sflag:s22] =	ssyncadd.s32 s3;
	_ =	sdelay $0x1  }
0xa1: {  	s23 =	simm.s32 $0x1B8B  }
0xa2: {  	_ =	swait.ge [sflag:s23], $0x1  }
0xa3: {  	[sflag:s23] =	ssyncset.done $0x0  }
0xa4: {  	s25 =	simm.s32 $0x1B8E;
	s24 =	sld [smem:$0x3FFE];
	[sflag:s23] =	ssyncadd.s32 $0xFFFFFFFF  }
0xa5: {  	s26 =	simm.s32 $execute0_lowered;
	[smem:$0x3FD2] =	sst s25  }
0xa6: {  	s4 =	sshll.u32 s26, $0x1;
	_ =	strace $0x8000004C;
	[dreg:$0x1] =	wrdreg $0xFFFFFFFF  }
0xa7: {  	s28 =	simm.s32 $_size_execute0_lowered;
	s2 =	sadd.s32 s2, s4;
	[dreg:$0x0] =	wrdreg $0x0  }
0xa8: {  	s4 =	sshll.u32 s28, $0x1;
	[dreg:$0x2] =	wrdreg s2  }
0xa9: {  	[dreg:$0x3] =	wrdreg s4  }
0xaa: {  	[dreg:$0x4] =	wrdreg $0xC0  }
0xab: {  	_ =	task [dreg:s6], $0x5FFFF  }
0xac: {  	[dreg:$0x1] =	wrdreg $0xFFFFFFFF  }
0xad: {  	[dreg:$0x0] =	wrdreg $0x60  }
0xae: {  	[dreg:$0x2] =	wrdreg s24  }
0xaf: {  	[dreg:$0x3] =	wrdreg $0x136800  }
0xb0: {  	[dreg:$0x4] =	wrdreg $0x9  }
0xb1: {  	_ =	task.clear_ibuf [dreg:s6], $0x5FFFF;
	_ =	strace $0x9000004C  }
0xb2: {  	s29 =	simm.s32 $0x9;
	_ =	strace $0x8000004E  }
0xb3: {  	_ =	swait.ge [sflag:s29], $0x1  }
0xb4: {  	[sflag:s29] =	ssyncadd.s32 $0xFFFFFFFF  }
0xb5: {  	_ =	strace $0x9000004E  }
0xb6: {  	_ =	sfence  }
0xb7: {  	s30 =	sld [smem:$0x0];
	_ =	sdelay $0x2  }
0xb8: {  	s31 =	sshll.u32 s1, $0xD;
	s1 =	sshrl.u32 s1, $0x2  }
0xb9: {  	s3 =	sand.u32 $0x4000, s31;
	s1 =	sadd.s32 s1, s30  }
0xba: {  	s0 =	sor.u32 s3, s0;
	s1 =	sshll.u32 s1, $0x11  }
0xbb: {  	s0 =	sor.u32 s1, s0  }
0xbc: {  	s0 =	sadd.s32 $0x8F2B, s0  }
0xbd: {  	[sflag:s0] =	ssyncadd.remote.s32 $0x1  }
0xbe: {  	_ =	sfence.sel $0xFFFF  }
0xbf: {  	[dreg:$0x0] =	wrdreg $0xFFFFFFFF;
	(pc) =	sbr.abs _section_cstart, $3  }
0xc0: {  	[dreg:$0x1] =	wrdreg $0xFFFFFFFF  }
0xc1: {  	_ =	task.clear_ibuf [dreg:s6], $0x2FFFF;
	_ =	strace $0x9FFFFFFF  }
0xc2: {  	(tm) =	ssettm $0x7FFFFFFF  }
0xc3: {  	_ =	shalt  }
tec
execute0_lowered:
.L_overlay_start_1:
0x0: {  	(tag) =	ssettag $0x1  }
0x1: {  	s0 =	rddreg [dreg:$0x0]  }
0x2: {  	s2 =	rddreg [dreg:$0x1]  }
0x3: {  	s3 =	simm.s32 $0x0;
	s12 =	stileid.u32;
	s1 =	srdreg.scid  }
0x4: {  	s28 =	simm.s32 $0x3;
	s31 =	simm.s32 $0xD400;
	s29 =	simm.s32 $0x5400  }
0x5: {  	s30 =	simm.s32 $0x1;
	s13 =	simm.s32 $0xF400;
	s4 =	smul.u32 $0x280, s12  }
0x6: {  	[smem:$0x7FF] =	sst s3;
	s8 =	sadd.s32 $0x1F800, s0;
	s6 =	smul.u32 $0x540, s12  }
0x7: {  	s1 =	sand.u32 $0x1, s1;
	s5 =	sadd.s32 $0x47800, s0;
	s23 =	smul.u32 $0x28000, s12  }
0x8: {  	s12 =	simm.s32 $0x5300;
	_ =	strace $0x8000004D;
	s10 =	smul.u32 $0x2800, s1  }
0x9: {  	s1 =	ssub.s32 $0x2, s1;
	s7 =	sshrl.u32 s4, $0x3;
	s11 =	sadd.s32 s6, s0  }
0xa: {  	s6 =	sadd.s32 $0x6F800, s0;
	s15 =	sshrl.u32 s1, $0x1;
	s9 =	sadd.s32 s7, s0  }
0xb: {  	s7 =	sadd.s32 s4, s10;
	s0 =	ssub.s32 s1, s15;
	s16 =	sadd.s32 $0x5E00, s11  }
0xc: {  	s11 =	sadd.s32 $0xA00, s11;
	s15 =	simm.s32 $0x0;
	[dreg:$0x3] =	wrdreg s16  }
0xd: {  	s17 =	sshll.u32 s7, $0x3;
	[dreg:$0x4] =	wrdreg s11;
	s9 =	sadd.s32 $0x1F200, s9  }
0xe: {  	s11 =	sshrl.u32 s23, $0x2;
	s0 =	smax.u32 s0, $0x1;
	[dreg:$0x5] =	wrdreg s9  }
0xf: {  	s18 =	sadd.s32 $0x400, s17;
	s19 =	sadd.s32 s8, s17;
	[dreg:$0x10] =	wrdreg s0  }
0x10: {  	s20 =	sadd.s32 s6, s17;
	s22 =	sadd.s32 $0x800, s17;
	[dreg:$0x6] =	wrdreg s19  }
0x11: {  	s25 =	sadd.s32 $0xC00, s17;
	[dreg:$0x7] =	wrdreg s20;
	s21 =	sadd.s32 s8, s18  }
0x12: {  	s1 =	sadd.s32 $0x1000, s17;
	s9 =	sadd.s32 s6, s18;
	[dreg:$0x8] =	wrdreg s21  }
0x13: {  	s0 =	simm.s32 $0x11400;
	s24 =	sadd.s32 s8, s22;
	[dreg:$0x9] =	wrdreg s9  }
0x14: {  	s17 =	simm.s32 $0x0;
	s26 =	sadd.s32 s8, s25;
	[dreg:$0xa] =	wrdreg s24  }
0x15: {  	s8 =	sadd.s32 s8, s1;
	s20 =	sadd.s32 s11, s2;
	[dreg:$0xc] =	wrdreg s26  }
0x16: {  	s1 =	sadd.s32 s6, s1;
	s11 =	simm.s32 $0x0;
	[dreg:$0xe] =	wrdreg s8  }
0x17: {  	s9 =	sadd.s32 s6, s22;
	[dreg:$0xf] =	wrdreg s1;
	s22 =	sadd.s32 $0x2000, s20  }
0x18: {  	s23 =	sadd.s32 $0x4000, s20;
	s26 =	sadd.s32 $0x8000, s20;
	s1 =	simm.s32 $0x100  }
0x19: {  	v7 =	vmov s10;
	s8 =	simm.s32 $0x9400;
	[dreg:$0xb] =	wrdreg s9;
	s9 =	sadd.s32 s6, s25  }
0x1a: {  	v8 =	vimm.f32 $0.0e+00;
	[tilespmem:$0x1FFF0] =	vst v7;
	s25 =	sadd.s32 $0x6000, s20;
	[dreg:$0xd] =	wrdreg s9;
	s9 =	simm.s32 $0x2  }
.LBB2_1:
0x1b: {  	[dreg:$0x11] =	wrdreg s11  }
0x1c: {  	s10 =	rddreg [dreg:$0x3]  }
0x1d: {  	[tilespmem:s3], [sflag:$0x3] =	stream.linear.gather [hbm4b:s10+s3], $0x2A00, $0x38;
	[tilespmem:$0x1D680] =	vst v63  }
0x1e: {  	_ =	swait.ge [sflag:s28], $0x2A00  }
0x1f: {  	[sflag:s28] =	ssyncset.done $0x0  }
0x20: {  	s19 =	simm.s32 $0x2A00;
	s18 =	rddreg [dreg:$0x4];
	[sflag:s28] =	ssyncadd.s32 $0xFFFFD600  }
0x21: {  	[tilespmem:s19], [sflag:$0x3] =	stream.linear.gather [hbm4b:s18+s3], $0x2A00, $0x38;
	[tilespmem:$0x1D680] =	vst v63  }
0x22: {  	_ =	swait.ge [sflag:s28], $0x2A00  }
0x23: {  	[sflag:s28] =	ssyncset.done $0x0  }
0x24: {  	s24 =	simm.s32 $0x13400;
	s21 =	rddreg [dreg:$0x5];
	[sflag:s28] =	ssyncadd.s32 $0xFFFFD600  }
0x25: {  	[tilespmem:s24], [sflag:$0x3] =	stream.linear.gather [hbm4b:s21+s3], $0x280, $0x38;
	[tilespmem:$0x1D680] =	vst v63  }
0x26: {  	_ =	swait.ge [sflag:s28], $0x280  }
0x27: {  	[sflag:s28] =	ssyncset.done $0x0  }
0x28: {  	s10 =	simm.s32 $0x0;
	[sflag:s28] =	ssyncadd.s32 $0xFFFFFD80  }
0x29: {  	v0 =	vld [tilespmem:s10+$0x0]  }
0x2a: {  	v1 =	vld [tilespmem:s10+$0x10]  }
0x2b: {  	v2 =	vld [tilespmem:s10+$0x20]  }
0x2c: {  	v3 =	vld [tilespmem:s10+$0x30]  }
0x2d: {  	v4 =	vld [tilespmem:s10+$0x40]  }
0x2e: {  	v5 =	vld [tilespmem:s10+$0x50];
	v0 =	vadd.s32 v7, v0  }
0x2f: {  	v6 =	vld [tilespmem:s10+$0x60];
	[tilespmem:s10+$0x0] =	vst v0;
	v0 =	vadd.s32 v7, v1  }
0x30: {  	[tilespmem:s10+$0x10] =	vst v0;
	v0 =	vadd.s32 v7, v2;
	v2 =	vld [tilespmem:s10+$0x70]  }
0x31: {  	[tilespmem:s10+$0x20] =	vst v0;
	v0 =	vadd.s32 v7, v3;
	v3 =	vld [tilespmem:s10+$0x80]  }
0x32: {  	[tilespmem:s10+$0x30] =	vst v0;
	v0 =	vadd.s32 v7, v4;
	v4 =	vld [tilespmem:s10+$0x90]  }
0x33: {  	v1 =	vld [tilespmem:s10+$0xA0];
	[tilespmem:s10+$0x40] =	vst v0;
	v0 =	vadd.s32 v7, v5  }
0x34: {  	v5 =	vadd.s32 v7, v6;
	[tilespmem:s10+$0x50] =	vst v0;
	v0 =	vld [tilespmem:s10+$0xB0]  }
0x35: {  	[tilespmem:s10+$0x60] =	vst v5;
	v5 =	vadd.s32 v7, v2;
	v2 =	vld [tilespmem:s10+$0xC0]  }
0x36: {  	[tilespmem:s10+$0x70] =	vst v5;
	v5 =	vadd.s32 v7, v3;
	v3 =	vld [tilespmem:s10+$0xD0]  }
0x37: {  	s11 =	simm.s32 $0x400;
	[tilespmem:s10+$0x80] =	vst v5;
	v5 =	vadd.s32 v7, v4;
	v4 =	vld [tilespmem:s10+$0xE0]  }
.LBB2_2:
0x38: {  	s14 =	sshra.s32 s11, $0x2;
	p0 =	sne.s32 s11, $0xA400;
	[tilespmem:s10+$0x90] =	vst v5;
	v1 =	vadd.s32 v7, v1;
	v5 =	vld [tilespmem:s10+$0xF0]  }
0x39: {  	v6 =	vld [tilespmem:s14+$0x0];
	[tilespmem:s10+$0xA0] =	vst v1;
	v0 =	vadd.s32 v7, v0  }
0x3a: {  	v1 =	vld [tilespmem:s14+$0x10];
	[tilespmem:s10+$0xB0] =	vst v0;
	v0 =	vadd.s32 v7, v2  }
0x3b: {  	v2 =	vld [tilespmem:s14+$0x20];
	[tilespmem:s10+$0xC0] =	vst v0;
	v0 =	vadd.s32 v7, v3  }
0x3c: {  	v3 =	vld [tilespmem:s14+$0x30];
	[tilespmem:s10+$0xD0] =	vst v0;
	v0 =	vadd.s32 v7, v4  }
0x3d: {  	v4 =	vld [tilespmem:s14+$0x40];
	[tilespmem:s10+$0xE0] =	vst v0;
	v0 =	vadd.s32 v7, v5  }
0x3e: {  	v5 =	vadd.s32 v7, v6;
	v6 =	vld [tilespmem:s14+$0x50];
	[tilespmem:s10+$0xF0] =	vst v0;
	s10 =	smov.u32 s14  }
0x3f: {  	[tilespmem:s10+$0x0] =	vst v5;
	v0 =	vadd.s32 v7, v1;
	v5 =	vld [tilespmem:s10+$0x60]  }
0x40: {  	[tilespmem:s10+$0x10] =	vst v0;
	v0 =	vadd.s32 v7, v2;
	v2 =	vld [tilespmem:s10+$0x70]  }
0x41: {  	[tilespmem:s10+$0x20] =	vst v0;
	v0 =	vadd.s32 v7, v3;
	v3 =	vld [tilespmem:s10+$0x80]  }
0x42: {  	[tilespmem:s10+$0x30] =	vst v0;
	v0 =	vadd.s32 v7, v4;
	v4 =	vld [tilespmem:s10+$0x90]  }
.Ltmp0:
0x43: {  	[tilespmem:s10+$0x40] =	vst v0;
	v0 =	vadd.s32 v7, v6;
	v1 =	vld [tilespmem:s10+$0xA0];
	(pc) =	sbr.rel @p0 .LBB2_2-.Ltmp0, $4  }
0x44: {  	[tilespmem:s10+$0x50] =	vst v0;
	v5 =	vadd.s32 v7, v5;
	v0 =	vld [tilespmem:s10+$0xB0]  }
0x45: {  	[tilespmem:s10+$0x60] =	vst v5;
	v5 =	vadd.s32 v7, v2;
	v2 =	vld [tilespmem:s10+$0xC0]  }
0x46: {  	[tilespmem:s10+$0x70] =	vst v5;
	v5 =	vadd.s32 v7, v3;
	v3 =	vld [tilespmem:s10+$0xD0]  }
0x47: {  	s11 =	sadd.s32 $0x400, s11;
	[tilespmem:s10+$0x80] =	vst v5;
	v5 =	vadd.s32 v7, v4;
	v4 =	vld [tilespmem:s10+$0xE0]  }
0x48: {  	[tilespmem:s10+$0x90] =	vst v5;
	v1 =	vadd.s32 v7, v1;
	v59 =	vld [tilespmem:s10+$0xF0]  }
0x49: {  	[tilespmem:s10+$0xA0] =	vst v1;
	v0 =	vadd.s32 v7, v0  }
0x4a: {  	[tilespmem:s10+$0xB0] =	vst v0;
	v60 =	vadd.s32 v7, v2  }
0x4b: {  	[tilespmem:s10+$0xC0] =	vst v60;
	v61 =	vadd.s32 v7, v3  }
0x4c: {  	[tilespmem:s10+$0xD0] =	vst v61;
	v62 =	vadd.s32 v7, v4  }
0x4d: {  	[tilespmem:s10+$0xE0] =	vst v62;
	v63 =	vadd.s32 v7, v59  }
0x4e: {  	s11 =	simm.s32 $0x100;
	[tilespmem:s10+$0xF0] =	vst v63;
	s10 =	simm.s32 $0x0  }
.LBB2_4:
0x4f: {  	p0 =	sne.s32 s11, $0x7F00;
	[tilespmem:s10+$0x11430] =	vst v8;
	s14 =	smov.u32 s11;
	s11 =	sadd.s32 $0x100, s11  }
.Ltmp1:
0x50: {  	[tilespmem:s10+$0x11420] =	vst v8;
	(pc) =	sbr.rel @p0 .LBB2_4-.Ltmp1, $3  }
0x51: {  	[tilespmem:s10+$0x11400] =	vst v8  }
0x52: {  	[tilespmem:s10+$0x11410] =	vst v8;
	_ =	sdelay $0x1  }
0x53: {  	s10 =	sshra.s32 s14, $0x2  }
0x54: {  	[tilespmem:s10+$0x11430] =	vst v8  }
0x55: {  	[tilespmem:s10+$0x11420] =	vst v8  }
0x56: {  	[tilespmem:s10+$0x11400] =	vst v8  }
0x57: {  	[tilespmem:s10+$0x11410] =	vst v8;
	s19 =	rddreg [dreg:$0x6]  }
0x58: {  	[tilespmem:s31], [sflag:$0x3] =	stream.linear.gather [hbm4b:s19+s15], $0x2000, $0x38;
	[tilespmem:$0x1D680] =	vst v63  }
0x59: {  	_ =	swait.ge [sflag:s28], $0x2000  }
0x5a: {  	[sflag:s28] =	ssyncset.done $0x0  }
0x5b: {  	s21 =	rddreg [dreg:$0x7];
	[sflag:s28] =	ssyncadd.s32 $0xFFFFE000  }
0x5c: {  	[hbm4b:s21+s15] =	stream.linear.scatter [tilespmem:s31], [sflag:$0x3], $0x2000, $0x38;
	[tilespmem:$0x1D680] =	vst v63  }
0x5d: {  	_ =	swait.ge [sflag:s28], $0x2000  }
0x5e: {  	[sflag:s28] =	ssyncset.done $0x0  }
0x5f: {  	s24 =	rddreg [dreg:$0x8];
	[sflag:s28] =	ssyncadd.s32 $0xFFFFE000  }
0x60: {  	[tilespmem:s31], [sflag:$0x3] =	stream.linear.gather [hbm4b:s24+s15], $0x2000, $0x38;
	[tilespmem:$0x1D680] =	vst v63  }
0x61: {  	_ =	swait.ge [sflag:s28], $0x2000  }
0x62: {  	[sflag:s28] =	ssyncset.done $0x0  }
0x63: {  	s11 =	rddreg [dreg:$0x9];
	[sflag:s28] =	ssyncadd.s32 $0xFFFFE000  }
0x64: {  	[hbm4b:s11+s15] =	stream.linear.scatter [tilespmem:s31], [sflag:$0x3], $0x2000, $0x38;
	[tilespmem:$0x1D680] =	vst v63  }
0x65: {  	_ =	swait.ge [sflag:s28], $0x2000  }
0x66: {  	[sflag:s28] =	ssyncset.done $0x0  }
0x67: {  	s14 =	rddreg [dreg:$0xa];
	[sflag:s28] =	ssyncadd.s32 $0xFFFFE000  }
0x68: {  	[tilespmem:s31], [sflag:$0x3] =	stream.linear.gather [hbm4b:s14+s15], $0x2000, $0x38;
	[tilespmem:$0x1D680] =	vst v63  }
0x69: {  	_ =	swait.ge [sflag:s28], $0x2000  }
0x6a: {  	[sflag:s28] =	ssyncset.done $0x0  }
0x6b: {  	s16 =	rddreg [dreg:$0xb];
	[sflag:s28] =	ssyncadd.s32 $0xFFFFE000  }
0x6c: {  	[hbm4b:s16+s15] =	stream.linear.scatter [tilespmem:s31], [sflag:$0x3], $0x2000, $0x38;
	[tilespmem:$0x1D680] =	vst v63  }
0x6d: {  	_ =	swait.ge [sflag:s28], $0x2000  }
0x6e: {  	[sflag:s28] =	ssyncset.done $0x0  }
0x6f: {  	s18 =	rddreg [dreg:$0xc];
	[sflag:s28] =	ssyncadd.s32 $0xFFFFE000  }
0x70: {  	[tilespmem:s31], [sflag:$0x3] =	stream.linear.gather [hbm4b:s18+s15], $0x2000, $0x38;
	[tilespmem:$0x1D680] =	vst v63  }
0x71: {  	_ =	swait.ge [sflag:s28], $0x2000  }
0x72: {  	[sflag:s28] =	ssyncset.done $0x0  }
0x73: {  	s19 =	rddreg [dreg:$0xd];
	[sflag:s28] =	ssyncadd.s32 $0xFFFFE000  }
0x74: {  	[hbm4b:s19+s15] =	stream.linear.scatter [tilespmem:s31], [sflag:$0x3], $0x2000, $0x38;
	[tilespmem:$0x1D680] =	vst v63  }
0x75: {  	_ =	swait.ge [sflag:s28], $0x2000  }
0x76: {  	[sflag:s28] =	ssyncset.done $0x0  }
0x77: {  	s21 =	rddreg [dreg:$0xe];
	[sflag:s28] =	ssyncadd.s32 $0xFFFFE000  }
0x78: {  	[tilespmem:s31], [sflag:$0x3] =	stream.linear.gather [hbm4b:s21+s15], $0x2000, $0x38;
	[tilespmem:$0x1D680] =	vst v63  }
0x79: {  	_ =	swait.ge [sflag:s28], $0x2000  }
0x7a: {  	[sflag:s28] =	ssyncset.done $0x0  }
0x7b: {  	s24 =	rddreg [dreg:$0xf];
	[sflag:s28] =	ssyncadd.s32 $0xFFFFE000  }
0x7c: {  	[hbm4b:s24+s15] =	stream.linear.scatter [tilespmem:s31], [sflag:$0x3], $0x2000, $0x38;
	[tilespmem:$0x1D680] =	vst v63  }
0x7d: {  	_ =	swait.ge [sflag:s28], $0x2000  }
0x7e: {  	[sflag:s28] =	ssyncset.done $0x0  }
0x7f: {  	[sflag:s28] =	ssyncadd.s32 $0xFFFFE000  }
0x80: {  	s16 =	simm.s32 $0x0;
	[bflag:$0x0] =	sbarrier.arrive $0xFFFF  }
.LBB2_6:
0x81: {  	[spmem:s20] =	stream.linear.scatter [tilespmem:s0], [sflag:$0x3], $0x2000, $0x38;
	[tilespmem:$0x1D680] =	vst v63  }
0x82: {  	_ =	swait.ge [sflag:s28], $0x2000  }
0x83: {  	[sflag:s28] =	ssyncset.done $0x0  }
0x84: {  	[sflag:s28] =	ssyncadd.s32 $0xFFFFE000  }
0x85: {  	[spmem:s22] =	stream.linear.scatter [tilespmem:s0], [sflag:$0x3], $0x2000, $0x38;
	[tilespmem:$0x1D680] =	vst v63  }
0x86: {  	_ =	swait.ge [sflag:s28], $0x2000  }
0x87: {  	[sflag:s28] =	ssyncset.done $0x0  }
0x88: {  	[sflag:s28] =	ssyncadd.s32 $0xFFFFE000  }
0x89: {  	[spmem:s23] =	stream.linear.scatter [tilespmem:s0], [sflag:$0x3], $0x2000, $0x38;
	[tilespmem:$0x1D680] =	vst v63  }
0x8a: {  	_ =	swait.ge [sflag:s28], $0x2000  }
0x8b: {  	[sflag:s28] =	ssyncset.done $0x0  }
0x8c: {  	[sflag:s28] =	ssyncadd.s32 $0xFFFFE000  }
0x8d: {  	[spmem:s25] =	stream.linear.scatter [tilespmem:s0], [sflag:$0x3], $0x2000, $0x38;
	[tilespmem:$0x1D680] =	vst v63  }
0x8e: {  	_ =	swait.ge [sflag:s28], $0x2000  }
0x8f: {  	[sflag:s28] =	ssyncset.done $0x0  }
0x90: {  	[sflag:s28] =	ssyncadd.s32 $0xFFFFE000  }
0x91: {  	[spmem:s26] =	stream.linear.scatter [tilespmem:s0], [sflag:$0x3], $0x2000, $0x38;
	[tilespmem:$0x1D680] =	vst v63  }
0x92: {  	_ =	swait.ge [sflag:s28], $0x2000  }
0x93: {  	[sflag:s28] =	ssyncset.done $0x0  }
0x94: {  	[sflag:s28] =	ssyncadd.s32 $0xFFFFE000  }
0x95: {  	[bflag:$0x0] =	sbarrier.arrive $0xFFFF  }
0x96: {  	[tilespmem:s29], [sflag:$0x1] =	stream.indirect.gather [hbm4b:s6+s1], $0x40, s15, s1, $0xb8;
	[tilespmem:$0x1D680] =	vst v63  }
0x97: {  	_ =	swait.ge [sflag:s30], $0x4000  }
0x98: {  	[sflag:s30] =	ssyncset.done $0x0  }
0x99: {  	s10 =	simm.s32 $0x100;
	[sflag:s30] =	ssyncadd.s32 $0xFFFFC000  }
0x9a: {  	[tilespmem:s8], [sflag:$0x2] =	stream.indirect.gather [hbm4b:s6+s1], $0x40, s10, s1, $0xb8;
	[tilespmem:$0x1D680] =	vst v63  }
0x9b: {  	s19 =	simm.s32 $0x2A00  }
0x9c: {  	[spmem:s2] =	stream.indirect.scatter.add.f32 [tilespmem:s29], [sflag:$0x3], $0x40, s19, s1, $0xb8;
	[tilespmem:$0x1D680] =	vst v63  }
0x9d: {  	_ =	swait.ge [sflag:s28], $0x4000  }
0x9e: {  	[sflag:s28] =	ssyncset.done $0x0  }
0x9f: {  	[sflag:s28] =	ssyncadd.s32 $0xFFFFC000  }
0xa0: {  	_ =	swait.ge [sflag:s9], $0x4000  }
0xa1: {  	[sflag:s9] =	ssyncset.done $0x0  }
0xa2: {  	s21 =	simm.s32 $0x200;
	[sflag:s9] =	ssyncadd.s32 $0xFFFFC000  }
0xa3: {  	[tilespmem:s29], [sflag:$0x1] =	stream.indirect.gather [hbm4b:s6+s1], $0x40, s21, s1, $0xb8;
	[tilespmem:$0x1D680] =	vst v63  }
0xa4: {  	s24 =	simm.s32 $0x2B00  }
0xa5: {  	[spmem:s2] =	stream.indirect.scatter.add.f32 [tilespmem:s8], [sflag:$0x3], $0x40, s24, s1, $0xb8;
	[tilespmem:$0x1D680] =	vst v63  }
0xa6: {  	_ =	swait.ge [sflag:s28], $0x4000  }
0xa7: {  	s10 =	simm.s32 $0x800;
	[sflag:s28] =	ssyncset.done $0x0  }
.LBB2_7:
0xa8: {  	p0 =	sne.s32 s10, $0x9800  }
0xa9: {  	[sflag:s28] =	ssyncadd.s32 $0xFFFFC000;
	s11 =	smov.u32 s10;
	s10 =	sadd.s32 $0x800, s10  }
0xaa: {  	_ = 	snop  }
0xab: {  	_ =	swait.ge [sflag:s30], $0x4000  }
0xac: {  	s11 =	sshra.s32 s11, $0x2;
	[sflag:s30] =	ssyncset.done $0x0  }
0xad: {  	s14 =	sadd.s32 $0x100, s11;
	[sflag:s30] =	ssyncadd.s32 $0xFFFFC000  }
0xae: {  	[tilespmem:s8], [sflag:$0x2] =	stream.indirect.gather [hbm4b:s6+s1], $0x40, s14, s1, $0xb8;
	[tilespmem:$0x1D680] =	vst v63  }
0xaf: {  	s14 =	sadd.s32 $0x2A00, s11  }
0xb0: {  	[spmem:s2] =	stream.indirect.scatter.add.f32 [tilespmem:s29], [sflag:$0x3], $0x40, s14, s1, $0xb8;
	[tilespmem:$0x1D680] =	vst v63  }
0xb1: {  	_ =	swait.ge [sflag:s28], $0x4000  }
0xb2: {  	[sflag:s28] =	ssyncset.done $0x0  }
0xb3: {  	[sflag:s28] =	ssyncadd.s32 $0xFFFFC000  }
0xb4: {  	_ =	swait.ge [sflag:s9], $0x4000  }
0xb5: {  	[sflag:s9] =	ssyncset.done $0x0  }
0xb6: {  	s14 =	sadd.s32 $0x200, s11;
	[sflag:s9] =	ssyncadd.s32 $0xFFFFC000  }
0xb7: {  	[tilespmem:s29], [sflag:$0x1] =	stream.indirect.gather [hbm4b:s6+s1], $0x40, s14, s1, $0xb8;
	[tilespmem:$0x1D680] =	vst v63  }
.Ltmp2:
0xb8: {  	_ = 	snop;
	(pc) =	sbr.rel @p0 .LBB2_7-.Ltmp2, $4  }
0xb9: {  	s11 =	sadd.s32 $0x2B00, s11  }
0xba: {  	[spmem:s2] =	stream.indirect.scatter.add.f32 [tilespmem:s8], [sflag:$0x3], $0x40, s11, s1, $0xb8;
	[tilespmem:$0x1D680] =	vst v63  }
0xbb: {  	_ =	swait.ge [sflag:s28], $0x4000  }
0xbc: {  	[sflag:s28] =	ssyncset.done $0x0  }
0xbd: {  	[sflag:s28] =	ssyncadd.s32 $0xFFFFC000  }
0xbe: {  	_ =	swait.ge [sflag:s30], $0x4000  }
0xbf: {  	[sflag:s30] =	ssyncset.done $0x0  }
0xc0: {  	s10 =	simm.s32 $0x2900;
	[sflag:s30] =	ssyncadd.s32 $0xFFFFC000  }
0xc1: {  	[tilespmem:s8], [sflag:$0x2] =	stream.indirect.gather [hbm4b:s6+s1], $0x40, s10, s1, $0xb8;
	[tilespmem:$0x1D680] =	vst v63  }
0xc2: {  	s24 =	simm.s32 $0x5200  }
0xc3: {  	[spmem:s2] =	stream.indirect.scatter.add.f32 [tilespmem:s29], [sflag:$0x3], $0x40, s24, s1, $0xb8;
	[tilespmem:$0x1D680] =	vst v63  }
0xc4: {  	_ =	swait.ge [sflag:s28], $0x4000  }
0xc5: {  	[sflag:s28] =	ssyncset.done $0x0  }
0xc6: {  	[sflag:s28] =	ssyncadd.s32 $0xFFFFC000  }
0xc7: {  	_ =	swait.ge [sflag:s9], $0x4000  }
0xc8: {  	[sflag:s9] =	ssyncset.done $0x0  }
0xc9: {  	[sflag:s9] =	ssyncadd.s32 $0xFFFFC000  }
0xca: {  	[spmem:s2] =	stream.indirect.scatter.add.f32 [tilespmem:s8], [sflag:$0x3], $0x40, s12, s1, $0xb8;
	[tilespmem:$0x1D680] =	vst v63  }
0xcb: {  	_ =	swait.ge [sflag:s28], $0x4000  }
0xcc: {  	[sflag:s28] =	ssyncset.done $0x0  }
0xcd: {  	[sflag:s28] =	ssyncadd.s32 $0xFFFFC000  }
0xce: {  	s19 =	simm.s32 $0x0;
	s10 =	simm.s32 $0x13400;
	[bflag:$0x0] =	sbarrier.arrive $0xFFFF  }
.LBB2_9:
0xcf: {  	s11 =	sshll.u32 s19, $0x7  }
0xd0: {  	s14 =	sadd.s32 s4, s11  }
0xd1: {  	s14 =	sshll.u32 s14, $0x6  }
0xd2: {  	s14 =	sand.u32 $0x3FFFFFC0, s14  }
0xd3: {  	s14 =	sadd.s32 s14, s2  }
0xd4: {  	[tilespmem:s31], [sflag:$0x3] =	stream.linear.gather [spmem:s14], $0x2000, $0x38;
	[tilespmem:$0x1D680] =	vst v63  }
0xd5: {  	s11 =	sadd.s32 s7, s11;
	_ =	swait.ge [sflag:s28], $0x2000  }
0xd6: {  	s21 =	sshll.u32 s11, $0x3;
	[sflag:s28] =	ssyncset.done $0x0  }
0xd7: {  	s11 =	sadd.s32 s5, s21;
	[sflag:s28] =	ssyncadd.s32 $0xFFFFE000  }
0xd8: {  	[tilespmem:s13], [sflag:$0x3] =	stream.linear.gather [hbm4b:s11+s17], $0x2000, $0x38;
	[tilespmem:$0x1D680] =	vst v63  }
0xd9: {  	_ =	swait.ge [sflag:s28], $0x2000  }
0xda: {  	[sflag:s28] =	ssyncset.done $0x0  }
0xdb: {  	s24 =	simm.s32 $0x0;
	[sflag:s28] =	ssyncadd.s32 $0xFFFFE000  }
0xdc: {  	v0 =	vld [tilespmem:s24+$0xF680];
	_ =	sdelay $0x4  }
0xdd: {  	[tilespmem:$0x1FE90] =	vst v0;
	v0 =	vld [tilespmem:s24+$0xF690];
	_ =	sdelay $0x4  }
0xde: {  	[tilespmem:$0x1FEA0] =	vst v0;
	v0 =	vld [tilespmem:s24+$0xF6A0];
	_ =	sdelay $0x4  }
0xdf: {  	[tilespmem:$0x1FEB0] =	vst v0;
	v0 =	vld [tilespmem:s24+$0xF6B0];
	_ =	sdelay $0x4  }
0xe0: {  	[tilespmem:$0x1FEC0] =	vst v0;
	v0 =	vld [tilespmem:s24+$0xF6C0];
	_ =	sdelay $0x4  }
0xe1: {  	[tilespmem:$0x1FED0] =	vst v0;
	v0 =	vld [tilespmem:s24+$0xF6D0];
	_ =	sdelay $0x4  }
0xe2: {  	[tilespmem:$0x1FEE0] =	vst v0;
	v0 =	vld [tilespmem:s24+$0xF6E0];
	_ =	sdelay $0x4  }
0xe3: {  	[tilespmem:$0x1FEF0] =	vst v0;
	v0 =	vld [tilespmem:s24+$0xF6F0];
	_ =	sdelay $0x4  }
0xe4: {  	[tilespmem:$0x1FF00] =	vst v0;
	v0 =	vld [tilespmem:s24+$0xF700];
	_ =	sdelay $0x3  }
0xe5: {  	v6 =	vld [tilespmem:s24+$0xF400]  }
0xe6: {  	[tilespmem:$0x1FF10] =	vst v0;
	v0 =	vld [tilespmem:s24+$0xF710]  }
0xe7: {  	v7 =	vld [tilespmem:s24+$0xF410]  }
0xe8: {  	v4 =	vld [tilespmem:s24+$0xF420]  }
0xe9: {  	v5 =	vld [tilespmem:s24+$0xF430]  }
0xea: {  	v3 =	vld [tilespmem:s24+$0xF440]  }
0xeb: {  	[tilespmem:$0x1FF20] =	vst v0;
	v0 =	vld [tilespmem:s24+$0xF720]  }
0xec: {  	v2 =	vld [tilespmem:s24+$0xF450]  }
0xed: {  	v1 =	vld [tilespmem:s24+$0xF460]  }
0xee: {  	v63 =	vld [tilespmem:s24+$0xF470]  }
0xef: {  	v62 =	vld [tilespmem:s24+$0xF480]  }
0xf0: {  	[tilespmem:$0x1FF30] =	vst v0;
	v0 =	vld [tilespmem:s24+$0xF730]  }
0xf1: {  	v61 =	vld [tilespmem:s24+$0xF490]  }
0xf2: {  	v60 =	vld [tilespmem:s24+$0xF4A0]  }
0xf3: {  	v58 =	vld [tilespmem:s24+$0xF4B0]  }
0xf4: {  	v57 =	vld [tilespmem:s24+$0xF4C0]  }
0xf5: {  	[tilespmem:$0x1FF40] =	vst v0;
	v0 =	vld [tilespmem:s24+$0xF740]  }
0xf6: {  	v56 =	vld [tilespmem:s24+$0xF4D0]  }
0xf7: {  	v55 =	vld [tilespmem:s24+$0xF4E0]  }
0xf8: {  	v54 =	vld [tilespmem:s24+$0xF4F0]  }
0xf9: {  	v53 =	vld [tilespmem:s24+$0xF500]  }
0xfa: {  	[tilespmem:$0x1FF50] =	vst v0;
	v0 =	vld [tilespmem:s24+$0xF750]  }
0xfb: {  	v52 =	vld [tilespmem:s24+$0xF510]  }
0xfc: {  	v51 =	vld [tilespmem:s24+$0xF520]  }
0xfd: {  	v50 =	vld [tilespmem:s24+$0xF530]  }
0xfe: {  	v49 =	vld [tilespmem:s24+$0xF540]  }
0xff: {  	[tilespmem:$0x1FF60] =	vst v0;
	v0 =	vld [tilespmem:s24+$0xF760]  }
0x100: {  	v48 =	vld [tilespmem:s24+$0xF550]  }
0x101: {  	v47 =	vld [tilespmem:s24+$0xF560]  }
0x102: {  	v46 =	vld [tilespmem:s24+$0xF570]  }
0x103: {  	v45 =	vld [tilespmem:s24+$0xF580]  }
0x104: {  	[tilespmem:$0x1FF70] =	vst v0;
	v0 =	vld [tilespmem:s24+$0xF770]  }
0x105: {  	v44 =	vld [tilespmem:s24+$0xF590]  }
0x106: {  	v43 =	vld [tilespmem:s24+$0xF5A0]  }
0x107: {  	v42 =	vld [tilespmem:s24+$0xF5B0]  }
0x108: {  	v41 =	vld [tilespmem:s24+$0xF5C0]  }
0x109: {  	[tilespmem:$0x1FF80] =	vst v0;
	v0 =	vld [tilespmem:s24+$0xF780]  }
0x10a: {  	v39 =	vld [tilespmem:s24+$0xF5D0]  }
0x10b: {  	v38 =	vld [tilespmem:s24+$0xF5E0]  }
0x10c: {  	v37 =	vld [tilespmem:s24+$0xF5F0]  }
0x10d: {  	v35 =	vld [tilespmem:s24+$0xF600]  }
0x10e: {  	[tilespmem:$0x1FF90] =	vst v0;
	v0 =	vld [tilespmem:s24+$0xF790]  }
0x10f: {  	v34 =	vld [tilespmem:s24+$0xF610]  }
0x110: {  	v33 =	vld [tilespmem:s24+$0xF620]  }
0x111: {  	v32 =	vld [tilespmem:s24+$0xF630]  }
0x112: {  	v30 =	vld [tilespmem:s24+$0xF640]  }
0x113: {  	[tilespmem:$0x1FFA0] =	vst v0;
	v0 =	vld [tilespmem:s24+$0xF7A0]  }
0x114: {  	v29 =	vld [tilespmem:s24+$0xF650]  }
0x115: {  	v28 =	vld [tilespmem:s24+$0xF660]  }
0x116: {  	v27 =	vld [tilespmem:s24+$0xF670]  }
0x117: {  	v25 =	vld [tilespmem:s24+$0xF7D0]  }
0x118: {  	[tilespmem:$0x1FFB0] =	vst v0;
	v0 =	vld [tilespmem:s24+$0xF7B0]  }
0x119: {  	v26 =	vld [tilespmem:s24+$0xD730]  }
0x11a: {  	v31 =	vld [tilespmem:s24+$0xD710]  }
0x11b: {  	v36 =	vld [tilespmem:s24+$0xD6D0]  }
0x11c: {  	v40 =	vld [tilespmem:s24+$0xD6B0]  }
0x11d: {  	[tilespmem:$0x1FFC0] =	vst v0;
	v0 =	vld [tilespmem:s24+$0xF7C0]  }
0x11e: {  	v59 =	vld [tilespmem:s24+$0xD610]  }
0x11f: {  	v8 =	vld [tilespmem:s24+$0xD570]  }
0x120: {  	v9 =	vld [tilespmem:s24+$0xD4F0]  }
0x121: {  	v10 =	vld [tilespmem:s24+$0xD4D0]  }
0x122: {  	[tilespmem:$0x1FFD0] =	vst v0;
	v0 =	vld [tilespmem:s24+$0xD7B0]  }
0x123: {  	v11 =	vld [tilespmem:s24+$0xD490]  }
0x124: {  	v12 =	vld [tilespmem:s24+$0xD470]  }
0x125: {  	v13 =	vld [tilespmem:s24+$0xD430]  }
0x126: {  	v19 =	vld [tilespmem:s10+$0x0]  }
0x127: {  	s18 =	smov.u32 s10;
	s14 =	simm.s32 $0x1000;
	[tilespmem:$0x1FFE0] =	vst v0;
	v0 =	vld [tilespmem:s24+$0xD5F0]  }
.LBB2_10:
0x128: {  	v14 =	vld [tilespmem:s24+$0xD410]  }
0x129: {  	v15 =	vld [tilespmem:s24+$0xD400]  }
0x12a: {  	v16 =	vld [tilespmem:s24+$0xD420];
	_ =	sdelay $0x1  }
0x12b: {  	v17 =	vld [tilespmem:s24+$0xD440];
	v18 =	vbroadcast v19, $0x0  }
0x12c: {  	v21 =	vld [tilespmem:s24+$0xD450];
	v20 =	vbroadcast v19, $0x1;
	v23 =	vbroadcast v19, $0x2  }
0x12d: {  	v22 =	vld [tilespmem:s24+$0xD460];
	v24 =	vbroadcast v19, $0x3;
	v15 =	vmul.f32 v18, v15  }
0x12e: {  	[tilespmem:$0x1FE80] =	vst v25;
	v25 =	vld [tilespmem:s24+$0xD480];
	v14 =	vmul.f32 v14, v18;
	v16 =	vmul.f32 v16, v18  }
0x12f: {  	v13 =	vmul.f32 v13, v18;
	v18 =	vld [tilespmem:s24+$0xD4A0];
	v12 =	vmul.f32 v12, v20;
	v6 =	vadd.f32 v6, v15  }
0x130: {  	v9 =	vmul.f32 v9, v24;
	v7 =	vadd.f32 v7, v14;
	v14 =	vmul.f32 v17, v20;
	v15 =	vld [tilespmem:s24+$0xD4B0]  }
0x131: {  	v4 =	vadd.f32 v4, v16;
	v5 =	vadd.f32 v5, v13;
	v13 =	vmul.f32 v21, v20;
	v16 =	vld [tilespmem:s24+$0xD4C0];
	[tilespmem:s24+$0xD400] =	vst v6  }
0x132: {  	v11 =	vmul.f32 v11, v23;
	v3 =	vadd.f32 v3, v14;
	v6 =	vmul.f32 v22, v20;
	v14 =	vld [tilespmem:s24+$0xD4E0];
	[tilespmem:s24+$0xD410] =	vst v7  }
0x133: {  	v9 =	vadd.f32 v54, v9;
	v2 =	vadd.f32 v2, v13;
	v7 =	vmul.f32 v25, v23;
	v13 =	vld [tilespmem:s24+$0xD530];
	[tilespmem:s24+$0xD420] =	vst v4  }
0x134: {  	v4 =	vadd.f32 v63, v12;
	v12 =	vld [tilespmem:s24+$0xD510];
	[tilespmem:s24+$0xD430] =	vst v5;
	v1 =	vadd.f32 v1, v6;
	v6 =	vmul.f32 v18, v23  }
0x135: {  	[tilespmem:s24+$0xD4F0] =	vst v9;
	v5 =	vadd.f32 v62, v7;
	v7 =	vadd.f32 v61, v11;
	v11 =	vmul.f32 v15, v23;
	v15 =	vld [tilespmem:s24+$0xD500]  }
0x136: {  	v10 =	vmul.f32 v10, v24;
	[tilespmem:s24+$0xD440] =	vst v3;
	v3 =	vadd.f32 v60, v6;
	v6 =	vmul.f32 v16, v24;
	v16 =	vld [tilespmem:s24+$0xD520]  }
0x137: {  	[tilespmem:s24+$0xD450] =	vst v2;
	v2 =	vadd.f32 v58, v11;
	v11 =	vmul.f32 v14, v24;
	v14 =	vld [tilespmem:s24+$0xD540]  }
0x138: {  	v17 =	vld [tilespmem:s24+$0xD550];
	[tilespmem:s24+$0xD460] =	vst v1;
	v1 =	vadd.f32 v57, v6;
	v6 =	vadd.f32 v56, v10;
	v10 =	vbroadcast v19, $0x4  }
0x139: {  	[tilespmem:s24+$0xD470] =	vst v4;
	v18 =	vld [tilespmem:s24+$0xD560];
	v4 =	vadd.f32 v55, v11;
	v11 =	vbroadcast v19, $0x5  }
0x13a: {  	[tilespmem:s24+$0xD480] =	vst v5;
	v5 =	vmul.f32 v15, v10;
	v12 =	vmul.f32 v12, v10;
	v15 =	vld [tilespmem:s24+$0xD5B0]  }
0x13b: {  	[tilespmem:s24+$0xD490] =	vst v7;
	v7 =	vmul.f32 v16, v10;
	v10 =	vmul.f32 v13, v10;
	v13 =	vld [tilespmem:s24+$0xD590]  }
0x13c: {  	[tilespmem:s24+$0xD4A0] =	vst v3;
	v3 =	vadd.f32 v53, v5;
	v5 =	vadd.f32 v52, v12;
	v12 =	vmul.f32 v14, v11;
	v14 =	vld [tilespmem:s24+$0xD580]  }
0x13d: {  	[tilespmem:s24+$0xD4B0] =	vst v2;
	v16 =	vld [tilespmem:s24+$0xD5A0];
	v2 =	vadd.f32 v51, v7;
	v7 =	vadd.f32 v50, v10;
	v10 =	vmul.f32 v17, v11  }
0x13e: {  	[tilespmem:s24+$0xD4C0] =	vst v1;
	v8 =	vmul.f32 v8, v11;
	v1 =	vadd.f32 v49, v12;
	v12 =	vmul.f32 v18, v11;
	v11 =	vld [tilespmem:s24+$0xD5C0]  }
0x13f: {  	[tilespmem:s24+$0xD4D0] =	vst v6;
	v18 =	vld [tilespmem:s24+$0xD5D0];
	v6 =	vadd.f32 v48, v10;
	v10 =	vbroadcast v19, $0x6  }
0x140: {  	v20 =	vbroadcast v19, $0x8;
	[tilespmem:s24+$0xD4E0] =	vst v4;
	v17 =	vbroadcast v19, $0x7;
	v4 =	vadd.f32 v47, v12;
	v12 =	vld [tilespmem:s24+$0xD5E0]  }
0x141: {  	[tilespmem:s24+$0xD500] =	vst v3;
	v9 =	vmul.f32 v14, v10;
	v13 =	vmul.f32 v13, v10;
	v14 =	vld [tilespmem:s24+$0xD600]  }
0x142: {  	v8 =	vadd.f32 v46, v8;
	[tilespmem:s24+$0xD510] =	vst v5;
	v3 =	vmul.f32 v16, v10;
	v10 =	vmul.f32 v15, v10;
	v15 =	vld [tilespmem:s24+$0xD620]  }
0x143: {  	[tilespmem:s24+$0xD520] =	vst v2;
	v5 =	vadd.f32 v45, v9;
	v9 =	vadd.f32 v44, v13;
	v11 =	vmul.f32 v11, v17;
	v13 =	vld [tilespmem:s24+$0xD630]  }
0x144: {  	[tilespmem:s24+$0xD530] =	vst v7;
	v2 =	vadd.f32 v43, v3;
	v3 =	vadd.f32 v42, v10;
	v10 =	vmul.f32 v18, v17  }
0x145: {  	v0 =	vmul.f32 v0, v17;
	[tilespmem:s24+$0xD570] =	vst v8;
	v7 =	vadd.f32 v41, v11;
	v11 =	vmul.f32 v12, v17;
	v12 =	vld [tilespmem:s24+$0xD650]  }
0x146: {  	[tilespmem:s24+$0xD540] =	vst v1;
	v1 =	vadd.f32 v39, v10;
	v17 =	vld [tilespmem:s24+$0xD640];
	v10 =	vmul.f32 v14, v20;
	v14 =	vmul.f32 v59, v20  }
0x147: {  	v16 =	vld [tilespmem:s24+$0xD670];
	[tilespmem:s24+$0xD550] =	vst v6;
	v6 =	vadd.f32 v38, v11;
	v11 =	vmul.f32 v15, v20  }
0x148: {  	[tilespmem:s24+$0xD560] =	vst v4;
	v4 =	vadd.f32 v35, v10;
	v10 =	vadd.f32 v34, v14;
	v13 =	vmul.f32 v13, v20;
	v14 =	vld [tilespmem:s24+$0xD680]  }
0x149: {  	[tilespmem:s24+$0xD5D0] =	vst v1;
	v1 =	vld [tilespmem:$0x1FE90];
	v8 =	vadd.f32 v33, v11;
	v11 =	vbroadcast v19, $0x9  }
0x14a: {  	v0 =	vadd.f32 v37, v0;
	v18 =	vbroadcast v19, $0xA;
	[tilespmem:s24+$0xD580] =	vst v5;
	v5 =	vadd.f32 v32, v13;
	v13 =	vld [tilespmem:s24+$0xD6A0]  }
0x14b: {  	[tilespmem:s24+$0xD590] =	vst v9;
	v15 =	vld [tilespmem:s24+$0xD660];
	v9 =	vmul.f32 v17, v11;
	v12 =	vmul.f32 v12, v11  }
0x14c: {  	[tilespmem:s24+$0xD5F0] =	vst v0;
	v0 =	vld [tilespmem:$0x1FEB0]  }
0x14d: {  	[tilespmem:s24+$0xD5B0] =	vst v3;
	v20 =	vld [tilespmem:s24+$0xD690];
	v3 =	vadd.f32 v30, v9;
	v9 =	vadd.f32 v29, v12;
	v12 =	vmul.f32 v14, v18  }
0x14e: {  	[tilespmem:s24+$0xD5E0] =	vst v6;
	v6 =	vld [tilespmem:$0x1FEA0]  }
0x14f: {  	[tilespmem:s24+$0xD610] =	vst v10;
	v10 =	vld [tilespmem:$0x1FEF0];
	v1 =	vadd.f32 v1, v12;
	v12 =	vmul.f32 v13, v18  }
0x150: {  	[tilespmem:s24+$0xD5A0] =	vst v2;
	v2 =	vmul.f32 v15, v11;
	v15 =	vld [tilespmem:s24+$0xD6E0]  }
0x151: {  	v0 =	vadd.f32 v0, v12;
	v12 =	vld [tilespmem:$0x1FEC0]  }
0x152: {  	v17 =	vld [tilespmem:s24+$0xD6C0]  }
0x153: {  	[tilespmem:s24+$0xD5C0] =	vst v7;
	v11 =	vmul.f32 v16, v11;
	v16 =	vld [tilespmem:s24+$0xD700]  }
0x154: {  	v46 =	vbroadcast v19, $0xB;
	[tilespmem:s24+$0xD600] =	vst v4;
	v4 =	vld [tilespmem:$0x1FED0];
	v13 =	vmul.f32 v40, v18  }
0x155: {  	[tilespmem:s24+$0xD630] =	vst v5;
	v5 =	vld [tilespmem:$0x1FF10];
	v7 =	vadd.f32 v27, v11;
	v11 =	vmul.f32 v20, v18  }
0x156: {  	v48 =	vld [tilespmem:s24+$0xD760];
	v47 =	vbroadcast v19, $0xC;
	v12 =	vadd.f32 v12, v13;
	v13 =	vmul.f32 v15, v46  }
0x157: {  	[tilespmem:s24+$0xD620] =	vst v8;
	v8 =	vld [tilespmem:$0x1FF00];
	v6 =	vadd.f32 v6, v11;
	v11 =	vmul.f32 v17, v46  }
0x158: {  	v14 =	vld [tilespmem:s24+$0xD6F0];
	v10 =	vadd.f32 v10, v13;
	v13 =	vmul.f32 v16, v47  }
0x159: {  	v4 =	vadd.f32 v4, v11;
	v11 =	vld [tilespmem:$0x1FEE0]  }
0x15a: {  	v13 =	vadd.f32 v5, v13;
	v5 =	vld [tilespmem:$0x1FF20]  }
0x15b: {  	v20 =	vld [tilespmem:s24+$0xD770]  }
0x15c: {  	v18 =	vld [tilespmem:s24+$0xD720]  }
0x15d: {  	[tilespmem:s24+$0xD640] =	vst v3;
	v3 =	vld [tilespmem:$0x1FF30];
	v17 =	vmul.f32 v36, v46;
	v16 =	vmul.f32 v31, v47  }
0x15e: {  	v2 =	vadd.f32 v28, v2;
	[tilespmem:s24+$0xD680] =	vst v1;
	v1 =	vld [tilespmem:$0x1FF70]  }
0x15f: {  	v11 =	vadd.f32 v11, v17;
	v17 =	vld [tilespmem:s24+$0xD740];
	v16 =	vadd.f32 v5, v16;
	v5 =	vbroadcast v19, $0xD  }
0x160: {  	[tilespmem:s24+$0xD670] =	vst v7;
	v7 =	vld [tilespmem:$0x1FF50];
	v14 =	vmul.f32 v14, v46  }
0x161: {  	[tilespmem:s24+$0xD660] =	vst v2;
	v15 =	vld [tilespmem:s24+$0xD750];
	v2 =	vmul.f32 v48, v5  }
0x162: {  	v8 =	vadd.f32 v8, v14;
	v14 =	vmul.f32 v18, v47  }
0x163: {  	v52 =	vadd.f32 v1, v2;
	v1 =	vld [tilespmem:$0x1FF80]  }
0x164: {  	[tilespmem:s24+$0xD650] =	vst v9;
	v14 =	vadd.f32 v3, v14;
	v3 =	vld [tilespmem:$0x1FF40];
	v9 =	vmul.f32 v17, v5  }
0x165: {  	v49 =	vld [tilespmem:s24+$0xD780]  }
0x166: {  	v15 =	vmul.f32 v15, v5;
	v5 =	vmul.f32 v20, v5;
	v9 =	vadd.f32 v7, v9;
	v7 =	vld [tilespmem:$0x1FF60]  }
0x167: {  	v18 =	vmul.f32 v26, v47  }
0x168: {  	v25 =	vadd.f32 v1, v5;
	v5 =	vld [tilespmem:$0x1FF90]  }
0x169: {  	v18 =	vadd.f32 v3, v18;
	v3 =	vbroadcast v19, $0xE  }
0x16a: {  	v24 =	vld [tilespmem:s24+$0xD7A0]  }
0x16b: {  	v50 =	vld [tilespmem:s24+$0xD790];
	v15 =	vadd.f32 v7, v15;
	v7 =	vmul.f32 v49, v3  }
0x16c: {  	[tilespmem:s24+$0xD690] =	vst v6;
	v6 =	vld [tilespmem:$0x1FFE0]  }
0x16d: {  	v53 =	vadd.f32 v5, v7;
	v7 =	vld [tilespmem:$0x1FFB0];
	_ =	sdelay $0x2  }
0x16e: {  	s11 =	sshra.s32 s14, $0x2;
	[tilespmem:s24+$0xD6A0] =	vst v0;
	v5 =	vmul.f32 v24, v3  }
0x16f: {  	v1 =	vmul.f32 v50, v3;
	v3 =	vmul.f32 v6, v3;
	v6 =	vld [tilespmem:s11+$0xF400]  }
0x170: {  	[tilespmem:s24+$0xD6B0] =	vst v12;
	v12 =	vadd.f32 v7, v5;
	v5 =	vld [tilespmem:$0x1FFC0]  }
0x171: {  	v51 =	vld [tilespmem:s24+$0xD7C0]  }
0x172: {  	v0 =	vld [tilespmem:$0x1FFA0]  }
0x173: {  	v7 =	vld [tilespmem:s11+$0xF410];
	[tilespmem:s24+$0xD6C0] =	vst v4  }
0x174: {  	v4 =	vld [tilespmem:s11+$0xF420];
	[tilespmem:s24+$0xD6D0] =	vst v11  }
0x175: {  	v26 =	vadd.f32 v5, v3;
	v5 =	vld [tilespmem:s11+$0xF430]  }
0x176: {  	[tilespmem:s24+$0xD6E0] =	vst v10;
	v10 =	vld [tilespmem:$0x1FFD0]  }
0x177: {  	v0 =	vadd.f32 v0, v1;
	v1 =	vbroadcast v19, $0xF  }
0x178: {  	v17 =	vld [tilespmem:s24+$0xD7F0]  }
0x179: {  	v20 =	vld [tilespmem:s24+$0xD7D0];
	v3 =	vmul.f32 v51, v1  }
0x17a: {  	v2 =	vld [tilespmem:s24+$0xD7E0]  }
0x17b: {  	v10 =	vadd.f32 v10, v3;
	v3 =	vld [tilespmem:$0x1FE80]  }
0x17c: {  	v24 =	vld [tilespmem:s24+$0xF7E0]  }
0x17d: {  	v19 =	vld [tilespmem:s24+$0xF7F0]  }
0x17e: {  	v20 =	vmul.f32 v20, v1  }
0x17f: {  	v2 =	vmul.f32 v2, v1  }
0x180: {  	v1 =	vmul.f32 v17, v1;
	v11 =	vadd.f32 v3, v20;
	v3 =	vld [tilespmem:s11+$0xF440];
	[tilespmem:s24+$0xD6F0] =	vst v8  }
0x181: {  	v8 =	vadd.f32 v24, v2;
	v2 =	vld [tilespmem:s11+$0xF450];
	[tilespmem:s24+$0xD700] =	vst v13  }
0x182: {  	v17 =	vadd.f32 v19, v1;
	v1 =	vld [tilespmem:s11+$0xF460];
	[tilespmem:s24+$0xD710] =	vst v16  }
0x183: {  	v63 =	vld [tilespmem:s11+$0xF470];
	[tilespmem:s24+$0xD720] =	vst v14  }
0x184: {  	v62 =	vld [tilespmem:s11+$0xF480];
	[tilespmem:s24+$0xD730] =	vst v18  }
0x185: {  	v61 =	vld [tilespmem:s11+$0xF490];
	[tilespmem:s24+$0xD740] =	vst v9  }
0x186: {  	v60 =	vld [tilespmem:s11+$0xF4A0];
	[tilespmem:s24+$0xD750] =	vst v15  }
0x187: {  	v58 =	vld [tilespmem:s11+$0xF4B0];
	[tilespmem:s24+$0xD760] =	vst v52  }
0x188: {  	v57 =	vld [tilespmem:s11+$0xF4C0];
	[tilespmem:s24+$0xD770] =	vst v25  }
0x189: {  	v56 =	vld [tilespmem:s11+$0xF4D0];
	[tilespmem:s24+$0xD780] =	vst v53  }
0x18a: {  	v55 =	vld [tilespmem:s11+$0xF4E0];
	[tilespmem:s24+$0xD790] =	vst v0  }
0x18b: {  	v54 =	vld [tilespmem:s11+$0xF4F0];
	[tilespmem:s24+$0xD7A0] =	vst v12  }
0x18c: {  	v53 =	vld [tilespmem:s11+$0xF500];
	[tilespmem:s24+$0xD7B0] =	vst v26  }
0x18d: {  	v52 =	vld [tilespmem:s11+$0xF510];
	[tilespmem:s24+$0xD7C0] =	vst v10  }
0x18e: {  	v51 =	vld [tilespmem:s11+$0xF520];
	[tilespmem:s24+$0xD7D0] =	vst v11  }
0x18f: {  	v50 =	vld [tilespmem:s11+$0xF530];
	[tilespmem:s24+$0xD7E0] =	vst v8  }
0x190: {  	v49 =	vld [tilespmem:s11+$0xF540];
	[tilespmem:s24+$0xD7F0] =	vst v17;
	s24 =	smov.u32 s11  }
0x191: {  	v0 =	vld [tilespmem:s24+$0xF680];
	_ =	sdelay $0x4  }
0x192: {  	[tilespmem:$0x1FE90] =	vst v0;
	v0 =	vld [tilespmem:s24+$0xF690];
	_ =	sdelay $0x4  }
0x193: {  	[tilespmem:$0x1FEA0] =	vst v0;
	v0 =	vld [tilespmem:s24+$0xF6A0];
	_ =	sdelay $0x4  }
0x194: {  	[tilespmem:$0x1FEB0] =	vst v0;
	v0 =	vld [tilespmem:s24+$0xF6B0];
	_ =	sdelay $0x4  }
0x195: {  	[tilespmem:$0x1FEC0] =	vst v0;
	v0 =	vld [tilespmem:s24+$0xF6C0];
	_ =	sdelay $0x4  }
0x196: {  	[tilespmem:$0x1FED0] =	vst v0;
	v0 =	vld [tilespmem:s24+$0xF6D0];
	_ =	sdelay $0x4  }
0x197: {  	[tilespmem:$0x1FEE0] =	vst v0;
	v0 =	vld [tilespmem:s24+$0xF6E0];
	_ =	sdelay $0x4  }
0x198: {  	[tilespmem:$0x1FEF0] =	vst v0;
	v0 =	vld [tilespmem:s24+$0xF6F0];
	_ =	sdelay $0x4  }
0x199: {  	[tilespmem:$0x1FF00] =	vst v0;
	v0 =	vld [tilespmem:s24+$0xF700];
	_ =	sdelay $0x4  }
0x19a: {  	[tilespmem:$0x1FF10] =	vst v0;
	v0 =	vld [tilespmem:s24+$0xF710];
	_ =	sdelay $0x4  }
0x19b: {  	[tilespmem:$0x1FF20] =	vst v0;
	v0 =	vld [tilespmem:s24+$0xF720];
	_ =	sdelay $0x4  }
0x19c: {  	[tilespmem:$0x1FF30] =	vst v0;
	v0 =	vld [tilespmem:s24+$0xF730];
	_ =	sdelay $0x4  }
0x19d: {  	[tilespmem:$0x1FF40] =	vst v0;
	v0 =	vld [tilespmem:s24+$0xF740];
	_ =	sdelay $0x4  }
0x19e: {  	[tilespmem:$0x1FF50] =	vst v0;
	v0 =	vld [tilespmem:s24+$0xF750];
	_ =	sdelay $0x4  }
0x19f: {  	[tilespmem:$0x1FF60] =	vst v0;
	v0 =	vld [tilespmem:s24+$0xF760]  }
0x1a0: {  	v48 =	vld [tilespmem:s24+$0xF550]  }
0x1a1: {  	v47 =	vld [tilespmem:s24+$0xF560]  }
0x1a2: {  	v46 =	vld [tilespmem:s24+$0xF570]  }
0x1a3: {  	v45 =	vld [tilespmem:s24+$0xF580]  }
0x1a4: {  	[tilespmem:$0x1FF70] =	vst v0;
	v0 =	vld [tilespmem:s24+$0xF770]  }
0x1a5: {  	v44 =	vld [tilespmem:s24+$0xF590]  }
0x1a6: {  	v43 =	vld [tilespmem:s24+$0xF5A0]  }
0x1a7: {  	v42 =	vld [tilespmem:s24+$0xF5B0]  }
0x1a8: {  	v41 =	vld [tilespmem:s24+$0xF5C0]  }
0x1a9: {  	[tilespmem:$0x1FF80] =	vst v0;
	v0 =	vld [tilespmem:s24+$0xF780]  }
0x1aa: {  	v39 =	vld [tilespmem:s24+$0xF5D0]  }
0x1ab: {  	v38 =	vld [tilespmem:s24+$0xF5E0]  }
0x1ac: {  	v37 =	vld [tilespmem:s24+$0xF5F0]  }
0x1ad: {  	v35 =	vld [tilespmem:s24+$0xF600]  }
0x1ae: {  	[tilespmem:$0x1FF90] =	vst v0;
	v0 =	vld [tilespmem:s24+$0xF790]  }
0x1af: {  	v34 =	vld [tilespmem:s24+$0xF610]  }
0x1b0: {  	v33 =	vld [tilespmem:s24+$0xF620]  }
0x1b1: {  	v32 =	vld [tilespmem:s24+$0xF630]  }
0x1b2: {  	v30 =	vld [tilespmem:s24+$0xF640]  }
0x1b3: {  	[tilespmem:$0x1FFA0] =	vst v0;
	v0 =	vld [tilespmem:s24+$0xF7A0]  }
0x1b4: {  	v29 =	vld [tilespmem:s24+$0xF650]  }
0x1b5: {  	v28 =	vld [tilespmem:s24+$0xF660]  }
0x1b6: {  	v27 =	vld [tilespmem:s24+$0xF670]  }
0x1b7: {  	v25 =	vld [tilespmem:s24+$0xF7D0]  }
0x1b8: {  	[tilespmem:$0x1FFB0] =	vst v0;
	v0 =	vld [tilespmem:s24+$0xF7B0]  }
0x1b9: {  	v26 =	vld [tilespmem:s24+$0xD730]  }
0x1ba: {  	v31 =	vld [tilespmem:s24+$0xD710]  }
0x1bb: {  	v36 =	vld [tilespmem:s24+$0xD6D0]  }
0x1bc: {  	v40 =	vld [tilespmem:s24+$0xD6B0]  }
0x1bd: {  	[tilespmem:$0x1FFC0] =	vst v0;
	v0 =	vld [tilespmem:s24+$0xF7C0]  }
0x1be: {  	v59 =	vld [tilespmem:s24+$0xD610]  }
0x1bf: {  	v8 =	vld [tilespmem:s24+$0xD570]  }
0x1c0: {  	v9 =	vld [tilespmem:s24+$0xD4F0]  }
0x1c1: {  	v10 =	vld [tilespmem:s24+$0xD4D0]  }
0x1c2: {  	p0 =	sne.s32 s14, $0x7000;
	[tilespmem:$0x1FFD0] =	vst v0;
	v0 =	vld [tilespmem:s24+$0xD7B0]  }
.Ltmp3:
0x1c3: {  	v11 =	vld [tilespmem:s24+$0xD490];
	(pc) =	sbr.rel @p0 .LBB2_10-.Ltmp3, $4  }
0x1c4: {  	v12 =	vld [tilespmem:s24+$0xD470]  }
0x1c5: {  	s18 =	sadd.s32 $0x10, s18;
	v13 =	vld [tilespmem:s24+$0xD430]  }
0x1c6: {  	v19 =	vld [tilespmem:s18+$0x0]  }
0x1c7: {  	s14 =	sadd.s32 $0x1000, s14;
	[tilespmem:$0x1FFE0] =	vst v0;
	v0 =	vld [tilespmem:s24+$0xD5F0]  }
0x1c8: {  	v14 =	vld [tilespmem:s24+$0xD410]  }
0x1c9: {  	v15 =	vld [tilespmem:s24+$0xD400]  }
0x1ca: {  	v16 =	vld [tilespmem:s24+$0xD420]  }
0x1cb: {  	v17 =	vld [tilespmem:s24+$0xD440]  }
0x1cc: {  	v20 =	vld [tilespmem:s24+$0xD450]  }
0x1cd: {  	v21 =	vld [tilespmem:s24+$0xD460];
	v18 =	vbroadcast v19, $0x0  }
0x1ce: {  	v22 =	vld [tilespmem:s24+$0xD480]  }
0x1cf: {  	v23 =	vld [tilespmem:s24+$0xD4A0];
	v15 =	vmul.f32 v18, v15  }
0x1d0: {  	v24 =	vld [tilespmem:s24+$0xD4C0];
	v14 =	vmul.f32 v14, v18  }
0x1d1: {  	v13 =	vmul.f32 v13, v18;
	v6 =	vadd.f32 v6, v15;
	v15 =	vld [tilespmem:s24+$0xD4B0]  }
0x1d2: {  	v16 =	vmul.f32 v16, v18;
	v7 =	vadd.f32 v7, v14;
	v14 =	vld [tilespmem:s24+$0xD4E0]  }
0x1d3: {  	v5 =	vadd.f32 v5, v13;
	v13 =	vld [tilespmem:s24+$0xD510]  }
0x1d4: {  	v4 =	vadd.f32 v4, v16;
	v16 =	vbroadcast v19, $0x1;
	[tilespmem:s24+$0xD410] =	vst v7;
	v7 =	vld [tilespmem:s24+$0xD530]  }
0x1d5: {  	[tilespmem:s24+$0xD430] =	vst v5;
	v5 =	vld [tilespmem:s24+$0xD500]  }
0x1d6: {  	[tilespmem:s24+$0xD420] =	vst v4;
	v17 =	vmul.f32 v17, v16;
	v18 =	vmul.f32 v20, v16;
	v4 =	vld [tilespmem:s24+$0xD520]  }
0x1d7: {  	[tilespmem:s24+$0xD400] =	vst v6;
	v20 =	vmul.f32 v21, v16;
	v6 =	vmul.f32 v12, v16;
	v12 =	vld [tilespmem:s24+$0xD550]  }
0x1d8: {  	v21 =	vbroadcast v19, $0x2;
	v16 =	vld [tilespmem:s24+$0xD5B0]  }
0x1d9: {  	v3 =	vadd.f32 v3, v17;
	v1 =	vadd.f32 v1, v20;
	v17 =	vld [tilespmem:s24+$0xD580]  }
0x1da: {  	v6 =	vadd.f32 v63, v6;
	v22 =	vmul.f32 v22, v21;
	v63 =	vmul.f32 v23, v21;
	v23 =	vld [tilespmem:s24+$0xD5A0]  }
0x1db: {  	v2 =	vadd.f32 v2, v18;
	[tilespmem:s24+$0xD440] =	vst v3;
	v3 =	vld [tilespmem:s24+$0xD540]  }
0x1dc: {  	v20 =	vbroadcast v19, $0x3;
	[tilespmem:s24+$0xD460] =	vst v1;
	v1 =	vadd.f32 v62, v22;
	v62 =	vmul.f32 v11, v21;
	v11 =	vld [tilespmem:s24+$0xD560]  }
0x1dd: {  	[tilespmem:s24+$0xD450] =	vst v2;
	v2 =	vmul.f32 v15, v21;
	v15 =	vld [tilespmem:s24+$0xD590]  }
0x1de: {  	[tilespmem:s24+$0xD470] =	vst v6;
	v6 =	vadd.f32 v61, v62;
	v61 =	vmul.f32 v14, v20;
	v14 =	vld [tilespmem:s24+$0xD5C0]  }
0x1df: {  	[tilespmem:s24+$0xD480] =	vst v1;
	v1 =	vadd.f32 v60, v63;
	v62 =	vbroadcast v19, $0x4;
	v60 =	vld [tilespmem:s24+$0xD660]  }
0x1e0: {  	[tilespmem:s24+$0xD490] =	vst v6;
	v6 =	vmul.f32 v9, v20;
	v9 =	vld [tilespmem:s24+$0xD5D0]  }
0x1e1: {  	v63 =	vmul.f32 v5, v62;
	v5 =	vld [tilespmem:s24+$0xD5E0]  }
0x1e2: {  	v21 =	vmul.f32 v24, v20;
	v22 =	vmul.f32 v10, v20;
	v2 =	vadd.f32 v58, v2;
	v20 =	vld [tilespmem:s24+$0xD600]  }
0x1e3: {  	[tilespmem:s24+$0xD4A0] =	vst v1;
	v24 =	vmul.f32 v4, v62;
	v4 =	vld [tilespmem:s24+$0xD620]  }
0x1e4: {  	v58 =	vbroadcast v19, $0x6;
	v1 =	vadd.f32 v57, v21;
	[tilespmem:s24+$0xD4B0] =	vst v2;
	v2 =	vadd.f32 v56, v22;
	v22 =	vld [tilespmem:s24+$0xD670]  }
0x1e5: {  	v57 =	vld [tilespmem:s24+$0xD640]  }
0x1e6: {  	v18 =	vmul.f32 v13, v62;
	v17 =	vmul.f32 v17, v58;
	[tilespmem:s24+$0xD4C0] =	vst v1;
	v1 =	vadd.f32 v55, v61;
	v55 =	vld [tilespmem:s24+$0xD650]  }
0x1e7: {  	v10 =	vmul.f32 v23, v58;
	v23 =	vbroadcast v19, $0x7;
	[tilespmem:s24+$0xD4D0] =	vst v2;
	v6 =	vadd.f32 v54, v6;
	v61 =	vld [tilespmem:s24+$0xD680]  }
0x1e8: {  	v15 =	vmul.f32 v15, v58;
	v2 =	vmul.f32 v7, v62;
	v17 =	vadd.f32 v45, v17;
	v62 =	vld [tilespmem:s24+$0xD690];
	[tilespmem:s24+$0xD4E0] =	vst v1  }
0x1e9: {  	v10 =	vadd.f32 v43, v10;
	v43 =	vld [tilespmem:s24+$0xD6F0];
	[tilespmem:s24+$0xD4F0] =	vst v6  }
0x1ea: {  	v0 =	vmul.f32 v0, v23;
	v15 =	vadd.f32 v44, v15;
	v44 =	vld [tilespmem:s24+$0xD700];
	[tilespmem:s24+$0xD580] =	vst v17  }
0x1eb: {  	v45 =	vbroadcast v19, $0x8;
	v14 =	vmul.f32 v14, v23;
	v1 =	vadd.f32 v53, v63;
	v53 =	vld [tilespmem:s24+$0xD630];
	[tilespmem:s24+$0xD5A0] =	vst v10  }
0x1ec: {  	v6 =	vadd.f32 v52, v18;
	v52 =	vbroadcast v19, $0x5;
	v2 =	vadd.f32 v50, v2;
	v63 =	vld [tilespmem:s24+$0xD6A0];
	[tilespmem:s24+$0xD590] =	vst v15  }
0x1ed: {  	v0 =	vadd.f32 v37, v0;
	v50 =	vbroadcast v19, $0x9;
	v37 =	vld [tilespmem:$0x1FF10];
	v9 =	vmul.f32 v9, v23;
	[tilespmem:s24+$0xD500] =	vst v1  }
0x1ee: {  	v5 =	vmul.f32 v5, v23;
	v13 =	vmul.f32 v20, v45;
	v1 =	vadd.f32 v51, v24;
	[tilespmem:s24+$0xD510] =	vst v6;
	v24 =	vld [tilespmem:s24+$0xD6C0]  }
0x1ef: {  	v14 =	vadd.f32 v41, v14;
	v21 =	vmul.f32 v3, v52;
	[tilespmem:s24+$0xD530] =	vst v2;
	v54 =	vmul.f32 v12, v52;
	v51 =	vld [tilespmem:s24+$0xD760]  }
0x1f0: {  	v56 =	vmul.f32 v11, v52;
	v6 =	vmul.f32 v8, v52;
	[tilespmem:s24+$0xD5F0] =	vst v0;
	v52 =	vld [tilespmem:s24+$0xD780]  }
0x1f1: {  	v4 =	vmul.f32 v4, v45;
	v11 =	vmul.f32 v57, v50;
	v57 =	vld [tilespmem:s24+$0xD7C0];
	v9 =	vadd.f32 v39, v9;
	[tilespmem:s24+$0xD5C0] =	vst v14  }
0x1f2: {  	v8 =	vmul.f32 v16, v58;
	v58 =	vld [tilespmem:$0x1FEA0];
	v5 =	vadd.f32 v38, v5;
	[tilespmem:s24+$0xD520] =	vst v1  }
0x1f3: {  	v13 =	vadd.f32 v35, v13;
	v4 =	vadd.f32 v33, v4;
	v33 =	vld [tilespmem:$0x1FEF0];
	[tilespmem:s24+$0xD5D0] =	vst v9  }
0x1f4: {  	v35 =	vld [tilespmem:$0x1FF00];
	[tilespmem:s24+$0xD5E0] =	vst v5  }
0x1f5: {  	v1 =	vadd.f32 v49, v21;
	v8 =	vadd.f32 v42, v8;
	v42 =	vld [tilespmem:s24+$0xD6E0];
	[tilespmem:s24+$0xD600] =	vst v13  }
0x1f6: {  	v2 =	vadd.f32 v48, v54;
	v6 =	vadd.f32 v46, v6;
	v46 =	vld [tilespmem:s24+$0xD720];
	[tilespmem:s24+$0xD620] =	vst v4  }
0x1f7: {  	v48 =	vld [tilespmem:s24+$0xD750];
	[tilespmem:s24+$0xD540] =	vst v1  }
0x1f8: {  	v3 =	vmul.f32 v22, v50;
	v49 =	vld [tilespmem:s24+$0xD740];
	[tilespmem:s24+$0xD550] =	vst v2  }
0x1f9: {  	v12 =	vmul.f32 v55, v50;
	v11 =	vadd.f32 v30, v11;
	v54 =	vld [tilespmem:s24+$0xD7A0];
	[tilespmem:s24+$0xD570] =	vst v6  }
0x1fa: {  	v3 =	vadd.f32 v27, v3;
	v30 =	vld [tilespmem:s24+$0xF7F0];
	[tilespmem:s24+$0xD5B0] =	vst v8  }
0x1fb: {  	v55 =	vbroadcast v19, $0xA;
	v5 =	vld [tilespmem:s24+$0xD770];
	v7 =	vmul.f32 v53, v45;
	v12 =	vadd.f32 v29, v12;
	[tilespmem:s24+$0xD640] =	vst v11  }
0x1fc: {  	v29 =	vld [tilespmem:$0x1FED0];
	v1 =	vadd.f32 v47, v56;
	v47 =	vmul.f32 v59, v45;
	[tilespmem:s24+$0xD670] =	vst v3  }
0x1fd: {  	v56 =	vld [tilespmem:$0x1FE90];
	v6 =	vmul.f32 v62, v55;
	v59 =	vbroadcast v19, $0xB;
	v7 =	vadd.f32 v32, v7;
	[tilespmem:s24+$0xD650] =	vst v12  }
0x1fe: {  	v53 =	vld [tilespmem:s24+$0xD790];
	v2 =	vmul.f32 v60, v50;
	[tilespmem:s24+$0xD560] =	vst v1;
	v18 =	vadd.f32 v34, v47  }
0x1ff: {  	v32 =	vld [tilespmem:$0x1FEE0];
	v6 =	vadd.f32 v58, v6;
	v62 =	vmul.f32 v24, v59;
	[tilespmem:s24+$0xD630] =	vst v7  }
0x200: {  	v16 =	vmul.f32 v40, v55;
	v40 =	vld [tilespmem:$0x1FF20];
	v2 =	vadd.f32 v28, v2;
	v1 =	vmul.f32 v61, v55;
	[tilespmem:s24+$0xD610] =	vst v18  }
0x201: {  	v60 =	vld [tilespmem:s24+$0xD7E0];
	v28 =	vbroadcast v19, $0xC;
	v10 =	vmul.f32 v42, v59;
	[tilespmem:s24+$0xD690] =	vst v6;
	v6 =	vadd.f32 v29, v62  }
0x202: {  	v61 =	vld [tilespmem:$0x1FEB0];
	v27 =	vmul.f32 v36, v59;
	[tilespmem:s24+$0xD660] =	vst v2;
	v1 =	vadd.f32 v56, v1  }
0x203: {  	v38 =	vbroadcast v19, $0xD;
	v24 =	vld [tilespmem:$0x1FEC0];
	v34 =	vmul.f32 v44, v28;
	v8 =	vadd.f32 v33, v10;
	[tilespmem:s24+$0xD6C0] =	vst v6  }
0x204: {  	v47 =	vld [tilespmem:$0x1FF60];
	v36 =	vmul.f32 v31, v28;
	v21 =	vadd.f32 v32, v27;
	[tilespmem:s24+$0xD680] =	vst v1  }
0x205: {  	v17 =	vmul.f32 v63, v55;
	v0 =	vmul.f32 v48, v38;
	v48 =	vld [tilespmem:$0x1FF70];
	v6 =	vadd.f32 v37, v34;
	[tilespmem:s24+$0xD6E0] =	vst v8  }
0x206: {  	v45 =	vbroadcast v19, $0xE;
	v42 =	vmul.f32 v49, v38;
	v49 =	vld [tilespmem:$0x1FF80];
	v10 =	vadd.f32 v40, v36;
	[tilespmem:s24+$0xD6D0] =	vst v21  }
0x207: {  	v63 =	vld [tilespmem:s24+$0xF7E0];
	v9 =	vmul.f32 v46, v28;
	v46 =	vmul.f32 v51, v38;
	v17 =	vadd.f32 v61, v17;
	[tilespmem:s24+$0xD700] =	vst v6  }
0x208: {  	v12 =	vld [tilespmem:s24+$0xD7F0];
	v50 =	vmul.f32 v53, v45;
	v53 =	vbroadcast v19, $0xF;
	v16 =	vadd.f32 v24, v16;
	[tilespmem:s24+$0xD710] =	vst v10  }
0x209: {  	v44 =	vld [tilespmem:$0x1FF50];
	v5 =	vmul.f32 v5, v38;
	v0 =	vadd.f32 v47, v0;
	[tilespmem:s24+$0xD6A0] =	vst v17  }
0x20a: {  	v51 =	vld [tilespmem:$0x1FF90];
	v60 =	vmul.f32 v60, v53;
	v8 =	vadd.f32 v48, v46;
	[tilespmem:s24+$0xD6B0] =	vst v16  }
0x20b: {  	v55 =	vld [tilespmem:$0x1FFA0];
	v1 =	vmul.f32 v43, v59;
	v5 =	vadd.f32 v49, v5;
	[tilespmem:s24+$0xD750] =	vst v0  }
0x20c: {  	v2 =	vld [tilespmem:s24+$0xD7D0];
	v62 =	vadd.f32 v63, v60;
	[tilespmem:s24+$0xD760] =	vst v8  }
0x20d: {  	v4 =	vmul.f32 v52, v45;
	v56 =	vld [tilespmem:$0x1FFB0];
	v1 =	vadd.f32 v35, v1;
	[tilespmem:s24+$0xD770] =	vst v5  }
0x20e: {  	v41 =	vld [tilespmem:$0x1FF30];
	v6 =	vadd.f32 v44, v42;
	[tilespmem:s24+$0xD7E0] =	vst v62  }
0x20f: {  	v52 =	vmul.f32 v54, v45;
	v54 =	vld [tilespmem:$0x1FFE0];
	v61 =	vmul.f32 v12, v53;
	v4 =	vadd.f32 v51, v4;
	[tilespmem:s24+$0xD6F0] =	vst v1  }
0x210: {  	v43 =	vld [tilespmem:$0x1FF40];
	v0 =	vadd.f32 v55, v50;
	[tilespmem:s24+$0xD740] =	vst v6  }
0x211: {  	v59 =	vld [tilespmem:$0x1FFD0];
	v63 =	vadd.f32 v30, v61;
	[tilespmem:s24+$0xD780] =	vst v4  }
0x212: {  	v3 =	vmul.f32 v57, v53;
	v57 =	vld [tilespmem:$0x1FFC0];
	v58 =	vmul.f32 v2, v53;
	v5 =	vadd.f32 v56, v52;
	[tilespmem:s24+$0xD790] =	vst v0  }
0x213: {  	v39 =	vmul.f32 v26, v28;
	v1 =	vadd.f32 v41, v9;
	[tilespmem:s24+$0xD7F0] =	vst v63  }
0x214: {  	v0 =	vadd.f32 v25, v58;
	[tilespmem:s24+$0xD7A0] =	vst v5  }
0x215: {  	v9 =	vadd.f32 v43, v39;
	[tilespmem:s24+$0xD720] =	vst v1;
	v1 =	vmul.f32 v54, v45  }
0x216: {  	v2 =	vadd.f32 v59, v3;
	[tilespmem:s24+$0xD7D0] =	vst v0  }
0x217: {  	s19 =	sadd.s32 $0x1, s19;
	[tilespmem:s24+$0xD730] =	vst v9;
	v1 =	vadd.f32 v57, v1  }
0x218: {  	p0 =	sne.s32 s19, $0x5;
	[tilespmem:s24+$0xD7C0] =	vst v2  }
.Ltmp4:
0x219: {  	s11 =	sadd.s32 s6, s21;
	[tilespmem:s24+$0xD7B0] =	vst v1;
	(pc) =	sbr.rel @p0 .LBB2_9-.Ltmp4, $4  }
0x21a: {  	[hbm4b:s11+s3] =	stream.linear.scatter [tilespmem:s31], [sflag:$0x3], $0x2000, $0x38;
	[tilespmem:$0x1D680] =	vst v63  }
0x21b: {  	_ =	swait.ge [sflag:s28], $0x2000  }
0x21c: {  	[sflag:s28] =	ssyncset.done $0x0  }
0x21d: {  	s10 =	sadd.s32 $0x80, s10;
	[sflag:s28] =	ssyncadd.s32 $0xFFFFE000  }
0x21e: {  	s16 =	sadd.s32 $0x1, s16  }
0x21f: {  	p0 =	sne.s32 s16, $0xA  }
.Ltmp5:
0x220: {  	_ = 	snop;
	(pc) =	sbr.rel @p0 .LBB2_6-.Ltmp5, $2  }
0x221: {  	_ =	sdelay $0x1  }
0x222: {  	[bflag:$0x0] =	sbarrier.arrive $0xFFFF;
	_ =	sdelay $0x1  }
0x223: {  	s11 =	rddreg [dreg:$0x11]  }
0x224: {  	s10 =	rddreg [dreg:$0x10];
	s11 =	sadd.s32 $0x1, s11  }
0x225: {  	p0 =	sne.s32 s11, s10  }
.Ltmp6:
0x226: {  	v7 =	vld [tilespmem:$0x1FFF0];
	(pc) =	sbr.rel @p0 .LBB2_1-.Ltmp6, $2  }
0x227: {  	_ =	sdelay $0x2  }
0x228: {  	v8 =	vimm.f32 $0.0e+00  }
0x229: {  	_ =	sfence.sel $0x180000  }
0x22a: {  	[bflag:$0x0] =	sbarrier.arrive $0xFFFF  }
0x22b: {  	_ =	strace $0x9000004D  }
0x22c: {  	s0 =	stileid.u32;
	[bflag:$0x2] =	sbarrier.arrive $0xFFFF  }
0x22d: {  	p0 =	sne.s32 s0, $0x0;
	s0 =	rddreg [dreg:$0x2]  }
0x22e: {  	s0 =	sadd.s32 @!p0 $0x100000, s0  }
0x22f: {  	[sflag:s0] =	ssyncadd.tile.s32 @!p0 $0x1;
	_ =	shalt  }
.Lfunc_end2:
_tile_overlayer_lowered:
.L_overlay_start_2:
0x230: {  	(tag) =	ssettag $0x2  }
0x231: {  	s0 =	rddreg [dreg:$0x0];
	s2 =	stileid.u32  }
0x232: {  	s1 =	rddreg [dreg:$0x1];
	p0 =	sne.s32 s2, $0x0  }
0x233: {  	s3 =	rddreg [dreg:$0x2];
	[bflag:$0x3] =	sbarrier.arrive $0xFFFF;
	s2 =	simm.s32 @!p0 $0x1C03  }
0x234: {  	[timem:s3], [sflag:s2] =	dma.local @!p0 [hbm:s0], s1  }
0x235: {  	s0 =	simm.s32 @!p0 $0x3  }
0x236: {  	_ =	swait.ge @!p0 [sflag:s0], s1  }
0x237: {  	s1 =	ssub.s32 @!p0 $0x0, s1;
	[sflag:s0] =	ssyncset.done @!p0 $0x0  }
0x238: {  	[sflag:s0] =	ssyncadd.s32 @!p0 s1  }
0x239: {  	[bflag:$0x3] =	sbarrier.arrive $0xFFFF  }
0x23a: {  	_ =	shalt  }

// kernel: kernel.8.cloned.1.call-start
scs
__scs_entry_jumppad:
0x0: {  	(pc) =	sbr.rel $0x88, $3  }
0x1: {  	(tag) =	ssettag $0x0;
	lr =	simm.s32 $0x1  }
0x2: {  	[smem:$0x3F9B] =	sst lr;
	_ =	strace $0xD0000000  }
0x3: {  	_ = 	snop  }
0x4: {  	_ = 	snop  }
0x5: {  	_ = 	snop  }
0x6: {  	_ = 	snop  }
0x7: {  	_ = 	snop  }
__scs_overlays_trampoline_lowered:
0x8: {  	[smem:$0x3FAA] =	sst s0  }
0x9: {  	[smem:$0x3FAB] =	sst s1  }
0xa: {  	[smem:$0x3FAC] =	sst s2  }
0xb: {  	[smem:$0x3FAD] =	sst s3  }
0xc: {  	[smem:$0x3FAE] =	sst s4  }
0xd: {  	[smem:$0x3FAF] =	sst s5  }
0xe: {  	[smem:$0x3FB0] =	sst s6  }
0xf: {  	[smem:$0x3FB1] =	sst s7  }
0x10: {  	[smem:$0x3FB2] =	sst s8  }
0x11: {  	[smem:$0x3FB3] =	sst s9;
	s0 =	simm.s32 @!p0 $0x0  }
0x12: {  	s1 =	sld [smem:$0x3F99];
	s0 =	simm.s32 @p0 $0x1  }
0x13: {  	[smem:$0x3FB4] =	sst s0;
	s0 =	simm.s32 @!p1 $0x0  }
0x14: {  	s2 =	sld [smem:$0x3F98];
	s0 =	simm.s32 @p1 $0x1  }
0x15: {  	[smem:$0x3FB5] =	sst s0;
	s0 =	simm.s32 @!p2 $0x0  }
0x16: {  	s3 =	sld [smem:$0x3FDB];
	s0 =	simm.s32 @p2 $0x1  }
0x17: {  	s4 =	simm.s32 $0x1BF5;
	[smem:$0x3FB7] =	sst s0  }
0x18: {  	s0 =	sld [smem:$0x3F9A];
	_ =	swait.ge [sflag:s4], $0x0  }
0x19: {  	s7 =	sld [smem:$0x3F9B]  }
0x1a: {  	s8 =	sadd.s32 $0xFFFFE003, lr  }
0x1b: {  	s9 =	sadd.s32 $0xFFFFFEF7, lr;
	s5 =	simm.s32 $0xFFFFFFFF;
	p2 =	slt.u32 s8, $0xFFFFF086  }
0x1c: {  	p1 =	slt.u32 s9, $0xF7A;
	s5 =	simm.s32 @!p2 $0x0  }
0x1d: {  	s5 =	simm.s32 @p1 $0x1;
	p0 =	seq.s32 s7, s2  }
0x1e: {  	s7 =	smul.u32 @!p0 $0xF7A, s2;
	p2 =	seq.s32 @!p0 s5, $0x0  }
0x1f: {  	s9 =	smul.u32 $0xF7A, s1;
	s8 =	simm.s32 @!p0 $0x1BF5;
	p2 =	por !p2, p0  }
0x20: {  	[sflag:s8] =	ssyncset.s32 @!p0 $0xFFFFF086;
	s6 =	sadd.s32 @!p0 s3, s7;
	s7 =	simm.s32 @!p0 $0x108  }
0x21: {  	s3 =	sadd.s32 s3, s9;
	s6 =	sadd.s32 @!p0 $0x88, s6;
	s7 =	simm.s32 @p2 $0x1082  }
0x22: {  	[simem:s7], [sflag:s8] =	dma.local @!p0 [hbm:s6], $0xF7A  }
0x23: {  	s9 =	sor.u32 $0xD0000000, s2;
	s6 =	simm.s32 $0x108;
	_ =	swait.ge @!p0 [sflag:s8], $0x0  }
0x24: {  	s3 =	sadd.s32 $0x88, s3;
	s6 =	simm.s32 @!p1 $0x1082;
	[sflag:s4] =	ssyncset.s32 $0xFFFFF086  }
0x25: {  	[simem:s6], [sflag:s4] =	dma.local [hbm:s3], $0xF7A  }
0x26: {  	[smem:$0x3F9B] =	sst s1;
	(tag) =	ssettag s2;
	_ =	strace s9  }
0x27: {  	s1 =	sld [smem:$0x3FAB]  }
0x28: {  	s2 =	sld [smem:$0x3FAC]  }
0x29: {  	s4 =	sld [smem:$0x3FAE]  }
0x2a: {  	p0 =	seq.s32 s5, $0x0;
	s5 =	sld [smem:$0x3FAF]  }
0x2b: {  	s6 =	sld [smem:$0x3FB0]  }
0x2c: {  	s7 =	sld [smem:$0x3FB1]  }
0x2d: {  	s3 =	simm.s32 $0x108;
	s8 =	sld [smem:$0x3FB2]  }
0x2e: {  	s3 =	simm.s32 @!p0 $0x1082;
	s9 =	sld [smem:$0x3FB3]  }
0x2f: {  	lr =	sadd.s32 s0, s3;
	s0 =	sld [smem:$0x3FAA]  }
0x30: {  	s3 =	sld [smem:$0x3FAD]  }
0x31: {  	[smem:$0x3FB6] =	sst s10  }
0x32: {  	s10 =	sld [smem:$0x3FB4];
	_ =	sdelay $0x3  }
0x33: {  	p0 =	seq.s32 s10, $0x1;
	s10 =	sld [smem:$0x3FB6];
	_ =	sdelay $0x3  }
0x34: {  	[smem:$0x3FB6] =	sst s10  }
0x35: {  	s10 =	sld [smem:$0x3FB5];
	_ =	sdelay $0x3  }
0x36: {  	p1 =	seq.s32 s10, $0x1;
	s10 =	sld [smem:$0x3FB6];
	_ =	sdelay $0x3  }
0x37: {  	[smem:$0x3FB6] =	sst s10  }
0x38: {  	s10 =	sld [smem:$0x3FB7]  }
0x39: {  	_ = 	snop;
	(pc) =	sbr.ind lr, $3  }
0x3a: {  	_ = 	snop  }
0x3b: {  	_ = 	snop  }
0x3c: {  	p2 =	seq.s32 s10, $0x1;
	s10 =	sld [smem:$0x3FB6]  }
0x3d: {  	_ =	shalt  }
0x3e: {  	_ =	shalt  }
0x3f: {  	_ =	shalt  }
0x40: {  	_ =	shalt  }
0x41: {  	_ =	shalt  }
0x42: {  	_ =	shalt  }
0x43: {  	_ =	shalt  }
0x44: {  	_ =	shalt  }
0x45: {  	_ =	shalt  }
0x46: {  	_ =	shalt  }
0x47: {  	_ =	shalt  }
0x48: {  	_ =	shalt  }
0x49: {  	_ =	shalt  }
0x4a: {  	_ =	shalt  }
0x4b: {  	_ =	shalt  }
0x4c: {  	_ =	shalt  }
0x4d: {  	_ =	shalt  }
0x4e: {  	_ =	shalt  }
0x4f: {  	_ =	shalt  }
0x50: {  	_ =	shalt  }
0x51: {  	_ =	shalt  }
0x52: {  	_ =	shalt  }
0x53: {  	_ =	shalt  }
0x54: {  	_ =	shalt  }
0x55: {  	_ =	shalt  }
0x56: {  	_ =	shalt  }
0x57: {  	_ =	shalt  }
0x58: {  	_ =	shalt  }
0x59: {  	_ =	shalt  }
0x5a: {  	_ =	shalt  }
0x5b: {  	_ =	shalt  }
0x5c: {  	_ =	shalt  }
0x5d: {  	_ =	shalt  }
0x5e: {  	_ =	shalt  }
0x5f: {  	_ =	shalt  }
0x60: {  	_ =	shalt  }
0x61: {  	_ =	shalt  }
0x62: {  	_ =	shalt  }
0x63: {  	_ =	shalt  }
0x64: {  	_ =	shalt  }
0x65: {  	_ =	shalt  }
0x66: {  	_ =	shalt  }
0x67: {  	_ =	shalt  }
0x68: {  	_ =	shalt  }
0x69: {  	_ =	shalt  }
0x6a: {  	_ =	shalt  }
0x6b: {  	_ =	shalt  }
0x6c: {  	_ =	shalt  }
0x6d: {  	_ =	shalt  }
0x6e: {  	_ =	shalt  }
0x6f: {  	_ =	shalt  }
0x70: {  	_ =	shalt  }
0x71: {  	_ =	shalt  }
0x72: {  	_ =	shalt  }
0x73: {  	_ =	shalt  }
0x74: {  	_ =	shalt  }
0x75: {  	_ =	shalt  }
0x76: {  	_ =	shalt  }
0x77: {  	_ =	shalt  }
0x78: {  	_ =	shalt  }
0x79: {  	_ =	shalt  }
0x7a: {  	_ =	shalt  }
0x7b: {  	_ =	shalt  }
0x7c: {  	_ =	shalt  }
0x7d: {  	_ =	shalt  }
0x7e: {  	_ =	shalt  }
0x7f: {  	_ =	shalt  }
0x80: {  	_ =	shalt  }
0x81: {  	_ =	shalt  }
0x82: {  	_ =	shalt  }
0x83: {  	_ =	shalt  }
0x84: {  	_ =	shalt  }
0x85: {  	_ =	shalt  }
0x86: {  	_ =	shalt  }
0x87: {  	_ =	shalt  }
.Lfunc_end0:
.L_simem_size_0:
called_computation_lowered:
.L_overlay_start_0:
0x88: {  	s2 =	sld [smem:$0x3FD9]  }
0x89: {  	s3 =	sld [smem:$0x3FFE];
	_ =	sdelay $0x1  }
0x8a: {  	s1 =	srdreg.scid  }
0x8b: {  	s0 =	sand.u32 $0x1, s1  }
0x8c: {  	s17 =	sshll.u32 s0, $0xA;
	s2 =	sadd.s32 s3, s2  }
0x8d: {  	s2 =	sadd.s32 s2, s17  }
0x8e: {  	[smem:$0x3FC2] =	sst s2  }
0x8f: {  	_ = 	snop  }
0x90: {  	s2 =	sld [smem:$0x3FD0];
	(tm) =	ssettm $0x1  }
0x91: {  	s18 =	sld [smem:$0x3FFB];
	_ =	sdelay $0x3  }
0x92: {  	_ =	strace s18  }
0x93: {  	s3 =	sld [smem:$0x3FFC];
	_ =	sdelay $0x3  }
0x94: {  	_ =	strace s3  }
0x95: {  	s3 =	sld [smem:$0x3FFD];
	_ =	sdelay $0x3  }
0x96: {  	_ =	strace s3  }
0x97: {  	_ =	strace $0x8FFFFFFF  }
0x98: {  	s19 =	sld [smem:$0x3FDB];
	_ =	sdelay $0x1  }
0x99: {  	s4 =	simm.s32 $_scs_section_size  }
0x9a: {  	s5 =	simm.s32 $_size__tile_overlayer_lowered;
	s6 =	simm.s32 $_tile_overlayer_lowered  }
0x9b: {  	s22 =	simm.s32 $0x1BFF;
	s21 =	sshll.u32 s6, $0x1;
	s3 =	sadd.s32 s4, s19  }
0x9c: {  	s7 =	simm.s32 $0x0;
	s20 =	sshll.u32 s5, $0x1;
	s5 =	sadd.s32 s21, s3  }
0x9d: {  	[timem:s7], [sflag:s22] =	dma.local [hbm:s5], s20  }
0x9e: {  	_ =	swait.ge [sflag:s22], s20  }
0x9f: {  	s4 =	ssub.s32 $0x0, s20;
	[sflag:s22] =	ssyncset.done $0x0  }
0xa0: {  	[sflag:s22] =	ssyncadd.s32 s4;
	_ =	sdelay $0x1  }
0xa1: {  	s23 =	simm.s32 $0x1B8B  }
0xa2: {  	_ =	swait.ge [sflag:s23], $0x1  }
0xa3: {  	[sflag:s23] =	ssyncset.done $0x0  }
0xa4: {  	s25 =	simm.s32 $0x1B8E;
	s24 =	sld [smem:$0x3FFE];
	[sflag:s23] =	ssyncadd.s32 $0xFFFFFFFF  }
0xa5: {  	s26 =	simm.s32 $execute0_lowered;
	[smem:$0x3FD2] =	sst s25  }
0xa6: {  	s5 =	sshll.u32 s26, $0x1;
	_ =	strace $0x80000046;
	[dreg:$0x1] =	wrdreg $0xFFFFFFFF  }
0xa7: {  	s28 =	simm.s32 $_size_execute0_lowered;
	s3 =	sadd.s32 s3, s5;
	[dreg:$0x0] =	wrdreg $0x0  }
0xa8: {  	s5 =	sshll.u32 s28, $0x1;
	[dreg:$0x2] =	wrdreg s3  }
0xa9: {  	[dreg:$0x3] =	wrdreg s5  }
0xaa: {  	[dreg:$0x4] =	wrdreg $0xC0  }
0xab: {  	_ =	task [dreg:s7], $0x5FFFF  }
0xac: {  	[dreg:$0x1] =	wrdreg $0xFFFFFFFF  }
0xad: {  	[dreg:$0x0] =	wrdreg $0x60  }
0xae: {  	[dreg:$0x2] =	wrdreg s24  }
0xaf: {  	[dreg:$0x3] =	wrdreg s2  }
0xb0: {  	[dreg:$0x4] =	wrdreg $0x16000  }
0xb1: {  	[dreg:$0x5] =	wrdreg $0x9  }
0xb2: {  	_ =	task.clear_ibuf [dreg:s7], $0x6FFFF;
	_ =	strace $0x90000046  }
0xb3: {  	s29 =	simm.s32 $0x9;
	_ =	strace $0x80000048  }
0xb4: {  	_ =	swait.ge [sflag:s29], $0x1  }
0xb5: {  	[sflag:s29] =	ssyncadd.s32 $0xFFFFFFFF  }
0xb6: {  	_ =	strace $0x90000048  }
0xb7: {  	_ =	sfence  }
0xb8: {  	s30 =	sld [smem:$0x0];
	_ =	sdelay $0x2  }
0xb9: {  	s31 =	sshll.u32 s1, $0xD;
	s1 =	sshrl.u32 s1, $0x2  }
0xba: {  	s3 =	sand.u32 $0x4000, s31;
	s1 =	sadd.s32 s1, s30  }
0xbb: {  	s0 =	sor.u32 s3, s0;
	s1 =	sshll.u32 s1, $0x11  }
0xbc: {  	s0 =	sor.u32 s1, s0  }
0xbd: {  	s0 =	sadd.s32 $0x8F2B, s0  }
0xbe: {  	[sflag:s0] =	ssyncadd.remote.s32 $0x1  }
0xbf: {  	_ =	sfence.sel $0xFFFF  }
0xc0: {  	[dreg:$0x0] =	wrdreg $0xFFFFFFFF;
	(pc) =	sbr.abs _section_cstart, $3  }
0xc1: {  	[dreg:$0x1] =	wrdreg $0xFFFFFFFF  }
0xc2: {  	_ =	task.clear_ibuf [dreg:s7], $0x2FFFF;
	_ =	strace $0x9FFFFFFF  }
0xc3: {  	(tm) =	ssettm $0x7FFFFFFF  }
tec
execute0_lowered:
.L_overlay_start_1:
0x0: {  	(tag) =	ssettag $0x1  }
0x1: {  	s4 =	rddreg [dreg:$0x0];
	s1 =	srdreg.scid  }
0x2: {  	s0 =	stileid.u32;
	s10 =	rddreg [dreg:$0x1]  }
0x3: {  	s2 =	rddreg [dreg:$0x2];
	s3 =	simm.s32 $0x0;
	s14 =	simm.s32 $0x80  }
0x4: {  	s15 =	simm.s32 $0x1500;
	s18 =	simm.s32 $0x0;
	s5 =	sand.u32 $0x1, s1  }
0x5: {  	s29 =	sshll.u32 s0, $0x1;
	s1 =	rddreg [dreg:$0x3];
	s7 =	smul.u32 $0x280, s0  }
0x6: {  	[smem:$0x7FF] =	sst s3;
	s6 =	sor.u32 s5, s29;
	s9 =	smul.u32 $0x2800, s5  }
0x7: {  	s16 =	sshll.u32 s0, $0x6;
	s8 =	ssub.s32 $0x2, s5;
	s6 =	smul.u32 $0x2A0, s6  }
0x8: {  	_ =	strace $0x80000047;
	s16 =	sor.u32 $0x1C01, s16;
	s30 =	sshrl.u32 s8, $0x1  }
0x9: {  	s31 =	sadd.s32 s7, s9;
	s11 =	sadd.s32 s6, s4;
	s4 =	sadd.s32 s7, s2  }
0xa: {  	s12 =	ssub.s32 s8, s30;
	s13 =	sshrl.u32 s31, $0x3;
	s5 =	sadd.s32 $0x80, s4  }
0xb: {  	s6 =	sadd.s32 $0x100, s4;
	s7 =	sadd.s32 $0x180, s4;
	s8 =	sadd.s32 $0x200, s4  }
0xc: {  	s9 =	sadd.s32 $0xA00, s11;
	s10 =	sadd.s32 s10, s13;
	s11 =	smax.u32 s12, $0x1  }
0xd: {  	v0 =	vimm.f32 $0.0e+00;
	v1 =	vimm.f32 $1.000000000e+00;
	s12 =	simm.s32 $0x1580;
	s13 =	simm.s32 $0x1;
	s17 =	sshrl.u32 s4, $0x3  }
.LBB2_1:
0xe: {  	[tilespmem:$0x1580] =	vst v0  }
0xf: {  	[tilespmem:$0x1500] =	vst v1  }
0x10: {  	[tilespmem:$0x1590] =	vst v0  }
0x11: {  	[tilespmem:$0x1510] =	vst v1  }
0x12: {  	[tilespmem:$0x15A0] =	vst v0  }
0x13: {  	[tilespmem:$0x1520] =	vst v1  }
0x14: {  	[tilespmem:$0x15B0] =	vst v0  }
0x15: {  	[tilespmem:$0x1530] =	vst v1  }
0x16: {  	[tilespmem:$0x15C0] =	vst v0  }
0x17: {  	[tilespmem:$0x1540] =	vst v1  }
0x18: {  	[tilespmem:$0x15D0] =	vst v0  }
0x19: {  	[tilespmem:$0x1550] =	vst v1  }
0x1a: {  	[tilespmem:$0x15E0] =	vst v0  }
0x1b: {  	[tilespmem:$0x1560] =	vst v1  }
0x1c: {  	[tilespmem:$0x15F0] =	vst v0  }
0x1d: {  	[tilespmem:$0x1570] =	vst v1  }
0x1e: {  	[spmem:s4] =	stream.linear.scatter [tilespmem:s12], [sflag:$0x1], $0x80, $0x38;
	[tilespmem:$0x1880] =	vst v63  }
0x1f: {  	_ =	swait.ge [sflag:s13], $0x80  }
0x20: {  	[sflag:s13] =	ssyncset.done $0x0  }
0x21: {  	[sflag:s13] =	ssyncadd.s32 $0xFFFFFF80  }
0x22: {  	[spmem:s5] =	stream.linear.scatter [tilespmem:s12], [sflag:$0x1], $0x80, $0x38;
	[tilespmem:$0x1880] =	vst v63  }
0x23: {  	_ =	swait.ge [sflag:s13], $0x80  }
0x24: {  	[sflag:s13] =	ssyncset.done $0x0  }
0x25: {  	[sflag:s13] =	ssyncadd.s32 $0xFFFFFF80  }
0x26: {  	[spmem:s6] =	stream.linear.scatter [tilespmem:s12], [sflag:$0x1], $0x80, $0x38;
	[tilespmem:$0x1880] =	vst v63  }
0x27: {  	_ =	swait.ge [sflag:s13], $0x80  }
0x28: {  	[sflag:s13] =	ssyncset.done $0x0  }
0x29: {  	[sflag:s13] =	ssyncadd.s32 $0xFFFFFF80  }
0x2a: {  	[spmem:s7] =	stream.linear.scatter [tilespmem:s12], [sflag:$0x1], $0x80, $0x38;
	[tilespmem:$0x1880] =	vst v63  }
0x2b: {  	_ =	swait.ge [sflag:s13], $0x80  }
0x2c: {  	[sflag:s13] =	ssyncset.done $0x0  }
0x2d: {  	[sflag:s13] =	ssyncadd.s32 $0xFFFFFF80  }
0x2e: {  	[spmem:s8] =	stream.linear.scatter [tilespmem:s12], [sflag:$0x1], $0x80, $0x38;
	[tilespmem:$0x1880] =	vst v63  }
0x2f: {  	_ =	swait.ge [sflag:s13], $0x80  }
0x30: {  	[sflag:s13] =	ssyncset.done $0x0  }
0x31: {  	[sflag:s13] =	ssyncadd.s32 $0xFFFFFF80  }
0x32: {  	[tilespmem:s3], [sflag:$0x1] =	stream.linear.gather [hbm4b:s9+s3], $0x1500, $0x38;
	[tilespmem:$0x1880] =	vst v63  }
0x33: {  	_ =	swait.ge [sflag:s13], $0x1500  }
0x34: {  	[sflag:s13] =	ssyncset.done $0x0  }
0x35: {  	[sflag:s13] =	ssyncadd.s32 $0xFFFFEB00  }
0x36: {  	s19 =	simm.s32 $0x0;
	[bflag:$0x0] =	sbarrier.arrive $0xFFFF  }
0x37: {  	[spmem:s2] =	stream.indirect.scatter.add.f32 [tilespmem:s15], [sflag:$0x1], $0x1, s19, s14, $0xb8;
	[tilespmem:$0x1880] =	vst v63  }
0x38: {  	_ =	swait.ge [sflag:s13], $0x80  }
0x39: {  	s19 =	simm.s32 $0x200;
	[sflag:s13] =	ssyncset.done $0x0  }
.LBB2_2:
0x3a: {  	s20 =	sshra.s32 s19, $0x2;
	[sflag:s13] =	ssyncadd.s32 $0xFFFFFF80;
	p0 =	sne.s32 s19, $0x5200  }
0x3b: {  	[spmem:s2] =	stream.indirect.scatter.add.f32 [tilespmem:s15], [sflag:$0x1], $0x1, s20, s14, $0xb8;
	[tilespmem:$0x1880] =	vst v63  }
.Ltmp0:
0x3c: {  	_ = 	snop;
	(pc) =	sbr.rel @p0 .LBB2_2-.Ltmp0, $4  }
0x3d: {  	_ = 	snop  }
0x3e: {  	s19 =	sadd.s32 $0x200, s19  }
0x3f: {  	_ =	swait.ge [sflag:s13], $0x80  }
0x40: {  	[sflag:s13] =	ssyncset.done $0x0  }
0x41: {  	s18 =	sadd.s32 $0x1, s18  }
0x42: {  	[sflag:s13] =	ssyncadd.s32 $0xFFFFFF80;
	p0 =	sne.s32 s18, s11  }
.Ltmp1:
0x43: {  	[bflag:$0x0] =	sbarrier.arrive $0xFFFF;
	(pc) =	sbr.rel @p0 .LBB2_1-.Ltmp1, $4  }
0x44: {  	[hbm:s10], [sflag:s16] =	dma.local [spmem:s17], $0x50  }
0x45: {  	_ =	swait.ge [sflag:s13], $0x50  }
0x46: {  	[sflag:s13] =	ssyncset.done $0x0  }
0x47: {  	[sflag:s13] =	ssyncadd.s32 $0xFFFFFFB0  }
0x48: {  	_ =	sfence.sel $0x180000  }
0x49: {  	[bflag:$0x0] =	sbarrier.arrive $0xFFFF  }
0x4a: {  	p0 =	sne.s32 s0, $0x0;
	_ =	strace $0x90000047  }
0x4b: {  	s0 =	sadd.s32 @!p0 $0x100000, s1;
	[bflag:$0x2] =	sbarrier.arrive $0xFFFF  }
0x4c: {  	[sflag:s0] =	ssyncadd.tile.s32 @!p0 $0x1;
	_ =	shalt  }
.Lfunc_end2:
_tile_overlayer_lowered:
.L_overlay_start_2:
0x4d: {  	(tag) =	ssettag $0x2  }
0x4e: {  	s0 =	rddreg [dreg:$0x0];
	s2 =	stileid.u32  }
0x4f: {  	s1 =	rddreg [dreg:$0x1];
	p0 =	sne.s32 s2, $0x0  }
0x50: {  	s3 =	rddreg [dreg:$0x2];
	[bflag:$0x3] =	sbarrier.arrive $0xFFFF;
	s2 =	simm.s32 @!p0 $0x1C01  }
0x51: {  	[timem:s3], [sflag:s2] =	dma.local @!p0 [hbm:s0], s1  }
0x52: {  	s0 =	simm.s32 @!p0 $0x1  }
0x53: {  	_ =	swait.ge @!p0 [sflag:s0], s1  }
0x54: {  	s1 =	ssub.s32 @!p0 $0x0, s1;
	[sflag:s0] =	ssyncset.done @!p0 $0x0  }
0x55: {  	[sflag:s0] =	ssyncadd.s32 @!p0 s1  }
0x56: {  	[bflag:$0x3] =	sbarrier.arrive $0xFFFF  }
0x57: {  	_ =	shalt  }

</sc_bundles>
